<compile_context>
chip_gen: v7x
topology: tpu7x:2x2x1
jax: 0.10.2.dev20260603
libtpu: 0.0.44.dev20260713+nightly
codegen_flags: <defaults>
</compile_context>

<pallas_src>
import functools

import numpy as np

import jax
import jax.numpy as jnp
from jax import lax
from jax.experimental import pallas as pl
from jax.experimental.pallas import tpu as pltpu
from jax.experimental.pallas import tpu_sc as plsc

_N = 10000
_E = 160000
_F = 16
_NC = 2
_NS = 16
_NW = _NC * _NS
_CHUNK = 128
_NCH = _E // _CHUNK
_KMAX = 40
_HALF = 20
_NACC = 10240
_RPT = _NACC // _NS
_EB = 8000
_CB = _EB // 8
_NROW = _N // 8
_PROW = _NACC // 8

_R = np.zeros((_F, _F * _F), np.float32)
_S = np.zeros((_F * _F, _F), np.float32)
for _i in range(_F):
    for _o in range(_F):
        _R[_i, _i * _F + _o] = 1.0
        _S[_i * _F + _o, _o] = 1.0
_EYE8 = np.eye(8, dtype=np.float32)
_R8 = np.kron(_EYE8, _R)
_S8 = np.kron(_EYE8, _S)
_GMEAN = np.kron(_EYE8, np.full((_F, _F), 1.0 / _F, np.float32))
_FOLD = np.tile(np.eye(_F, dtype=np.float32), (8, 1))

_sc_params = pltpu.CompilerParams(use_tc_tiling_on_sc=False)
_sc_mesh = plsc.VectorSubcoreMesh(core_axis_name="c", subcore_axis_name="s")


def _repack(src_e, dst_p, nchunk, src_base=0):
    def rows(e8, carry):
        for sub in range(8):
            dst_p[e8, pl.ds(sub * _F, _F)] = src_e[src_base + e8 * 8 + sub, :]
        return carry

    lax.fori_loop(0, nchunk * _F, rows, 0)


def _unpack(src_p, dst_e, nchunk, src_base=0):
    def rows(e8, carry):
        for sub in range(8):
            dst_e[e8 * 8 + sub, :] = src_p[src_base + e8, pl.ds(sub * _F, _F)]
        return carry

    lax.fori_loop(0, nchunk * _F, rows, 0)


def _sc_gather_body(idx_hbm, table_hbm, out_hbm, idx_v, buf_e, buf_p,
                    s0, s1, so):
    cid = lax.axis_index("c")
    sid = lax.axis_index("s")
    wid = sid * _NC + cid

    def idx_fire(k, carry):
        c = wid + _NW * k

        @pl.when(c < _NCH)
        def _():
            pltpu.async_copy(idx_hbm.at[c], idx_v.at[k], s0)
        return carry

    lax.fori_loop(0, _KMAX, idx_fire, 0)

    def idx_drain(k, carry):
        c = wid + _NW * k

        @pl.when(c < _NCH)
        def _():
            pltpu.make_async_copy(idx_hbm.at[c], idx_v.at[k], s0).wait()
        return carry

    lax.fori_loop(0, _KMAX, idx_drain, 0)

    for half in range(2):
        base = half * _HALF
        sem = (s0, s1)[half]

        def gf(j, carry, base=base, sem=sem):
            c = wid + _NW * (base + j)

            @pl.when(c < _NCH)
            def _():
                pltpu.async_copy(
                    table_hbm.at[idx_v.at[base + j]],
                    buf_e.at[pl.ds((base + j) * _CHUNK, _CHUNK)], sem)
            return carry

        lax.fori_loop(0, _HALF, gf, 0)

    for half in range(2):
        base = half * _HALF
        sem = (s0, s1)[half]

        def gd(j, carry, base=base, sem=sem):
            c = wid + _NW * (base + j)

            @pl.when(c < _NCH)
            def _():
                pltpu.make_async_copy(
                    table_hbm.at[idx_v.at[base + j]],
                    buf_e.at[pl.ds((base + j) * _CHUNK, _CHUNK)], sem).wait()
            return carry

        lax.fori_loop(0, _HALF, gd, 0)
        _repack(buf_e, buf_p, _HALF, src_base=base * _CHUNK)

        def of(j, carry, base=base):
            c = wid + _NW * (base + j)

            @pl.when(c < _NCH)
            def _():
                pltpu.async_copy(buf_p.at[pl.ds(j * _F, _F)],
                                 out_hbm.at[pl.ds(c * _F, _F)], so)
            return carry

        lax.fori_loop(0, _HALF, of, 0)

        def od(j, carry, base=base):
            c = wid + _NW * (base + j)

            @pl.when(c < _NCH)
            def _():
                pltpu.make_async_copy(buf_p.at[pl.ds(j * _F, _F)],
                                      out_hbm.at[pl.ds(c * _F, _F)],
                                      so).wait()
            return carry

        lax.fori_loop(0, _HALF, od, 0)


_sc_gather = pl.kernel(
    _sc_gather_body,
    out_type=jax.ShapeDtypeStruct((_E // 8, 128), jnp.float32),
    mesh=_sc_mesh,
    compiler_params=_sc_params,
    scratch_types=[
        pltpu.VMEM((_KMAX, _CHUNK), jnp.int32),
        pltpu.VMEM((_KMAX * _CHUNK, _F), jnp.float32),
        pltpu.VMEM((_HALF * _F, 128), jnp.float32),
        pltpu.SemaphoreType.DMA,
        pltpu.SemaphoreType.DMA,
        pltpu.SemaphoreType.DMA,
    ],
)


def _sc_scatter_body(idx_hbm, msg_hbm, zeros_hbm, out_hbm,
                     idx_v, buf_e, buf_p, acc_sh, s0, s1):
    cid = lax.axis_index("c")
    sid = lax.axis_index("s")
    wid = sid * _NC + cid
    pltpu.sync_copy(zeros_hbm, acc_sh.at[pl.ds(sid * _RPT, _RPT)])
    plsc.subcore_barrier()

    def idx_fire(k, carry):
        c = wid + _NW * k

        @pl.when(c < _NCH)
        def _():
            pltpu.async_copy(idx_hbm.at[c], idx_v.at[k], s0)
        return carry

    lax.fori_loop(0, _KMAX, idx_fire, 0)

    def idx_drain(k, carry):
        c = wid + _NW * k

        @pl.when(c < _NCH)
        def _():
            pltpu.make_async_copy(idx_hbm.at[c], idx_v.at[k], s0).wait()
        return carry

    lax.fori_loop(0, _KMAX, idx_drain, 0)

    def m_fire(h, carry_unused=None):
        base = h * _HALF

        def body(j, carry):
            c = wid + _NW * (base + j)

            @pl.when(c < _NCH)
            def _():
                pltpu.async_copy(msg_hbm.at[pl.ds(c * _F, _F)],
                                 buf_p.at[pl.ds(j * _F, _F)], s0)
            return carry

        lax.fori_loop(0, _HALF, body, 0)

    def m_drain(h):
        base = h * _HALF

        def body(j, carry):
            c = wid + _NW * (base + j)

            @pl.when(c < _NCH)
            def _():
                pltpu.make_async_copy(msg_hbm.at[pl.ds(c * _F, _F)],
                                      buf_p.at[pl.ds(j * _F, _F)], s0).wait()
            return carry

        lax.fori_loop(0, _HALF, body, 0)

    def s_fire(h):
        base = h * _HALF

        def body(j, carry):
            c = wid + _NW * (base + j)

            @pl.when(c < _NCH)
            def _():
                pltpu.async_copy(buf_e.at[pl.ds(j * _CHUNK, _CHUNK)],
                                 acc_sh.at[idx_v.at[base + j]], s1, add=True)
            return carry

        lax.fori_loop(0, _HALF, body, 0)

    def s_drain(h):
        base = h * _HALF

        def body(j, carry):
            c = wid + _NW * (base + j)

            @pl.when(c < _NCH)
            def _():
                pltpu.make_async_copy(buf_e.at[pl.ds(j * _CHUNK, _CHUNK)],
                                      acc_sh.at[idx_v.at[base + j]],
                                      s1).wait()
            return carry

        lax.fori_loop(0, _HALF, body, 0)

    m_fire(0)
    m_drain(0)
    _unpack(buf_p, buf_e, _HALF)
    s_fire(0)
    m_fire(1)
    s_drain(0)
    m_drain(1)
    _unpack(buf_p, buf_e, _HALF)
    s_fire(1)
    s_drain(1)

    plsc.subcore_barrier()
    pltpu.sync_copy(acc_sh.at[pl.ds(sid * _RPT, _RPT)],
                    buf_e.at[pl.ds(0, _RPT)])
    _repack(buf_e, buf_p, _RPT // _CHUNK)
    pltpu.sync_copy(buf_p.at[pl.ds(0, _RPT // 8)],
                    out_hbm.at[pl.ds(cid * _PROW + sid * (_RPT // 8),
                                     _RPT // 8)])


def _sc_count_body(idx_hbm, zeros_hbm, ones_hbm, cnt_hbm, idx_v, buf_e,
                   buf_p, ones_v, cnt_sh, sem):
    cid = lax.axis_index("c")
    sid = lax.axis_index("s")
    wid = sid * _NC + cid
    pltpu.sync_copy(zeros_hbm, cnt_sh.at[pl.ds(sid * _RPT, _RPT)])
    pltpu.sync_copy(ones_hbm, ones_v)
    plsc.subcore_barrier()

    def idx_fire(k, carry):
        c = wid + _NW * k

        @pl.when(c < _NCH)
        def _():
            pltpu.async_copy(idx_hbm.at[c], idx_v.at[k], sem)
        return carry

    lax.fori_loop(0, _KMAX, idx_fire, 0)

    def idx_drain(k, carry):
        c = wid + _NW * k

        @pl.when(c < _NCH)
        def _():
            pltpu.make_async_copy(idx_hbm.at[c], idx_v.at[k], sem).wait()
        return carry

    lax.fori_loop(0, _KMAX, idx_drain, 0)

    def c_fire(k, carry):
        c = wid + _NW * k

        @pl.when(c < _NCH)
        def _():
            pltpu.async_copy(ones_v, cnt_sh.at[idx_v.at[k]], sem, add=True)
        return carry

    lax.fori_loop(0, _KMAX, c_fire, 0)

    def c_drain(k, carry):
        c = wid + _NW * k

        @pl.when(c < _NCH)
        def _():
            pltpu.make_async_copy(ones_v, cnt_sh.at[idx_v.at[k]], sem).wait()
        return carry

    lax.fori_loop(0, _KMAX, c_drain, 0)
    plsc.subcore_barrier()
    pltpu.sync_copy(cnt_sh.at[pl.ds(sid * _RPT, _RPT)],
                    buf_e.at[pl.ds(0, _RPT)])
    _repack(buf_e, buf_p, _RPT // _CHUNK)
    pltpu.sync_copy(buf_p.at[pl.ds(0, _RPT // 8)],
                    cnt_hbm.at[pl.ds(cid * _PROW + sid * (_RPT // 8),
                                     _RPT // 8)])


_sc_count = pl.kernel(
    _sc_count_body,
    out_type=jax.ShapeDtypeStruct((_NC * _PROW, 128), jnp.float32),
    mesh=_sc_mesh,
    compiler_params=_sc_params,
    scratch_types=[
        pltpu.VMEM((_KMAX, _CHUNK), jnp.int32),
        pltpu.VMEM((_RPT, _F), jnp.float32),
        pltpu.VMEM((_RPT // 8, 128), jnp.float32),
        pltpu.VMEM((_CHUNK, _F), jnp.float32),
        pltpu.VMEM_SHARED((_NACC, _F), jnp.float32),
        pltpu.SemaphoreType.DMA,
    ],
)


_sc_scatter = pl.kernel(
    _sc_scatter_body,
    out_type=jax.ShapeDtypeStruct((_NC * _PROW, 128), jnp.float32),
    mesh=_sc_mesh,
    compiler_params=_sc_params,
    scratch_types=[
        pltpu.VMEM((_KMAX, _CHUNK), jnp.int32),
        pltpu.VMEM((_HALF * _CHUNK, _F), jnp.float32),
        pltpu.VMEM((_HALF * _F, 128), jnp.float32),
        pltpu.VMEM_SHARED((_NACC, _F), jnp.float32),
        pltpu.SemaphoreType.DMA,
        pltpu.SemaphoreType.DMA,
    ],
)


def _msg_body(k, eap_ref, xsp_ref, w1b_ref, b1b_ref, w2_ref, b2b_ref,
              r8_ref, s8_ref, out_ref):
    hw = jnp.dot(eap_ref[...], w1b_ref[...],
                 preferred_element_type=jnp.float32)
    hw = jnp.maximum(hw + b1b_ref[...], 0.0)
    parts = [jnp.dot(hw[:, s * k:(s + 1) * k], w2_ref[...],
                     preferred_element_type=jnp.float32) for s in range(8)]
    w8 = jnp.concatenate(parts, axis=1) + b2b_ref[...]
    xe = jnp.dot(xsp_ref[...], r8_ref[...],
                 preferred_element_type=jnp.float32)
    out_ref[...] = jnp.dot(xe * w8, s8_ref[...],
                           preferred_element_type=jnp.float32)


def _make_msg(k):
    return pl.pallas_call(
        functools.partial(_msg_body, k),
        grid=(_E // _EB,),
        in_specs=[
            pl.BlockSpec((_CB, 128), lambda i: (i, 0)),
            pl.BlockSpec((_CB, 128), lambda i: (i, 0)),
            pl.BlockSpec((128, 8 * k), lambda i: (0, 0)),
            pl.BlockSpec((1, 8 * k), lambda i: (0, 0)),
            pl.BlockSpec((k, _F * _F), lambda i: (0, 0)),
            pl.BlockSpec((1, 8 * _F * _F), lambda i: (0, 0)),
            pl.BlockSpec((128, 8 * _F * _F), lambda i: (0, 0)),
            pl.BlockSpec((8 * _F * _F, 128), lambda i: (0, 0)),
        ],
        out_specs=pl.BlockSpec((_CB, 128), lambda i: (i, 0)),
        out_shape=jax.ShapeDtypeStruct((_E // 8, 128), jnp.float32),
    )


_msg_l1 = _make_msg(64)
_msg_l2 = _make_msg(128)


def _combine_body(last, p_ref, c_ref, xp_ref, rootb_ref, biasb_ref, gb_ref,
                  bb_ref, gm_ref, f_ref, out_ref):
    s = p_ref[0:_NROW, :] + p_ref[_PROW:_PROW + _NROW, :]
    c = c_ref[0:_NROW, :] + c_ref[_PROW:_PROW + _NROW, :]
    mean = s / jnp.maximum(c, 1.0)
    h = mean + jnp.dot(xp_ref[...], rootb_ref[...],
                       preferred_element_type=jnp.float32) + biasb_ref[...]
    h = jnp.maximum(h, 0.0)
    mu = jnp.dot(h, gm_ref[...], preferred_element_type=jnp.float32)
    var = jnp.dot((h - mu) * (h - mu), gm_ref[...],
                  preferred_element_type=jnp.float32)
    ln = (h - mu) * lax.rsqrt(var + 1e-5) * gb_ref[...] + bb_ref[...]
    if last:
        out_ref[...] = jnp.dot(jnp.sum(ln, axis=0, keepdims=True), f_ref[...],
                               preferred_element_type=jnp.float32) / _N
    else:
        out_ref[...] = ln


_combine1 = pl.pallas_call(
    functools.partial(_combine_body, False),
    out_shape=jax.ShapeDtypeStruct((_NROW, 128), jnp.float32),
)

_combine2 = pl.pallas_call(
    functools.partial(_combine_body, True),
    out_shape=jax.ShapeDtypeStruct((1, _F), jnp.float32),
)


def kernel(x, edge_index, edge_attr, l1_We1, l1_be1, l1_We2, l1_be2, l1_root,
           l1_bias, ln1_g, ln1_b, l2_We1, l2_be1, l2_We2, l2_be2, l2_root,
           l2_bias, ln2_g, ln2_b):
    src = edge_index[0].astype(jnp.int32).reshape(_NCH, _CHUNK)
    dst = edge_index[1].astype(jnp.int32).reshape(_NCH, _CHUNK)
    eap = edge_attr.astype(jnp.float32).reshape(_E // 8, 128)
    xp = x.reshape(_NROW, 128)
    zeros = jnp.zeros((_RPT, _F), jnp.float32)
    ones = jnp.ones((_CHUNK, _F), jnp.float32)
    eye8 = jnp.asarray(_EYE8)
    r8 = jnp.asarray(_R8)
    s8 = jnp.asarray(_S8)
    gm = jnp.asarray(_GMEAN)
    fold = jnp.asarray(_FOLD)

    w1b1 = jnp.kron(eye8, l1_We1)
    b1b1 = jnp.tile(l1_be1, 8)[None]
    b2b1 = jnp.tile(l1_be2, 8)[None]
    rootb1 = jnp.kron(eye8, l1_root)
    biasb1 = jnp.tile(l1_bias, 8)[None]
    gb1 = jnp.tile(ln1_g, 8)[None]
    bb1 = jnp.tile(ln1_b, 8)[None]
    w1b2 = jnp.kron(eye8, l2_We1)
    b1b2 = jnp.tile(l2_be1, 8)[None]
    b2b2 = jnp.tile(l2_be2, 8)[None]
    rootb2 = jnp.kron(eye8, l2_root)
    biasb2 = jnp.tile(l2_bias, 8)[None]
    gb2 = jnp.tile(ln2_g, 8)[None]
    bb2 = jnp.tile(ln2_b, 8)[None]

    c1 = _sc_count(dst, zeros, ones)
    xs1 = _sc_gather(src, x)
    msg1 = _msg_l1(eap, xs1, w1b1, b1b1, l1_We2, b2b1, r8, s8)
    p1 = _sc_scatter(dst, msg1, zeros)
    h1p = _combine1(p1, c1, xp, rootb1, biasb1, gb1, bb1, gm, fold)

    h1 = h1p.reshape(_N, _F)
    xs2 = _sc_gather(src, h1)
    msg2 = _msg_l2(eap, xs2, w1b2, b1b2, l2_We2, b2b2, r8, s8)
    p2 = _sc_scatter(dst, msg2, zeros)
    g = _combine2(p2, c1, h1p, rootb2, biasb2, gb2, bb2, gm, fold)
    return g

# --- scband reference (transcript-rebuilt; emitter-appended) ---
"""Pipeline reference for scband-edge-aware-gnn-31851477467868 (READ-ONLY COPY).

The authoritative reference and input builder live on the scoring server;
editing this copy changes nothing except your own understanding.
"""

import jax, jax.numpy as jnp
import numpy as np

N = 10000
E = 160000
NODE_IN = 16
EDGE_IN = 16
HIDDEN = 16


def _ln(h, g, b):
    mu = jnp.mean(h, axis=-1, keepdims=True)
    var = jnp.mean((h - mu) ** 2, axis=-1, keepdims=True)
    return (h - mu) / jnp.sqrt(var + 1e-5) * g + b


def _nnconv(x, src, dst, edge_attr, We1, be1, We2, be2, root, bias, in_c, out_c):
    # edge MLP produces a per-edge [in_c, out_c] weight matrix (PyG NNConv / ECConv)
    hw = jax.nn.relu(edge_attr @ We1 + be1)
    w = (hw @ We2 + be2).reshape(-1, in_c, out_c)
    # message: x_src transformed by per-edge weight, gathered by src
    msg = jnp.einsum('ei,eio->eo', x[src], w)
    # mean aggregation at dst (zeros for isolated nodes, count clamped to 1)
    s = jax.ops.segment_sum(msg, dst, num_segments=N)
    cnt = jax.ops.segment_sum(jnp.ones((msg.shape[0],), dtype=msg.dtype), dst, num_segments=N)
    mean = s / jnp.clip(cnt, 1.0, None)[:, None]
    # root weight + bias
    return mean + x @ root + bias


def setup_inputs():
    ks = jax.random.split(jax.random.key(0), 24)
    inp = {}
    inp['x'] = jax.random.normal(ks[0], (N, NODE_IN), dtype=jnp.float32)
    inp['edge_index'] = jax.random.randint(ks[1], (2, E), 0, N)
    inp['edge_attr'] = jax.random.normal(ks[2], (E, EDGE_IN), dtype=jnp.float32)
    # layer 1: edge_nn1 = Linear(16,64) -> ReLU -> Linear(64, 16*16); NNConv root + bias
    inp['l1_We1'] = jax.random.normal(ks[3], (EDGE_IN, 64), dtype=jnp.float32) * 0.1
    inp['l1_be1'] = jnp.zeros((64,), dtype=jnp.float32)
    inp['l1_We2'] = jax.random.normal(ks[4], (64, NODE_IN * HIDDEN), dtype=jnp.float32) * 0.05
    inp['l1_be2'] = jnp.zeros((NODE_IN * HIDDEN,), dtype=jnp.float32)
    inp['l1_root'] = jax.random.normal(ks[5], (NODE_IN, HIDDEN), dtype=jnp.float32) * 0.1
    inp['l1_bias'] = jnp.zeros((HIDDEN,), dtype=jnp.float32)
    inp['ln1_g'] = jnp.ones((HIDDEN,), dtype=jnp.float32)
    inp['ln1_b'] = jnp.zeros((HIDDEN,), dtype=jnp.float32)
    # layer 2: edge_nn = Linear(16,128) -> ReLU -> Linear(128, 16*16)
    inp['l2_We1'] = jax.random.normal(ks[6], (EDGE_IN, 128), dtype=jnp.float32) * 0.1
    inp['l2_be1'] = jnp.zeros((128,), dtype=jnp.float32)
    inp['l2_We2'] = jax.random.normal(ks[7], (128, HIDDEN * HIDDEN), dtype=jnp.float32) * 0.05
    inp['l2_be2'] = jnp.zeros((HIDDEN * HIDDEN,), dtype=jnp.float32)
    inp['l2_root'] = jax.random.normal(ks[8], (HIDDEN, HIDDEN), dtype=jnp.float32) * 0.1
    inp['l2_bias'] = jnp.zeros((HIDDEN,), dtype=jnp.float32)
    inp['ln2_g'] = jnp.ones((HIDDEN,), dtype=jnp.float32)
    inp['ln2_b'] = jnp.zeros((HIDDEN,), dtype=jnp.float32)
    return inp


def reference(x, edge_index, edge_attr, l1_We1, l1_be1, l1_We2, l1_be2, l1_root, l1_bias, ln1_g, ln1_b, l2_We1, l2_be1, l2_We2, l2_be2, l2_root, l2_bias, ln2_g, ln2_b):
    src = edge_index[0]
    dst = edge_index[1]
    h = _nnconv(x, src, dst, edge_attr, l1_We1, l1_be1, l1_We2, l1_be2, l1_root, l1_bias, NODE_IN, HIDDEN)
    h = jax.nn.relu(h)
    h = _ln(h, ln1_g, ln1_b)
    h = _nnconv(h, src, dst, edge_attr, l2_We1, l2_be1, l2_We2, l2_be2, l2_root, l2_bias, HIDDEN, HIDDEN)
    h = jax.nn.relu(h)
    h = _ln(h, ln2_g, ln2_b)
    # batch=None -> all nodes in one graph -> global mean pool gives [1, HIDDEN]
    g = jnp.mean(h, axis=0, keepdims=True)
    return g

if __name__ == "__main__":
    import jax
    _d = setup_inputs()
    print(jax.jit(kernel)(*tuple(_d.values())))

</pallas_src>

<mosaic_0001>
#map = affine_map<(d0, d1) -> (0, 0)>
module attributes {stable_mosaic.version = 14 : i64} {
  func.func @_sc_gather_body(%arg0: i32, %arg1: i32, %arg2: memref<1250x128xi32, #tpu.memory_space<hbm>>, %arg3: memref<10000x16xf32, #tpu.memory_space<hbm>>, %arg4: memref<20000x128xf32, #tpu.memory_space<hbm>>, %arg5: memref<40x128xi32, #tpu.memory_space<vmem>>, %arg6: memref<5120x16xf32, #tpu.memory_space<vmem>>, %arg7: memref<320x128xf32, #tpu.memory_space<vmem>>, %arg8: memref<!tpu.dma_semaphore, #tpu.memory_space<semaphore_mem>>, %arg9: memref<!tpu.dma_semaphore, #tpu.memory_space<semaphore_mem>>, %arg10: memref<!tpu.dma_semaphore, #tpu.memory_space<semaphore_mem>>) attributes {dimension_semantics = [#tpu.dimension_semantics<core_parallel>, #tpu.dimension_semantics<subcore_parallel>], iteration_bounds = array<i64: 2, 16>, scalar_prefetch = 0 : i64, scratch_operands = 6 : i64, tpu.core_type = #tpu.core_type<sc_vector_subcore>, window_params = [{transform_indices = #map}, {transform_indices = #map}, {transform_indices = #map}]} {
    %mul3A = arith.constant 2 : i32
    %mul3A_0 = arith.muli %arg1, %mul3A : i32
    %add3A = arith.addi %mul3A_0, %arg0 : i32
    %scan3A = arith.constant 0 : i32
    %scan3A_1 = arith.constant 0 : i32
    %scan3A_2 = arith.constant 40 : i32
    %scan3A_3 = arith.addi %scan3A_1, %scan3A_2 : i32
    %scan3A_4 = arith.constant 1 : i32
    scf.for %scan3A_72 = %scan3A_1 to %scan3A_3 step %scan3A_4  : i32 {
      %mul3A_73 = arith.constant 32 : i32
      %mul3A_74 = arith.muli %mul3A_73, %scan3A_72 : i32
      %add3A_75 = arith.addi %add3A, %mul3A_74 : i32
      %lt3A = arith.constant 1250 : i32
      %lt3A_76 = arith.cmpi slt, %add3A_75, %lt3A : i32
      %convert_element_type3A = arith.extui %lt3A_76 : i1 to i32
      %cond3A = arith.constant 0 : i32
      %cond3A_77 = arith.cmpi ne, %convert_element_type3A, %cond3A : i32
      scf.if %cond3A_77 {
        %dma_start3A = arith.constant 0 : i32
        %dma_start3A_78 = tpu.memref_slice %arg5[%scan3A_72, %dma_start3A] : memref<40x128xi32, #tpu.memory_space<vmem>> -> memref<1x128xi32, #tpu.memory_space<vmem>>
        %dma_start3A_79 = tpu.memref_squeeze %dma_start3A_78 : memref<1x128xi32, #tpu.memory_space<vmem>> -> memref<128xi32, #tpu.memory_space<vmem>>
        %dma_start3A_80 = arith.constant 0 : i32
        %dma_start3A_81 = tpu.memref_slice %arg2[%add3A_75, %dma_start3A_80] : memref<1250x128xi32, #tpu.memory_space<hbm>> -> memref<1x128xi32, #tpu.memory_space<hbm>>
        %dma_start3A_82 = tpu.memref_squeeze %dma_start3A_81 : memref<1x128xi32, #tpu.memory_space<hbm>> -> memref<128xi32, #tpu.memory_space<hbm>>
        %dma_start3A_83 = arith.constant 0 : i32
        %dma_start3A_84 = tpu.memref_slice %arg5[%scan3A_72, %dma_start3A_83] : memref<40x128xi32, #tpu.memory_space<vmem>> -> memref<1x128xi32, #tpu.memory_space<vmem>>
        %dma_start3A_85 = tpu.memref_squeeze %dma_start3A_84 : memref<1x128xi32, #tpu.memory_space<vmem>> -> memref<128xi32, #tpu.memory_space<vmem>>
        %dma_start3A_86 = arith.constant 0 : i32
        %dma_start3A_87 = tpu.memref_slice %arg2[%add3A_75, %dma_start3A_86] : memref<1250x128xi32, #tpu.memory_space<hbm>> -> memref<1x128xi32, #tpu.memory_space<hbm>>
        %dma_start3A_88 = tpu.memref_squeeze %dma_start3A_87 : memref<1x128xi32, #tpu.memory_space<hbm>> -> memref<128xi32, #tpu.memory_space<hbm>>
        tpu.enqueue_dma source(%dma_start3A_88 : memref<128xi32, #tpu.memory_space<hbm>>) target(%dma_start3A_85 : memref<128xi32, #tpu.memory_space<vmem>>) target_semaphore(%arg8 : memref<!tpu.dma_semaphore, #tpu.memory_space<semaphore_mem>>)
      } else {
      }
    }
    %scan3A_5 = arith.constant 40 : i32
    %scan3A_6 = arith.constant 0 : i32
    %scan3A_7 = arith.constant 0 : i32
    %scan3A_8 = arith.constant 40 : i32
    %scan3A_9 = arith.addi %scan3A_7, %scan3A_8 : i32
    %scan3A_10 = arith.constant 1 : i32
    scf.for %scan3A_72 = %scan3A_7 to %scan3A_9 step %scan3A_10  : i32 {
      %mul3A_73 = arith.constant 32 : i32
      %mul3A_74 = arith.muli %mul3A_73, %scan3A_72 : i32
      %add3A_75 = arith.addi %add3A, %mul3A_74 : i32
      %lt3A = arith.constant 1250 : i32
      %lt3A_76 = arith.cmpi slt, %add3A_75, %lt3A : i32
      %convert_element_type3A = arith.extui %lt3A_76 : i1 to i32
      %cond3A = arith.constant 0 : i32
      %cond3A_77 = arith.cmpi ne, %convert_element_type3A, %cond3A : i32
      scf.if %cond3A_77 {
        %dma_wait3A = arith.constant 0 : i32
        %dma_wait3A_78 = tpu.memref_slice %arg5[%scan3A_72, %dma_wait3A] : memref<40x128xi32, #tpu.memory_space<vmem>> -> memref<1x128xi32, #tpu.memory_space<vmem>>
        %dma_wait3A_79 = tpu.memref_squeeze %dma_wait3A_78 : memref<1x128xi32, #tpu.memory_space<vmem>> -> memref<128xi32, #tpu.memory_space<vmem>>
        %dma_wait3A_80 = arith.constant 0 : i32
        %dma_wait3A_81 = tpu.memref_slice %arg2[%add3A_75, %dma_wait3A_80] : memref<1250x128xi32, #tpu.memory_space<hbm>> -> memref<1x128xi32, #tpu.memory_space<hbm>>
        %dma_wait3A_82 = tpu.memref_squeeze %dma_wait3A_81 : memref<1x128xi32, #tpu.memory_space<hbm>> -> memref<128xi32, #tpu.memory_space<hbm>>
        %dma_wait3A_83 = arith.constant 0 : i32
        %dma_wait3A_84 = tpu.memref_slice %arg5[%scan3A_72, %dma_wait3A_83] : memref<40x128xi32, #tpu.memory_space<vmem>> -> memref<1x128xi32, #tpu.memory_space<vmem>>
        %dma_wait3A_85 = tpu.memref_squeeze %dma_wait3A_84 : memref<1x128xi32, #tpu.memory_space<vmem>> -> memref<128xi32, #tpu.memory_space<vmem>>
        %dma_wait3A_86 = arith.constant 0 : i32
        %dma_wait3A_87 = tpu.memref_slice %arg2[%add3A_75, %dma_wait3A_86] : memref<1250x128xi32, #tpu.memory_space<hbm>> -> memref<1x128xi32, #tpu.memory_space<hbm>>
        %dma_wait3A_88 = tpu.memref_squeeze %dma_wait3A_87 : memref<1x128xi32, #tpu.memory_space<hbm>> -> memref<128xi32, #tpu.memory_space<hbm>>
        tpu.wait_dma2 semaphore(%arg8 : memref<!tpu.dma_semaphore, #tpu.memory_space<semaphore_mem>>) src(%dma_wait3A_88 : memref<128xi32, #tpu.memory_space<hbm>>) dst(%dma_wait3A_85 : memref<128xi32, #tpu.memory_space<vmem>>)
      } else {
      }
    }
    %scan3A_11 = arith.constant 40 : i32
    %scan3A_12 = arith.constant 0 : i32
    %scan3A_13 = arith.constant 0 : i32
    %scan3A_14 = arith.constant 20 : i32
    %scan3A_15 = arith.addi %scan3A_13, %scan3A_14 : i32
    %scan3A_16 = arith.constant 1 : i32
    scf.for %scan3A_72 = %scan3A_13 to %scan3A_15 step %scan3A_16  : i32 {
      %add3A_73 = arith.constant 0 : i32
      %add3A_74 = arith.addi %add3A_73, %scan3A_72 : i32
      %mul3A_75 = arith.constant 32 : i32
      %mul3A_76 = arith.muli %mul3A_75, %add3A_74 : i32
      %add3A_77 = arith.addi %add3A, %mul3A_76 : i32
      %lt3A = arith.constant 1250 : i32
      %lt3A_78 = arith.cmpi slt, %add3A_77, %lt3A : i32
      %convert_element_type3A = arith.extui %lt3A_78 : i1 to i32
      %cond3A = arith.constant 0 : i32
      %cond3A_79 = arith.cmpi ne, %convert_element_type3A, %cond3A : i32
      scf.if %cond3A_79 {
        %add3A_80 = arith.constant 0 : i32
        %add3A_81 = arith.addi %add3A_80, %scan3A_72 : i32
        %add3A_82 = arith.constant 0 : i32
        %add3A_83 = arith.addi %add3A_82, %scan3A_72 : i32
        %mul3A_84 = arith.constant 128 : i32
        %mul3A_85 = arith.muli %add3A_83, %mul3A_84 : i32
        %dma_start3A = arith.constant 0 : i32
        %dma_start3A_86 = tpu.memref_slice %arg6[%mul3A_85, %dma_start3A] : memref<5120x16xf32, #tpu.memory_space<vmem>> -> memref<128x16xf32, #tpu.memory_space<vmem>>
        %dma_start3A_87 = arith.constant 0 : i32
        %dma_start3A_88 = tpu.memref_slice %arg5[%add3A_81, %dma_start3A_87] : memref<40x128xi32, #tpu.memory_space<vmem>> -> memref<1x128xi32, #tpu.memory_space<vmem>>
        %dma_start3A_89 = tpu.memref_squeeze %dma_start3A_88 : memref<1x128xi32, #tpu.memory_space<vmem>> -> memref<128xi32, #tpu.memory_space<vmem>>
        %dma_start3A_90 = arith.constant 0 : i32
        %dma_start3A_91 = arith.constant 0 : i32
        %dma_start3A_92 = tpu.memref_slice %arg3[%dma_start3A_90, %dma_start3A_91] : memref<10000x16xf32, #tpu.memory_space<hbm>> -> memref<10000x16xf32, #tpu.memory_space<hbm>>
        tpu.enqueue_indirect_dma source(%dma_start3A_92 : memref<10000x16xf32, #tpu.memory_space<hbm>>) target(%dma_start3A_86 : memref<128x16xf32, #tpu.memory_space<vmem>>) offsets(%dma_start3A_89 : memref<128xi32, #tpu.memory_space<vmem>>) semaphore(%arg8 : memref<!tpu.dma_semaphore, #tpu.memory_space<semaphore_mem>>)
      } else {
      }
    }
    %scan3A_17 = arith.constant 20 : i32
    %scan3A_18 = arith.constant 0 : i32
    %scan3A_19 = arith.constant 0 : i32
    %scan3A_20 = arith.constant 20 : i32
    %scan3A_21 = arith.addi %scan3A_19, %scan3A_20 : i32
    %scan3A_22 = arith.constant 1 : i32
    scf.for %scan3A_72 = %scan3A_19 to %scan3A_21 step %scan3A_22  : i32 {
      %add3A_73 = arith.constant 20 : i32
      %add3A_74 = arith.addi %add3A_73, %scan3A_72 : i32
      %mul3A_75 = arith.constant 32 : i32
      %mul3A_76 = arith.muli %mul3A_75, %add3A_74 : i32
      %add3A_77 = arith.addi %add3A, %mul3A_76 : i32
      %lt3A = arith.constant 1250 : i32
      %lt3A_78 = arith.cmpi slt, %add3A_77, %lt3A : i32
      %convert_element_type3A = arith.extui %lt3A_78 : i1 to i32
      %cond3A = arith.constant 0 : i32
      %cond3A_79 = arith.cmpi ne, %convert_element_type3A, %cond3A : i32
      scf.if %cond3A_79 {
        %add3A_80 = arith.constant 20 : i32
        %add3A_81 = arith.addi %add3A_80, %scan3A_72 : i32
        %add3A_82 = arith.constant 20 : i32
        %add3A_83 = arith.addi %add3A_82, %scan3A_72 : i32
        %mul3A_84 = arith.constant 128 : i32
        %mul3A_85 = arith.muli %add3A_83, %mul3A_84 : i32
        %dma_start3A = arith.constant 0 : i32
        %dma_start3A_86 = tpu.memref_slice %arg6[%mul3A_85, %dma_start3A] : memref<5120x16xf32, #tpu.memory_space<vmem>> -> memref<128x16xf32, #tpu.memory_space<vmem>>
        %dma_start3A_87 = arith.constant 0 : i32
        %dma_start3A_88 = tpu.memref_slice %arg5[%add3A_81, %dma_start3A_87] : memref<40x128xi32, #tpu.memory_space<vmem>> -> memref<1x128xi32, #tpu.memory_space<vmem>>
        %dma_start3A_89 = tpu.memref_squeeze %dma_start3A_88 : memref<1x128xi32, #tpu.memory_space<vmem>> -> memref<128xi32, #tpu.memory_space<vmem>>
        %dma_start3A_90 = arith.constant 0 : i32
        %dma_start3A_91 = arith.constant 0 : i32
        %dma_start3A_92 = tpu.memref_slice %arg3[%dma_start3A_90, %dma_start3A_91] : memref<10000x16xf32, #tpu.memory_space<hbm>> -> memref<10000x16xf32, #tpu.memory_space<hbm>>
        tpu.enqueue_indirect_dma source(%dma_start3A_92 : memref<10000x16xf32, #tpu.memory_space<hbm>>) target(%dma_start3A_86 : memref<128x16xf32, #tpu.memory_space<vmem>>) offsets(%dma_start3A_89 : memref<128xi32, #tpu.memory_space<vmem>>) semaphore(%arg9 : memref<!tpu.dma_semaphore, #tpu.memory_space<semaphore_mem>>)
      } else {
      }
    }
    %scan3A_23 = arith.constant 20 : i32
    %scan3A_24 = arith.constant 0 : i32
    %scan3A_25 = arith.constant 0 : i32
    %scan3A_26 = arith.constant 20 : i32
    %scan3A_27 = arith.addi %scan3A_25, %scan3A_26 : i32
    %scan3A_28 = arith.constant 1 : i32
    scf.for %scan3A_72 = %scan3A_25 to %scan3A_27 step %scan3A_28  : i32 {
      %add3A_73 = arith.constant 0 : i32
      %add3A_74 = arith.addi %add3A_73, %scan3A_72 : i32
      %mul3A_75 = arith.constant 32 : i32
      %mul3A_76 = arith.muli %mul3A_75, %add3A_74 : i32
      %add3A_77 = arith.addi %add3A, %mul3A_76 : i32
      %lt3A = arith.constant 1250 : i32
      %lt3A_78 = arith.cmpi slt, %add3A_77, %lt3A : i32
      %convert_element_type3A = arith.extui %lt3A_78 : i1 to i32
      %cond3A = arith.constant 0 : i32
      %cond3A_79 = arith.cmpi ne, %convert_element_type3A, %cond3A : i32
      scf.if %cond3A_79 {
        %add3A_80 = arith.constant 0 : i32
        %add3A_81 = arith.addi %add3A_80, %scan3A_72 : i32
        %add3A_82 = arith.constant 0 : i32
        %add3A_83 = arith.addi %add3A_82, %scan3A_72 : i32
        %mul3A_84 = arith.constant 128 : i32
        %mul3A_85 = arith.muli %add3A_83, %mul3A_84 : i32
        %dma_wait3A = arith.constant 0 : i32
        %dma_wait3A_86 = tpu.memref_slice %arg6[%mul3A_85, %dma_wait3A] : memref<5120x16xf32, #tpu.memory_space<vmem>> -> memref<128x16xf32, #tpu.memory_space<vmem>>
        %dma_wait3A_87 = arith.constant 0 : i32
        %dma_wait3A_88 = tpu.memref_slice %arg5[%add3A_81, %dma_wait3A_87] : memref<40x128xi32, #tpu.memory_space<vmem>> -> memref<1x128xi32, #tpu.memory_space<vmem>>
        %dma_wait3A_89 = tpu.memref_squeeze %dma_wait3A_88 : memref<1x128xi32, #tpu.memory_space<vmem>> -> memref<128xi32, #tpu.memory_space<vmem>>
        %dma_wait3A_90 = arith.constant 0 : i32
        %dma_wait3A_91 = arith.constant 0 : i32
        %dma_wait3A_92 = tpu.memref_slice %arg3[%dma_wait3A_90, %dma_wait3A_91] : memref<10000x16xf32, #tpu.memory_space<hbm>> -> memref<10000x16xf32, #tpu.memory_space<hbm>>
        tpu.wait_indirect_dma semaphore(%arg8 : memref<!tpu.dma_semaphore, #tpu.memory_space<semaphore_mem>>) src(%dma_wait3A_92 : memref<10000x16xf32, #tpu.memory_space<hbm>>) dst(%dma_wait3A_86 : memref<128x16xf32, #tpu.memory_space<vmem>>)
      } else {
      }
    }
    %scan3A_29 = arith.constant 20 : i32
    %scan3A_30 = arith.constant 0 : i32
    %scan3A_31 = arith.constant 0 : i32
    %scan3A_32 = arith.constant 320 : i32
    %scan3A_33 = arith.addi %scan3A_31, %scan3A_32 : i32
    %scan3A_34 = arith.constant 1 : i32
    scf.for %scan3A_72 = %scan3A_31 to %scan3A_33 step %scan3A_34  : i32 {
      %mul3A_73 = arith.constant 8 : i32
      %mul3A_74 = arith.muli %scan3A_72, %mul3A_73 : i32
      %add3A_75 = arith.constant 0 : i32
      %add3A_76 = arith.addi %add3A_75, %mul3A_74 : i32
      %add3A_77 = arith.constant 0 : i32
      %add3A_78 = arith.addi %add3A_76, %add3A_77 : i32
      %get3A = arith.index_cast %add3A_78 : i32 to index
      %get3A_79 = arith.constant 0 : index
      %get3A_80 = tpu.vector_load %arg6[%get3A, %get3A_79] {strides = array<i32>} : memref<5120x16xf32, #tpu.memory_space<vmem>>, vector<1x16xf32>,
      %get3A_81 = vector.shape_cast %get3A_80 : vector<1x16xf32> to vector<16xf32>
      %swap3A = arith.index_cast %scan3A_72 : i32 to index
      %swap3A_82 = arith.constant 0 : index
      %swap3A_83 = tpu.vector_load %arg7[%swap3A, %swap3A_82] {strides = array<i32>} : memref<320x128xf32, #tpu.memory_space<vmem>>, vector<1x16xf32>,
      %swap3A_84 = vector.shape_cast %swap3A_83 : vector<1x16xf32> to vector<16xf32>
      %swap3A_85 = vector.shape_cast %get3A_81 : vector<16xf32> to vector<1x16xf32>
      tpu.vector_store %arg7[%swap3A, %swap3A_82], %swap3A_85 {strides = array<i32>} : memref<320x128xf32, #tpu.memory_space<vmem>>, vector<1x16xf32>,
      %mul3A_86 = arith.constant 8 : i32
      %mul3A_87 = arith.muli %scan3A_72, %mul3A_86 : i32
      %add3A_88 = arith.constant 0 : i32
      %add3A_89 = arith.addi %add3A_88, %mul3A_87 : i32
      %add3A_90 = arith.constant 1 : i32
      %add3A_91 = arith.addi %add3A_89, %add3A_90 : i32
      %get3A_92 = arith.index_cast %add3A_91 : i32 to index
      %get3A_93 = arith.constant 0 : index
      %get3A_94 = tpu.vector_load %arg6[%get3A_92, %get3A_93] {strides = array<i32>} : memref<5120x16xf32, #tpu.memory_space<vmem>>, vector<1x16xf32>,
      %get3A_95 = vector.shape_cast %get3A_94 : vector<1x16xf32> to vector<16xf32>
      %swap3A_96 = arith.index_cast %scan3A_72 : i32 to index
      %swap3A_97 = arith.constant 16 : index
      %swap3A_98 = tpu.vector_load %arg7[%swap3A_96, %swap3A_97] {strides = array<i32>} : memref<320x128xf32, #tpu.memory_space<vmem>>, vector<1x16xf32>,
      %swap3A_99 = vector.shape_cast %swap3A_98 : vector<1x16xf32> to vector<16xf32>
      %swap3A_100 = vector.shape_cast %get3A_95 : vector<16xf32> to vector<1x16xf32>
      tpu.vector_store %arg7[%swap3A_96, %swap3A_97], %swap3A_100 {strides = array<i32>} : memref<320x128xf32, #tpu.memory_space<vmem>>, vector<1x16xf32>,
      %mul3A_101 = arith.constant 8 : i32
      %mul3A_102 = arith.muli %scan3A_72, %mul3A_101 : i32
      %add3A_103 = arith.constant 0 : i32
      %add3A_104 = arith.addi %add3A_103, %mul3A_102 : i32
      %add3A_105 = arith.constant 2 : i32
      %add3A_106 = arith.addi %add3A_104, %add3A_105 : i32
      %get3A_107 = arith.index_cast %add3A_106 : i32 to index
      %get3A_108 = arith.constant 0 : index
      %get3A_109 = tpu.vector_load %arg6[%get3A_107, %get3A_108] {strides = array<i32>} : memref<5120x16xf32, #tpu.memory_space<vmem>>, vector<1x16xf32>,
      %get3A_110 = vector.shape_cast %get3A_109 : vector<1x16xf32> to vector<16xf32>
      %swap3A_111 = arith.index_cast %scan3A_72 : i32 to index
      %swap3A_112 = arith.constant 32 : index
      %swap3A_113 = tpu.vector_load %arg7[%swap3A_111, %swap3A_112] {strides = array<i32>} : memref<320x128xf32, #tpu.memory_space<vmem>>, vector<1x16xf32>,
      %swap3A_114 = vector.shape_cast %swap3A_113 : vector<1x16xf32> to vector<16xf32>
      %swap3A_115 = vector.shape_cast %get3A_110 : vector<16xf32> to vector<1x16xf32>
      tpu.vector_store %arg7[%swap3A_111, %swap3A_112], %swap3A_115 {strides = array<i32>} : memref<320x128xf32, #tpu.memory_space<vmem>>, vector<1x16xf32>,
      %mul3A_116 = arith.constant 8 : i32
      %mul3A_117 = arith.muli %scan3A_72, %mul3A_116 : i32
      %add3A_118 = arith.constant 0 : i32
      %add3A_119 = arith.addi %add3A_118, %mul3A_117 : i32
      %add3A_120 = arith.constant 3 : i32
      %add3A_121 = arith.addi %add3A_119, %add3A_120 : i32
      %get3A_122 = arith.index_cast %add3A_121 : i32 to index
      %get3A_123 = arith.constant 0 : index
      %get3A_124 = tpu.vector_load %arg6[%get3A_122, %get3A_123] {strides = array<i32>} : memref<5120x16xf32, #tpu.memory_space<vmem>>, vector<1x16xf32>,
      %get3A_125 = vector.shape_cast %get3A_124 : vector<1x16xf32> to vector<16xf32>
      %swap3A_126 = arith.index_cast %scan3A_72 : i32 to index
      %swap3A_127 = arith.constant 48 : index
      %swap3A_128 = tpu.vector_load %arg7[%swap3A_126, %swap3A_127] {strides = array<i32>} : memref<320x128xf32, #tpu.memory_space<vmem>>, vector<1x16xf32>,
      %swap3A_129 = vector.shape_cast %swap3A_128 : vector<1x16xf32> to vector<16xf32>
      %swap3A_130 = vector.shape_cast %get3A_125 : vector<16xf32> to vector<1x16xf32>
      tpu.vector_store %arg7[%swap3A_126, %swap3A_127], %swap3A_130 {strides = array<i32>} : memref<320x128xf32, #tpu.memory_space<vmem>>, vector<1x16xf32>,
      %mul3A_131 = arith.constant 8 : i32
      %mul3A_132 = arith.muli %scan3A_72, %mul3A_131 : i32
      %add3A_133 = arith.constant 0 : i32
      %add3A_134 = arith.addi %add3A_133, %mul3A_132 : i32
      %add3A_135 = arith.constant 4 : i32
      %add3A_136 = arith.addi %add3A_134, %add3A_135 : i32
      %get3A_137 = arith.index_cast %add3A_136 : i32 to index
      %get3A_138 = arith.constant 0 : index
      %get3A_139 = tpu.vector_load %arg6[%get3A_137, %get3A_138] {strides = array<i32>} : memref<5120x16xf32, #tpu.memory_space<vmem>>, vector<1x16xf32>,
      %get3A_140 = vector.shape_cast %get3A_139 : vector<1x16xf32> to vector<16xf32>
      %swap3A_141 = arith.index_cast %scan3A_72 : i32 to index
      %swap3A_142 = arith.constant 64 : index
      %swap3A_143 = tpu.vector_load %arg7[%swap3A_141, %swap3A_142] {strides = array<i32>} : memref<320x128xf32, #tpu.memory_space<vmem>>, vector<1x16xf32>,
      %swap3A_144 = vector.shape_cast %swap3A_143 : vector<1x16xf32> to vector<16xf32>
      %swap3A_145 = vector.shape_cast %get3A_140 : vector<16xf32> to vector<1x16xf32>
      tpu.vector_store %arg7[%swap3A_141, %swap3A_142], %swap3A_145 {strides = array<i32>} : memref<320x128xf32, #tpu.memory_space<vmem>>, vector<1x16xf32>,
      %mul3A_146 = arith.constant 8 : i32
      %mul3A_147 = arith.muli %scan3A_72, %mul3A_146 : i32
      %add3A_148 = arith.constant 0 : i32
      %add3A_149 = arith.addi %add3A_148, %mul3A_147 : i32
      %add3A_150 = arith.constant 5 : i32
      %add3A_151 = arith.addi %add3A_149, %add3A_150 : i32
      %get3A_152 = arith.index_cast %add3A_151 : i32 to index
      %get3A_153 = arith.constant 0 : index
      %get3A_154 = tpu.vector_load %arg6[%get3A_152, %get3A_153] {strides = array<i32>} : memref<5120x16xf32, #tpu.memory_space<vmem>>, vector<1x16xf32>,
      %get3A_155 = vector.shape_cast %get3A_154 : vector<1x16xf32> to vector<16xf32>
      %swap3A_156 = arith.index_cast %scan3A_72 : i32 to index
      %swap3A_157 = arith.constant 80 : index
      %swap3A_158 = tpu.vector_load %arg7[%swap3A_156, %swap3A_157] {strides = array<i32>} : memref<320x128xf32, #tpu.memory_space<vmem>>, vector<1x16xf32>,
      %swap3A_159 = vector.shape_cast %swap3A_158 : vector<1x16xf32> to vector<16xf32>
      %swap3A_160 = vector.shape_cast %get3A_155 : vector<16xf32> to vector<1x16xf32>
      tpu.vector_store %arg7[%swap3A_156, %swap3A_157], %swap3A_160 {strides = array<i32>} : memref<320x128xf32, #tpu.memory_space<vmem>>, vector<1x16xf32>,
      %mul3A_161 = arith.constant 8 : i32
      %mul3A_162 = arith.muli %scan3A_72, %mul3A_161 : i32
      %add3A_163 = arith.constant 0 : i32
      %add3A_164 = arith.addi %add3A_163, %mul3A_162 : i32
      %add3A_165 = arith.constant 6 : i32
      %add3A_166 = arith.addi %add3A_164, %add3A_165 : i32
      %get3A_167 = arith.index_cast %add3A_166 : i32 to index
      %get3A_168 = arith.constant 0 : index
      %get3A_169 = tpu.vector_load %arg6[%get3A_167, %get3A_168] {strides = array<i32>} : memref<5120x16xf32, #tpu.memory_space<vmem>>, vector<1x16xf32>,
      %get3A_170 = vector.shape_cast %get3A_169 : vector<1x16xf32> to vector<16xf32>
      %swap3A_171 = arith.index_cast %scan3A_72 : i32 to index
      %swap3A_172 = arith.constant 96 : index
      %swap3A_173 = tpu.vector_load %arg7[%swap3A_171, %swap3A_172] {strides = array<i32>} : memref<320x128xf32, #tpu.memory_space<vmem>>, vector<1x16xf32>,
      %swap3A_174 = vector.shape_cast %swap3A_173 : vector<1x16xf32> to vector<16xf32>
      %swap3A_175 = vector.shape_cast %get3A_170 : vector<16xf32> to vector<1x16xf32>
      tpu.vector_store %arg7[%swap3A_171, %swap3A_172], %swap3A_175 {strides = array<i32>} : memref<320x128xf32, #tpu.memory_space<vmem>>, vector<1x16xf32>,
      %mul3A_176 = arith.constant 8 : i32
      %mul3A_177 = arith.muli %scan3A_72, %mul3A_176 : i32
      %add3A_178 = arith.constant 0 : i32
      %add3A_179 = arith.addi %add3A_178, %mul3A_177 : i32
      %add3A_180 = arith.constant 7 : i32
      %add3A_181 = arith.addi %add3A_179, %add3A_180 : i32
      %get3A_182 = arith.index_cast %add3A_181 : i32 to index
      %get3A_183 = arith.constant 0 : index
      %get3A_184 = tpu.vector_load %arg6[%get3A_182, %get3A_183] {strides = array<i32>} : memref<5120x16xf32, #tpu.memory_space<vmem>>, vector<1x16xf32>,
      %get3A_185 = vector.shape_cast %get3A_184 : vector<1x16xf32> to vector<16xf32>
      %swap3A_186 = arith.index_cast %scan3A_72 : i32 to index
      %swap3A_187 = arith.constant 112 : index
      %swap3A_188 = tpu.vector_load %arg7[%swap3A_186, %swap3A_187] {strides = array<i32>} : memref<320x128xf32, #tpu.memory_space<vmem>>, vector<1x16xf32>,
      %swap3A_189 = vector.shape_cast %swap3A_188 : vector<1x16xf32> to vector<16xf32>
      %swap3A_190 = vector.shape_cast %get3A_185 : vector<16xf32> to vector<1x16xf32>
      tpu.vector_store %arg7[%swap3A_186, %swap3A_187], %swap3A_190 {strides = array<i32>} : memref<320x128xf32, #tpu.memory_space<vmem>>, vector<1x16xf32>,
    }
    %scan3A_35 = arith.constant 320 : i32
    %scan3A_36 = arith.constant 0 : i32
    %scan3A_37 = arith.constant 0 : i32
    %scan3A_38 = arith.constant 20 : i32
    %scan3A_39 = arith.addi %scan3A_37, %scan3A_38 : i32
    %scan3A_40 = arith.constant 1 : i32
    scf.for %scan3A_72 = %scan3A_37 to %scan3A_39 step %scan3A_40  : i32 {
      %add3A_73 = arith.constant 0 : i32
      %add3A_74 = arith.addi %add3A_73, %scan3A_72 : i32
      %mul3A_75 = arith.constant 32 : i32
      %mul3A_76 = arith.muli %mul3A_75, %add3A_74 : i32
      %add3A_77 = arith.addi %add3A, %mul3A_76 : i32
      %lt3A = arith.constant 1250 : i32
      %lt3A_78 = arith.cmpi slt, %add3A_77, %lt3A : i32
      %convert_element_type3A = arith.extui %lt3A_78 : i1 to i32
      %cond3A = arith.constant 0 : i32
      %cond3A_79 = arith.cmpi ne, %convert_element_type3A, %cond3A : i32
      scf.if %cond3A_79 {
        %mul3A_80 = arith.constant 16 : i32
        %mul3A_81 = arith.muli %scan3A_72, %mul3A_80 : i32
        %mul3A_82 = arith.constant 16 : i32
        %mul3A_83 = arith.muli %add3A_77, %mul3A_82 : i32
        %dma_start3A = arith.constant 0 : i32
        %dma_start3A_84 = tpu.memref_slice %arg7[%mul3A_81, %dma_start3A] : memref<320x128xf32, #tpu.memory_space<vmem>> -> memref<16x128xf32, #tpu.memory_space<vmem>>
        %dma_start3A_85 = arith.constant 0 : i32
        %dma_start3A_86 = tpu.memref_slice %arg4[%mul3A_83, %dma_start3A_85] : memref<20000x128xf32, #tpu.memory_space<hbm>> -> memref<16x128xf32, #tpu.memory_space<hbm>>
        %dma_start3A_87 = arith.constant 0 : i32
        %dma_start3A_88 = tpu.memref_slice %arg4[%mul3A_83, %dma_start3A_87] : memref<20000x128xf32, #tpu.memory_space<hbm>> -> memref<16x128xf32, #tpu.memory_space<hbm>>
        %dma_start3A_89 = arith.constant 0 : i32
        %dma_start3A_90 = tpu.memref_slice %arg7[%mul3A_81, %dma_start3A_89] : memref<320x128xf32, #tpu.memory_space<vmem>> -> memref<16x128xf32, #tpu.memory_space<vmem>>
        tpu.enqueue_dma source(%dma_start3A_90 : memref<16x128xf32, #tpu.memory_space<vmem>>) target(%dma_start3A_88 : memref<16x128xf32, #tpu.memory_space<hbm>>) target_semaphore(%arg10 : memref<!tpu.dma_semaphore, #tpu.memory_space<semaphore_mem>>)
      } else {
      }
    }
    %scan3A_41 = arith.constant 20 : i32
    %scan3A_42 = arith.constant 0 : i32
    %scan3A_43 = arith.constant 0 : i32
    %scan3A_44 = arith.constant 20 : i32
    %scan3A_45 = arith.addi %scan3A_43, %scan3A_44 : i32
    %scan3A_46 = arith.constant 1 : i32
    scf.for %scan3A_72 = %scan3A_43 to %scan3A_45 step %scan3A_46  : i32 {
      %add3A_73 = arith.constant 0 : i32
      %add3A_74 = arith.addi %add3A_73, %scan3A_72 : i32
      %mul3A_75 = arith.constant 32 : i32
      %mul3A_76 = arith.muli %mul3A_75, %add3A_74 : i32
      %add3A_77 = arith.addi %add3A, %mul3A_76 : i32
      %lt3A = arith.constant 1250 : i32
      %lt3A_78 = arith.cmpi slt, %add3A_77, %lt3A : i32
      %convert_element_type3A = arith.extui %lt3A_78 : i1 to i32
      %cond3A = arith.constant 0 : i32
      %cond3A_79 = arith.cmpi ne, %convert_element_type3A, %cond3A : i32
      scf.if %cond3A_79 {
        %mul3A_80 = arith.constant 16 : i32
        %mul3A_81 = arith.muli %scan3A_72, %mul3A_80 : i32
        %mul3A_82 = arith.constant 16 : i32
        %mul3A_83 = arith.muli %add3A_77, %mul3A_82 : i32
        %dma_wait3A = arith.constant 0 : i32
        %dma_wait3A_84 = tpu.memref_slice %arg7[%mul3A_81, %dma_wait3A] : memref<320x128xf32, #tpu.memory_space<vmem>> -> memref<16x128xf32, #tpu.memory_space<vmem>>
        %dma_wait3A_85 = arith.constant 0 : i32
        %dma_wait3A_86 = tpu.memref_slice %arg4[%mul3A_83, %dma_wait3A_85] : memref<20000x128xf32, #tpu.memory_space<hbm>> -> memref<16x128xf32, #tpu.memory_space<hbm>>
        %dma_wait3A_87 = arith.constant 0 : i32
        %dma_wait3A_88 = tpu.memref_slice %arg4[%mul3A_83, %dma_wait3A_87] : memref<20000x128xf32, #tpu.memory_space<hbm>> -> memref<16x128xf32, #tpu.memory_space<hbm>>
        %dma_wait3A_89 = arith.constant 0 : i32
        %dma_wait3A_90 = tpu.memref_slice %arg7[%mul3A_81, %dma_wait3A_89] : memref<320x128xf32, #tpu.memory_space<vmem>> -> memref<16x128xf32, #tpu.memory_space<vmem>>
        tpu.wait_dma2 semaphore(%arg10 : memref<!tpu.dma_semaphore, #tpu.memory_space<semaphore_mem>>) src(%dma_wait3A_90 : memref<16x128xf32, #tpu.memory_space<vmem>>) dst(%dma_wait3A_88 : memref<16x128xf32, #tpu.memory_space<hbm>>)
      } else {
      }
    }
    %scan3A_47 = arith.constant 20 : i32
    %scan3A_48 = arith.constant 0 : i32
    %scan3A_49 = arith.constant 0 : i32
    %scan3A_50 = arith.constant 20 : i32
    %scan3A_51 = arith.addi %scan3A_49, %scan3A_50 : i32
    %scan3A_52 = arith.constant 1 : i32
    scf.for %scan3A_72 = %scan3A_49 to %scan3A_51 step %scan3A_52  : i32 {
      %add3A_73 = arith.constant 20 : i32
      %add3A_74 = arith.addi %add3A_73, %scan3A_72 : i32
      %mul3A_75 = arith.constant 32 : i32
      %mul3A_76 = arith.muli %mul3A_75, %add3A_74 : i32
      %add3A_77 = arith.addi %add3A, %mul3A_76 : i32
      %lt3A = arith.constant 1250 : i32
      %lt3A_78 = arith.cmpi slt, %add3A_77, %lt3A : i32
      %convert_element_type3A = arith.extui %lt3A_78 : i1 to i32
      %cond3A = arith.constant 0 : i32
      %cond3A_79 = arith.cmpi ne, %convert_element_type3A, %cond3A : i32
      scf.if %cond3A_79 {
        %add3A_80 = arith.constant 20 : i32
        %add3A_81 = arith.addi %add3A_80, %scan3A_72 : i32
        %add3A_82 = arith.constant 20 : i32
        %add3A_83 = arith.addi %add3A_82, %scan3A_72 : i32
        %mul3A_84 = arith.constant 128 : i32
        %mul3A_85 = arith.muli %add3A_83, %mul3A_84 : i32
        %dma_wait3A = arith.constant 0 : i32
        %dma_wait3A_86 = tpu.memref_slice %arg6[%mul3A_85, %dma_wait3A] : memref<5120x16xf32, #tpu.memory_space<vmem>> -> memref<128x16xf32, #tpu.memory_space<vmem>>
        %dma_wait3A_87 = arith.constant 0 : i32
        %dma_wait3A_88 = tpu.memref_slice %arg5[%add3A_81, %dma_wait3A_87] : memref<40x128xi32, #tpu.memory_space<vmem>> -> memref<1x128xi32, #tpu.memory_space<vmem>>
        %dma_wait3A_89 = tpu.memref_squeeze %dma_wait3A_88 : memref<1x128xi32, #tpu.memory_space<vmem>> -> memref<128xi32, #tpu.memory_space<vmem>>
        %dma_wait3A_90 = arith.constant 0 : i32
        %dma_wait3A_91 = arith.constant 0 : i32
        %dma_wait3A_92 = tpu.memref_slice %arg3[%dma_wait3A_90, %dma_wait3A_91] : memref<10000x16xf32, #tpu.memory_space<hbm>> -> memref<10000x16xf32, #tpu.memory_space<hbm>>
        tpu.wait_indirect_dma semaphore(%arg9 : memref<!tpu.dma_semaphore, #tpu.memory_space<semaphore_mem>>) src(%dma_wait3A_92 : memref<10000x16xf32, #tpu.memory_space<hbm>>) dst(%dma_wait3A_86 : memref<128x16xf32, #tpu.memory_space<vmem>>)
      } else {
      }
    }
    %scan3A_53 = arith.constant 20 : i32
    %scan3A_54 = arith.constant 0 : i32
    %scan3A_55 = arith.constant 0 : i32
    %scan3A_56 = arith.constant 320 : i32
    %scan3A_57 = arith.addi %scan3A_55, %scan3A_56 : i32
    %scan3A_58 = arith.constant 1 : i32
    scf.for %scan3A_72 = %scan3A_55 to %scan3A_57 step %scan3A_58  : i32 {
      %mul3A_73 = arith.constant 8 : i32
      %mul3A_74 = arith.muli %scan3A_72, %mul3A_73 : i32
      %add3A_75 = arith.constant 2560 : i32
      %add3A_76 = arith.addi %add3A_75, %mul3A_74 : i32
      %add3A_77 = arith.constant 0 : i32
      %add3A_78 = arith.addi %add3A_76, %add3A_77 : i32
      %get3A = arith.index_cast %add3A_78 : i32 to index
      %get3A_79 = arith.constant 0 : index
      %get3A_80 = tpu.vector_load %arg6[%get3A, %get3A_79] {strides = array<i32>} : memref<5120x16xf32, #tpu.memory_space<vmem>>, vector<1x16xf32>,
      %get3A_81 = vector.shape_cast %get3A_80 : vector<1x16xf32> to vector<16xf32>
      %swap3A = arith.index_cast %scan3A_72 : i32 to index
      %swap3A_82 = arith.constant 0 : index
      %swap3A_83 = tpu.vector_load %arg7[%swap3A, %swap3A_82] {strides = array<i32>} : memref<320x128xf32, #tpu.memory_space<vmem>>, vector<1x16xf32>,
      %swap3A_84 = vector.shape_cast %swap3A_83 : vector<1x16xf32> to vector<16xf32>
      %swap3A_85 = vector.shape_cast %get3A_81 : vector<16xf32> to vector<1x16xf32>
      tpu.vector_store %arg7[%swap3A, %swap3A_82], %swap3A_85 {strides = array<i32>} : memref<320x128xf32, #tpu.memory_space<vmem>>, vector<1x16xf32>,
      %mul3A_86 = arith.constant 8 : i32
      %mul3A_87 = arith.muli %scan3A_72, %mul3A_86 : i32
      %add3A_88 = arith.constant 2560 : i32
      %add3A_89 = arith.addi %add3A_88, %mul3A_87 : i32
      %add3A_90 = arith.constant 1 : i32
      %add3A_91 = arith.addi %add3A_89, %add3A_90 : i32
      %get3A_92 = arith.index_cast %add3A_91 : i32 to index
      %get3A_93 = arith.constant 0 : index
      %get3A_94 = tpu.vector_load %arg6[%get3A_92, %get3A_93] {strides = array<i32>} : memref<5120x16xf32, #tpu.memory_space<vmem>>, vector<1x16xf32>,
      %get3A_95 = vector.shape_cast %get3A_94 : vector<1x16xf32> to vector<16xf32>
      %swap3A_96 = arith.index_cast %scan3A_72 : i32 to index
      %swap3A_97 = arith.constant 16 : index
      %swap3A_98 = tpu.vector_load %arg7[%swap3A_96, %swap3A_97] {strides = array<i32>} : memref<320x128xf32, #tpu.memory_space<vmem>>, vector<1x16xf32>,
      %swap3A_99 = vector.shape_cast %swap3A_98 : vector<1x16xf32> to vector<16xf32>
      %swap3A_100 = vector.shape_cast %get3A_95 : vector<16xf32> to vector<1x16xf32>
      tpu.vector_store %arg7[%swap3A_96, %swap3A_97], %swap3A_100 {strides = array<i32>} : memref<320x128xf32, #tpu.memory_space<vmem>>, vector<1x16xf32>,
      %mul3A_101 = arith.constant 8 : i32
      %mul3A_102 = arith.muli %scan3A_72, %mul3A_101 : i32
      %add3A_103 = arith.constant 2560 : i32
      %add3A_104 = arith.addi %add3A_103, %mul3A_102 : i32
      %add3A_105 = arith.constant 2 : i32
      %add3A_106 = arith.addi %add3A_104, %add3A_105 : i32
      %get3A_107 = arith.index_cast %add3A_106 : i32 to index
      %get3A_108 = arith.constant 0 : index
      %get3A_109 = tpu.vector_load %arg6[%get3A_107, %get3A_108] {strides = array<i32>} : memref<5120x16xf32, #tpu.memory_space<vmem>>, vector<1x16xf32>,
      %get3A_110 = vector.shape_cast %get3A_109 : vector<1x16xf32> to vector<16xf32>
      %swap3A_111 = arith.index_cast %scan3A_72 : i32 to index
      %swap3A_112 = arith.constant 32 : index
      %swap3A_113 = tpu.vector_load %arg7[%swap3A_111, %swap3A_112] {strides = array<i32>} : memref<320x128xf32, #tpu.memory_space<vmem>>, vector<1x16xf32>,
      %swap3A_114 = vector.shape_cast %swap3A_113 : vector<1x16xf32> to vector<16xf32>
      %swap3A_115 = vector.shape_cast %get3A_110 : vector<16xf32> to vector<1x16xf32>
      tpu.vector_store %arg7[%swap3A_111, %swap3A_112], %swap3A_115 {strides = array<i32>} : memref<320x128xf32, #tpu.memory_space<vmem>>, vector<1x16xf32>,
      %mul3A_116 = arith.constant 8 : i32
      %mul3A_117 = arith.muli %scan3A_72, %mul3A_116 : i32
      %add3A_118 = arith.constant 2560 : i32
      %add3A_119 = arith.addi %add3A_118, %mul3A_117 : i32
      %add3A_120 = arith.constant 3 : i32
      %add3A_121 = arith.addi %add3A_119, %add3A_120 : i32
      %get3A_122 = arith.index_cast %add3A_121 : i32 to index
      %get3A_123 = arith.constant 0 : index
      %get3A_124 = tpu.vector_load %arg6[%get3A_122, %get3A_123] {strides = array<i32>} : memref<5120x16xf32, #tpu.memory_space<vmem>>, vector<1x16xf32>,
      %get3A_125 = vector.shape_cast %get3A_124 : vector<1x16xf32> to vector<16xf32>
      %swap3A_126 = arith.index_cast %scan3A_72 : i32 to index
      %swap3A_127 = arith.constant 48 : index
      %swap3A_128 = tpu.vector_load %arg7[%swap3A_126, %swap3A_127] {strides = array<i32>} : memref<320x128xf32, #tpu.memory_space<vmem>>, vector<1x16xf32>,
      %swap3A_129 = vector.shape_cast %swap3A_128 : vector<1x16xf32> to vector<16xf32>
      %swap3A_130 = vector.shape_cast %get3A_125 : vector<16xf32> to vector<1x16xf32>
      tpu.vector_store %arg7[%swap3A_126, %swap3A_127], %swap3A_130 {strides = array<i32>} : memref<320x128xf32, #tpu.memory_space<vmem>>, vector<1x16xf32>,
      %mul3A_131 = arith.constant 8 : i32
      %mul3A_132 = arith.muli %scan3A_72, %mul3A_131 : i32
      %add3A_133 = arith.constant 2560 : i32
      %add3A_134 = arith.addi %add3A_133, %mul3A_132 : i32
      %add3A_135 = arith.constant 4 : i32
      %add3A_136 = arith.addi %add3A_134, %add3A_135 : i32
      %get3A_137 = arith.index_cast %add3A_136 : i32 to index
      %get3A_138 = arith.constant 0 : index
      %get3A_139 = tpu.vector_load %arg6[%get3A_137, %get3A_138] {strides = array<i32>} : memref<5120x16xf32, #tpu.memory_space<vmem>>, vector<1x16xf32>,
      %get3A_140 = vector.shape_cast %get3A_139 : vector<1x16xf32> to vector<16xf32>
      %swap3A_141 = arith.index_cast %scan3A_72 : i32 to index
      %swap3A_142 = arith.constant 64 : index
      %swap3A_143 = tpu.vector_load %arg7[%swap3A_141, %swap3A_142] {strides = array<i32>} : memref<320x128xf32, #tpu.memory_space<vmem>>, vector<1x16xf32>,
      %swap3A_144 = vector.shape_cast %swap3A_143 : vector<1x16xf32> to vector<16xf32>
      %swap3A_145 = vector.shape_cast %get3A_140 : vector<16xf32> to vector<1x16xf32>
      tpu.vector_store %arg7[%swap3A_141, %swap3A_142], %swap3A_145 {strides = array<i32>} : memref<320x128xf32, #tpu.memory_space<vmem>>, vector<1x16xf32>,
      %mul3A_146 = arith.constant 8 : i32
      %mul3A_147 = arith.muli %scan3A_72, %mul3A_146 : i32
      %add3A_148 = arith.constant 2560 : i32
      %add3A_149 = arith.addi %add3A_148, %mul3A_147 : i32
      %add3A_150 = arith.constant 5 : i32
      %add3A_151 = arith.addi %add3A_149, %add3A_150 : i32
      %get3A_152 = arith.index_cast %add3A_151 : i32 to index
      %get3A_153 = arith.constant 0 : index
      %get3A_154 = tpu.vector_load %arg6[%get3A_152, %get3A_153] {strides = array<i32>} : memref<5120x16xf32, #tpu.memory_space<vmem>>, vector<1x16xf32>,
      %get3A_155 = vector.shape_cast %get3A_154 : vector<1x16xf32> to vector<16xf32>
      %swap3A_156 = arith.index_cast %scan3A_72 : i32 to index
      %swap3A_157 = arith.constant 80 : index
      %swap3A_158 = tpu.vector_load %arg7[%swap3A_156, %swap3A_157] {strides = array<i32>} : memref<320x128xf32, #tpu.memory_space<vmem>>, vector<1x16xf32>,
      %swap3A_159 = vector.shape_cast %swap3A_158 : vector<1x16xf32> to vector<16xf32>
      %swap3A_160 = vector.shape_cast %get3A_155 : vector<16xf32> to vector<1x16xf32>
      tpu.vector_store %arg7[%swap3A_156, %swap3A_157], %swap3A_160 {strides = array<i32>} : memref<320x128xf32, #tpu.memory_space<vmem>>, vector<1x16xf32>,
      %mul3A_161 = arith.constant 8 : i32
      %mul3A_162 = arith.muli %scan3A_72, %mul3A_161 : i32
      %add3A_163 = arith.constant 2560 : i32
      %add3A_164 = arith.addi %add3A_163, %mul3A_162 : i32
      %add3A_165 = arith.constant 6 : i32
      %add3A_166 = arith.addi %add3A_164, %add3A_165 : i32
      %get3A_167 = arith.index_cast %add3A_166 : i32 to index
      %get3A_168 = arith.constant 0 : index
      %get3A_169 = tpu.vector_load %arg6[%get3A_167, %get3A_168] {strides = array<i32>} : memref<5120x16xf32, #tpu.memory_space<vmem>>, vector<1x16xf32>,
      %get3A_170 = vector.shape_cast %get3A_169 : vector<1x16xf32> to vector<16xf32>
      %swap3A_171 = arith.index_cast %scan3A_72 : i32 to index
      %swap3A_172 = arith.constant 96 : index
      %swap3A_173 = tpu.vector_load %arg7[%swap3A_171, %swap3A_172] {strides = array<i32>} : memref<320x128xf32, #tpu.memory_space<vmem>>, vector<1x16xf32>,
      %swap3A_174 = vector.shape_cast %swap3A_173 : vector<1x16xf32> to vector<16xf32>
      %swap3A_175 = vector.shape_cast %get3A_170 : vector<16xf32> to vector<1x16xf32>
      tpu.vector_store %arg7[%swap3A_171, %swap3A_172], %swap3A_175 {strides = array<i32>} : memref<320x128xf32, #tpu.memory_space<vmem>>, vector<1x16xf32>,
      %mul3A_176 = arith.constant 8 : i32
      %mul3A_177 = arith.muli %scan3A_72, %mul3A_176 : i32
      %add3A_178 = arith.constant 2560 : i32
      %add3A_179 = arith.addi %add3A_178, %mul3A_177 : i32
      %add3A_180 = arith.constant 7 : i32
      %add3A_181 = arith.addi %add3A_179, %add3A_180 : i32
      %get3A_182 = arith.index_cast %add3A_181 : i32 to index
      %get3A_183 = arith.constant 0 : index
      %get3A_184 = tpu.vector_load %arg6[%get3A_182, %get3A_183] {strides = array<i32>} : memref<5120x16xf32, #tpu.memory_space<vmem>>, vector<1x16xf32>,
      %get3A_185 = vector.shape_cast %get3A_184 : vector<1x16xf32> to vector<16xf32>
      %swap3A_186 = arith.index_cast %scan3A_72 : i32 to index
      %swap3A_187 = arith.constant 112 : index
      %swap3A_188 = tpu.vector_load %arg7[%swap3A_186, %swap3A_187] {strides = array<i32>} : memref<320x128xf32, #tpu.memory_space<vmem>>, vector<1x16xf32>,
      %swap3A_189 = vector.shape_cast %swap3A_188 : vector<1x16xf32> to vector<16xf32>
      %swap3A_190 = vector.shape_cast %get3A_185 : vector<16xf32> to vector<1x16xf32>
      tpu.vector_store %arg7[%swap3A_186, %swap3A_187], %swap3A_190 {strides = array<i32>} : memref<320x128xf32, #tpu.memory_space<vmem>>, vector<1x16xf32>,
    }
    %scan3A_59 = arith.constant 320 : i32
    %scan3A_60 = arith.constant 0 : i32
    %scan3A_61 = arith.constant 0 : i32
    %scan3A_62 = arith.constant 20 : i32
    %scan3A_63 = arith.addi %scan3A_61, %scan3A_62 : i32
    %scan3A_64 = arith.constant 1 : i32
    scf.for %scan3A_72 = %scan3A_61 to %scan3A_63 step %scan3A_64  : i32 {
      %add3A_73 = arith.constant 20 : i32
      %add3A_74 = arith.addi %add3A_73, %scan3A_72 : i32
      %mul3A_75 = arith.constant 32 : i32
      %mul3A_76 = arith.muli %mul3A_75, %add3A_74 : i32
      %add3A_77 = arith.addi %add3A, %mul3A_76 : i32
      %lt3A = arith.constant 1250 : i32
      %lt3A_78 = arith.cmpi slt, %add3A_77, %lt3A : i32
      %convert_element_type3A = arith.extui %lt3A_78 : i1 to i32
      %cond3A = arith.constant 0 : i32
      %cond3A_79 = arith.cmpi ne, %convert_element_type3A, %cond3A : i32
      scf.if %cond3A_79 {
        %mul3A_80 = arith.constant 16 : i32
        %mul3A_81 = arith.muli %scan3A_72, %mul3A_80 : i32
        %mul3A_82 = arith.constant 16 : i32
        %mul3A_83 = arith.muli %add3A_77, %mul3A_82 : i32
        %dma_start3A = arith.constant 0 : i32
        %dma_start3A_84 = tpu.memref_slice %arg7[%mul3A_81, %dma_start3A] : memref<320x128xf32, #tpu.memory_space<vmem>> -> memref<16x128xf32, #tpu.memory_space<vmem>>
        %dma_start3A_85 = arith.constant 0 : i32
        %dma_start3A_86 = tpu.memref_slice %arg4[%mul3A_83, %dma_start3A_85] : memref<20000x128xf32, #tpu.memory_space<hbm>> -> memref<16x128xf32, #tpu.memory_space<hbm>>
        %dma_start3A_87 = arith.constant 0 : i32
        %dma_start3A_88 = tpu.memref_slice %arg4[%mul3A_83, %dma_start3A_87] : memref<20000x128xf32, #tpu.memory_space<hbm>> -> memref<16x128xf32, #tpu.memory_space<hbm>>
        %dma_start3A_89 = arith.constant 0 : i32
        %dma_start3A_90 = tpu.memref_slice %arg7[%mul3A_81, %dma_start3A_89] : memref<320x128xf32, #tpu.memory_space<vmem>> -> memref<16x128xf32, #tpu.memory_space<vmem>>
        tpu.enqueue_dma source(%dma_start3A_90 : memref<16x128xf32, #tpu.memory_space<vmem>>) target(%dma_start3A_88 : memref<16x128xf32, #tpu.memory_space<hbm>>) target_semaphore(%arg10 : memref<!tpu.dma_semaphore, #tpu.memory_space<semaphore_mem>>)
      } else {
      }
    }
    %scan3A_65 = arith.constant 20 : i32
    %scan3A_66 = arith.constant 0 : i32
    %scan3A_67 = arith.constant 0 : i32
    %scan3A_68 = arith.constant 20 : i32
    %scan3A_69 = arith.addi %scan3A_67, %scan3A_68 : i32
    %scan3A_70 = arith.constant 1 : i32
    scf.for %scan3A_72 = %scan3A_67 to %scan3A_69 step %scan3A_70  : i32 {
      %add3A_73 = arith.constant 20 : i32
      %add3A_74 = arith.addi %add3A_73, %scan3A_72 : i32
      %mul3A_75 = arith.constant 32 : i32
      %mul3A_76 = arith.muli %mul3A_75, %add3A_74 : i32
      %add3A_77 = arith.addi %add3A, %mul3A_76 : i32
      %lt3A = arith.constant 1250 : i32
      %lt3A_78 = arith.cmpi slt, %add3A_77, %lt3A : i32
      %convert_element_type3A = arith.extui %lt3A_78 : i1 to i32
      %cond3A = arith.constant 0 : i32
      %cond3A_79 = arith.cmpi ne, %convert_element_type3A, %cond3A : i32
      scf.if %cond3A_79 {
        %mul3A_80 = arith.constant 16 : i32
        %mul3A_81 = arith.muli %scan3A_72, %mul3A_80 : i32
        %mul3A_82 = arith.constant 16 : i32
        %mul3A_83 = arith.muli %add3A_77, %mul3A_82 : i32
        %dma_wait3A = arith.constant 0 : i32
        %dma_wait3A_84 = tpu.memref_slice %arg7[%mul3A_81, %dma_wait3A] : memref<320x128xf32, #tpu.memory_space<vmem>> -> memref<16x128xf32, #tpu.memory_space<vmem>>
        %dma_wait3A_85 = arith.constant 0 : i32
        %dma_wait3A_86 = tpu.memref_slice %arg4[%mul3A_83, %dma_wait3A_85] : memref<20000x128xf32, #tpu.memory_space<hbm>> -> memref<16x128xf32, #tpu.memory_space<hbm>>
        %dma_wait3A_87 = arith.constant 0 : i32
        %dma_wait3A_88 = tpu.memref_slice %arg4[%mul3A_83, %dma_wait3A_87] : memref<20000x128xf32, #tpu.memory_space<hbm>> -> memref<16x128xf32, #tpu.memory_space<hbm>>
        %dma_wait3A_89 = arith.constant 0 : i32
        %dma_wait3A_90 = tpu.memref_slice %arg7[%mul3A_81, %dma_wait3A_89] : memref<320x128xf32, #tpu.memory_space<vmem>> -> memref<16x128xf32, #tpu.memory_space<vmem>>
        tpu.wait_dma2 semaphore(%arg10 : memref<!tpu.dma_semaphore, #tpu.memory_space<semaphore_mem>>) src(%dma_wait3A_90 : memref<16x128xf32, #tpu.memory_space<vmem>>) dst(%dma_wait3A_88 : memref<16x128xf32, #tpu.memory_space<hbm>>)
      } else {
      }
    }
    %scan3A_71 = arith.constant 20 : i32
    return
  }
}

#map = affine_map<(d0, d1) -> (0, 0)>
module attributes {stable_mosaic.version = 14 : i64} {
  func.func @_sc_gather_body(%arg0: i32, %arg1: i32, %arg2: memref<1250x128xi32, #tpu.memory_space<hbm>>, %arg3: memref<10000x16xf32, #tpu.memory_space<hbm>>, %arg4: memref<20000x128xf32, #tpu.memory_space<hbm>>, %arg5: memref<40x128xi32, #tpu.memory_space<vmem>>, %arg6: memref<5120x16xf32, #tpu.memory_space<vmem>>, %arg7: memref<320x128xf32, #tpu.memory_space<vmem>>, %arg8: memref<!tpu.dma_semaphore, #tpu.memory_space<semaphore_mem>>, %arg9: memref<!tpu.dma_semaphore, #tpu.memory_space<semaphore_mem>>, %arg10: memref<!tpu.dma_semaphore, #tpu.memory_space<semaphore_mem>>) attributes {dimension_semantics = [#tpu.dimension_semantics<core_parallel>, #tpu.dimension_semantics<subcore_parallel>], iteration_bounds = array<i64: 2, 16>, scalar_prefetch = 0 : i64, scratch_operands = 6 : i64, tpu.core_type = #tpu.core_type<sc_vector_subcore>, window_params = [{transform_indices = #map}, {transform_indices = #map}, {transform_indices = #map}]} {
    %mul3A = arith.constant 2 : i32
    %mul3A_0 = arith.muli %arg1, %mul3A : i32
    %add3A = arith.addi %mul3A_0, %arg0 : i32
    %scan3A = arith.constant 0 : i32
    %scan3A_1 = arith.constant 0 : i32
    %scan3A_2 = arith.constant 40 : i32
    %scan3A_3 = arith.addi %scan3A_1, %scan3A_2 : i32
    %scan3A_4 = arith.constant 1 : i32
    scf.for %scan3A_72 = %scan3A_1 to %scan3A_3 step %scan3A_4  : i32 {
      %mul3A_73 = arith.constant 32 : i32
      %mul3A_74 = arith.muli %mul3A_73, %scan3A_72 : i32
      %add3A_75 = arith.addi %add3A, %mul3A_74 : i32
      %lt3A = arith.constant 1250 : i32
      %lt3A_76 = arith.cmpi slt, %add3A_75, %lt3A : i32
      %convert_element_type3A = arith.extui %lt3A_76 : i1 to i32
      %cond3A = arith.constant 0 : i32
      %cond3A_77 = arith.cmpi ne, %convert_element_type3A, %cond3A : i32
      scf.if %cond3A_77 {
        %dma_start3A = arith.constant 0 : i32
        %dma_start3A_78 = tpu.memref_slice %arg5[%scan3A_72, %dma_start3A] : memref<40x128xi32, #tpu.memory_space<vmem>> -> memref<1x128xi32, #tpu.memory_space<vmem>>
        %dma_start3A_79 = tpu.memref_squeeze %dma_start3A_78 : memref<1x128xi32, #tpu.memory_space<vmem>> -> memref<128xi32, #tpu.memory_space<vmem>>
        %dma_start3A_80 = arith.constant 0 : i32
        %dma_start3A_81 = tpu.memref_slice %arg2[%add3A_75, %dma_start3A_80] : memref<1250x128xi32, #tpu.memory_space<hbm>> -> memref<1x128xi32, #tpu.memory_space<hbm>>
        %dma_start3A_82 = tpu.memref_squeeze %dma_start3A_81 : memref<1x128xi32, #tpu.memory_space<hbm>> -> memref<128xi32, #tpu.memory_space<hbm>>
        %dma_start3A_83 = arith.constant 0 : i32
        %dma_start3A_84 = tpu.memref_slice %arg5[%scan3A_72, %dma_start3A_83] : memref<40x128xi32, #tpu.memory_space<vmem>> -> memref<1x128xi32, #tpu.memory_space<vmem>>
        %dma_start3A_85 = tpu.memref_squeeze %dma_start3A_84 : memref<1x128xi32, #tpu.memory_space<vmem>> -> memref<128xi32, #tpu.memory_space<vmem>>
        %dma_start3A_86 = arith.constant 0 : i32
        %dma_start3A_87 = tpu.memref_slice %arg2[%add3A_75, %dma_start3A_86] : memref<1250x128xi32, #tpu.memory_space<hbm>> -> memref<1x128xi32, #tpu.memory_space<hbm>>
        %dma_start3A_88 = tpu.memref_squeeze %dma_start3A_87 : memref<1x128xi32, #tpu.memory_space<hbm>> -> memref<128xi32, #tpu.memory_space<hbm>>
        tpu.enqueue_dma source(%dma_start3A_88 : memref<128xi32, #tpu.memory_space<hbm>>) target(%dma_start3A_85 : memref<128xi32, #tpu.memory_space<vmem>>) target_semaphore(%arg8 : memref<!tpu.dma_semaphore, #tpu.memory_space<semaphore_mem>>)
      } else {
      }
    }
    %scan3A_5 = arith.constant 40 : i32
    %scan3A_6 = arith.constant 0 : i32
    %scan3A_7 = arith.constant 0 : i32
    %scan3A_8 = arith.constant 40 : i32
    %scan3A_9 = arith.addi %scan3A_7, %scan3A_8 : i32
    %scan3A_10 = arith.constant 1 : i32
    scf.for %scan3A_72 = %scan3A_7 to %scan3A_9 step %scan3A_10  : i32 {
      %mul3A_73 = arith.constant 32 : i32
      %mul3A_74 = arith.muli %mul3A_73, %scan3A_72 : i32
      %add3A_75 = arith.addi %add3A, %mul3A_74 : i32
      %lt3A = arith.constant 1250 : i32
      %lt3A_76 = arith.cmpi slt, %add3A_75, %lt3A : i32
      %convert_element_type3A = arith.extui %lt3A_76 : i1 to i32
      %cond3A = arith.constant 0 : i32
      %cond3A_77 = arith.cmpi ne, %convert_element_type3A, %cond3A : i32
      scf.if %cond3A_77 {
        %dma_wait3A = arith.constant 0 : i32
        %dma_wait3A_78 = tpu.memref_slice %arg5[%scan3A_72, %dma_wait3A] : memref<40x128xi32, #tpu.memory_space<vmem>> -> memref<1x128xi32, #tpu.memory_space<vmem>>
        %dma_wait3A_79 = tpu.memref_squeeze %dma_wait3A_78 : memref<1x128xi32, #tpu.memory_space<vmem>> -> memref<128xi32, #tpu.memory_space<vmem>>
        %dma_wait3A_80 = arith.constant 0 : i32
        %dma_wait3A_81 = tpu.memref_slice %arg2[%add3A_75, %dma_wait3A_80] : memref<1250x128xi32, #tpu.memory_space<hbm>> -> memref<1x128xi32, #tpu.memory_space<hbm>>
        %dma_wait3A_82 = tpu.memref_squeeze %dma_wait3A_81 : memref<1x128xi32, #tpu.memory_space<hbm>> -> memref<128xi32, #tpu.memory_space<hbm>>
        %dma_wait3A_83 = arith.constant 0 : i32
        %dma_wait3A_84 = tpu.memref_slice %arg5[%scan3A_72, %dma_wait3A_83] : memref<40x128xi32, #tpu.memory_space<vmem>> -> memref<1x128xi32, #tpu.memory_space<vmem>>
        %dma_wait3A_85 = tpu.memref_squeeze %dma_wait3A_84 : memref<1x128xi32, #tpu.memory_space<vmem>> -> memref<128xi32, #tpu.memory_space<vmem>>
        %dma_wait3A_86 = arith.constant 0 : i32
        %dma_wait3A_87 = tpu.memref_slice %arg2[%add3A_75, %dma_wait3A_86] : memref<1250x128xi32, #tpu.memory_space<hbm>> -> memref<1x128xi32, #tpu.memory_space<hbm>>
        %dma_wait3A_88 = tpu.memref_squeeze %dma_wait3A_87 : memref<1x128xi32, #tpu.memory_space<hbm>> -> memref<128xi32, #tpu.memory_space<hbm>>
        tpu.wait_dma2 semaphore(%arg8 : memref<!tpu.dma_semaphore, #tpu.memory_space<semaphore_mem>>) src(%dma_wait3A_88 : memref<128xi32, #tpu.memory_space<hbm>>) dst(%dma_wait3A_85 : memref<128xi32, #tpu.memory_space<vmem>>)
      } else {
      }
    }
    %scan3A_11 = arith.constant 40 : i32
    %scan3A_12 = arith.constant 0 : i32
    %scan3A_13 = arith.constant 0 : i32
    %scan3A_14 = arith.constant 20 : i32
    %scan3A_15 = arith.addi %scan3A_13, %scan3A_14 : i32
    %scan3A_16 = arith.constant 1 : i32
    scf.for %scan3A_72 = %scan3A_13 to %scan3A_15 step %scan3A_16  : i32 {
      %add3A_73 = arith.constant 0 : i32
      %add3A_74 = arith.addi %add3A_73, %scan3A_72 : i32
      %mul3A_75 = arith.constant 32 : i32
      %mul3A_76 = arith.muli %mul3A_75, %add3A_74 : i32
      %add3A_77 = arith.addi %add3A, %mul3A_76 : i32
      %lt3A = arith.constant 1250 : i32
      %lt3A_78 = arith.cmpi slt, %add3A_77, %lt3A : i32
      %convert_element_type3A = arith.extui %lt3A_78 : i1 to i32
      %cond3A = arith.constant 0 : i32
      %cond3A_79 = arith.cmpi ne, %convert_element_type3A, %cond3A : i32
      scf.if %cond3A_79 {
        %add3A_80 = arith.constant 0 : i32
        %add3A_81 = arith.addi %add3A_80, %scan3A_72 : i32
        %add3A_82 = arith.constant 0 : i32
        %add3A_83 = arith.addi %add3A_82, %scan3A_72 : i32
        %mul3A_84 = arith.constant 128 : i32
        %mul3A_85 = arith.muli %add3A_83, %mul3A_84 : i32
        %dma_start3A = arith.constant 0 : i32
        %dma_start3A_86 = tpu.memref_slice %arg6[%mul3A_85, %dma_start3A] : memref<5120x16xf32, #tpu.memory_space<vmem>> -> memref<128x16xf32, #tpu.memory_space<vmem>>
        %dma_start3A_87 = arith.constant 0 : i32
        %dma_start3A_88 = tpu.memref_slice %arg5[%add3A_81, %dma_start3A_87] : memref<40x128xi32, #tpu.memory_space<vmem>> -> memref<1x128xi32, #tpu.memory_space<vmem>>
        %dma_start3A_89 = tpu.memref_squeeze %dma_start3A_88 : memref<1x128xi32, #tpu.memory_space<vmem>> -> memref<128xi32, #tpu.memory_space<vmem>>
        %dma_start3A_90 = arith.constant 0 : i32
        %dma_start3A_91 = arith.constant 0 : i32
        %dma_start3A_92 = tpu.memref_slice %arg3[%dma_start3A_90, %dma_start3A_91] : memref<10000x16xf32, #tpu.memory_space<hbm>> -> memref<10000x16xf32, #tpu.memory_space<hbm>>
        tpu.enqueue_indirect_dma source(%dma_start3A_92 : memref<10000x16xf32, #tpu.memory_space<hbm>>) target(%dma_start3A_86 : memref<128x16xf32, #tpu.memory_space<vmem>>) offsets(%dma_start3A_89 : memref<128xi32, #tpu.memory_space<vmem>>) semaphore(%arg8 : memref<!tpu.dma_semaphore, #tpu.memory_space<semaphore_mem>>)
      } else {
      }
    }
    %scan3A_17 = arith.constant 20 : i32
    %scan3A_18 = arith.constant 0 : i32
    %scan3A_19 = arith.constant 0 : i32
    %scan3A_20 = arith.constant 20 : i32
    %scan3A_21 = arith.addi %scan3A_19, %scan3A_20 : i32
    %scan3A_22 = arith.constant 1 : i32
    scf.for %scan3A_72 = %scan3A_19 to %scan3A_21 step %scan3A_22  : i32 {
      %add3A_73 = arith.constant 20 : i32
      %add3A_74 = arith.addi %add3A_73, %scan3A_72 : i32
      %mul3A_75 = arith.constant 32 : i32
      %mul3A_76 = arith.muli %mul3A_75, %add3A_74 : i32
      %add3A_77 = arith.addi %add3A, %mul3A_76 : i32
      %lt3A = arith.constant 1250 : i32
      %lt3A_78 = arith.cmpi slt, %add3A_77, %lt3A : i32
      %convert_element_type3A = arith.extui %lt3A_78 : i1 to i32
      %cond3A = arith.constant 0 : i32
      %cond3A_79 = arith.cmpi ne, %convert_element_type3A, %cond3A : i32
      scf.if %cond3A_79 {
        %add3A_80 = arith.constant 20 : i32
        %add3A_81 = arith.addi %add3A_80, %scan3A_72 : i32
        %add3A_82 = arith.constant 20 : i32
        %add3A_83 = arith.addi %add3A_82, %scan3A_72 : i32
        %mul3A_84 = arith.constant 128 : i32
        %mul3A_85 = arith.muli %add3A_83, %mul3A_84 : i32
        %dma_start3A = arith.constant 0 : i32
        %dma_start3A_86 = tpu.memref_slice %arg6[%mul3A_85, %dma_start3A] : memref<5120x16xf32, #tpu.memory_space<vmem>> -> memref<128x16xf32, #tpu.memory_space<vmem>>
        %dma_start3A_87 = arith.constant 0 : i32
        %dma_start3A_88 = tpu.memref_slice %arg5[%add3A_81, %dma_start3A_87] : memref<40x128xi32, #tpu.memory_space<vmem>> -> memref<1x128xi32, #tpu.memory_space<vmem>>
        %dma_start3A_89 = tpu.memref_squeeze %dma_start3A_88 : memref<1x128xi32, #tpu.memory_space<vmem>> -> memref<128xi32, #tpu.memory_space<vmem>>
        %dma_start3A_90 = arith.constant 0 : i32
        %dma_start3A_91 = arith.constant 0 : i32
        %dma_start3A_92 = tpu.memref_slice %arg3[%dma_start3A_90, %dma_start3A_91] : memref<10000x16xf32, #tpu.memory_space<hbm>> -> memref<10000x16xf32, #tpu.memory_space<hbm>>
        tpu.enqueue_indirect_dma source(%dma_start3A_92 : memref<10000x16xf32, #tpu.memory_space<hbm>>) target(%dma_start3A_86 : memref<128x16xf32, #tpu.memory_space<vmem>>) offsets(%dma_start3A_89 : memref<128xi32, #tpu.memory_space<vmem>>) semaphore(%arg9 : memref<!tpu.dma_semaphore, #tpu.memory_space<semaphore_mem>>)
      } else {
      }
    }
    %scan3A_23 = arith.constant 20 : i32
    %scan3A_24 = arith.constant 0 : i32
    %scan3A_25 = arith.constant 0 : i32
    %scan3A_26 = arith.constant 20 : i32
    %scan3A_27 = arith.addi %scan3A_25, %scan3A_26 : i32
    %scan3A_28 = arith.constant 1 : i32
    scf.for %scan3A_72 = %scan3A_25 to %scan3A_27 step %scan3A_28  : i32 {
      %add3A_73 = arith.constant 0 : i32
      %add3A_74 = arith.addi %add3A_73, %scan3A_72 : i32
      %mul3A_75 = arith.constant 32 : i32
      %mul3A_76 = arith.muli %mul3A_75, %add3A_74 : i32
      %add3A_77 = arith.addi %add3A, %mul3A_76 : i32
      %lt3A = arith.constant 1250 : i32
      %lt3A_78 = arith.cmpi slt, %add3A_77, %lt3A : i32
      %convert_element_type3A = arith.extui %lt3A_78 : i1 to i32
      %cond3A = arith.constant 0 : i32
      %cond3A_79 = arith.cmpi ne, %convert_element_type3A, %cond3A : i32
      scf.if %cond3A_79 {
        %add3A_80 = arith.constant 0 : i32
        %add3A_81 = arith.addi %add3A_80, %scan3A_72 : i32
        %add3A_82 = arith.constant 0 : i32
        %add3A_83 = arith.addi %add3A_82, %scan3A_72 : i32
        %mul3A_84 = arith.constant 128 : i32
        %mul3A_85 = arith.muli %add3A_83, %mul3A_84 : i32
        %dma_wait3A = arith.constant 0 : i32
        %dma_wait3A_86 = tpu.memref_slice %arg6[%mul3A_85, %dma_wait3A] : memref<5120x16xf32, #tpu.memory_space<vmem>> -> memref<128x16xf32, #tpu.memory_space<vmem>>
        %dma_wait3A_87 = arith.constant 0 : i32
        %dma_wait3A_88 = tpu.memref_slice %arg5[%add3A_81, %dma_wait3A_87] : memref<40x128xi32, #tpu.memory_space<vmem>> -> memref<1x128xi32, #tpu.memory_space<vmem>>
        %dma_wait3A_89 = tpu.memref_squeeze %dma_wait3A_88 : memref<1x128xi32, #tpu.memory_space<vmem>> -> memref<128xi32, #tpu.memory_space<vmem>>
        %dma_wait3A_90 = arith.constant 0 : i32
        %dma_wait3A_91 = arith.constant 0 : i32
        %dma_wait3A_92 = tpu.memref_slice %arg3[%dma_wait3A_90, %dma_wait3A_91] : memref<10000x16xf32, #tpu.memory_space<hbm>> -> memref<10000x16xf32, #tpu.memory_space<hbm>>
        tpu.wait_indirect_dma semaphore(%arg8 : memref<!tpu.dma_semaphore, #tpu.memory_space<semaphore_mem>>) src(%dma_wait3A_92 : memref<10000x16xf32, #tpu.memory_space<hbm>>) dst(%dma_wait3A_86 : memref<128x16xf32, #tpu.memory_space<vmem>>)
      } else {
      }
    }
    %scan3A_29 = arith.constant 20 : i32
    %scan3A_30 = arith.constant 0 : i32
    %scan3A_31 = arith.constant 0 : i32
    %scan3A_32 = arith.constant 320 : i32
    %scan3A_33 = arith.addi %scan3A_31, %scan3A_32 : i32
    %scan3A_34 = arith.constant 1 : i32
    scf.for %scan3A_72 = %scan3A_31 to %scan3A_33 step %scan3A_34  : i32 {
      %mul3A_73 = arith.constant 8 : i32
      %mul3A_74 = arith.muli %scan3A_72, %mul3A_73 : i32
      %add3A_75 = arith.constant 0 : i32
      %add3A_76 = arith.addi %add3A_75, %mul3A_74 : i32
      %add3A_77 = arith.constant 0 : i32
      %add3A_78 = arith.addi %add3A_76, %add3A_77 : i32
      %get3A = arith.index_cast %add3A_78 : i32 to index
      %get3A_79 = arith.constant 0 : index
      %get3A_80 = tpu.vector_load %arg6[%get3A, %get3A_79] {strides = array<i32>} : memref<5120x16xf32, #tpu.memory_space<vmem>>, vector<1x16xf32>,
      %get3A_81 = vector.shape_cast %get3A_80 : vector<1x16xf32> to vector<16xf32>
      %swap3A = arith.index_cast %scan3A_72 : i32 to index
      %swap3A_82 = arith.constant 0 : index
      %swap3A_83 = tpu.vector_load %arg7[%swap3A, %swap3A_82] {strides = array<i32>} : memref<320x128xf32, #tpu.memory_space<vmem>>, vector<1x16xf32>,
      %swap3A_84 = vector.shape_cast %swap3A_83 : vector<1x16xf32> to vector<16xf32>
      %swap3A_85 = vector.shape_cast %get3A_81 : vector<16xf32> to vector<1x16xf32>
      tpu.vector_store %arg7[%swap3A, %swap3A_82], %swap3A_85 {strides = array<i32>} : memref<320x128xf32, #tpu.memory_space<vmem>>, vector<1x16xf32>,
      %mul3A_86 = arith.constant 8 : i32
      %mul3A_87 = arith.muli %scan3A_72, %mul3A_86 : i32
      %add3A_88 = arith.constant 0 : i32
      %add3A_89 = arith.addi %add3A_88, %mul3A_87 : i32
      %add3A_90 = arith.constant 1 : i32
      %add3A_91 = arith.addi %add3A_89, %add3A_90 : i32
      %get3A_92 = arith.index_cast %add3A_91 : i32 to index
      %get3A_93 = arith.constant 0 : index
      %get3A_94 = tpu.vector_load %arg6[%get3A_92, %get3A_93] {strides = array<i32>} : memref<5120x16xf32, #tpu.memory_space<vmem>>, vector<1x16xf32>,
      %get3A_95 = vector.shape_cast %get3A_94 : vector<1x16xf32> to vector<16xf32>
      %swap3A_96 = arith.index_cast %scan3A_72 : i32 to index
      %swap3A_97 = arith.constant 16 : index
      %swap3A_98 = tpu.vector_load %arg7[%swap3A_96, %swap3A_97] {strides = array<i32>} : memref<320x128xf32, #tpu.memory_space<vmem>>, vector<1x16xf32>,
      %swap3A_99 = vector.shape_cast %swap3A_98 : vector<1x16xf32> to vector<16xf32>
      %swap3A_100 = vector.shape_cast %get3A_95 : vector<16xf32> to vector<1x16xf32>
      tpu.vector_store %arg7[%swap3A_96, %swap3A_97], %swap3A_100 {strides = array<i32>} : memref<320x128xf32, #tpu.memory_space<vmem>>, vector<1x16xf32>,
      %mul3A_101 = arith.constant 8 : i32
      %mul3A_102 = arith.muli %scan3A_72, %mul3A_101 : i32
      %add3A_103 = arith.constant 0 : i32
      %add3A_104 = arith.addi %add3A_103, %mul3A_102 : i32
      %add3A_105 = arith.constant 2 : i32
      %add3A_106 = arith.addi %add3A_104, %add3A_105 : i32
      %get3A_107 = arith.index_cast %add3A_106 : i32 to index
      %get3A_108 = arith.constant 0 : index
      %get3A_109 = tpu.vector_load %arg6[%get3A_107, %get3A_108] {strides = array<i32>} : memref<5120x16xf32, #tpu.memory_space<vmem>>, vector<1x16xf32>,
      %get3A_110 = vector.shape_cast %get3A_109 : vector<1x16xf32> to vector<16xf32>
      %swap3A_111 = arith.index_cast %scan3A_72 : i32 to index
      %swap3A_112 = arith.constant 32 : index
      %swap3A_113 = tpu.vector_load %arg7[%swap3A_111, %swap3A_112] {strides = array<i32>} : memref<320x128xf32, #tpu.memory_space<vmem>>, vector<1x16xf32>,
      %swap3A_114 = vector.shape_cast %swap3A_113 : vector<1x16xf32> to vector<16xf32>
      %swap3A_115 = vector.shape_cast %get3A_110 : vector<16xf32> to vector<1x16xf32>
      tpu.vector_store %arg7[%swap3A_111, %swap3A_112], %swap3A_115 {strides = array<i32>} : memref<320x128xf32, #tpu.memory_space<vmem>>, vector<1x16xf32>,
      %mul3A_116 = arith.constant 8 : i32
      %mul3A_117 = arith.muli %scan3A_72, %mul3A_116 : i32
      %add3A_118 = arith.constant 0 : i32
      %add3A_119 = arith.addi %add3A_118, %mul3A_117 : i32
      %add3A_120 = arith.constant 3 : i32
      %add3A_121 = arith.addi %add3A_119, %add3A_120 : i32
      %get3A_122 = arith.index_cast %add3A_121 : i32 to index
      %get3A_123 = arith.constant 0 : index
      %get3A_124 = tpu.vector_load %arg6[%get3A_122, %get3A_123] {strides = array<i32>} : memref<5120x16xf32, #tpu.memory_space<vmem>>, vector<1x16xf32>,
      %get3A_125 = vector.shape_cast %get3A_124 : vector<1x16xf32> to vector<16xf32>
      %swap3A_126 = arith.index_cast %scan3A_72 : i32 to index
      %swap3A_127 = arith.constant 48 : index
      %swap3A_128 = tpu.vector_load %arg7[%swap3A_126, %swap3A_127] {strides = array<i32>} : memref<320x128xf32, #tpu.memory_space<vmem>>, vector<1x16xf32>,
      %swap3A_129 = vector.shape_cast %swap3A_128 : vector<1x16xf32> to vector<16xf32>
      %swap3A_130 = vector.shape_cast %get3A_125 : vector<16xf32> to vector<1x16xf32>
      tpu.vector_store %arg7[%swap3A_126, %swap3A_127], %swap3A_130 {strides = array<i32>} : memref<320x128xf32, #tpu.memory_space<vmem>>, vector<1x16xf32>,
      %mul3A_131 = arith.constant 8 : i32
      %mul3A_132 = arith.muli %scan3A_72, %mul3A_131 : i32
      %add3A_133 = arith.constant 0 : i32
      %add3A_134 = arith.addi %add3A_133, %mul3A_132 : i32
      %add3A_135 = arith.constant 4 : i32
      %add3A_136 = arith.addi %add3A_134, %add3A_135 : i32
      %get3A_137 = arith.index_cast %add3A_136 : i32 to index
      %get3A_138 = arith.constant 0 : index
      %get3A_139 = tpu.vector_load %arg6[%get3A_137, %get3A_138] {strides = array<i32>} : memref<5120x16xf32, #tpu.memory_space<vmem>>, vector<1x16xf32>,
      %get3A_140 = vector.shape_cast %get3A_139 : vector<1x16xf32> to vector<16xf32>
      %swap3A_141 = arith.index_cast %scan3A_72 : i32 to index
      %swap3A_142 = arith.constant 64 : index
      %swap3A_143 = tpu.vector_load %arg7[%swap3A_141, %swap3A_142] {strides = array<i32>} : memref<320x128xf32, #tpu.memory_space<vmem>>, vector<1x16xf32>,
      %swap3A_144 = vector.shape_cast %swap3A_143 : vector<1x16xf32> to vector<16xf32>
      %swap3A_145 = vector.shape_cast %get3A_140 : vector<16xf32> to vector<1x16xf32>
      tpu.vector_store %arg7[%swap3A_141, %swap3A_142], %swap3A_145 {strides = array<i32>} : memref<320x128xf32, #tpu.memory_space<vmem>>, vector<1x16xf32>,
      %mul3A_146 = arith.constant 8 : i32
      %mul3A_147 = arith.muli %scan3A_72, %mul3A_146 : i32
      %add3A_148 = arith.constant 0 : i32
      %add3A_149 = arith.addi %add3A_148, %mul3A_147 : i32
      %add3A_150 = arith.constant 5 : i32
      %add3A_151 = arith.addi %add3A_149, %add3A_150 : i32
      %get3A_152 = arith.index_cast %add3A_151 : i32 to index
      %get3A_153 = arith.constant 0 : index
      %get3A_154 = tpu.vector_load %arg6[%get3A_152, %get3A_153] {strides = array<i32>} : memref<5120x16xf32, #tpu.memory_space<vmem>>, vector<1x16xf32>,
      %get3A_155 = vector.shape_cast %get3A_154 : vector<1x16xf32> to vector<16xf32>
      %swap3A_156 = arith.index_cast %scan3A_72 : i32 to index
      %swap3A_157 = arith.constant 80 : index
      %swap3A_158 = tpu.vector_load %arg7[%swap3A_156, %swap3A_157] {strides = array<i32>} : memref<320x128xf32, #tpu.memory_space<vmem>>, vector<1x16xf32>,
      %swap3A_159 = vector.shape_cast %swap3A_158 : vector<1x16xf32> to vector<16xf32>
      %swap3A_160 = vector.shape_cast %get3A_155 : vector<16xf32> to vector<1x16xf32>
      tpu.vector_store %arg7[%swap3A_156, %swap3A_157], %swap3A_160 {strides = array<i32>} : memref<320x128xf32, #tpu.memory_space<vmem>>, vector<1x16xf32>,
      %mul3A_161 = arith.constant 8 : i32
      %mul3A_162 = arith.muli %scan3A_72, %mul3A_161 : i32
      %add3A_163 = arith.constant 0 : i32
      %add3A_164 = arith.addi %add3A_163, %mul3A_162 : i32
      %add3A_165 = arith.constant 6 : i32
      %add3A_166 = arith.addi %add3A_164, %add3A_165 : i32
      %get3A_167 = arith.index_cast %add3A_166 : i32 to index
      %get3A_168 = arith.constant 0 : index
      %get3A_169 = tpu.vector_load %arg6[%get3A_167, %get3A_168] {strides = array<i32>} : memref<5120x16xf32, #tpu.memory_space<vmem>>, vector<1x16xf32>,
      %get3A_170 = vector.shape_cast %get3A_169 : vector<1x16xf32> to vector<16xf32>
      %swap3A_171 = arith.index_cast %scan3A_72 : i32 to index
      %swap3A_172 = arith.constant 96 : index
      %swap3A_173 = tpu.vector_load %arg7[%swap3A_171, %swap3A_172] {strides = array<i32>} : memref<320x128xf32, #tpu.memory_space<vmem>>, vector<1x16xf32>,
      %swap3A_174 = vector.shape_cast %swap3A_173 : vector<1x16xf32> to vector<16xf32>
      %swap3A_175 = vector.shape_cast %get3A_170 : vector<16xf32> to vector<1x16xf32>
      tpu.vector_store %arg7[%swap3A_171, %swap3A_172], %swap3A_175 {strides = array<i32>} : memref<320x128xf32, #tpu.memory_space<vmem>>, vector<1x16xf32>,
      %mul3A_176 = arith.constant 8 : i32
      %mul3A_177 = arith.muli %scan3A_72, %mul3A_176 : i32
      %add3A_178 = arith.constant 0 : i32
      %add3A_179 = arith.addi %add3A_178, %mul3A_177 : i32
      %add3A_180 = arith.constant 7 : i32
      %add3A_181 = arith.addi %add3A_179, %add3A_180 : i32
      %get3A_182 = arith.index_cast %add3A_181 : i32 to index
      %get3A_183 = arith.constant 0 : index
      %get3A_184 = tpu.vector_load %arg6[%get3A_182, %get3A_183] {strides = array<i32>} : memref<5120x16xf32, #tpu.memory_space<vmem>>, vector<1x16xf32>,
      %get3A_185 = vector.shape_cast %get3A_184 : vector<1x16xf32> to vector<16xf32>
      %swap3A_186 = arith.index_cast %scan3A_72 : i32 to index
      %swap3A_187 = arith.constant 112 : index
      %swap3A_188 = tpu.vector_load %arg7[%swap3A_186, %swap3A_187] {strides = array<i32>} : memref<320x128xf32, #tpu.memory_space<vmem>>, vector<1x16xf32>,
      %swap3A_189 = vector.shape_cast %swap3A_188 : vector<1x16xf32> to vector<16xf32>
      %swap3A_190 = vector.shape_cast %get3A_185 : vector<16xf32> to vector<1x16xf32>
      tpu.vector_store %arg7[%swap3A_186, %swap3A_187], %swap3A_190 {strides = array<i32>} : memref<320x128xf32, #tpu.memory_space<vmem>>, vector<1x16xf32>,
    }
    %scan3A_35 = arith.constant 320 : i32
    %scan3A_36 = arith.constant 0 : i32
    %scan3A_37 = arith.constant 0 : i32
    %scan3A_38 = arith.constant 20 : i32
    %scan3A_39 = arith.addi %scan3A_37, %scan3A_38 : i32
    %scan3A_40 = arith.constant 1 : i32
    scf.for %scan3A_72 = %scan3A_37 to %scan3A_39 step %scan3A_40  : i32 {
      %add3A_73 = arith.constant 0 : i32
      %add3A_74 = arith.addi %add3A_73, %scan3A_72 : i32
      %mul3A_75 = arith.constant 32 : i32
      %mul3A_76 = arith.muli %mul3A_75, %add3A_74 : i32
      %add3A_77 = arith.addi %add3A, %mul3A_76 : i32
      %lt3A = arith.constant 1250 : i32
      %lt3A_78 = arith.cmpi slt, %add3A_77, %lt3A : i32
      %convert_element_type3A = arith.extui %lt3A_78 : i1 to i32
      %cond3A = arith.constant 0 : i32
      %cond3A_79 = arith.cmpi ne, %convert_element_type3A, %cond3A : i32
      scf.if %cond3A_79 {
        %mul3A_80 = arith.constant 16 : i32
        %mul3A_81 = arith.muli %scan3A_72, %mul3A_80 : i32
        %mul3A_82 = arith.constant 16 : i32
        %mul3A_83 = arith.muli %add3A_77, %mul3A_82 : i32
        %dma_start3A = arith.constant 0 : i32
        %dma_start3A_84 = tpu.memref_slice %arg7[%mul3A_81, %dma_start3A] : memref<320x128xf32, #tpu.memory_space<vmem>> -> memref<16x128xf32, #tpu.memory_space<vmem>>
        %dma_start3A_85 = arith.constant 0 : i32
        %dma_start3A_86 = tpu.memref_slice %arg4[%mul3A_83, %dma_start3A_85] : memref<20000x128xf32, #tpu.memory_space<hbm>> -> memref<16x128xf32, #tpu.memory_space<hbm>>
        %dma_start3A_87 = arith.constant 0 : i32
        %dma_start3A_88 = tpu.memref_slice %arg4[%mul3A_83, %dma_start3A_87] : memref<20000x128xf32, #tpu.memory_space<hbm>> -> memref<16x128xf32, #tpu.memory_space<hbm>>
        %dma_start3A_89 = arith.constant 0 : i32
        %dma_start3A_90 = tpu.memref_slice %arg7[%mul3A_81, %dma_start3A_89] : memref<320x128xf32, #tpu.memory_space<vmem>> -> memref<16x128xf32, #tpu.memory_space<vmem>>
        tpu.enqueue_dma source(%dma_start3A_90 : memref<16x128xf32, #tpu.memory_space<vmem>>) target(%dma_start3A_88 : memref<16x128xf32, #tpu.memory_space<hbm>>) target_semaphore(%arg10 : memref<!tpu.dma_semaphore, #tpu.memory_space<semaphore_mem>>)
      } else {
      }
    }
    %scan3A_41 = arith.constant 20 : i32
    %scan3A_42 = arith.constant 0 : i32
    %scan3A_43 = arith.constant 0 : i32
    %scan3A_44 = arith.constant 20 : i32
    %scan3A_45 = arith.addi %scan3A_43, %scan3A_44 : i32
    %scan3A_46 = arith.constant 1 : i32
    scf.for %scan3A_72 = %scan3A_43 to %scan3A_45 step %scan3A_46  : i32 {
      %add3A_73 = arith.constant 0 : i32
      %add3A_74 = arith.addi %add3A_73, %scan3A_72 : i32
      %mul3A_75 = arith.constant 32 : i32
      %mul3A_76 = arith.muli %mul3A_75, %add3A_74 : i32
      %add3A_77 = arith.addi %add3A, %mul3A_76 : i32
      %lt3A = arith.constant 1250 : i32
      %lt3A_78 = arith.cmpi slt, %add3A_77, %lt3A : i32
      %convert_element_type3A = arith.extui %lt3A_78 : i1 to i32
      %cond3A = arith.constant 0 : i32
      %cond3A_79 = arith.cmpi ne, %convert_element_type3A, %cond3A : i32
      scf.if %cond3A_79 {
        %mul3A_80 = arith.constant 16 : i32
        %mul3A_81 = arith.muli %scan3A_72, %mul3A_80 : i32
        %mul3A_82 = arith.constant 16 : i32
        %mul3A_83 = arith.muli %add3A_77, %mul3A_82 : i32
        %dma_wait3A = arith.constant 0 : i32
        %dma_wait3A_84 = tpu.memref_slice %arg7[%mul3A_81, %dma_wait3A] : memref<320x128xf32, #tpu.memory_space<vmem>> -> memref<16x128xf32, #tpu.memory_space<vmem>>
        %dma_wait3A_85 = arith.constant 0 : i32
        %dma_wait3A_86 = tpu.memref_slice %arg4[%mul3A_83, %dma_wait3A_85] : memref<20000x128xf32, #tpu.memory_space<hbm>> -> memref<16x128xf32, #tpu.memory_space<hbm>>
        %dma_wait3A_87 = arith.constant 0 : i32
        %dma_wait3A_88 = tpu.memref_slice %arg4[%mul3A_83, %dma_wait3A_87] : memref<20000x128xf32, #tpu.memory_space<hbm>> -> memref<16x128xf32, #tpu.memory_space<hbm>>
        %dma_wait3A_89 = arith.constant 0 : i32
        %dma_wait3A_90 = tpu.memref_slice %arg7[%mul3A_81, %dma_wait3A_89] : memref<320x128xf32, #tpu.memory_space<vmem>> -> memref<16x128xf32, #tpu.memory_space<vmem>>
        tpu.wait_dma2 semaphore(%arg10 : memref<!tpu.dma_semaphore, #tpu.memory_space<semaphore_mem>>) src(%dma_wait3A_90 : memref<16x128xf32, #tpu.memory_space<vmem>>) dst(%dma_wait3A_88 : memref<16x128xf32, #tpu.memory_space<hbm>>)
      } else {
      }
    }
    %scan3A_47 = arith.constant 20 : i32
    %scan3A_48 = arith.constant 0 : i32
    %scan3A_49 = arith.constant 0 : i32
    %scan3A_50 = arith.constant 20 : i32
    %scan3A_51 = arith.addi %scan3A_49, %scan3A_50 : i32
    %scan3A_52 = arith.constant 1 : i32
    scf.for %scan3A_72 = %scan3A_49 to %scan3A_51 step %scan3A_52  : i32 {
      %add3A_73 = arith.constant 20 : i32
      %add3A_74 = arith.addi %add3A_73, %scan3A_72 : i32
      %mul3A_75 = arith.constant 32 : i32
      %mul3A_76 = arith.muli %mul3A_75, %add3A_74 : i32
      %add3A_77 = arith.addi %add3A, %mul3A_76 : i32
      %lt3A = arith.constant 1250 : i32
      %lt3A_78 = arith.cmpi slt, %add3A_77, %lt3A : i32
      %convert_element_type3A = arith.extui %lt3A_78 : i1 to i32
      %cond3A = arith.constant 0 : i32
      %cond3A_79 = arith.cmpi ne, %convert_element_type3A, %cond3A : i32
      scf.if %cond3A_79 {
        %add3A_80 = arith.constant 20 : i32
        %add3A_81 = arith.addi %add3A_80, %scan3A_72 : i32
        %add3A_82 = arith.constant 20 : i32
        %add3A_83 = arith.addi %add3A_82, %scan3A_72 : i32
        %mul3A_84 = arith.constant 128 : i32
        %mul3A_85 = arith.muli %add3A_83, %mul3A_84 : i32
        %dma_wait3A = arith.constant 0 : i32
        %dma_wait3A_86 = tpu.memref_slice %arg6[%mul3A_85, %dma_wait3A] : memref<5120x16xf32, #tpu.memory_space<vmem>> -> memref<128x16xf32, #tpu.memory_space<vmem>>
        %dma_wait3A_87 = arith.constant 0 : i32
        %dma_wait3A_88 = tpu.memref_slice %arg5[%add3A_81, %dma_wait3A_87] : memref<40x128xi32, #tpu.memory_space<vmem>> -> memref<1x128xi32, #tpu.memory_space<vmem>>
        %dma_wait3A_89 = tpu.memref_squeeze %dma_wait3A_88 : memref<1x128xi32, #tpu.memory_space<vmem>> -> memref<128xi32, #tpu.memory_space<vmem>>
        %dma_wait3A_90 = arith.constant 0 : i32
        %dma_wait3A_91 = arith.constant 0 : i32
        %dma_wait3A_92 = tpu.memref_slice %arg3[%dma_wait3A_90, %dma_wait3A_91] : memref<10000x16xf32, #tpu.memory_space<hbm>> -> memref<10000x16xf32, #tpu.memory_space<hbm>>
        tpu.wait_indirect_dma semaphore(%arg9 : memref<!tpu.dma_semaphore, #tpu.memory_space<semaphore_mem>>) src(%dma_wait3A_92 : memref<10000x16xf32, #tpu.memory_space<hbm>>) dst(%dma_wait3A_86 : memref<128x16xf32, #tpu.memory_space<vmem>>)
      } else {
      }
    }
    %scan3A_53 = arith.constant 20 : i32
    %scan3A_54 = arith.constant 0 : i32
    %scan3A_55 = arith.constant 0 : i32
    %scan3A_56 = arith.constant 320 : i32
    %scan3A_57 = arith.addi %scan3A_55, %scan3A_56 : i32
    %scan3A_58 = arith.constant 1 : i32
    scf.for %scan3A_72 = %scan3A_55 to %scan3A_57 step %scan3A_58  : i32 {
      %mul3A_73 = arith.constant 8 : i32
      %mul3A_74 = arith.muli %scan3A_72, %mul3A_73 : i32
      %add3A_75 = arith.constant 2560 : i32
      %add3A_76 = arith.addi %add3A_75, %mul3A_74 : i32
      %add3A_77 = arith.constant 0 : i32
      %add3A_78 = arith.addi %add3A_76, %add3A_77 : i32
      %get3A = arith.index_cast %add3A_78 : i32 to index
      %get3A_79 = arith.constant 0 : index
      %get3A_80 = tpu.vector_load %arg6[%get3A, %get3A_79] {strides = array<i32>} : memref<5120x16xf32, #tpu.memory_space<vmem>>, vector<1x16xf32>,
      %get3A_81 = vector.shape_cast %get3A_80 : vector<1x16xf32> to vector<16xf32>
      %swap3A = arith.index_cast %scan3A_72 : i32 to index
      %swap3A_82 = arith.constant 0 : index
      %swap3A_83 = tpu.vector_load %arg7[%swap3A, %swap3A_82] {strides = array<i32>} : memref<320x128xf32, #tpu.memory_space<vmem>>, vector<1x16xf32>,
      %swap3A_84 = vector.shape_cast %swap3A_83 : vector<1x16xf32> to vector<16xf32>
      %swap3A_85 = vector.shape_cast %get3A_81 : vector<16xf32> to vector<1x16xf32>
      tpu.vector_store %arg7[%swap3A, %swap3A_82], %swap3A_85 {strides = array<i32>} : memref<320x128xf32, #tpu.memory_space<vmem>>, vector<1x16xf32>,
      %mul3A_86 = arith.constant 8 : i32
      %mul3A_87 = arith.muli %scan3A_72, %mul3A_86 : i32
      %add3A_88 = arith.constant 2560 : i32
      %add3A_89 = arith.addi %add3A_88, %mul3A_87 : i32
      %add3A_90 = arith.constant 1 : i32
      %add3A_91 = arith.addi %add3A_89, %add3A_90 : i32
      %get3A_92 = arith.index_cast %add3A_91 : i32 to index
      %get3A_93 = arith.constant 0 : index
      %get3A_94 = tpu.vector_load %arg6[%get3A_92, %get3A_93] {strides = array<i32>} : memref<5120x16xf32, #tpu.memory_space<vmem>>, vector<1x16xf32>,
      %get3A_95 = vector.shape_cast %get3A_94 : vector<1x16xf32> to vector<16xf32>
      %swap3A_96 = arith.index_cast %scan3A_72 : i32 to index
      %swap3A_97 = arith.constant 16 : index
      %swap3A_98 = tpu.vector_load %arg7[%swap3A_96, %swap3A_97] {strides = array<i32>} : memref<320x128xf32, #tpu.memory_space<vmem>>, vector<1x16xf32>,
      %swap3A_99 = vector.shape_cast %swap3A_98 : vector<1x16xf32> to vector<16xf32>
      %swap3A_100 = vector.shape_cast %get3A_95 : vector<16xf32> to vector<1x16xf32>
      tpu.vector_store %arg7[%swap3A_96, %swap3A_97], %swap3A_100 {strides = array<i32>} : memref<320x128xf32, #tpu.memory_space<vmem>>, vector<1x16xf32>,
      %mul3A_101 = arith.constant 8 : i32
      %mul3A_102 = arith.muli %scan3A_72, %mul3A_101 : i32
      %add3A_103 = arith.constant 2560 : i32
      %add3A_104 = arith.addi %add3A_103, %mul3A_102 : i32
      %add3A_105 = arith.constant 2 : i32
      %add3A_106 = arith.addi %add3A_104, %add3A_105 : i32
      %get3A_107 = arith.index_cast %add3A_106 : i32 to index
      %get3A_108 = arith.constant 0 : index
      %get3A_109 = tpu.vector_load %arg6[%get3A_107, %get3A_108] {strides = array<i32>} : memref<5120x16xf32, #tpu.memory_space<vmem>>, vector<1x16xf32>,
      %get3A_110 = vector.shape_cast %get3A_109 : vector<1x16xf32> to vector<16xf32>
      %swap3A_111 = arith.index_cast %scan3A_72 : i32 to index
      %swap3A_112 = arith.constant 32 : index
      %swap3A_113 = tpu.vector_load %arg7[%swap3A_111, %swap3A_112] {strides = array<i32>} : memref<320x128xf32, #tpu.memory_space<vmem>>, vector<1x16xf32>,
      %swap3A_114 = vector.shape_cast %swap3A_113 : vector<1x16xf32> to vector<16xf32>
      %swap3A_115 = vector.shape_cast %get3A_110 : vector<16xf32> to vector<1x16xf32>
      tpu.vector_store %arg7[%swap3A_111, %swap3A_112], %swap3A_115 {strides = array<i32>} : memref<320x128xf32, #tpu.memory_space<vmem>>, vector<1x16xf32>,
      %mul3A_116 = arith.constant 8 : i32
      %mul3A_117 = arith.muli %scan3A_72, %mul3A_116 : i32
      %add3A_118 = arith.constant 2560 : i32
      %add3A_119 = arith.addi %add3A_118, %mul3A_117 : i32
      %add3A_120 = arith.constant 3 : i32
      %add3A_121 = arith.addi %add3A_119, %add3A_120 : i32
      %get3A_122 = arith.index_cast %add3A_121 : i32 to index
      %get3A_123 = arith.constant 0 : index
      %get3A_124 = tpu.vector_load %arg6[%get3A_122, %get3A_123] {strides = array<i32>} : memref<5120x16xf32, #tpu.memory_space<vmem>>, vector<1x16xf32>,
      %get3A_125 = vector.shape_cast %get3A_124 : vector<1x16xf32> to vector<16xf32>
      %swap3A_126 = arith.index_cast %scan3A_72 : i32 to index
      %swap3A_127 = arith.constant 48 : index
      %swap3A_128 = tpu.vector_load %arg7[%swap3A_126, %swap3A_127] {strides = array<i32>} : memref<320x128xf32, #tpu.memory_space<vmem>>, vector<1x16xf32>,
      %swap3A_129 = vector.shape_cast %swap3A_128 : vector<1x16xf32> to vector<16xf32>
      %swap3A_130 = vector.shape_cast %get3A_125 : vector<16xf32> to vector<1x16xf32>
      tpu.vector_store %arg7[%swap3A_126, %swap3A_127], %swap3A_130 {strides = array<i32>} : memref<320x128xf32, #tpu.memory_space<vmem>>, vector<1x16xf32>,
      %mul3A_131 = arith.constant 8 : i32
      %mul3A_132 = arith.muli %scan3A_72, %mul3A_131 : i32
      %add3A_133 = arith.constant 2560 : i32
      %add3A_134 = arith.addi %add3A_133, %mul3A_132 : i32
      %add3A_135 = arith.constant 4 : i32
      %add3A_136 = arith.addi %add3A_134, %add3A_135 : i32
      %get3A_137 = arith.index_cast %add3A_136 : i32 to index
      %get3A_138 = arith.constant 0 : index
      %get3A_139 = tpu.vector_load %arg6[%get3A_137, %get3A_138] {strides = array<i32>} : memref<5120x16xf32, #tpu.memory_space<vmem>>, vector<1x16xf32>,
      %get3A_140 = vector.shape_cast %get3A_139 : vector<1x16xf32> to vector<16xf32>
      %swap3A_141 = arith.index_cast %scan3A_72 : i32 to index
      %swap3A_142 = arith.constant 64 : index
      %swap3A_143 = tpu.vector_load %arg7[%swap3A_141, %swap3A_142] {strides = array<i32>} : memref<320x128xf32, #tpu.memory_space<vmem>>, vector<1x16xf32>,
      %swap3A_144 = vector.shape_cast %swap3A_143 : vector<1x16xf32> to vector<16xf32>
      %swap3A_145 = vector.shape_cast %get3A_140 : vector<16xf32> to vector<1x16xf32>
      tpu.vector_store %arg7[%swap3A_141, %swap3A_142], %swap3A_145 {strides = array<i32>} : memref<320x128xf32, #tpu.memory_space<vmem>>, vector<1x16xf32>,
      %mul3A_146 = arith.constant 8 : i32
      %mul3A_147 = arith.muli %scan3A_72, %mul3A_146 : i32
      %add3A_148 = arith.constant 2560 : i32
      %add3A_149 = arith.addi %add3A_148, %mul3A_147 : i32
      %add3A_150 = arith.constant 5 : i32
      %add3A_151 = arith.addi %add3A_149, %add3A_150 : i32
      %get3A_152 = arith.index_cast %add3A_151 : i32 to index
      %get3A_153 = arith.constant 0 : index
      %get3A_154 = tpu.vector_load %arg6[%get3A_152, %get3A_153] {strides = array<i32>} : memref<5120x16xf32, #tpu.memory_space<vmem>>, vector<1x16xf32>,
      %get3A_155 = vector.shape_cast %get3A_154 : vector<1x16xf32> to vector<16xf32>
      %swap3A_156 = arith.index_cast %scan3A_72 : i32 to index
      %swap3A_157 = arith.constant 80 : index
      %swap3A_158 = tpu.vector_load %arg7[%swap3A_156, %swap3A_157] {strides = array<i32>} : memref<320x128xf32, #tpu.memory_space<vmem>>, vector<1x16xf32>,
      %swap3A_159 = vector.shape_cast %swap3A_158 : vector<1x16xf32> to vector<16xf32>
      %swap3A_160 = vector.shape_cast %get3A_155 : vector<16xf32> to vector<1x16xf32>
      tpu.vector_store %arg7[%swap3A_156, %swap3A_157], %swap3A_160 {strides = array<i32>} : memref<320x128xf32, #tpu.memory_space<vmem>>, vector<1x16xf32>,
      %mul3A_161 = arith.constant 8 : i32
      %mul3A_162 = arith.muli %scan3A_72, %mul3A_161 : i32
      %add3A_163 = arith.constant 2560 : i32
      %add3A_164 = arith.addi %add3A_163, %mul3A_162 : i32
      %add3A_165 = arith.constant 6 : i32
      %add3A_166 = arith.addi %add3A_164, %add3A_165 : i32
      %get3A_167 = arith.index_cast %add3A_166 : i32 to index
      %get3A_168 = arith.constant 0 : index
      %get3A_169 = tpu.vector_load %arg6[%get3A_167, %get3A_168] {strides = array<i32>} : memref<5120x16xf32, #tpu.memory_space<vmem>>, vector<1x16xf32>,
      %get3A_170 = vector.shape_cast %get3A_169 : vector<1x16xf32> to vector<16xf32>
      %swap3A_171 = arith.index_cast %scan3A_72 : i32 to index
      %swap3A_172 = arith.constant 96 : index
      %swap3A_173 = tpu.vector_load %arg7[%swap3A_171, %swap3A_172] {strides = array<i32>} : memref<320x128xf32, #tpu.memory_space<vmem>>, vector<1x16xf32>,
      %swap3A_174 = vector.shape_cast %swap3A_173 : vector<1x16xf32> to vector<16xf32>
      %swap3A_175 = vector.shape_cast %get3A_170 : vector<16xf32> to vector<1x16xf32>
      tpu.vector_store %arg7[%swap3A_171, %swap3A_172], %swap3A_175 {strides = array<i32>} : memref<320x128xf32, #tpu.memory_space<vmem>>, vector<1x16xf32>,
      %mul3A_176 = arith.constant 8 : i32
      %mul3A_177 = arith.muli %scan3A_72, %mul3A_176 : i32
      %add3A_178 = arith.constant 2560 : i32
      %add3A_179 = arith.addi %add3A_178, %mul3A_177 : i32
      %add3A_180 = arith.constant 7 : i32
      %add3A_181 = arith.addi %add3A_179, %add3A_180 : i32
      %get3A_182 = arith.index_cast %add3A_181 : i32 to index
      %get3A_183 = arith.constant 0 : index
      %get3A_184 = tpu.vector_load %arg6[%get3A_182, %get3A_183] {strides = array<i32>} : memref<5120x16xf32, #tpu.memory_space<vmem>>, vector<1x16xf32>,
      %get3A_185 = vector.shape_cast %get3A_184 : vector<1x16xf32> to vector<16xf32>
      %swap3A_186 = arith.index_cast %scan3A_72 : i32 to index
      %swap3A_187 = arith.constant 112 : index
      %swap3A_188 = tpu.vector_load %arg7[%swap3A_186, %swap3A_187] {strides = array<i32>} : memref<320x128xf32, #tpu.memory_space<vmem>>, vector<1x16xf32>,
      %swap3A_189 = vector.shape_cast %swap3A_188 : vector<1x16xf32> to vector<16xf32>
      %swap3A_190 = vector.shape_cast %get3A_185 : vector<16xf32> to vector<1x16xf32>
      tpu.vector_store %arg7[%swap3A_186, %swap3A_187], %swap3A_190 {strides = array<i32>} : memref<320x128xf32, #tpu.memory_space<vmem>>, vector<1x16xf32>,
    }
    %scan3A_59 = arith.constant 320 : i32
    %scan3A_60 = arith.constant 0 : i32
    %scan3A_61 = arith.constant 0 : i32
    %scan3A_62 = arith.constant 20 : i32
    %scan3A_63 = arith.addi %scan3A_61, %scan3A_62 : i32
    %scan3A_64 = arith.constant 1 : i32
    scf.for %scan3A_72 = %scan3A_61 to %scan3A_63 step %scan3A_64  : i32 {
      %add3A_73 = arith.constant 20 : i32
      %add3A_74 = arith.addi %add3A_73, %scan3A_72 : i32
      %mul3A_75 = arith.constant 32 : i32
      %mul3A_76 = arith.muli %mul3A_75, %add3A_74 : i32
      %add3A_77 = arith.addi %add3A, %mul3A_76 : i32
      %lt3A = arith.constant 1250 : i32
      %lt3A_78 = arith.cmpi slt, %add3A_77, %lt3A : i32
      %convert_element_type3A = arith.extui %lt3A_78 : i1 to i32
      %cond3A = arith.constant 0 : i32
      %cond3A_79 = arith.cmpi ne, %convert_element_type3A, %cond3A : i32
      scf.if %cond3A_79 {
        %mul3A_80 = arith.constant 16 : i32
        %mul3A_81 = arith.muli %scan3A_72, %mul3A_80 : i32
        %mul3A_82 = arith.constant 16 : i32
        %mul3A_83 = arith.muli %add3A_77, %mul3A_82 : i32
        %dma_start3A = arith.constant 0 : i32
        %dma_start3A_84 = tpu.memref_slice %arg7[%mul3A_81, %dma_start3A] : memref<320x128xf32, #tpu.memory_space<vmem>> -> memref<16x128xf32, #tpu.memory_space<vmem>>
        %dma_start3A_85 = arith.constant 0 : i32
        %dma_start3A_86 = tpu.memref_slice %arg4[%mul3A_83, %dma_start3A_85] : memref<20000x128xf32, #tpu.memory_space<hbm>> -> memref<16x128xf32, #tpu.memory_space<hbm>>
        %dma_start3A_87 = arith.constant 0 : i32
        %dma_start3A_88 = tpu.memref_slice %arg4[%mul3A_83, %dma_start3A_87] : memref<20000x128xf32, #tpu.memory_space<hbm>> -> memref<16x128xf32, #tpu.memory_space<hbm>>
        %dma_start3A_89 = arith.constant 0 : i32
        %dma_start3A_90 = tpu.memref_slice %arg7[%mul3A_81, %dma_start3A_89] : memref<320x128xf32, #tpu.memory_space<vmem>> -> memref<16x128xf32, #tpu.memory_space<vmem>>
        tpu.enqueue_dma source(%dma_start3A_90 : memref<16x128xf32, #tpu.memory_space<vmem>>) target(%dma_start3A_88 : memref<16x128xf32, #tpu.memory_space<hbm>>) target_semaphore(%arg10 : memref<!tpu.dma_semaphore, #tpu.memory_space<semaphore_mem>>)
      } else {
      }
    }
    %scan3A_65 = arith.constant 20 : i32
    %scan3A_66 = arith.constant 0 : i32
    %scan3A_67 = arith.constant 0 : i32
    %scan3A_68 = arith.constant 20 : i32
    %scan3A_69 = arith.addi %scan3A_67, %scan3A_68 : i32
    %scan3A_70 = arith.constant 1 : i32
    scf.for %scan3A_72 = %scan3A_67 to %scan3A_69 step %scan3A_70  : i32 {
      %add3A_73 = arith.constant 20 : i32
      %add3A_74 = arith.addi %add3A_73, %scan3A_72 : i32
      %mul3A_75 = arith.constant 32 : i32
      %mul3A_76 = arith.muli %mul3A_75, %add3A_74 : i32
      %add3A_77 = arith.addi %add3A, %mul3A_76 : i32
      %lt3A = arith.constant 1250 : i32
      %lt3A_78 = arith.cmpi slt, %add3A_77, %lt3A : i32
      %convert_element_type3A = arith.extui %lt3A_78 : i1 to i32
      %cond3A = arith.constant 0 : i32
      %cond3A_79 = arith.cmpi ne, %convert_element_type3A, %cond3A : i32
      scf.if %cond3A_79 {
        %mul3A_80 = arith.constant 16 : i32
        %mul3A_81 = arith.muli %scan3A_72, %mul3A_80 : i32
        %mul3A_82 = arith.constant 16 : i32
        %mul3A_83 = arith.muli %add3A_77, %mul3A_82 : i32
        %dma_wait3A = arith.constant 0 : i32
        %dma_wait3A_84 = tpu.memref_slice %arg7[%mul3A_81, %dma_wait3A] : memref<320x128xf32, #tpu.memory_space<vmem>> -> memref<16x128xf32, #tpu.memory_space<vmem>>
        %dma_wait3A_85 = arith.constant 0 : i32
        %dma_wait3A_86 = tpu.memref_slice %arg4[%mul3A_83, %dma_wait3A_85] : memref<20000x128xf32, #tpu.memory_space<hbm>> -> memref<16x128xf32, #tpu.memory_space<hbm>>
        %dma_wait3A_87 = arith.constant 0 : i32
        %dma_wait3A_88 = tpu.memref_slice %arg4[%mul3A_83, %dma_wait3A_87] : memref<20000x128xf32, #tpu.memory_space<hbm>> -> memref<16x128xf32, #tpu.memory_space<hbm>>
        %dma_wait3A_89 = arith.constant 0 : i32
        %dma_wait3A_90 = tpu.memref_slice %arg7[%mul3A_81, %dma_wait3A_89] : memref<320x128xf32, #tpu.memory_space<vmem>> -> memref<16x128xf32, #tpu.memory_space<vmem>>
        tpu.wait_dma2 semaphore(%arg10 : memref<!tpu.dma_semaphore, #tpu.memory_space<semaphore_mem>>) src(%dma_wait3A_90 : memref<16x128xf32, #tpu.memory_space<vmem>>) dst(%dma_wait3A_88 : memref<16x128xf32, #tpu.memory_space<hbm>>)
      } else {
      }
    }
    %scan3A_71 = arith.constant 20 : i32
    return
  }
}

#map = affine_map<(d0, d1) -> (0, 0)>
module attributes {stable_mosaic.version = 14 : i64} {
  func.func @_sc_scatter_body(%arg0: i32, %arg1: i32, %arg2: memref<1250x128xi32, #tpu.memory_space<hbm>>, %arg3: memref<20000x128xf32, #tpu.memory_space<hbm>>, %arg4: memref<640x16xf32, #tpu.memory_space<hbm>>, %arg5: memref<2560x128xf32, #tpu.memory_space<hbm>>, %arg6: memref<40x128xi32, #tpu.memory_space<vmem>>, %arg7: memref<2560x16xf32, #tpu.memory_space<vmem>>, %arg8: memref<320x128xf32, #tpu.memory_space<vmem>>, %arg9: memref<10240x16xf32, #tpu.memory_space<vmem_shared>>, %arg10: memref<!tpu.dma_semaphore, #tpu.memory_space<semaphore_mem>>, %arg11: memref<!tpu.dma_semaphore, #tpu.memory_space<semaphore_mem>>) attributes {dimension_semantics = [#tpu.dimension_semantics<core_parallel>, #tpu.dimension_semantics<subcore_parallel>], iteration_bounds = array<i64: 2, 16>, scalar_prefetch = 0 : i64, scratch_operands = 6 : i64, tpu.core_type = #tpu.core_type<sc_vector_subcore>, window_params = [{transform_indices = #map}, {transform_indices = #map}, {transform_indices = #map}, {transform_indices = #map}]} {
    %mul3A = arith.constant 2 : i32
    %mul3A_0 = arith.muli %arg1, %mul3A : i32
    %add3A = arith.addi %mul3A_0, %arg0 : i32
    %mul3A_1 = arith.constant 640 : i32
    %mul3A_2 = arith.muli %arg1, %mul3A_1 : i32
    "tpu.region"() ({
      %run_scoped3A = tpu.sem_alloc : memref<!tpu.dma_semaphore, #tpu.memory_space<semaphore_mem>>
      %dma_start3A = arith.constant 0 : i32
      %dma_start3A_88 = tpu.memref_slice %arg9[%mul3A_2, %dma_start3A] : memref<10240x16xf32, #tpu.memory_space<vmem_shared>> -> memref<640x16xf32, #tpu.memory_space<vmem_shared>>
      tpu.enqueue_dma source(%arg4 : memref<640x16xf32, #tpu.memory_space<hbm>>) target(%dma_start3A_88 : memref<640x16xf32, #tpu.memory_space<vmem_shared>>) target_semaphore(%run_scoped3A : memref<!tpu.dma_semaphore, #tpu.memory_space<semaphore_mem>>)
      %dma_wait3A = arith.constant 0 : i32
      %dma_wait3A_89 = tpu.memref_slice %arg9[%mul3A_2, %dma_wait3A] : memref<10240x16xf32, #tpu.memory_space<vmem_shared>> -> memref<640x16xf32, #tpu.memory_space<vmem_shared>>
      tpu.wait_dma2 semaphore(%run_scoped3A : memref<!tpu.dma_semaphore, #tpu.memory_space<semaphore_mem>>) src(%arg4 : memref<640x16xf32, #tpu.memory_space<hbm>>) dst(%dma_wait3A_89 : memref<640x16xf32, #tpu.memory_space<vmem_shared>>)
      tpu.yield
    }) : () -> ()
    %barrier3A = arith.constant 0 : index
    tpu.barrier barrier_id(%barrier3A)
    %scan3A = arith.constant 0 : i32
    %scan3A_3 = arith.constant 0 : i32
    %scan3A_4 = arith.constant 40 : i32
    %scan3A_5 = arith.addi %scan3A_3, %scan3A_4 : i32
    %scan3A_6 = arith.constant 1 : i32
    scf.for %scan3A_88 = %scan3A_3 to %scan3A_5 step %scan3A_6  : i32 {
      %mul3A_89 = arith.constant 32 : i32
      %mul3A_90 = arith.muli %mul3A_89, %scan3A_88 : i32
      %add3A_91 = arith.addi %add3A, %mul3A_90 : i32
      %lt3A = arith.constant 1250 : i32
      %lt3A_92 = arith.cmpi slt, %add3A_91, %lt3A : i32
      %convert_element_type3A = arith.extui %lt3A_92 : i1 to i32
      %cond3A = arith.constant 0 : i32
      %cond3A_93 = arith.cmpi ne, %convert_element_type3A, %cond3A : i32
      scf.if %cond3A_93 {
        %dma_start3A = arith.constant 0 : i32
        %dma_start3A_94 = tpu.memref_slice %arg6[%scan3A_88, %dma_start3A] : memref<40x128xi32, #tpu.memory_space<vmem>> -> memref<1x128xi32, #tpu.memory_space<vmem>>
        %dma_start3A_95 = tpu.memref_squeeze %dma_start3A_94 : memref<1x128xi32, #tpu.memory_space<vmem>> -> memref<128xi32, #tpu.memory_space<vmem>>
        %dma_start3A_96 = arith.constant 0 : i32
        %dma_start3A_97 = tpu.memref_slice %arg2[%add3A_91, %dma_start3A_96] : memref<1250x128xi32, #tpu.memory_space<hbm>> -> memref<1x128xi32, #tpu.memory_space<hbm>>
        %dma_start3A_98 = tpu.memref_squeeze %dma_start3A_97 : memref<1x128xi32, #tpu.memory_space<hbm>> -> memref<128xi32, #tpu.memory_space<hbm>>
        %dma_start3A_99 = arith.constant 0 : i32
        %dma_start3A_100 = tpu.memref_slice %arg6[%scan3A_88, %dma_start3A_99] : memref<40x128xi32, #tpu.memory_space<vmem>> -> memref<1x128xi32, #tpu.memory_space<vmem>>
        %dma_start3A_101 = tpu.memref_squeeze %dma_start3A_100 : memref<1x128xi32, #tpu.memory_space<vmem>> -> memref<128xi32, #tpu.memory_space<vmem>>
        %dma_start3A_102 = arith.constant 0 : i32
        %dma_start3A_103 = tpu.memref_slice %arg2[%add3A_91, %dma_start3A_102] : memref<1250x128xi32, #tpu.memory_space<hbm>> -> memref<1x128xi32, #tpu.memory_space<hbm>>
        %dma_start3A_104 = tpu.memref_squeeze %dma_start3A_103 : memref<1x128xi32, #tpu.memory_space<hbm>> -> memref<128xi32, #tpu.memory_space<hbm>>
        tpu.enqueue_dma source(%dma_start3A_104 : memref<128xi32, #tpu.memory_space<hbm>>) target(%dma_start3A_101 : memref<128xi32, #tpu.memory_space<vmem>>) target_semaphore(%arg10 : memref<!tpu.dma_semaphore, #tpu.memory_space<semaphore_mem>>)
      } else {
      }
    }
    %scan3A_7 = arith.constant 40 : i32
    %scan3A_8 = arith.constant 0 : i32
    %scan3A_9 = arith.constant 0 : i32
    %scan3A_10 = arith.constant 40 : i32
    %scan3A_11 = arith.addi %scan3A_9, %scan3A_10 : i32
    %scan3A_12 = arith.constant 1 : i32
    scf.for %scan3A_88 = %scan3A_9 to %scan3A_11 step %scan3A_12  : i32 {
      %mul3A_89 = arith.constant 32 : i32
      %mul3A_90 = arith.muli %mul3A_89, %scan3A_88 : i32
      %add3A_91 = arith.addi %add3A, %mul3A_90 : i32
      %lt3A = arith.constant 1250 : i32
      %lt3A_92 = arith.cmpi slt, %add3A_91, %lt3A : i32
      %convert_element_type3A = arith.extui %lt3A_92 : i1 to i32
      %cond3A = arith.constant 0 : i32
      %cond3A_93 = arith.cmpi ne, %convert_element_type3A, %cond3A : i32
      scf.if %cond3A_93 {
        %dma_wait3A = arith.constant 0 : i32
        %dma_wait3A_94 = tpu.memref_slice %arg6[%scan3A_88, %dma_wait3A] : memref<40x128xi32, #tpu.memory_space<vmem>> -> memref<1x128xi32, #tpu.memory_space<vmem>>
        %dma_wait3A_95 = tpu.memref_squeeze %dma_wait3A_94 : memref<1x128xi32, #tpu.memory_space<vmem>> -> memref<128xi32, #tpu.memory_space<vmem>>
        %dma_wait3A_96 = arith.constant 0 : i32
        %dma_wait3A_97 = tpu.memref_slice %arg2[%add3A_91, %dma_wait3A_96] : memref<1250x128xi32, #tpu.memory_space<hbm>> -> memref<1x128xi32, #tpu.memory_space<hbm>>
        %dma_wait3A_98 = tpu.memref_squeeze %dma_wait3A_97 : memref<1x128xi32, #tpu.memory_space<hbm>> -> memref<128xi32, #tpu.memory_space<hbm>>
        %dma_wait3A_99 = arith.constant 0 : i32
        %dma_wait3A_100 = tpu.memref_slice %arg6[%scan3A_88, %dma_wait3A_99] : memref<40x128xi32, #tpu.memory_space<vmem>> -> memref<1x128xi32, #tpu.memory_space<vmem>>
        %dma_wait3A_101 = tpu.memref_squeeze %dma_wait3A_100 : memref<1x128xi32, #tpu.memory_space<vmem>> -> memref<128xi32, #tpu.memory_space<vmem>>
        %dma_wait3A_102 = arith.constant 0 : i32
        %dma_wait3A_103 = tpu.memref_slice %arg2[%add3A_91, %dma_wait3A_102] : memref<1250x128xi32, #tpu.memory_space<hbm>> -> memref<1x128xi32, #tpu.memory_space<hbm>>
        %dma_wait3A_104 = tpu.memref_squeeze %dma_wait3A_103 : memref<1x128xi32, #tpu.memory_space<hbm>> -> memref<128xi32, #tpu.memory_space<hbm>>
        tpu.wait_dma2 semaphore(%arg10 : memref<!tpu.dma_semaphore, #tpu.memory_space<semaphore_mem>>) src(%dma_wait3A_104 : memref<128xi32, #tpu.memory_space<hbm>>) dst(%dma_wait3A_101 : memref<128xi32, #tpu.memory_space<vmem>>)
      } else {
      }
    }
    %scan3A_13 = arith.constant 40 : i32
    %scan3A_14 = arith.constant 0 : i32
    %scan3A_15 = arith.constant 0 : i32
    %scan3A_16 = arith.constant 20 : i32
    %scan3A_17 = arith.addi %scan3A_15, %scan3A_16 : i32
    %scan3A_18 = arith.constant 1 : i32
    scf.for %scan3A_88 = %scan3A_15 to %scan3A_17 step %scan3A_18  : i32 {
      %add3A_89 = arith.constant 0 : i32
      %add3A_90 = arith.addi %add3A_89, %scan3A_88 : i32
      %mul3A_91 = arith.constant 32 : i32
      %mul3A_92 = arith.muli %mul3A_91, %add3A_90 : i32
      %add3A_93 = arith.addi %add3A, %mul3A_92 : i32
      %lt3A = arith.constant 1250 : i32
      %lt3A_94 = arith.cmpi slt, %add3A_93, %lt3A : i32
      %convert_element_type3A = arith.extui %lt3A_94 : i1 to i32
      %cond3A = arith.constant 0 : i32
      %cond3A_95 = arith.cmpi ne, %convert_element_type3A, %cond3A : i32
      scf.if %cond3A_95 {
        %mul3A_96 = arith.constant 16 : i32
        %mul3A_97 = arith.muli %add3A_93, %mul3A_96 : i32
        %mul3A_98 = arith.constant 16 : i32
        %mul3A_99 = arith.muli %scan3A_88, %mul3A_98 : i32
        %dma_start3A = arith.constant 0 : i32
        %dma_start3A_100 = tpu.memref_slice %arg8[%mul3A_99, %dma_start3A] : memref<320x128xf32, #tpu.memory_space<vmem>> -> memref<16x128xf32, #tpu.memory_space<vmem>>
        %dma_start3A_101 = arith.constant 0 : i32
        %dma_start3A_102 = tpu.memref_slice %arg3[%mul3A_97, %dma_start3A_101] : memref<20000x128xf32, #tpu.memory_space<hbm>> -> memref<16x128xf32, #tpu.memory_space<hbm>>
        %dma_start3A_103 = arith.constant 0 : i32
        %dma_start3A_104 = tpu.memref_slice %arg8[%mul3A_99, %dma_start3A_103] : memref<320x128xf32, #tpu.memory_space<vmem>> -> memref<16x128xf32, #tpu.memory_space<vmem>>
        %dma_start3A_105 = arith.constant 0 : i32
        %dma_start3A_106 = tpu.memref_slice %arg3[%mul3A_97, %dma_start3A_105] : memref<20000x128xf32, #tpu.memory_space<hbm>> -> memref<16x128xf32, #tpu.memory_space<hbm>>
        tpu.enqueue_dma source(%dma_start3A_106 : memref<16x128xf32, #tpu.memory_space<hbm>>) target(%dma_start3A_104 : memref<16x128xf32, #tpu.memory_space<vmem>>) target_semaphore(%arg10 : memref<!tpu.dma_semaphore, #tpu.memory_space<semaphore_mem>>)
      } else {
      }
    }
    %scan3A_19 = arith.constant 20 : i32
    %scan3A_20 = arith.constant 0 : i32
    %scan3A_21 = arith.constant 0 : i32
    %scan3A_22 = arith.constant 20 : i32
    %scan3A_23 = arith.addi %scan3A_21, %scan3A_22 : i32
    %scan3A_24 = arith.constant 1 : i32
    scf.for %scan3A_88 = %scan3A_21 to %scan3A_23 step %scan3A_24  : i32 {
      %add3A_89 = arith.constant 0 : i32
      %add3A_90 = arith.addi %add3A_89, %scan3A_88 : i32
      %mul3A_91 = arith.constant 32 : i32
      %mul3A_92 = arith.muli %mul3A_91, %add3A_90 : i32
      %add3A_93 = arith.addi %add3A, %mul3A_92 : i32
      %lt3A = arith.constant 1250 : i32
      %lt3A_94 = arith.cmpi slt, %add3A_93, %lt3A : i32
      %convert_element_type3A = arith.extui %lt3A_94 : i1 to i32
      %cond3A = arith.constant 0 : i32
      %cond3A_95 = arith.cmpi ne, %convert_element_type3A, %cond3A : i32
      scf.if %cond3A_95 {
        %mul3A_96 = arith.constant 16 : i32
        %mul3A_97 = arith.muli %add3A_93, %mul3A_96 : i32
        %mul3A_98 = arith.constant 16 : i32
        %mul3A_99 = arith.muli %scan3A_88, %mul3A_98 : i32
        %dma_wait3A = arith.constant 0 : i32
        %dma_wait3A_100 = tpu.memref_slice %arg8[%mul3A_99, %dma_wait3A] : memref<320x128xf32, #tpu.memory_space<vmem>> -> memref<16x128xf32, #tpu.memory_space<vmem>>
        %dma_wait3A_101 = arith.constant 0 : i32
        %dma_wait3A_102 = tpu.memref_slice %arg3[%mul3A_97, %dma_wait3A_101] : memref<20000x128xf32, #tpu.memory_space<hbm>> -> memref<16x128xf32, #tpu.memory_space<hbm>>
        %dma_wait3A_103 = arith.constant 0 : i32
        %dma_wait3A_104 = tpu.memref_slice %arg8[%mul3A_99, %dma_wait3A_103] : memref<320x128xf32, #tpu.memory_space<vmem>> -> memref<16x128xf32, #tpu.memory_space<vmem>>
        %dma_wait3A_105 = arith.constant 0 : i32
        %dma_wait3A_106 = tpu.memref_slice %arg3[%mul3A_97, %dma_wait3A_105] : memref<20000x128xf32, #tpu.memory_space<hbm>> -> memref<16x128xf32, #tpu.memory_space<hbm>>
        tpu.wait_dma2 semaphore(%arg10 : memref<!tpu.dma_semaphore, #tpu.memory_space<semaphore_mem>>) src(%dma_wait3A_106 : memref<16x128xf32, #tpu.memory_space<hbm>>) dst(%dma_wait3A_104 : memref<16x128xf32, #tpu.memory_space<vmem>>)
      } else {
      }
    }
    %scan3A_25 = arith.constant 20 : i32
    %scan3A_26 = arith.constant 0 : i32
    %scan3A_27 = arith.constant 0 : i32
    %scan3A_28 = arith.constant 320 : i32
    %scan3A_29 = arith.addi %scan3A_27, %scan3A_28 : i32
    %scan3A_30 = arith.constant 1 : i32
    scf.for %scan3A_88 = %scan3A_27 to %scan3A_29 step %scan3A_30  : i32 {
      %add3A_89 = arith.constant 0 : i32
      %add3A_90 = arith.addi %add3A_89, %scan3A_88 : i32
      %get3A = arith.index_cast %add3A_90 : i32 to index
      %get3A_91 = arith.constant 0 : index
      %get3A_92 = tpu.vector_load %arg8[%get3A, %get3A_91] {strides = array<i32>} : memref<320x128xf32, #tpu.memory_space<vmem>>, vector<1x16xf32>,
      %get3A_93 = vector.shape_cast %get3A_92 : vector<1x16xf32> to vector<16xf32>
      %mul3A_94 = arith.constant 8 : i32
      %mul3A_95 = arith.muli %scan3A_88, %mul3A_94 : i32
      %add3A_96 = arith.constant 0 : i32
      %add3A_97 = arith.addi %mul3A_95, %add3A_96 : i32
      %swap3A = arith.index_cast %add3A_97 : i32 to index
      %swap3A_98 = arith.constant 0 : index
      %swap3A_99 = tpu.vector_load %arg7[%swap3A, %swap3A_98] {strides = array<i32>} : memref<2560x16xf32, #tpu.memory_space<vmem>>, vector<1x16xf32>,
      %swap3A_100 = vector.shape_cast %swap3A_99 : vector<1x16xf32> to vector<16xf32>
      %swap3A_101 = vector.shape_cast %get3A_93 : vector<16xf32> to vector<1x16xf32>
      tpu.vector_store %arg7[%swap3A, %swap3A_98], %swap3A_101 {strides = array<i32>} : memref<2560x16xf32, #tpu.memory_space<vmem>>, vector<1x16xf32>,
      %add3A_102 = arith.constant 0 : i32
      %add3A_103 = arith.addi %add3A_102, %scan3A_88 : i32
      %get3A_104 = arith.index_cast %add3A_103 : i32 to index
      %get3A_105 = arith.constant 16 : index
      %get3A_106 = tpu.vector_load %arg8[%get3A_104, %get3A_105] {strides = array<i32>} : memref<320x128xf32, #tpu.memory_space<vmem>>, vector<1x16xf32>,
      %get3A_107 = vector.shape_cast %get3A_106 : vector<1x16xf32> to vector<16xf32>
      %mul3A_108 = arith.constant 8 : i32
      %mul3A_109 = arith.muli %scan3A_88, %mul3A_108 : i32
      %add3A_110 = arith.constant 1 : i32
      %add3A_111 = arith.addi %mul3A_109, %add3A_110 : i32
      %swap3A_112 = arith.index_cast %add3A_111 : i32 to index
      %swap3A_113 = arith.constant 0 : index
      %swap3A_114 = tpu.vector_load %arg7[%swap3A_112, %swap3A_113] {strides = array<i32>} : memref<2560x16xf32, #tpu.memory_space<vmem>>, vector<1x16xf32>,
      %swap3A_115 = vector.shape_cast %swap3A_114 : vector<1x16xf32> to vector<16xf32>
      %swap3A_116 = vector.shape_cast %get3A_107 : vector<16xf32> to vector<1x16xf32>
      tpu.vector_store %arg7[%swap3A_112, %swap3A_113], %swap3A_116 {strides = array<i32>} : memref<2560x16xf32, #tpu.memory_space<vmem>>, vector<1x16xf32>,
      %add3A_117 = arith.constant 0 : i32
      %add3A_118 = arith.addi %add3A_117, %scan3A_88 : i32
      %get3A_119 = arith.index_cast %add3A_118 : i32 to index
      %get3A_120 = arith.constant 32 : index
      %get3A_121 = tpu.vector_load %arg8[%get3A_119, %get3A_120] {strides = array<i32>} : memref<320x128xf32, #tpu.memory_space<vmem>>, vector<1x16xf32>,
      %get3A_122 = vector.shape_cast %get3A_121 : vector<1x16xf32> to vector<16xf32>
      %mul3A_123 = arith.constant 8 : i32
      %mul3A_124 = arith.muli %scan3A_88, %mul3A_123 : i32
      %add3A_125 = arith.constant 2 : i32
      %add3A_126 = arith.addi %mul3A_124, %add3A_125 : i32
      %swap3A_127 = arith.index_cast %add3A_126 : i32 to index
      %swap3A_128 = arith.constant 0 : index
      %swap3A_129 = tpu.vector_load %arg7[%swap3A_127, %swap3A_128] {strides = array<i32>} : memref<2560x16xf32, #tpu.memory_space<vmem>>, vector<1x16xf32>,
      %swap3A_130 = vector.shape_cast %swap3A_129 : vector<1x16xf32> to vector<16xf32>
      %swap3A_131 = vector.shape_cast %get3A_122 : vector<16xf32> to vector<1x16xf32>
      tpu.vector_store %arg7[%swap3A_127, %swap3A_128], %swap3A_131 {strides = array<i32>} : memref<2560x16xf32, #tpu.memory_space<vmem>>, vector<1x16xf32>,
      %add3A_132 = arith.constant 0 : i32
      %add3A_133 = arith.addi %add3A_132, %scan3A_88 : i32
      %get3A_134 = arith.index_cast %add3A_133 : i32 to index
      %get3A_135 = arith.constant 48 : index
      %get3A_136 = tpu.vector_load %arg8[%get3A_134, %get3A_135] {strides = array<i32>} : memref<320x128xf32, #tpu.memory_space<vmem>>, vector<1x16xf32>,
      %get3A_137 = vector.shape_cast %get3A_136 : vector<1x16xf32> to vector<16xf32>
      %mul3A_138 = arith.constant 8 : i32
      %mul3A_139 = arith.muli %scan3A_88, %mul3A_138 : i32
      %add3A_140 = arith.constant 3 : i32
      %add3A_141 = arith.addi %mul3A_139, %add3A_140 : i32
      %swap3A_142 = arith.index_cast %add3A_141 : i32 to index
      %swap3A_143 = arith.constant 0 : index
      %swap3A_144 = tpu.vector_load %arg7[%swap3A_142, %swap3A_143] {strides = array<i32>} : memref<2560x16xf32, #tpu.memory_space<vmem>>, vector<1x16xf32>,
      %swap3A_145 = vector.shape_cast %swap3A_144 : vector<1x16xf32> to vector<16xf32>
      %swap3A_146 = vector.shape_cast %get3A_137 : vector<16xf32> to vector<1x16xf32>
      tpu.vector_store %arg7[%swap3A_142, %swap3A_143], %swap3A_146 {strides = array<i32>} : memref<2560x16xf32, #tpu.memory_space<vmem>>, vector<1x16xf32>,
      %add3A_147 = arith.constant 0 : i32
      %add3A_148 = arith.addi %add3A_147, %scan3A_88 : i32
      %get3A_149 = arith.index_cast %add3A_148 : i32 to index
      %get3A_150 = arith.constant 64 : index
      %get3A_151 = tpu.vector_load %arg8[%get3A_149, %get3A_150] {strides = array<i32>} : memref<320x128xf32, #tpu.memory_space<vmem>>, vector<1x16xf32>,
      %get3A_152 = vector.shape_cast %get3A_151 : vector<1x16xf32> to vector<16xf32>
      %mul3A_153 = arith.constant 8 : i32
      %mul3A_154 = arith.muli %scan3A_88, %mul3A_153 : i32
      %add3A_155 = arith.constant 4 : i32
      %add3A_156 = arith.addi %mul3A_154, %add3A_155 : i32
      %swap3A_157 = arith.index_cast %add3A_156 : i32 to index
      %swap3A_158 = arith.constant 0 : index
      %swap3A_159 = tpu.vector_load %arg7[%swap3A_157, %swap3A_158] {strides = array<i32>} : memref<2560x16xf32, #tpu.memory_space<vmem>>, vector<1x16xf32>,
      %swap3A_160 = vector.shape_cast %swap3A_159 : vector<1x16xf32> to vector<16xf32>
      %swap3A_161 = vector.shape_cast %get3A_152 : vector<16xf32> to vector<1x16xf32>
      tpu.vector_store %arg7[%swap3A_157, %swap3A_158], %swap3A_161 {strides = array<i32>} : memref<2560x16xf32, #tpu.memory_space<vmem>>, vector<1x16xf32>,
      %add3A_162 = arith.constant 0 : i32
      %add3A_163 = arith.addi %add3A_162, %scan3A_88 : i32
      %get3A_164 = arith.index_cast %add3A_163 : i32 to index
      %get3A_165 = arith.constant 80 : index
      %get3A_166 = tpu.vector_load %arg8[%get3A_164, %get3A_165] {strides = array<i32>} : memref<320x128xf32, #tpu.memory_space<vmem>>, vector<1x16xf32>,
      %get3A_167 = vector.shape_cast %get3A_166 : vector<1x16xf32> to vector<16xf32>
      %mul3A_168 = arith.constant 8 : i32
      %mul3A_169 = arith.muli %scan3A_88, %mul3A_168 : i32
      %add3A_170 = arith.constant 5 : i32
      %add3A_171 = arith.addi %mul3A_169, %add3A_170 : i32
      %swap3A_172 = arith.index_cast %add3A_171 : i32 to index
      %swap3A_173 = arith.constant 0 : index
      %swap3A_174 = tpu.vector_load %arg7[%swap3A_172, %swap3A_173] {strides = array<i32>} : memref<2560x16xf32, #tpu.memory_space<vmem>>, vector<1x16xf32>,
      %swap3A_175 = vector.shape_cast %swap3A_174 : vector<1x16xf32> to vector<16xf32>
      %swap3A_176 = vector.shape_cast %get3A_167 : vector<16xf32> to vector<1x16xf32>
      tpu.vector_store %arg7[%swap3A_172, %swap3A_173], %swap3A_176 {strides = array<i32>} : memref<2560x16xf32, #tpu.memory_space<vmem>>, vector<1x16xf32>,
      %add3A_177 = arith.constant 0 : i32
      %add3A_178 = arith.addi %add3A_177, %scan3A_88 : i32
      %get3A_179 = arith.index_cast %add3A_178 : i32 to index
      %get3A_180 = arith.constant 96 : index
      %get3A_181 = tpu.vector_load %arg8[%get3A_179, %get3A_180] {strides = array<i32>} : memref<320x128xf32, #tpu.memory_space<vmem>>, vector<1x16xf32>,
      %get3A_182 = vector.shape_cast %get3A_181 : vector<1x16xf32> to vector<16xf32>
      %mul3A_183 = arith.constant 8 : i32
      %mul3A_184 = arith.muli %scan3A_88, %mul3A_183 : i32
      %add3A_185 = arith.constant 6 : i32
      %add3A_186 = arith.addi %mul3A_184, %add3A_185 : i32
      %swap3A_187 = arith.index_cast %add3A_186 : i32 to index
      %swap3A_188 = arith.constant 0 : index
      %swap3A_189 = tpu.vector_load %arg7[%swap3A_187, %swap3A_188] {strides = array<i32>} : memref<2560x16xf32, #tpu.memory_space<vmem>>, vector<1x16xf32>,
      %swap3A_190 = vector.shape_cast %swap3A_189 : vector<1x16xf32> to vector<16xf32>
      %swap3A_191 = vector.shape_cast %get3A_182 : vector<16xf32> to vector<1x16xf32>
      tpu.vector_store %arg7[%swap3A_187, %swap3A_188], %swap3A_191 {strides = array<i32>} : memref<2560x16xf32, #tpu.memory_space<vmem>>, vector<1x16xf32>,
      %add3A_192 = arith.constant 0 : i32
      %add3A_193 = arith.addi %add3A_192, %scan3A_88 : i32
      %get3A_194 = arith.index_cast %add3A_193 : i32 to index
      %get3A_195 = arith.constant 112 : index
      %get3A_196 = tpu.vector_load %arg8[%get3A_194, %get3A_195] {strides = array<i32>} : memref<320x128xf32, #tpu.memory_space<vmem>>, vector<1x16xf32>,
      %get3A_197 = vector.shape_cast %get3A_196 : vector<1x16xf32> to vector<16xf32>
      %mul3A_198 = arith.constant 8 : i32
      %mul3A_199 = arith.muli %scan3A_88, %mul3A_198 : i32
      %add3A_200 = arith.constant 7 : i32
      %add3A_201 = arith.addi %mul3A_199, %add3A_200 : i32
      %swap3A_202 = arith.index_cast %add3A_201 : i32 to index
      %swap3A_203 = arith.constant 0 : index
      %swap3A_204 = tpu.vector_load %arg7[%swap3A_202, %swap3A_203] {strides = array<i32>} : memref<2560x16xf32, #tpu.memory_space<vmem>>, vector<1x16xf32>,
      %swap3A_205 = vector.shape_cast %swap3A_204 : vector<1x16xf32> to vector<16xf32>
      %swap3A_206 = vector.shape_cast %get3A_197 : vector<16xf32> to vector<1x16xf32>
      tpu.vector_store %arg7[%swap3A_202, %swap3A_203], %swap3A_206 {strides = array<i32>} : memref<2560x16xf32, #tpu.memory_space<vmem>>, vector<1x16xf32>,
    }
    %scan3A_31 = arith.constant 320 : i32
    %scan3A_32 = arith.constant 0 : i32
    %scan3A_33 = arith.constant 0 : i32
    %scan3A_34 = arith.constant 20 : i32
    %scan3A_35 = arith.addi %scan3A_33, %scan3A_34 : i32
    %scan3A_36 = arith.constant 1 : i32
    scf.for %scan3A_88 = %scan3A_33 to %scan3A_35 step %scan3A_36  : i32 {
      %add3A_89 = arith.constant 0 : i32
      %add3A_90 = arith.addi %add3A_89, %scan3A_88 : i32
      %mul3A_91 = arith.constant 32 : i32
      %mul3A_92 = arith.muli %mul3A_91, %add3A_90 : i32
      %add3A_93 = arith.addi %add3A, %mul3A_92 : i32
      %lt3A = arith.constant 1250 : i32
      %lt3A_94 = arith.cmpi slt, %add3A_93, %lt3A : i32
      %convert_element_type3A = arith.extui %lt3A_94 : i1 to i32
      %cond3A = arith.constant 0 : i32
      %cond3A_95 = arith.cmpi ne, %convert_element_type3A, %cond3A : i32
      scf.if %cond3A_95 {
        %mul3A_96 = arith.constant 128 : i32
        %mul3A_97 = arith.muli %scan3A_88, %mul3A_96 : i32
        %add3A_98 = arith.constant 0 : i32
        %add3A_99 = arith.addi %add3A_98, %scan3A_88 : i32
        %dma_start3A = arith.constant 0 : i32
        %dma_start3A_100 = tpu.memref_slice %arg7[%mul3A_97, %dma_start3A] : memref<2560x16xf32, #tpu.memory_space<vmem>> -> memref<128x16xf32, #tpu.memory_space<vmem>>
        %dma_start3A_101 = arith.constant 0 : i32
        %dma_start3A_102 = tpu.memref_slice %arg6[%add3A_99, %dma_start3A_101] : memref<40x128xi32, #tpu.memory_space<vmem>> -> memref<1x128xi32, #tpu.memory_space<vmem>>
        %dma_start3A_103 = tpu.memref_squeeze %dma_start3A_102 : memref<1x128xi32, #tpu.memory_space<vmem>> -> memref<128xi32, #tpu.memory_space<vmem>>
        %dma_start3A_104 = arith.constant 0 : i32
        %dma_start3A_105 = arith.constant 0 : i32
        %dma_start3A_106 = tpu.memref_slice %arg9[%dma_start3A_104, %dma_start3A_105] : memref<10240x16xf32, #tpu.memory_space<vmem_shared>> -> memref<10240x16xf32, #tpu.memory_space<vmem_shared>>
        tpu.enqueue_indirect_dma source(%dma_start3A_100 : memref<128x16xf32, #tpu.memory_space<vmem>>) target(%dma_start3A_106 : memref<10240x16xf32, #tpu.memory_space<vmem_shared>>) offsets(%dma_start3A_103 : memref<128xi32, #tpu.memory_space<vmem>>) semaphore(%arg11 : memref<!tpu.dma_semaphore, #tpu.memory_space<semaphore_mem>>) {add = true}
      } else {
      }
    }
    %scan3A_37 = arith.constant 20 : i32
    %scan3A_38 = arith.constant 0 : i32
    %scan3A_39 = arith.constant 0 : i32
    %scan3A_40 = arith.constant 20 : i32
    %scan3A_41 = arith.addi %scan3A_39, %scan3A_40 : i32
    %scan3A_42 = arith.constant 1 : i32
    scf.for %scan3A_88 = %scan3A_39 to %scan3A_41 step %scan3A_42  : i32 {
      %add3A_89 = arith.constant 20 : i32
      %add3A_90 = arith.addi %add3A_89, %scan3A_88 : i32
      %mul3A_91 = arith.constant 32 : i32
      %mul3A_92 = arith.muli %mul3A_91, %add3A_90 : i32
      %add3A_93 = arith.addi %add3A, %mul3A_92 : i32
      %lt3A = arith.constant 1250 : i32
      %lt3A_94 = arith.cmpi slt, %add3A_93, %lt3A : i32
      %convert_element_type3A = arith.extui %lt3A_94 : i1 to i32
      %cond3A = arith.constant 0 : i32
      %cond3A_95 = arith.cmpi ne, %convert_element_type3A, %cond3A : i32
      scf.if %cond3A_95 {
        %mul3A_96 = arith.constant 16 : i32
        %mul3A_97 = arith.muli %add3A_93, %mul3A_96 : i32
        %mul3A_98 = arith.constant 16 : i32
        %mul3A_99 = arith.muli %scan3A_88, %mul3A_98 : i32
        %dma_start3A = arith.constant 0 : i32
        %dma_start3A_100 = tpu.memref_slice %arg8[%mul3A_99, %dma_start3A] : memref<320x128xf32, #tpu.memory_space<vmem>> -> memref<16x128xf32, #tpu.memory_space<vmem>>
        %dma_start3A_101 = arith.constant 0 : i32
        %dma_start3A_102 = tpu.memref_slice %arg3[%mul3A_97, %dma_start3A_101] : memref<20000x128xf32, #tpu.memory_space<hbm>> -> memref<16x128xf32, #tpu.memory_space<hbm>>
        %dma_start3A_103 = arith.constant 0 : i32
        %dma_start3A_104 = tpu.memref_slice %arg8[%mul3A_99, %dma_start3A_103] : memref<320x128xf32, #tpu.memory_space<vmem>> -> memref<16x128xf32, #tpu.memory_space<vmem>>
        %dma_start3A_105 = arith.constant 0 : i32
        %dma_start3A_106 = tpu.memref_slice %arg3[%mul3A_97, %dma_start3A_105] : memref<20000x128xf32, #tpu.memory_space<hbm>> -> memref<16x128xf32, #tpu.memory_space<hbm>>
        tpu.enqueue_dma source(%dma_start3A_106 : memref<16x128xf32, #tpu.memory_space<hbm>>) target(%dma_start3A_104 : memref<16x128xf32, #tpu.memory_space<vmem>>) target_semaphore(%arg10 : memref<!tpu.dma_semaphore, #tpu.memory_space<semaphore_mem>>)
      } else {
      }
    }
    %scan3A_43 = arith.constant 20 : i32
    %scan3A_44 = arith.constant 0 : i32
    %scan3A_45 = arith.constant 0 : i32
    %scan3A_46 = arith.constant 20 : i32
    %scan3A_47 = arith.addi %scan3A_45, %scan3A_46 : i32
    %scan3A_48 = arith.constant 1 : i32
    scf.for %scan3A_88 = %scan3A_45 to %scan3A_47 step %scan3A_48  : i32 {
      %add3A_89 = arith.constant 0 : i32
      %add3A_90 = arith.addi %add3A_89, %scan3A_88 : i32
      %mul3A_91 = arith.constant 32 : i32
      %mul3A_92 = arith.muli %mul3A_91, %add3A_90 : i32
      %add3A_93 = arith.addi %add3A, %mul3A_92 : i32
      %lt3A = arith.constant 1250 : i32
      %lt3A_94 = arith.cmpi slt, %add3A_93, %lt3A : i32
      %convert_element_type3A = arith.extui %lt3A_94 : i1 to i32
      %cond3A = arith.constant 0 : i32
      %cond3A_95 = arith.cmpi ne, %convert_element_type3A, %cond3A : i32
      scf.if %cond3A_95 {
        %mul3A_96 = arith.constant 128 : i32
        %mul3A_97 = arith.muli %scan3A_88, %mul3A_96 : i32
        %add3A_98 = arith.constant 0 : i32
        %add3A_99 = arith.addi %add3A_98, %scan3A_88 : i32
        %dma_wait3A = arith.constant 0 : i32
        %dma_wait3A_100 = tpu.memref_slice %arg7[%mul3A_97, %dma_wait3A] : memref<2560x16xf32, #tpu.memory_space<vmem>> -> memref<128x16xf32, #tpu.memory_space<vmem>>
        %dma_wait3A_101 = arith.constant 0 : i32
        %dma_wait3A_102 = tpu.memref_slice %arg6[%add3A_99, %dma_wait3A_101] : memref<40x128xi32, #tpu.memory_space<vmem>> -> memref<1x128xi32, #tpu.memory_space<vmem>>
        %dma_wait3A_103 = tpu.memref_squeeze %dma_wait3A_102 : memref<1x128xi32, #tpu.memory_space<vmem>> -> memref<128xi32, #tpu.memory_space<vmem>>
        %dma_wait3A_104 = arith.constant 0 : i32
        %dma_wait3A_105 = arith.constant 0 : i32
        %dma_wait3A_106 = tpu.memref_slice %arg9[%dma_wait3A_104, %dma_wait3A_105] : memref<10240x16xf32, #tpu.memory_space<vmem_shared>> -> memref<10240x16xf32, #tpu.memory_space<vmem_shared>>
        tpu.wait_indirect_dma semaphore(%arg11 : memref<!tpu.dma_semaphore, #tpu.memory_space<semaphore_mem>>) src(%dma_wait3A_100 : memref<128x16xf32, #tpu.memory_space<vmem>>) dst(%dma_wait3A_106 : memref<10240x16xf32, #tpu.memory_space<vmem_shared>>)
      } else {
      }
    }
    %scan3A_49 = arith.constant 20 : i32
    %scan3A_50 = arith.constant 0 : i32
    %scan3A_51 = arith.constant 0 : i32
    %scan3A_52 = arith.constant 20 : i32
    %scan3A_53 = arith.addi %scan3A_51, %scan3A_52 : i32
    %scan3A_54 = arith.constant 1 : i32
    scf.for %scan3A_88 = %scan3A_51 to %scan3A_53 step %scan3A_54  : i32 {
      %add3A_89 = arith.constant 20 : i32
      %add3A_90 = arith.addi %add3A_89, %scan3A_88 : i32
      %mul3A_91 = arith.constant 32 : i32
      %mul3A_92 = arith.muli %mul3A_91, %add3A_90 : i32
      %add3A_93 = arith.addi %add3A, %mul3A_92 : i32
      %lt3A = arith.constant 1250 : i32
      %lt3A_94 = arith.cmpi slt, %add3A_93, %lt3A : i32
      %convert_element_type3A = arith.extui %lt3A_94 : i1 to i32
      %cond3A = arith.constant 0 : i32
      %cond3A_95 = arith.cmpi ne, %convert_element_type3A, %cond3A : i32
      scf.if %cond3A_95 {
        %mul3A_96 = arith.constant 16 : i32
        %mul3A_97 = arith.muli %add3A_93, %mul3A_96 : i32
        %mul3A_98 = arith.constant 16 : i32
        %mul3A_99 = arith.muli %scan3A_88, %mul3A_98 : i32
        %dma_wait3A = arith.constant 0 : i32
        %dma_wait3A_100 = tpu.memref_slice %arg8[%mul3A_99, %dma_wait3A] : memref<320x128xf32, #tpu.memory_space<vmem>> -> memref<16x128xf32, #tpu.memory_space<vmem>>
        %dma_wait3A_101 = arith.constant 0 : i32
        %dma_wait3A_102 = tpu.memref_slice %arg3[%mul3A_97, %dma_wait3A_101] : memref<20000x128xf32, #tpu.memory_space<hbm>> -> memref<16x128xf32, #tpu.memory_space<hbm>>
        %dma_wait3A_103 = arith.constant 0 : i32
        %dma_wait3A_104 = tpu.memref_slice %arg8[%mul3A_99, %dma_wait3A_103] : memref<320x128xf32, #tpu.memory_space<vmem>> -> memref<16x128xf32, #tpu.memory_space<vmem>>
        %dma_wait3A_105 = arith.constant 0 : i32
        %dma_wait3A_106 = tpu.memref_slice %arg3[%mul3A_97, %dma_wait3A_105] : memref<20000x128xf32, #tpu.memory_space<hbm>> -> memref<16x128xf32, #tpu.memory_space<hbm>>
        tpu.wait_dma2 semaphore(%arg10 : memref<!tpu.dma_semaphore, #tpu.memory_space<semaphore_mem>>) src(%dma_wait3A_106 : memref<16x128xf32, #tpu.memory_space<hbm>>) dst(%dma_wait3A_104 : memref<16x128xf32, #tpu.memory_space<vmem>>)
      } else {
      }
    }
    %scan3A_55 = arith.constant 20 : i32
    %scan3A_56 = arith.constant 0 : i32
    %scan3A_57 = arith.constant 0 : i32
    %scan3A_58 = arith.constant 320 : i32
    %scan3A_59 = arith.addi %scan3A_57, %scan3A_58 : i32
    %scan3A_60 = arith.constant 1 : i32
    scf.for %scan3A_88 = %scan3A_57 to %scan3A_59 step %scan3A_60  : i32 {
      %add3A_89 = arith.constant 0 : i32
      %add3A_90 = arith.addi %add3A_89, %scan3A_88 : i32
      %get3A = arith.index_cast %add3A_90 : i32 to index
      %get3A_91 = arith.constant 0 : index
      %get3A_92 = tpu.vector_load %arg8[%get3A, %get3A_91] {strides = array<i32>} : memref<320x128xf32, #tpu.memory_space<vmem>>, vector<1x16xf32>,
      %get3A_93 = vector.shape_cast %get3A_92 : vector<1x16xf32> to vector<16xf32>
      %mul3A_94 = arith.constant 8 : i32
      %mul3A_95 = arith.muli %scan3A_88, %mul3A_94 : i32
      %add3A_96 = arith.constant 0 : i32
      %add3A_97 = arith.addi %mul3A_95, %add3A_96 : i32
      %swap3A = arith.index_cast %add3A_97 : i32 to index
      %swap3A_98 = arith.constant 0 : index
      %swap3A_99 = tpu.vector_load %arg7[%swap3A, %swap3A_98] {strides = array<i32>} : memref<2560x16xf32, #tpu.memory_space<vmem>>, vector<1x16xf32>,
      %swap3A_100 = vector.shape_cast %swap3A_99 : vector<1x16xf32> to vector<16xf32>
      %swap3A_101 = vector.shape_cast %get3A_93 : vector<16xf32> to vector<1x16xf32>
      tpu.vector_store %arg7[%swap3A, %swap3A_98], %swap3A_101 {strides = array<i32>} : memref<2560x16xf32, #tpu.memory_space<vmem>>, vector<1x16xf32>,
      %add3A_102 = arith.constant 0 : i32
      %add3A_103 = arith.addi %add3A_102, %scan3A_88 : i32
      %get3A_104 = arith.index_cast %add3A_103 : i32 to index
      %get3A_105 = arith.constant 16 : index
      %get3A_106 = tpu.vector_load %arg8[%get3A_104, %get3A_105] {strides = array<i32>} : memref<320x128xf32, #tpu.memory_space<vmem>>, vector<1x16xf32>,
      %get3A_107 = vector.shape_cast %get3A_106 : vector<1x16xf32> to vector<16xf32>
      %mul3A_108 = arith.constant 8 : i32
      %mul3A_109 = arith.muli %scan3A_88, %mul3A_108 : i32
      %add3A_110 = arith.constant 1 : i32
      %add3A_111 = arith.addi %mul3A_109, %add3A_110 : i32
      %swap3A_112 = arith.index_cast %add3A_111 : i32 to index
      %swap3A_113 = arith.constant 0 : index
      %swap3A_114 = tpu.vector_load %arg7[%swap3A_112, %swap3A_113] {strides = array<i32>} : memref<2560x16xf32, #tpu.memory_space<vmem>>, vector<1x16xf32>,
      %swap3A_115 = vector.shape_cast %swap3A_114 : vector<1x16xf32> to vector<16xf32>
      %swap3A_116 = vector.shape_cast %get3A_107 : vector<16xf32> to vector<1x16xf32>
      tpu.vector_store %arg7[%swap3A_112, %swap3A_113], %swap3A_116 {strides = array<i32>} : memref<2560x16xf32, #tpu.memory_space<vmem>>, vector<1x16xf32>,
      %add3A_117 = arith.constant 0 : i32
      %add3A_118 = arith.addi %add3A_117, %scan3A_88 : i32
      %get3A_119 = arith.index_cast %add3A_118 : i32 to index
      %get3A_120 = arith.constant 32 : index
      %get3A_121 = tpu.vector_load %arg8[%get3A_119, %get3A_120] {strides = array<i32>} : memref<320x128xf32, #tpu.memory_space<vmem>>, vector<1x16xf32>,
      %get3A_122 = vector.shape_cast %get3A_121 : vector<1x16xf32> to vector<16xf32>
      %mul3A_123 = arith.constant 8 : i32
      %mul3A_124 = arith.muli %scan3A_88, %mul3A_123 : i32
      %add3A_125 = arith.constant 2 : i32
      %add3A_126 = arith.addi %mul3A_124, %add3A_125 : i32
      %swap3A_127 = arith.index_cast %add3A_126 : i32 to index
      %swap3A_128 = arith.constant 0 : index
      %swap3A_129 = tpu.vector_load %arg7[%swap3A_127, %swap3A_128] {strides = array<i32>} : memref<2560x16xf32, #tpu.memory_space<vmem>>, vector<1x16xf32>,
      %swap3A_130 = vector.shape_cast %swap3A_129 : vector<1x16xf32> to vector<16xf32>
      %swap3A_131 = vector.shape_cast %get3A_122 : vector<16xf32> to vector<1x16xf32>
      tpu.vector_store %arg7[%swap3A_127, %swap3A_128], %swap3A_131 {strides = array<i32>} : memref<2560x16xf32, #tpu.memory_space<vmem>>, vector<1x16xf32>,
      %add3A_132 = arith.constant 0 : i32
      %add3A_133 = arith.addi %add3A_132, %scan3A_88 : i32
      %get3A_134 = arith.index_cast %add3A_133 : i32 to index
      %get3A_135 = arith.constant 48 : index
      %get3A_136 = tpu.vector_load %arg8[%get3A_134, %get3A_135] {strides = array<i32>} : memref<320x128xf32, #tpu.memory_space<vmem>>, vector<1x16xf32>,
      %get3A_137 = vector.shape_cast %get3A_136 : vector<1x16xf32> to vector<16xf32>
      %mul3A_138 = arith.constant 8 : i32
      %mul3A_139 = arith.muli %scan3A_88, %mul3A_138 : i32
      %add3A_140 = arith.constant 3 : i32
      %add3A_141 = arith.addi %mul3A_139, %add3A_140 : i32
      %swap3A_142 = arith.index_cast %add3A_141 : i32 to index
      %swap3A_143 = arith.constant 0 : index
      %swap3A_144 = tpu.vector_load %arg7[%swap3A_142, %swap3A_143] {strides = array<i32>} : memref<2560x16xf32, #tpu.memory_space<vmem>>, vector<1x16xf32>,
      %swap3A_145 = vector.shape_cast %swap3A_144 : vector<1x16xf32> to vector<16xf32>
      %swap3A_146 = vector.shape_cast %get3A_137 : vector<16xf32> to vector<1x16xf32>
      tpu.vector_store %arg7[%swap3A_142, %swap3A_143], %swap3A_146 {strides = array<i32>} : memref<2560x16xf32, #tpu.memory_space<vmem>>, vector<1x16xf32>,
      %add3A_147 = arith.constant 0 : i32
      %add3A_148 = arith.addi %add3A_147, %scan3A_88 : i32
      %get3A_149 = arith.index_cast %add3A_148 : i32 to index
      %get3A_150 = arith.constant 64 : index
      %get3A_151 = tpu.vector_load %arg8[%get3A_149, %get3A_150] {strides = array<i32>} : memref<320x128xf32, #tpu.memory_space<vmem>>, vector<1x16xf32>,
      %get3A_152 = vector.shape_cast %get3A_151 : vector<1x16xf32> to vector<16xf32>
      %mul3A_153 = arith.constant 8 : i32
      %mul3A_154 = arith.muli %scan3A_88, %mul3A_153 : i32
      %add3A_155 = arith.constant 4 : i32
      %add3A_156 = arith.addi %mul3A_154, %add3A_155 : i32
      %swap3A_157 = arith.index_cast %add3A_156 : i32 to index
      %swap3A_158 = arith.constant 0 : index
      %swap3A_159 = tpu.vector_load %arg7[%swap3A_157, %swap3A_158] {strides = array<i32>} : memref<2560x16xf32, #tpu.memory_space<vmem>>, vector<1x16xf32>,
      %swap3A_160 = vector.shape_cast %swap3A_159 : vector<1x16xf32> to vector<16xf32>
      %swap3A_161 = vector.shape_cast %get3A_152 : vector<16xf32> to vector<1x16xf32>
      tpu.vector_store %arg7[%swap3A_157, %swap3A_158], %swap3A_161 {strides = array<i32>} : memref<2560x16xf32, #tpu.memory_space<vmem>>, vector<1x16xf32>,
      %add3A_162 = arith.constant 0 : i32
      %add3A_163 = arith.addi %add3A_162, %scan3A_88 : i32
      %get3A_164 = arith.index_cast %add3A_163 : i32 to index
      %get3A_165 = arith.constant 80 : index
      %get3A_166 = tpu.vector_load %arg8[%get3A_164, %get3A_165] {strides = array<i32>} : memref<320x128xf32, #tpu.memory_space<vmem>>, vector<1x16xf32>,
      %get3A_167 = vector.shape_cast %get3A_166 : vector<1x16xf32> to vector<16xf32>
      %mul3A_168 = arith.constant 8 : i32
      %mul3A_169 = arith.muli %scan3A_88, %mul3A_168 : i32
      %add3A_170 = arith.constant 5 : i32
      %add3A_171 = arith.addi %mul3A_169, %add3A_170 : i32
      %swap3A_172 = arith.index_cast %add3A_171 : i32 to index
      %swap3A_173 = arith.constant 0 : index
      %swap3A_174 = tpu.vector_load %arg7[%swap3A_172, %swap3A_173] {strides = array<i32>} : memref<2560x16xf32, #tpu.memory_space<vmem>>, vector<1x16xf32>,
      %swap3A_175 = vector.shape_cast %swap3A_174 : vector<1x16xf32> to vector<16xf32>
      %swap3A_176 = vector.shape_cast %get3A_167 : vector<16xf32> to vector<1x16xf32>
      tpu.vector_store %arg7[%swap3A_172, %swap3A_173], %swap3A_176 {strides = array<i32>} : memref<2560x16xf32, #tpu.memory_space<vmem>>, vector<1x16xf32>,
      %add3A_177 = arith.constant 0 : i32
      %add3A_178 = arith.addi %add3A_177, %scan3A_88 : i32
      %get3A_179 = arith.index_cast %add3A_178 : i32 to index
      %get3A_180 = arith.constant 96 : index
      %get3A_181 = tpu.vector_load %arg8[%get3A_179, %get3A_180] {strides = array<i32>} : memref<320x128xf32, #tpu.memory_space<vmem>>, vector<1x16xf32>,
      %get3A_182 = vector.shape_cast %get3A_181 : vector<1x16xf32> to vector<16xf32>
      %mul3A_183 = arith.constant 8 : i32
      %mul3A_184 = arith.muli %scan3A_88, %mul3A_183 : i32
      %add3A_185 = arith.constant 6 : i32
      %add3A_186 = arith.addi %mul3A_184, %add3A_185 : i32
      %swap3A_187 = arith.index_cast %add3A_186 : i32 to index
      %swap3A_188 = arith.constant 0 : index
      %swap3A_189 = tpu.vector_load %arg7[%swap3A_187, %swap3A_188] {strides = array<i32>} : memref<2560x16xf32, #tpu.memory_space<vmem>>, vector<1x16xf32>,
      %swap3A_190 = vector.shape_cast %swap3A_189 : vector<1x16xf32> to vector<16xf32>
      %swap3A_191 = vector.shape_cast %get3A_182 : vector<16xf32> to vector<1x16xf32>
      tpu.vector_store %arg7[%swap3A_187, %swap3A_188], %swap3A_191 {strides = array<i32>} : memref<2560x16xf32, #tpu.memory_space<vmem>>, vector<1x16xf32>,
      %add3A_192 = arith.constant 0 : i32
      %add3A_193 = arith.addi %add3A_192, %scan3A_88 : i32
      %get3A_194 = arith.index_cast %add3A_193 : i32 to index
      %get3A_195 = arith.constant 112 : index
      %get3A_196 = tpu.vector_load %arg8[%get3A_194, %get3A_195] {strides = array<i32>} : memref<320x128xf32, #tpu.memory_space<vmem>>, vector<1x16xf32>,
      %get3A_197 = vector.shape_cast %get3A_196 : vector<1x16xf32> to vector<16xf32>
      %mul3A_198 = arith.constant 8 : i32
      %mul3A_199 = arith.muli %scan3A_88, %mul3A_198 : i32
      %add3A_200 = arith.constant 7 : i32
      %add3A_201 = arith.addi %mul3A_199, %add3A_200 : i32
      %swap3A_202 = arith.index_cast %add3A_201 : i32 to index
      %swap3A_203 = arith.constant 0 : index
      %swap3A_204 = tpu.vector_load %arg7[%swap3A_202, %swap3A_203] {strides = array<i32>} : memref<2560x16xf32, #tpu.memory_space<vmem>>, vector<1x16xf32>,
      %swap3A_205 = vector.shape_cast %swap3A_204 : vector<1x16xf32> to vector<16xf32>
      %swap3A_206 = vector.shape_cast %get3A_197 : vector<16xf32> to vector<1x16xf32>
      tpu.vector_store %arg7[%swap3A_202, %swap3A_203], %swap3A_206 {strides = array<i32>} : memref<2560x16xf32, #tpu.memory_space<vmem>>, vector<1x16xf32>,
    }
    %scan3A_61 = arith.constant 320 : i32
    %scan3A_62 = arith.constant 0 : i32
    %scan3A_63 = arith.constant 0 : i32
    %scan3A_64 = arith.constant 20 : i32
    %scan3A_65 = arith.addi %scan3A_63, %scan3A_64 : i32
    %scan3A_66 = arith.constant 1 : i32
    scf.for %scan3A_88 = %scan3A_63 to %scan3A_65 step %scan3A_66  : i32 {
      %add3A_89 = arith.constant 20 : i32
      %add3A_90 = arith.addi %add3A_89, %scan3A_88 : i32
      %mul3A_91 = arith.constant 32 : i32
      %mul3A_92 = arith.muli %mul3A_91, %add3A_90 : i32
      %add3A_93 = arith.addi %add3A, %mul3A_92 : i32
      %lt3A = arith.constant 1250 : i32
      %lt3A_94 = arith.cmpi slt, %add3A_93, %lt3A : i32
      %convert_element_type3A = arith.extui %lt3A_94 : i1 to i32
      %cond3A = arith.constant 0 : i32
      %cond3A_95 = arith.cmpi ne, %convert_element_type3A, %cond3A : i32
      scf.if %cond3A_95 {
        %mul3A_96 = arith.constant 128 : i32
        %mul3A_97 = arith.muli %scan3A_88, %mul3A_96 : i32
        %add3A_98 = arith.constant 20 : i32
        %add3A_99 = arith.addi %add3A_98, %scan3A_88 : i32
        %dma_start3A = arith.constant 0 : i32
        %dma_start3A_100 = tpu.memref_slice %arg7[%mul3A_97, %dma_start3A] : memref<2560x16xf32, #tpu.memory_space<vmem>> -> memref<128x16xf32, #tpu.memory_space<vmem>>
        %dma_start3A_101 = arith.constant 0 : i32
        %dma_start3A_102 = tpu.memref_slice %arg6[%add3A_99, %dma_start3A_101] : memref<40x128xi32, #tpu.memory_space<vmem>> -> memref<1x128xi32, #tpu.memory_space<vmem>>
        %dma_start3A_103 = tpu.memref_squeeze %dma_start3A_102 : memref<1x128xi32, #tpu.memory_space<vmem>> -> memref<128xi32, #tpu.memory_space<vmem>>
        %dma_start3A_104 = arith.constant 0 : i32
        %dma_start3A_105 = arith.constant 0 : i32
        %dma_start3A_106 = tpu.memref_slice %arg9[%dma_start3A_104, %dma_start3A_105] : memref<10240x16xf32, #tpu.memory_space<vmem_shared>> -> memref<10240x16xf32, #tpu.memory_space<vmem_shared>>
        tpu.enqueue_indirect_dma source(%dma_start3A_100 : memref<128x16xf32, #tpu.memory_space<vmem>>) target(%dma_start3A_106 : memref<10240x16xf32, #tpu.memory_space<vmem_shared>>) offsets(%dma_start3A_103 : memref<128xi32, #tpu.memory_space<vmem>>) semaphore(%arg11 : memref<!tpu.dma_semaphore, #tpu.memory_space<semaphore_mem>>) {add = true}
      } else {
      }
    }
    %scan3A_67 = arith.constant 20 : i32
    %scan3A_68 = arith.constant 0 : i32
    %scan3A_69 = arith.constant 0 : i32
    %scan3A_70 = arith.constant 20 : i32
    %scan3A_71 = arith.addi %scan3A_69, %scan3A_70 : i32
    %scan3A_72 = arith.constant 1 : i32
    scf.for %scan3A_88 = %scan3A_69 to %scan3A_71 step %scan3A_72  : i32 {
      %add3A_89 = arith.constant 20 : i32
      %add3A_90 = arith.addi %add3A_89, %scan3A_88 : i32
      %mul3A_91 = arith.constant 32 : i32
      %mul3A_92 = arith.muli %mul3A_91, %add3A_90 : i32
      %add3A_93 = arith.addi %add3A, %mul3A_92 : i32
      %lt3A = arith.constant 1250 : i32
      %lt3A_94 = arith.cmpi slt, %add3A_93, %lt3A : i32
      %convert_element_type3A = arith.extui %lt3A_94 : i1 to i32
      %cond3A = arith.constant 0 : i32
      %cond3A_95 = arith.cmpi ne, %convert_element_type3A, %cond3A : i32
      scf.if %cond3A_95 {
        %mul3A_96 = arith.constant 128 : i32
        %mul3A_97 = arith.muli %scan3A_88, %mul3A_96 : i32
        %add3A_98 = arith.constant 20 : i32
        %add3A_99 = arith.addi %add3A_98, %scan3A_88 : i32
        %dma_wait3A = arith.constant 0 : i32
        %dma_wait3A_100 = tpu.memref_slice %arg7[%mul3A_97, %dma_wait3A] : memref<2560x16xf32, #tpu.memory_space<vmem>> -> memref<128x16xf32, #tpu.memory_space<vmem>>
        %dma_wait3A_101 = arith.constant 0 : i32
        %dma_wait3A_102 = tpu.memref_slice %arg6[%add3A_99, %dma_wait3A_101] : memref<40x128xi32, #tpu.memory_space<vmem>> -> memref<1x128xi32, #tpu.memory_space<vmem>>
        %dma_wait3A_103 = tpu.memref_squeeze %dma_wait3A_102 : memref<1x128xi32, #tpu.memory_space<vmem>> -> memref<128xi32, #tpu.memory_space<vmem>>
        %dma_wait3A_104 = arith.constant 0 : i32
        %dma_wait3A_105 = arith.constant 0 : i32
        %dma_wait3A_106 = tpu.memref_slice %arg9[%dma_wait3A_104, %dma_wait3A_105] : memref<10240x16xf32, #tpu.memory_space<vmem_shared>> -> memref<10240x16xf32, #tpu.memory_space<vmem_shared>>
        tpu.wait_indirect_dma semaphore(%arg11 : memref<!tpu.dma_semaphore, #tpu.memory_space<semaphore_mem>>) src(%dma_wait3A_100 : memref<128x16xf32, #tpu.memory_space<vmem>>) dst(%dma_wait3A_106 : memref<10240x16xf32, #tpu.memory_space<vmem_shared>>)
      } else {
      }
    }
    %scan3A_73 = arith.constant 20 : i32
    %barrier3A_74 = arith.constant 0 : index
    tpu.barrier barrier_id(%barrier3A_74)
    %mul3A_75 = arith.constant 640 : i32
    %mul3A_76 = arith.muli %arg1, %mul3A_75 : i32
    "tpu.region"() ({
      %run_scoped3A = tpu.sem_alloc : memref<!tpu.dma_semaphore, #tpu.memory_space<semaphore_mem>>
      %dma_start3A = arith.constant 0 : i32
      %dma_start3A_88 = arith.constant 0 : i32
      %dma_start3A_89 = tpu.memref_slice %arg7[%dma_start3A, %dma_start3A_88] : memref<2560x16xf32, #tpu.memory_space<vmem>> -> memref<640x16xf32, #tpu.memory_space<vmem>>
      %dma_start3A_90 = arith.constant 0 : i32
      %dma_start3A_91 = tpu.memref_slice %arg9[%mul3A_76, %dma_start3A_90] : memref<10240x16xf32, #tpu.memory_space<vmem_shared>> -> memref<640x16xf32, #tpu.memory_space<vmem_shared>>
      %dma_start3A_92 = arith.constant 0 : i32
      %dma_start3A_93 = arith.constant 0 : i32
      %dma_start3A_94 = tpu.memref_slice %arg7[%dma_start3A_92, %dma_start3A_93] : memref<2560x16xf32, #tpu.memory_space<vmem>> -> memref<640x16xf32, #tpu.memory_space<vmem>>
      %dma_start3A_95 = arith.constant 0 : i32
      %dma_start3A_96 = tpu.memref_slice %arg9[%mul3A_76, %dma_start3A_95] : memref<10240x16xf32, #tpu.memory_space<vmem_shared>> -> memref<640x16xf32, #tpu.memory_space<vmem_shared>>
      tpu.enqueue_dma source(%dma_start3A_96 : memref<640x16xf32, #tpu.memory_space<vmem_shared>>) target(%dma_start3A_94 : memref<640x16xf32, #tpu.memory_space<vmem>>) target_semaphore(%run_scoped3A : memref<!tpu.dma_semaphore, #tpu.memory_space<semaphore_mem>>)
      %dma_wait3A = arith.constant 0 : i32
      %dma_wait3A_97 = arith.constant 0 : i32
      %dma_wait3A_98 = tpu.memref_slice %arg7[%dma_wait3A, %dma_wait3A_97] : memref<2560x16xf32, #tpu.memory_space<vmem>> -> memref<640x16xf32, #tpu.memory_space<vmem>>
      %dma_wait3A_99 = arith.constant 0 : i32
      %dma_wait3A_100 = tpu.memref_slice %arg9[%mul3A_76, %dma_wait3A_99] : memref<10240x16xf32, #tpu.memory_space<vmem_shared>> -> memref<640x16xf32, #tpu.memory_space<vmem_shared>>
      %dma_wait3A_101 = arith.constant 0 : i32
      %dma_wait3A_102 = arith.constant 0 : i32
      %dma_wait3A_103 = tpu.memref_slice %arg7[%dma_wait3A_101, %dma_wait3A_102] : memref<2560x16xf32, #tpu.memory_space<vmem>> -> memref<640x16xf32, #tpu.memory_space<vmem>>
      %dma_wait3A_104 = arith.constant 0 : i32
      %dma_wait3A_105 = tpu.memref_slice %arg9[%mul3A_76, %dma_wait3A_104] : memref<10240x16xf32, #tpu.memory_space<vmem_shared>> -> memref<640x16xf32, #tpu.memory_space<vmem_shared>>
      tpu.wait_dma2 semaphore(%run_scoped3A : memref<!tpu.dma_semaphore, #tpu.memory_space<semaphore_mem>>) src(%dma_wait3A_105 : memref<640x16xf32, #tpu.memory_space<vmem_shared>>) dst(%dma_wait3A_103 : memref<640x16xf32, #tpu.memory_space<vmem>>)
      tpu.yield
    }) : () -> ()
    %scan3A_77 = arith.constant 0 : i32
    %scan3A_78 = arith.constant 0 : i32
    %scan3A_79 = arith.constant 80 : i32
    %scan3A_80 = arith.addi %scan3A_78, %scan3A_79 : i32
    %scan3A_81 = arith.constant 1 : i32
    scf.for %scan3A_88 = %scan3A_78 to %scan3A_80 step %scan3A_81  : i32 {
      %mul3A_89 = arith.constant 8 : i32
      %mul3A_90 = arith.muli %scan3A_88, %mul3A_89 : i32
      %add3A_91 = arith.constant 0 : i32
      %add3A_92 = arith.addi %add3A_91, %mul3A_90 : i32
      %add3A_93 = arith.constant 0 : i32
      %add3A_94 = arith.addi %add3A_92, %add3A_93 : i32
      %get3A = arith.index_cast %add3A_94 : i32 to index
      %get3A_95 = arith.constant 0 : index
      %get3A_96 = tpu.vector_load %arg7[%get3A, %get3A_95] {strides = array<i32>} : memref<2560x16xf32, #tpu.memory_space<vmem>>, vector<1x16xf32>,
      %get3A_97 = vector.shape_cast %get3A_96 : vector<1x16xf32> to vector<16xf32>
      %swap3A = arith.index_cast %scan3A_88 : i32 to index
      %swap3A_98 = arith.constant 0 : index
      %swap3A_99 = tpu.vector_load %arg8[%swap3A, %swap3A_98] {strides = array<i32>} : memref<320x128xf32, #tpu.memory_space<vmem>>, vector<1x16xf32>,
      %swap3A_100 = vector.shape_cast %swap3A_99 : vector<1x16xf32> to vector<16xf32>
      %swap3A_101 = vector.shape_cast %get3A_97 : vector<16xf32> to vector<1x16xf32>
      tpu.vector_store %arg8[%swap3A, %swap3A_98], %swap3A_101 {strides = array<i32>} : memref<320x128xf32, #tpu.memory_space<vmem>>, vector<1x16xf32>,
      %mul3A_102 = arith.constant 8 : i32
      %mul3A_103 = arith.muli %scan3A_88, %mul3A_102 : i32
      %add3A_104 = arith.constant 0 : i32
      %add3A_105 = arith.addi %add3A_104, %mul3A_103 : i32
      %add3A_106 = arith.constant 1 : i32
      %add3A_107 = arith.addi %add3A_105, %add3A_106 : i32
      %get3A_108 = arith.index_cast %add3A_107 : i32 to index
      %get3A_109 = arith.constant 0 : index
      %get3A_110 = tpu.vector_load %arg7[%get3A_108, %get3A_109] {strides = array<i32>} : memref<2560x16xf32, #tpu.memory_space<vmem>>, vector<1x16xf32>,
      %get3A_111 = vector.shape_cast %get3A_110 : vector<1x16xf32> to vector<16xf32>
      %swap3A_112 = arith.index_cast %scan3A_88 : i32 to index
      %swap3A_113 = arith.constant 16 : index
      %swap3A_114 = tpu.vector_load %arg8[%swap3A_112, %swap3A_113] {strides = array<i32>} : memref<320x128xf32, #tpu.memory_space<vmem>>, vector<1x16xf32>,
      %swap3A_115 = vector.shape_cast %swap3A_114 : vector<1x16xf32> to vector<16xf32>
      %swap3A_116 = vector.shape_cast %get3A_111 : vector<16xf32> to vector<1x16xf32>
      tpu.vector_store %arg8[%swap3A_112, %swap3A_113], %swap3A_116 {strides = array<i32>} : memref<320x128xf32, #tpu.memory_space<vmem>>, vector<1x16xf32>,
      %mul3A_117 = arith.constant 8 : i32
      %mul3A_118 = arith.muli %scan3A_88, %mul3A_117 : i32
      %add3A_119 = arith.constant 0 : i32
      %add3A_120 = arith.addi %add3A_119, %mul3A_118 : i32
      %add3A_121 = arith.constant 2 : i32
      %add3A_122 = arith.addi %add3A_120, %add3A_121 : i32
      %get3A_123 = arith.index_cast %add3A_122 : i32 to index
      %get3A_124 = arith.constant 0 : index
      %get3A_125 = tpu.vector_load %arg7[%get3A_123, %get3A_124] {strides = array<i32>} : memref<2560x16xf32, #tpu.memory_space<vmem>>, vector<1x16xf32>,
      %get3A_126 = vector.shape_cast %get3A_125 : vector<1x16xf32> to vector<16xf32>
      %swap3A_127 = arith.index_cast %scan3A_88 : i32 to index
      %swap3A_128 = arith.constant 32 : index
      %swap3A_129 = tpu.vector_load %arg8[%swap3A_127, %swap3A_128] {strides = array<i32>} : memref<320x128xf32, #tpu.memory_space<vmem>>, vector<1x16xf32>,
      %swap3A_130 = vector.shape_cast %swap3A_129 : vector<1x16xf32> to vector<16xf32>
      %swap3A_131 = vector.shape_cast %get3A_126 : vector<16xf32> to vector<1x16xf32>
      tpu.vector_store %arg8[%swap3A_127, %swap3A_128], %swap3A_131 {strides = array<i32>} : memref<320x128xf32, #tpu.memory_space<vmem>>, vector<1x16xf32>,
      %mul3A_132 = arith.constant 8 : i32
      %mul3A_133 = arith.muli %scan3A_88, %mul3A_132 : i32
      %add3A_134 = arith.constant 0 : i32
      %add3A_135 = arith.addi %add3A_134, %mul3A_133 : i32
      %add3A_136 = arith.constant 3 : i32
      %add3A_137 = arith.addi %add3A_135, %add3A_136 : i32
      %get3A_138 = arith.index_cast %add3A_137 : i32 to index
      %get3A_139 = arith.constant 0 : index
      %get3A_140 = tpu.vector_load %arg7[%get3A_138, %get3A_139] {strides = array<i32>} : memref<2560x16xf32, #tpu.memory_space<vmem>>, vector<1x16xf32>,
      %get3A_141 = vector.shape_cast %get3A_140 : vector<1x16xf32> to vector<16xf32>
      %swap3A_142 = arith.index_cast %scan3A_88 : i32 to index
      %swap3A_143 = arith.constant 48 : index
      %swap3A_144 = tpu.vector_load %arg8[%swap3A_142, %swap3A_143] {strides = array<i32>} : memref<320x128xf32, #tpu.memory_space<vmem>>, vector<1x16xf32>,
      %swap3A_145 = vector.shape_cast %swap3A_144 : vector<1x16xf32> to vector<16xf32>
      %swap3A_146 = vector.shape_cast %get3A_141 : vector<16xf32> to vector<1x16xf32>
      tpu.vector_store %arg8[%swap3A_142, %swap3A_143], %swap3A_146 {strides = array<i32>} : memref<320x128xf32, #tpu.memory_space<vmem>>, vector<1x16xf32>,
      %mul3A_147 = arith.constant 8 : i32
      %mul3A_148 = arith.muli %scan3A_88, %mul3A_147 : i32
      %add3A_149 = arith.constant 0 : i32
      %add3A_150 = arith.addi %add3A_149, %mul3A_148 : i32
      %add3A_151 = arith.constant 4 : i32
      %add3A_152 = arith.addi %add3A_150, %add3A_151 : i32
      %get3A_153 = arith.index_cast %add3A_152 : i32 to index
      %get3A_154 = arith.constant 0 : index
      %get3A_155 = tpu.vector_load %arg7[%get3A_153, %get3A_154] {strides = array<i32>} : memref<2560x16xf32, #tpu.memory_space<vmem>>, vector<1x16xf32>,
      %get3A_156 = vector.shape_cast %get3A_155 : vector<1x16xf32> to vector<16xf32>
      %swap3A_157 = arith.index_cast %scan3A_88 : i32 to index
      %swap3A_158 = arith.constant 64 : index
      %swap3A_159 = tpu.vector_load %arg8[%swap3A_157, %swap3A_158] {strides = array<i32>} : memref<320x128xf32, #tpu.memory_space<vmem>>, vector<1x16xf32>,
      %swap3A_160 = vector.shape_cast %swap3A_159 : vector<1x16xf32> to vector<16xf32>
      %swap3A_161 = vector.shape_cast %get3A_156 : vector<16xf32> to vector<1x16xf32>
      tpu.vector_store %arg8[%swap3A_157, %swap3A_158], %swap3A_161 {strides = array<i32>} : memref<320x128xf32, #tpu.memory_space<vmem>>, vector<1x16xf32>,
      %mul3A_162 = arith.constant 8 : i32
      %mul3A_163 = arith.muli %scan3A_88, %mul3A_162 : i32
      %add3A_164 = arith.constant 0 : i32
      %add3A_165 = arith.addi %add3A_164, %mul3A_163 : i32
      %add3A_166 = arith.constant 5 : i32
      %add3A_167 = arith.addi %add3A_165, %add3A_166 : i32
      %get3A_168 = arith.index_cast %add3A_167 : i32 to index
      %get3A_169 = arith.constant 0 : index
      %get3A_170 = tpu.vector_load %arg7[%get3A_168, %get3A_169] {strides = array<i32>} : memref<2560x16xf32, #tpu.memory_space<vmem>>, vector<1x16xf32>,
      %get3A_171 = vector.shape_cast %get3A_170 : vector<1x16xf32> to vector<16xf32>
      %swap3A_172 = arith.index_cast %scan3A_88 : i32 to index
      %swap3A_173 = arith.constant 80 : index
      %swap3A_174 = tpu.vector_load %arg8[%swap3A_172, %swap3A_173] {strides = array<i32>} : memref<320x128xf32, #tpu.memory_space<vmem>>, vector<1x16xf32>,
      %swap3A_175 = vector.shape_cast %swap3A_174 : vector<1x16xf32> to vector<16xf32>
      %swap3A_176 = vector.shape_cast %get3A_171 : vector<16xf32> to vector<1x16xf32>
      tpu.vector_store %arg8[%swap3A_172, %swap3A_173], %swap3A_176 {strides = array<i32>} : memref<320x128xf32, #tpu.memory_space<vmem>>, vector<1x16xf32>,
      %mul3A_177 = arith.constant 8 : i32
      %mul3A_178 = arith.muli %scan3A_88, %mul3A_177 : i32
      %add3A_179 = arith.constant 0 : i32
      %add3A_180 = arith.addi %add3A_179, %mul3A_178 : i32
      %add3A_181 = arith.constant 6 : i32
      %add3A_182 = arith.addi %add3A_180, %add3A_181 : i32
      %get3A_183 = arith.index_cast %add3A_182 : i32 to index
      %get3A_184 = arith.constant 0 : index
      %get3A_185 = tpu.vector_load %arg7[%get3A_183, %get3A_184] {strides = array<i32>} : memref<2560x16xf32, #tpu.memory_space<vmem>>, vector<1x16xf32>,
      %get3A_186 = vector.shape_cast %get3A_185 : vector<1x16xf32> to vector<16xf32>
      %swap3A_187 = arith.index_cast %scan3A_88 : i32 to index
      %swap3A_188 = arith.constant 96 : index
      %swap3A_189 = tpu.vector_load %arg8[%swap3A_187, %swap3A_188] {strides = array<i32>} : memref<320x128xf32, #tpu.memory_space<vmem>>, vector<1x16xf32>,
      %swap3A_190 = vector.shape_cast %swap3A_189 : vector<1x16xf32> to vector<16xf32>
      %swap3A_191 = vector.shape_cast %get3A_186 : vector<16xf32> to vector<1x16xf32>
      tpu.vector_store %arg8[%swap3A_187, %swap3A_188], %swap3A_191 {strides = array<i32>} : memref<320x128xf32, #tpu.memory_space<vmem>>, vector<1x16xf32>,
      %mul3A_192 = arith.constant 8 : i32
      %mul3A_193 = arith.muli %scan3A_88, %mul3A_192 : i32
      %add3A_194 = arith.constant 0 : i32
      %add3A_195 = arith.addi %add3A_194, %mul3A_193 : i32
      %add3A_196 = arith.constant 7 : i32
      %add3A_197 = arith.addi %add3A_195, %add3A_196 : i32
      %get3A_198 = arith.index_cast %add3A_197 : i32 to index
      %get3A_199 = arith.constant 0 : index
      %get3A_200 = tpu.vector_load %arg7[%get3A_198, %get3A_199] {strides = array<i32>} : memref<2560x16xf32, #tpu.memory_space<vmem>>, vector<1x16xf32>,
      %get3A_201 = vector.shape_cast %get3A_200 : vector<1x16xf32> to vector<16xf32>
      %swap3A_202 = arith.index_cast %scan3A_88 : i32 to index
      %swap3A_203 = arith.constant 112 : index
      %swap3A_204 = tpu.vector_load %arg8[%swap3A_202, %swap3A_203] {strides = array<i32>} : memref<320x128xf32, #tpu.memory_space<vmem>>, vector<1x16xf32>,
      %swap3A_205 = vector.shape_cast %swap3A_204 : vector<1x16xf32> to vector<16xf32>
      %swap3A_206 = vector.shape_cast %get3A_201 : vector<16xf32> to vector<1x16xf32>
      tpu.vector_store %arg8[%swap3A_202, %swap3A_203], %swap3A_206 {strides = array<i32>} : memref<320x128xf32, #tpu.memory_space<vmem>>, vector<1x16xf32>,
    }
    %scan3A_82 = arith.constant 80 : i32
    %mul3A_83 = arith.constant 1280 : i32
    %mul3A_84 = arith.muli %arg0, %mul3A_83 : i32
    %mul3A_85 = arith.constant 80 : i32
    %mul3A_86 = arith.muli %arg1, %mul3A_85 : i32
    %add3A_87 = arith.addi %mul3A_84, %mul3A_86 : i32
    "tpu.region"() ({
      %run_scoped3A = tpu.sem_alloc : memref<!tpu.dma_semaphore, #tpu.memory_space<semaphore_mem>>
      %dma_start3A = arith.constant 0 : i32
      %dma_start3A_88 = arith.constant 0 : i32
      %dma_start3A_89 = tpu.memref_slice %arg8[%dma_start3A, %dma_start3A_88] : memref<320x128xf32, #tpu.memory_space<vmem>> -> memref<80x128xf32, #tpu.memory_space<vmem>>
      %dma_start3A_90 = arith.constant 0 : i32
      %dma_start3A_91 = tpu.memref_slice %arg5[%add3A_87, %dma_start3A_90] : memref<2560x128xf32, #tpu.memory_space<hbm>> -> memref<80x128xf32, #tpu.memory_space<hbm>>
      %dma_start3A_92 = arith.constant 0 : i32
      %dma_start3A_93 = tpu.memref_slice %arg5[%add3A_87, %dma_start3A_92] : memref<2560x128xf32, #tpu.memory_space<hbm>> -> memref<80x128xf32, #tpu.memory_space<hbm>>
      %dma_start3A_94 = arith.constant 0 : i32
      %dma_start3A_95 = arith.constant 0 : i32
      %dma_start3A_96 = tpu.memref_slice %arg8[%dma_start3A_94, %dma_start3A_95] : memref<320x128xf32, #tpu.memory_space<vmem>> -> memref<80x128xf32, #tpu.memory_space<vmem>>
      tpu.enqueue_dma source(%dma_start3A_96 : memref<80x128xf32, #tpu.memory_space<vmem>>) target(%dma_start3A_93 : memref<80x128xf32, #tpu.memory_space<hbm>>) target_semaphore(%run_scoped3A : memref<!tpu.dma_semaphore, #tpu.memory_space<semaphore_mem>>)
      %dma_wait3A = arith.constant 0 : i32
      %dma_wait3A_97 = arith.constant 0 : i32
      %dma_wait3A_98 = tpu.memref_slice %arg8[%dma_wait3A, %dma_wait3A_97] : memref<320x128xf32, #tpu.memory_space<vmem>> -> memref<80x128xf32, #tpu.memory_space<vmem>>
      %dma_wait3A_99 = arith.constant 0 : i32
      %dma_wait3A_100 = tpu.memref_slice %arg5[%add3A_87, %dma_wait3A_99] : memref<2560x128xf32, #tpu.memory_space<hbm>> -> memref<80x128xf32, #tpu.memory_space<hbm>>
      %dma_wait3A_101 = arith.constant 0 : i32
      %dma_wait3A_102 = tpu.memref_slice %arg5[%add3A_87, %dma_wait3A_101] : memref<2560x128xf32, #tpu.memory_space<hbm>> -> memref<80x128xf32, #tpu.memory_space<hbm>>
      %dma_wait3A_103 = arith.constant 0 : i32
      %dma_wait3A_104 = arith.constant 0 : i32
      %dma_wait3A_105 = tpu.memref_slice %arg8[%dma_wait3A_103, %dma_wait3A_104] : memref<320x128xf32, #tpu.memory_space<vmem>> -> memref<80x128xf32, #tpu.memory_space<vmem>>
      tpu.wait_dma2 semaphore(%run_scoped3A : memref<!tpu.dma_semaphore, #tpu.memory_space<semaphore_mem>>) src(%dma_wait3A_105 : memref<80x128xf32, #tpu.memory_space<vmem>>) dst(%dma_wait3A_102 : memref<80x128xf32, #tpu.memory_space<hbm>>)
      tpu.yield
    }) : () -> ()
    return
  }
}

#map = affine_map<(d0, d1) -> (0, 0)>
module attributes {stable_mosaic.version = 14 : i64} {
  func.func @_sc_count_body(%arg0: i32, %arg1: i32, %arg2: memref<1250x128xi32, #tpu.memory_space<hbm>>, %arg3: memref<640x16xf32, #tpu.memory_space<hbm>>, %arg4: memref<128x16xf32, #tpu.memory_space<hbm>>, %arg5: memref<2560x128xf32, #tpu.memory_space<hbm>>, %arg6: memref<40x128xi32, #tpu.memory_space<vmem>>, %arg7: memref<640x16xf32, #tpu.memory_space<vmem>>, %arg8: memref<80x128xf32, #tpu.memory_space<vmem>>, %arg9: memref<128x16xf32, #tpu.memory_space<vmem>>, %arg10: memref<10240x16xf32, #tpu.memory_space<vmem_shared>>, %arg11: memref<!tpu.dma_semaphore, #tpu.memory_space<semaphore_mem>>) attributes {dimension_semantics = [#tpu.dimension_semantics<core_parallel>, #tpu.dimension_semantics<subcore_parallel>], iteration_bounds = array<i64: 2, 16>, scalar_prefetch = 0 : i64, scratch_operands = 6 : i64, tpu.core_type = #tpu.core_type<sc_vector_subcore>, window_params = [{transform_indices = #map}, {transform_indices = #map}, {transform_indices = #map}, {transform_indices = #map}]} {
    %mul3A = arith.constant 2 : i32
    %mul3A_0 = arith.muli %arg1, %mul3A : i32
    %add3A = arith.addi %mul3A_0, %arg0 : i32
    %mul3A_1 = arith.constant 640 : i32
    %mul3A_2 = arith.muli %arg1, %mul3A_1 : i32
    "tpu.region"() ({
      %run_scoped3A = tpu.sem_alloc : memref<!tpu.dma_semaphore, #tpu.memory_space<semaphore_mem>>
      %dma_start3A = arith.constant 0 : i32
      %dma_start3A_40 = tpu.memref_slice %arg10[%mul3A_2, %dma_start3A] : memref<10240x16xf32, #tpu.memory_space<vmem_shared>> -> memref<640x16xf32, #tpu.memory_space<vmem_shared>>
      tpu.enqueue_dma source(%arg3 : memref<640x16xf32, #tpu.memory_space<hbm>>) target(%dma_start3A_40 : memref<640x16xf32, #tpu.memory_space<vmem_shared>>) target_semaphore(%run_scoped3A : memref<!tpu.dma_semaphore, #tpu.memory_space<semaphore_mem>>)
      %dma_wait3A = arith.constant 0 : i32
      %dma_wait3A_41 = tpu.memref_slice %arg10[%mul3A_2, %dma_wait3A] : memref<10240x16xf32, #tpu.memory_space<vmem_shared>> -> memref<640x16xf32, #tpu.memory_space<vmem_shared>>
      tpu.wait_dma2 semaphore(%run_scoped3A : memref<!tpu.dma_semaphore, #tpu.memory_space<semaphore_mem>>) src(%arg3 : memref<640x16xf32, #tpu.memory_space<hbm>>) dst(%dma_wait3A_41 : memref<640x16xf32, #tpu.memory_space<vmem_shared>>)
      tpu.yield
    }) : () -> ()
    "tpu.region"() ({
      %run_scoped3A = tpu.sem_alloc : memref<!tpu.dma_semaphore, #tpu.memory_space<semaphore_mem>>
      tpu.enqueue_dma source(%arg4 : memref<128x16xf32, #tpu.memory_space<hbm>>) target(%arg9 : memref<128x16xf32, #tpu.memory_space<vmem>>) target_semaphore(%run_scoped3A : memref<!tpu.dma_semaphore, #tpu.memory_space<semaphore_mem>>)
      tpu.wait_dma2 semaphore(%run_scoped3A : memref<!tpu.dma_semaphore, #tpu.memory_space<semaphore_mem>>) src(%arg4 : memref<128x16xf32, #tpu.memory_space<hbm>>) dst(%arg9 : memref<128x16xf32, #tpu.memory_space<vmem>>)
      tpu.yield
    }) : () -> ()
    %barrier3A = arith.constant 0 : index
    tpu.barrier barrier_id(%barrier3A)
    %scan3A = arith.constant 0 : i32
    %scan3A_3 = arith.constant 0 : i32
    %scan3A_4 = arith.constant 40 : i32
    %scan3A_5 = arith.addi %scan3A_3, %scan3A_4 : i32
    %scan3A_6 = arith.constant 1 : i32
    scf.for %scan3A_40 = %scan3A_3 to %scan3A_5 step %scan3A_6  : i32 {
      %mul3A_41 = arith.constant 32 : i32
      %mul3A_42 = arith.muli %mul3A_41, %scan3A_40 : i32
      %add3A_43 = arith.addi %add3A, %mul3A_42 : i32
      %lt3A = arith.constant 1250 : i32
      %lt3A_44 = arith.cmpi slt, %add3A_43, %lt3A : i32
      %convert_element_type3A = arith.extui %lt3A_44 : i1 to i32
      %cond3A = arith.constant 0 : i32
      %cond3A_45 = arith.cmpi ne, %convert_element_type3A, %cond3A : i32
      scf.if %cond3A_45 {
        %dma_start3A = arith.constant 0 : i32
        %dma_start3A_46 = tpu.memref_slice %arg6[%scan3A_40, %dma_start3A] : memref<40x128xi32, #tpu.memory_space<vmem>> -> memref<1x128xi32, #tpu.memory_space<vmem>>
        %dma_start3A_47 = tpu.memref_squeeze %dma_start3A_46 : memref<1x128xi32, #tpu.memory_space<vmem>> -> memref<128xi32, #tpu.memory_space<vmem>>
        %dma_start3A_48 = arith.constant 0 : i32
        %dma_start3A_49 = tpu.memref_slice %arg2[%add3A_43, %dma_start3A_48] : memref<1250x128xi32, #tpu.memory_space<hbm>> -> memref<1x128xi32, #tpu.memory_space<hbm>>
        %dma_start3A_50 = tpu.memref_squeeze %dma_start3A_49 : memref<1x128xi32, #tpu.memory_space<hbm>> -> memref<128xi32, #tpu.memory_space<hbm>>
        %dma_start3A_51 = arith.constant 0 : i32
        %dma_start3A_52 = tpu.memref_slice %arg6[%scan3A_40, %dma_start3A_51] : memref<40x128xi32, #tpu.memory_space<vmem>> -> memref<1x128xi32, #tpu.memory_space<vmem>>
        %dma_start3A_53 = tpu.memref_squeeze %dma_start3A_52 : memref<1x128xi32, #tpu.memory_space<vmem>> -> memref<128xi32, #tpu.memory_space<vmem>>
        %dma_start3A_54 = arith.constant 0 : i32
        %dma_start3A_55 = tpu.memref_slice %arg2[%add3A_43, %dma_start3A_54] : memref<1250x128xi32, #tpu.memory_space<hbm>> -> memref<1x128xi32, #tpu.memory_space<hbm>>
        %dma_start3A_56 = tpu.memref_squeeze %dma_start3A_55 : memref<1x128xi32, #tpu.memory_space<hbm>> -> memref<128xi32, #tpu.memory_space<hbm>>
        tpu.enqueue_dma source(%dma_start3A_56 : memref<128xi32, #tpu.memory_space<hbm>>) target(%dma_start3A_53 : memref<128xi32, #tpu.memory_space<vmem>>) target_semaphore(%arg11 : memref<!tpu.dma_semaphore, #tpu.memory_space<semaphore_mem>>)
      } else {
      }
    }
    %scan3A_7 = arith.constant 40 : i32
    %scan3A_8 = arith.constant 0 : i32
    %scan3A_9 = arith.constant 0 : i32
    %scan3A_10 = arith.constant 40 : i32
    %scan3A_11 = arith.addi %scan3A_9, %scan3A_10 : i32
    %scan3A_12 = arith.constant 1 : i32
    scf.for %scan3A_40 = %scan3A_9 to %scan3A_11 step %scan3A_12  : i32 {
      %mul3A_41 = arith.constant 32 : i32
      %mul3A_42 = arith.muli %mul3A_41, %scan3A_40 : i32
      %add3A_43 = arith.addi %add3A, %mul3A_42 : i32
      %lt3A = arith.constant 1250 : i32
      %lt3A_44 = arith.cmpi slt, %add3A_43, %lt3A : i32
      %convert_element_type3A = arith.extui %lt3A_44 : i1 to i32
      %cond3A = arith.constant 0 : i32
      %cond3A_45 = arith.cmpi ne, %convert_element_type3A, %cond3A : i32
      scf.if %cond3A_45 {
        %dma_wait3A = arith.constant 0 : i32
        %dma_wait3A_46 = tpu.memref_slice %arg6[%scan3A_40, %dma_wait3A] : memref<40x128xi32, #tpu.memory_space<vmem>> -> memref<1x128xi32, #tpu.memory_space<vmem>>
        %dma_wait3A_47 = tpu.memref_squeeze %dma_wait3A_46 : memref<1x128xi32, #tpu.memory_space<vmem>> -> memref<128xi32, #tpu.memory_space<vmem>>
        %dma_wait3A_48 = arith.constant 0 : i32
        %dma_wait3A_49 = tpu.memref_slice %arg2[%add3A_43, %dma_wait3A_48] : memref<1250x128xi32, #tpu.memory_space<hbm>> -> memref<1x128xi32, #tpu.memory_space<hbm>>
        %dma_wait3A_50 = tpu.memref_squeeze %dma_wait3A_49 : memref<1x128xi32, #tpu.memory_space<hbm>> -> memref<128xi32, #tpu.memory_space<hbm>>
        %dma_wait3A_51 = arith.constant 0 : i32
        %dma_wait3A_52 = tpu.memref_slice %arg6[%scan3A_40, %dma_wait3A_51] : memref<40x128xi32, #tpu.memory_space<vmem>> -> memref<1x128xi32, #tpu.memory_space<vmem>>
        %dma_wait3A_53 = tpu.memref_squeeze %dma_wait3A_52 : memref<1x128xi32, #tpu.memory_space<vmem>> -> memref<128xi32, #tpu.memory_space<vmem>>
        %dma_wait3A_54 = arith.constant 0 : i32
        %dma_wait3A_55 = tpu.memref_slice %arg2[%add3A_43, %dma_wait3A_54] : memref<1250x128xi32, #tpu.memory_space<hbm>> -> memref<1x128xi32, #tpu.memory_space<hbm>>
        %dma_wait3A_56 = tpu.memref_squeeze %dma_wait3A_55 : memref<1x128xi32, #tpu.memory_space<hbm>> -> memref<128xi32, #tpu.memory_space<hbm>>
        tpu.wait_dma2 semaphore(%arg11 : memref<!tpu.dma_semaphore, #tpu.memory_space<semaphore_mem>>) src(%dma_wait3A_56 : memref<128xi32, #tpu.memory_space<hbm>>) dst(%dma_wait3A_53 : memref<128xi32, #tpu.memory_space<vmem>>)
      } else {
      }
    }
    %scan3A_13 = arith.constant 40 : i32
    %scan3A_14 = arith.constant 0 : i32
    %scan3A_15 = arith.constant 0 : i32
    %scan3A_16 = arith.constant 40 : i32
    %scan3A_17 = arith.addi %scan3A_15, %scan3A_16 : i32
    %scan3A_18 = arith.constant 1 : i32
    scf.for %scan3A_40 = %scan3A_15 to %scan3A_17 step %scan3A_18  : i32 {
      %mul3A_41 = arith.constant 32 : i32
      %mul3A_42 = arith.muli %mul3A_41, %scan3A_40 : i32
      %add3A_43 = arith.addi %add3A, %mul3A_42 : i32
      %lt3A = arith.constant 1250 : i32
      %lt3A_44 = arith.cmpi slt, %add3A_43, %lt3A : i32
      %convert_element_type3A = arith.extui %lt3A_44 : i1 to i32
      %cond3A = arith.constant 0 : i32
      %cond3A_45 = arith.cmpi ne, %convert_element_type3A, %cond3A : i32
      scf.if %cond3A_45 {
        %dma_start3A = arith.constant 0 : i32
        %dma_start3A_46 = tpu.memref_slice %arg6[%scan3A_40, %dma_start3A] : memref<40x128xi32, #tpu.memory_space<vmem>> -> memref<1x128xi32, #tpu.memory_space<vmem>>
        %dma_start3A_47 = tpu.memref_squeeze %dma_start3A_46 : memref<1x128xi32, #tpu.memory_space<vmem>> -> memref<128xi32, #tpu.memory_space<vmem>>
        %dma_start3A_48 = arith.constant 0 : i32
        %dma_start3A_49 = arith.constant 0 : i32
        %dma_start3A_50 = tpu.memref_slice %arg10[%dma_start3A_48, %dma_start3A_49] : memref<10240x16xf32, #tpu.memory_space<vmem_shared>> -> memref<10240x16xf32, #tpu.memory_space<vmem_shared>>
        tpu.enqueue_indirect_dma source(%arg9 : memref<128x16xf32, #tpu.memory_space<vmem>>) target(%dma_start3A_50 : memref<10240x16xf32, #tpu.memory_space<vmem_shared>>) offsets(%dma_start3A_47 : memref<128xi32, #tpu.memory_space<vmem>>) semaphore(%arg11 : memref<!tpu.dma_semaphore, #tpu.memory_space<semaphore_mem>>) {add = true}
      } else {
      }
    }
    %scan3A_19 = arith.constant 40 : i32
    %scan3A_20 = arith.constant 0 : i32
    %scan3A_21 = arith.constant 0 : i32
    %scan3A_22 = arith.constant 40 : i32
    %scan3A_23 = arith.addi %scan3A_21, %scan3A_22 : i32
    %scan3A_24 = arith.constant 1 : i32
    scf.for %scan3A_40 = %scan3A_21 to %scan3A_23 step %scan3A_24  : i32 {
      %mul3A_41 = arith.constant 32 : i32
      %mul3A_42 = arith.muli %mul3A_41, %scan3A_40 : i32
      %add3A_43 = arith.addi %add3A, %mul3A_42 : i32
      %lt3A = arith.constant 1250 : i32
      %lt3A_44 = arith.cmpi slt, %add3A_43, %lt3A : i32
      %convert_element_type3A = arith.extui %lt3A_44 : i1 to i32
      %cond3A = arith.constant 0 : i32
      %cond3A_45 = arith.cmpi ne, %convert_element_type3A, %cond3A : i32
      scf.if %cond3A_45 {
        %dma_wait3A = arith.constant 0 : i32
        %dma_wait3A_46 = tpu.memref_slice %arg6[%scan3A_40, %dma_wait3A] : memref<40x128xi32, #tpu.memory_space<vmem>> -> memref<1x128xi32, #tpu.memory_space<vmem>>
        %dma_wait3A_47 = tpu.memref_squeeze %dma_wait3A_46 : memref<1x128xi32, #tpu.memory_space<vmem>> -> memref<128xi32, #tpu.memory_space<vmem>>
        %dma_wait3A_48 = arith.constant 0 : i32
        %dma_wait3A_49 = arith.constant 0 : i32
        %dma_wait3A_50 = tpu.memref_slice %arg10[%dma_wait3A_48, %dma_wait3A_49] : memref<10240x16xf32, #tpu.memory_space<vmem_shared>> -> memref<10240x16xf32, #tpu.memory_space<vmem_shared>>
        tpu.wait_indirect_dma semaphore(%arg11 : memref<!tpu.dma_semaphore, #tpu.memory_space<semaphore_mem>>) src(%arg9 : memref<128x16xf32, #tpu.memory_space<vmem>>) dst(%dma_wait3A_50 : memref<10240x16xf32, #tpu.memory_space<vmem_shared>>)
      } else {
      }
    }
    %scan3A_25 = arith.constant 40 : i32
    %barrier3A_26 = arith.constant 0 : index
    tpu.barrier barrier_id(%barrier3A_26)
    %mul3A_27 = arith.constant 640 : i32
    %mul3A_28 = arith.muli %arg1, %mul3A_27 : i32
    "tpu.region"() ({
      %run_scoped3A = tpu.sem_alloc : memref<!tpu.dma_semaphore, #tpu.memory_space<semaphore_mem>>
      %dma_start3A = arith.constant 0 : i32
      %dma_start3A_40 = arith.constant 0 : i32
      %dma_start3A_41 = tpu.memref_slice %arg7[%dma_start3A, %dma_start3A_40] : memref<640x16xf32, #tpu.memory_space<vmem>> -> memref<640x16xf32, #tpu.memory_space<vmem>>
      %dma_start3A_42 = arith.constant 0 : i32
      %dma_start3A_43 = tpu.memref_slice %arg10[%mul3A_28, %dma_start3A_42] : memref<10240x16xf32, #tpu.memory_space<vmem_shared>> -> memref<640x16xf32, #tpu.memory_space<vmem_shared>>
      %dma_start3A_44 = arith.constant 0 : i32
      %dma_start3A_45 = arith.constant 0 : i32
      %dma_start3A_46 = tpu.memref_slice %arg7[%dma_start3A_44, %dma_start3A_45] : memref<640x16xf32, #tpu.memory_space<vmem>> -> memref<640x16xf32, #tpu.memory_space<vmem>>
      %dma_start3A_47 = arith.constant 0 : i32
      %dma_start3A_48 = tpu.memref_slice %arg10[%mul3A_28, %dma_start3A_47] : memref<10240x16xf32, #tpu.memory_space<vmem_shared>> -> memref<640x16xf32, #tpu.memory_space<vmem_shared>>
      tpu.enqueue_dma source(%dma_start3A_48 : memref<640x16xf32, #tpu.memory_space<vmem_shared>>) target(%dma_start3A_46 : memref<640x16xf32, #tpu.memory_space<vmem>>) target_semaphore(%run_scoped3A : memref<!tpu.dma_semaphore, #tpu.memory_space<semaphore_mem>>)
      %dma_wait3A = arith.constant 0 : i32
      %dma_wait3A_49 = arith.constant 0 : i32
      %dma_wait3A_50 = tpu.memref_slice %arg7[%dma_wait3A, %dma_wait3A_49] : memref<640x16xf32, #tpu.memory_space<vmem>> -> memref<640x16xf32, #tpu.memory_space<vmem>>
      %dma_wait3A_51 = arith.constant 0 : i32
      %dma_wait3A_52 = tpu.memref_slice %arg10[%mul3A_28, %dma_wait3A_51] : memref<10240x16xf32, #tpu.memory_space<vmem_shared>> -> memref<640x16xf32, #tpu.memory_space<vmem_shared>>
      %dma_wait3A_53 = arith.constant 0 : i32
      %dma_wait3A_54 = arith.constant 0 : i32
      %dma_wait3A_55 = tpu.memref_slice %arg7[%dma_wait3A_53, %dma_wait3A_54] : memref<640x16xf32, #tpu.memory_space<vmem>> -> memref<640x16xf32, #tpu.memory_space<vmem>>
      %dma_wait3A_56 = arith.constant 0 : i32
      %dma_wait3A_57 = tpu.memref_slice %arg10[%mul3A_28, %dma_wait3A_56] : memref<10240x16xf32, #tpu.memory_space<vmem_shared>> -> memref<640x16xf32, #tpu.memory_space<vmem_shared>>
      tpu.wait_dma2 semaphore(%run_scoped3A : memref<!tpu.dma_semaphore, #tpu.memory_space<semaphore_mem>>) src(%dma_wait3A_57 : memref<640x16xf32, #tpu.memory_space<vmem_shared>>) dst(%dma_wait3A_55 : memref<640x16xf32, #tpu.memory_space<vmem>>)
      tpu.yield
    }) : () -> ()
    %scan3A_29 = arith.constant 0 : i32
    %scan3A_30 = arith.constant 0 : i32
    %scan3A_31 = arith.constant 80 : i32
    %scan3A_32 = arith.addi %scan3A_30, %scan3A_31 : i32
    %scan3A_33 = arith.constant 1 : i32
    scf.for %scan3A_40 = %scan3A_30 to %scan3A_32 step %scan3A_33  : i32 {
      %mul3A_41 = arith.constant 8 : i32
      %mul3A_42 = arith.muli %scan3A_40, %mul3A_41 : i32
      %add3A_43 = arith.constant 0 : i32
      %add3A_44 = arith.addi %add3A_43, %mul3A_42 : i32
      %add3A_45 = arith.constant 0 : i32
      %add3A_46 = arith.addi %add3A_44, %add3A_45 : i32
      %get3A = arith.index_cast %add3A_46 : i32 to index
      %get3A_47 = arith.constant 0 : index
      %get3A_48 = tpu.vector_load %arg7[%get3A, %get3A_47] {strides = array<i32>} : memref<640x16xf32, #tpu.memory_space<vmem>>, vector<1x16xf32>,
      %get3A_49 = vector.shape_cast %get3A_48 : vector<1x16xf32> to vector<16xf32>
      %swap3A = arith.index_cast %scan3A_40 : i32 to index
      %swap3A_50 = arith.constant 0 : index
      %swap3A_51 = tpu.vector_load %arg8[%swap3A, %swap3A_50] {strides = array<i32>} : memref<80x128xf32, #tpu.memory_space<vmem>>, vector<1x16xf32>,
      %swap3A_52 = vector.shape_cast %swap3A_51 : vector<1x16xf32> to vector<16xf32>
      %swap3A_53 = vector.shape_cast %get3A_49 : vector<16xf32> to vector<1x16xf32>
      tpu.vector_store %arg8[%swap3A, %swap3A_50], %swap3A_53 {strides = array<i32>} : memref<80x128xf32, #tpu.memory_space<vmem>>, vector<1x16xf32>,
      %mul3A_54 = arith.constant 8 : i32
      %mul3A_55 = arith.muli %scan3A_40, %mul3A_54 : i32
      %add3A_56 = arith.constant 0 : i32
      %add3A_57 = arith.addi %add3A_56, %mul3A_55 : i32
      %add3A_58 = arith.constant 1 : i32
      %add3A_59 = arith.addi %add3A_57, %add3A_58 : i32
      %get3A_60 = arith.index_cast %add3A_59 : i32 to index
      %get3A_61 = arith.constant 0 : index
      %get3A_62 = tpu.vector_load %arg7[%get3A_60, %get3A_61] {strides = array<i32>} : memref<640x16xf32, #tpu.memory_space<vmem>>, vector<1x16xf32>,
      %get3A_63 = vector.shape_cast %get3A_62 : vector<1x16xf32> to vector<16xf32>
      %swap3A_64 = arith.index_cast %scan3A_40 : i32 to index
      %swap3A_65 = arith.constant 16 : index
      %swap3A_66 = tpu.vector_load %arg8[%swap3A_64, %swap3A_65] {strides = array<i32>} : memref<80x128xf32, #tpu.memory_space<vmem>>, vector<1x16xf32>,
      %swap3A_67 = vector.shape_cast %swap3A_66 : vector<1x16xf32> to vector<16xf32>
      %swap3A_68 = vector.shape_cast %get3A_63 : vector<16xf32> to vector<1x16xf32>
      tpu.vector_store %arg8[%swap3A_64, %swap3A_65], %swap3A_68 {strides = array<i32>} : memref<80x128xf32, #tpu.memory_space<vmem>>, vector<1x16xf32>,
      %mul3A_69 = arith.constant 8 : i32
      %mul3A_70 = arith.muli %scan3A_40, %mul3A_69 : i32
      %add3A_71 = arith.constant 0 : i32
      %add3A_72 = arith.addi %add3A_71, %mul3A_70 : i32
      %add3A_73 = arith.constant 2 : i32
      %add3A_74 = arith.addi %add3A_72, %add3A_73 : i32
      %get3A_75 = arith.index_cast %add3A_74 : i32 to index
      %get3A_76 = arith.constant 0 : index
      %get3A_77 = tpu.vector_load %arg7[%get3A_75, %get3A_76] {strides = array<i32>} : memref<640x16xf32, #tpu.memory_space<vmem>>, vector<1x16xf32>,
      %get3A_78 = vector.shape_cast %get3A_77 : vector<1x16xf32> to vector<16xf32>
      %swap3A_79 = arith.index_cast %scan3A_40 : i32 to index
      %swap3A_80 = arith.constant 32 : index
      %swap3A_81 = tpu.vector_load %arg8[%swap3A_79, %swap3A_80] {strides = array<i32>} : memref<80x128xf32, #tpu.memory_space<vmem>>, vector<1x16xf32>,
      %swap3A_82 = vector.shape_cast %swap3A_81 : vector<1x16xf32> to vector<16xf32>
      %swap3A_83 = vector.shape_cast %get3A_78 : vector<16xf32> to vector<1x16xf32>
      tpu.vector_store %arg8[%swap3A_79, %swap3A_80], %swap3A_83 {strides = array<i32>} : memref<80x128xf32, #tpu.memory_space<vmem>>, vector<1x16xf32>,
      %mul3A_84 = arith.constant 8 : i32
      %mul3A_85 = arith.muli %scan3A_40, %mul3A_84 : i32
      %add3A_86 = arith.constant 0 : i32
      %add3A_87 = arith.addi %add3A_86, %mul3A_85 : i32
      %add3A_88 = arith.constant 3 : i32
      %add3A_89 = arith.addi %add3A_87, %add3A_88 : i32
      %get3A_90 = arith.index_cast %add3A_89 : i32 to index
      %get3A_91 = arith.constant 0 : index
      %get3A_92 = tpu.vector_load %arg7[%get3A_90, %get3A_91] {strides = array<i32>} : memref<640x16xf32, #tpu.memory_space<vmem>>, vector<1x16xf32>,
      %get3A_93 = vector.shape_cast %get3A_92 : vector<1x16xf32> to vector<16xf32>
      %swap3A_94 = arith.index_cast %scan3A_40 : i32 to index
      %swap3A_95 = arith.constant 48 : index
      %swap3A_96 = tpu.vector_load %arg8[%swap3A_94, %swap3A_95] {strides = array<i32>} : memref<80x128xf32, #tpu.memory_space<vmem>>, vector<1x16xf32>,
      %swap3A_97 = vector.shape_cast %swap3A_96 : vector<1x16xf32> to vector<16xf32>
      %swap3A_98 = vector.shape_cast %get3A_93 : vector<16xf32> to vector<1x16xf32>
      tpu.vector_store %arg8[%swap3A_94, %swap3A_95], %swap3A_98 {strides = array<i32>} : memref<80x128xf32, #tpu.memory_space<vmem>>, vector<1x16xf32>,
      %mul3A_99 = arith.constant 8 : i32
      %mul3A_100 = arith.muli %scan3A_40, %mul3A_99 : i32
      %add3A_101 = arith.constant 0 : i32
      %add3A_102 = arith.addi %add3A_101, %mul3A_100 : i32
      %add3A_103 = arith.constant 4 : i32
      %add3A_104 = arith.addi %add3A_102, %add3A_103 : i32
      %get3A_105 = arith.index_cast %add3A_104 : i32 to index
      %get3A_106 = arith.constant 0 : index
      %get3A_107 = tpu.vector_load %arg7[%get3A_105, %get3A_106] {strides = array<i32>} : memref<640x16xf32, #tpu.memory_space<vmem>>, vector<1x16xf32>,
      %get3A_108 = vector.shape_cast %get3A_107 : vector<1x16xf32> to vector<16xf32>
      %swap3A_109 = arith.index_cast %scan3A_40 : i32 to index
      %swap3A_110 = arith.constant 64 : index
      %swap3A_111 = tpu.vector_load %arg8[%swap3A_109, %swap3A_110] {strides = array<i32>} : memref<80x128xf32, #tpu.memory_space<vmem>>, vector<1x16xf32>,
      %swap3A_112 = vector.shape_cast %swap3A_111 : vector<1x16xf32> to vector<16xf32>
      %swap3A_113 = vector.shape_cast %get3A_108 : vector<16xf32> to vector<1x16xf32>
      tpu.vector_store %arg8[%swap3A_109, %swap3A_110], %swap3A_113 {strides = array<i32>} : memref<80x128xf32, #tpu.memory_space<vmem>>, vector<1x16xf32>,
      %mul3A_114 = arith.constant 8 : i32
      %mul3A_115 = arith.muli %scan3A_40, %mul3A_114 : i32
      %add3A_116 = arith.constant 0 : i32
      %add3A_117 = arith.addi %add3A_116, %mul3A_115 : i32
      %add3A_118 = arith.constant 5 : i32
      %add3A_119 = arith.addi %add3A_117, %add3A_118 : i32
      %get3A_120 = arith.index_cast %add3A_119 : i32 to index
      %get3A_121 = arith.constant 0 : index
      %get3A_122 = tpu.vector_load %arg7[%get3A_120, %get3A_121] {strides = array<i32>} : memref<640x16xf32, #tpu.memory_space<vmem>>, vector<1x16xf32>,
      %get3A_123 = vector.shape_cast %get3A_122 : vector<1x16xf32> to vector<16xf32>
      %swap3A_124 = arith.index_cast %scan3A_40 : i32 to index
      %swap3A_125 = arith.constant 80 : index
      %swap3A_126 = tpu.vector_load %arg8[%swap3A_124, %swap3A_125] {strides = array<i32>} : memref<80x128xf32, #tpu.memory_space<vmem>>, vector<1x16xf32>,
      %swap3A_127 = vector.shape_cast %swap3A_126 : vector<1x16xf32> to vector<16xf32>
      %swap3A_128 = vector.shape_cast %get3A_123 : vector<16xf32> to vector<1x16xf32>
      tpu.vector_store %arg8[%swap3A_124, %swap3A_125], %swap3A_128 {strides = array<i32>} : memref<80x128xf32, #tpu.memory_space<vmem>>, vector<1x16xf32>,
      %mul3A_129 = arith.constant 8 : i32
      %mul3A_130 = arith.muli %scan3A_40, %mul3A_129 : i32
      %add3A_131 = arith.constant 0 : i32
      %add3A_132 = arith.addi %add3A_131, %mul3A_130 : i32
      %add3A_133 = arith.constant 6 : i32
      %add3A_134 = arith.addi %add3A_132, %add3A_133 : i32
      %get3A_135 = arith.index_cast %add3A_134 : i32 to index
      %get3A_136 = arith.constant 0 : index
      %get3A_137 = tpu.vector_load %arg7[%get3A_135, %get3A_136] {strides = array<i32>} : memref<640x16xf32, #tpu.memory_space<vmem>>, vector<1x16xf32>,
      %get3A_138 = vector.shape_cast %get3A_137 : vector<1x16xf32> to vector<16xf32>
      %swap3A_139 = arith.index_cast %scan3A_40 : i32 to index
      %swap3A_140 = arith.constant 96 : index
      %swap3A_141 = tpu.vector_load %arg8[%swap3A_139, %swap3A_140] {strides = array<i32>} : memref<80x128xf32, #tpu.memory_space<vmem>>, vector<1x16xf32>,
      %swap3A_142 = vector.shape_cast %swap3A_141 : vector<1x16xf32> to vector<16xf32>
      %swap3A_143 = vector.shape_cast %get3A_138 : vector<16xf32> to vector<1x16xf32>
      tpu.vector_store %arg8[%swap3A_139, %swap3A_140], %swap3A_143 {strides = array<i32>} : memref<80x128xf32, #tpu.memory_space<vmem>>, vector<1x16xf32>,
      %mul3A_144 = arith.constant 8 : i32
      %mul3A_145 = arith.muli %scan3A_40, %mul3A_144 : i32
      %add3A_146 = arith.constant 0 : i32
      %add3A_147 = arith.addi %add3A_146, %mul3A_145 : i32
      %add3A_148 = arith.constant 7 : i32
      %add3A_149 = arith.addi %add3A_147, %add3A_148 : i32
      %get3A_150 = arith.index_cast %add3A_149 : i32 to index
      %get3A_151 = arith.constant 0 : index
      %get3A_152 = tpu.vector_load %arg7[%get3A_150, %get3A_151] {strides = array<i32>} : memref<640x16xf32, #tpu.memory_space<vmem>>, vector<1x16xf32>,
      %get3A_153 = vector.shape_cast %get3A_152 : vector<1x16xf32> to vector<16xf32>
      %swap3A_154 = arith.index_cast %scan3A_40 : i32 to index
      %swap3A_155 = arith.constant 112 : index
      %swap3A_156 = tpu.vector_load %arg8[%swap3A_154, %swap3A_155] {strides = array<i32>} : memref<80x128xf32, #tpu.memory_space<vmem>>, vector<1x16xf32>,
      %swap3A_157 = vector.shape_cast %swap3A_156 : vector<1x16xf32> to vector<16xf32>
      %swap3A_158 = vector.shape_cast %get3A_153 : vector<16xf32> to vector<1x16xf32>
      tpu.vector_store %arg8[%swap3A_154, %swap3A_155], %swap3A_158 {strides = array<i32>} : memref<80x128xf32, #tpu.memory_space<vmem>>, vector<1x16xf32>,
    }
    %scan3A_34 = arith.constant 80 : i32
    %mul3A_35 = arith.constant 1280 : i32
    %mul3A_36 = arith.muli %arg0, %mul3A_35 : i32
    %mul3A_37 = arith.constant 80 : i32
    %mul3A_38 = arith.muli %arg1, %mul3A_37 : i32
    %add3A_39 = arith.addi %mul3A_36, %mul3A_38 : i32
    "tpu.region"() ({
      %run_scoped3A = tpu.sem_alloc : memref<!tpu.dma_semaphore, #tpu.memory_space<semaphore_mem>>
      %dma_start3A = arith.constant 0 : i32
      %dma_start3A_40 = arith.constant 0 : i32
      %dma_start3A_41 = tpu.memref_slice %arg8[%dma_start3A, %dma_start3A_40] : memref<80x128xf32, #tpu.memory_space<vmem>> -> memref<80x128xf32, #tpu.memory_space<vmem>>
      %dma_start3A_42 = arith.constant 0 : i32
      %dma_start3A_43 = tpu.memref_slice %arg5[%add3A_39, %dma_start3A_42] : memref<2560x128xf32, #tpu.memory_space<hbm>> -> memref<80x128xf32, #tpu.memory_space<hbm>>
      %dma_start3A_44 = arith.constant 0 : i32
      %dma_start3A_45 = tpu.memref_slice %arg5[%add3A_39, %dma_start3A_44] : memref<2560x128xf32, #tpu.memory_space<hbm>> -> memref<80x128xf32, #tpu.memory_space<hbm>>
      %dma_start3A_46 = arith.constant 0 : i32
      %dma_start3A_47 = arith.constant 0 : i32
      %dma_start3A_48 = tpu.memref_slice %arg8[%dma_start3A_46, %dma_start3A_47] : memref<80x128xf32, #tpu.memory_space<vmem>> -> memref<80x128xf32, #tpu.memory_space<vmem>>
      tpu.enqueue_dma source(%dma_start3A_48 : memref<80x128xf32, #tpu.memory_space<vmem>>) target(%dma_start3A_45 : memref<80x128xf32, #tpu.memory_space<hbm>>) target_semaphore(%run_scoped3A : memref<!tpu.dma_semaphore, #tpu.memory_space<semaphore_mem>>)
      %dma_wait3A = arith.constant 0 : i32
      %dma_wait3A_49 = arith.constant 0 : i32
      %dma_wait3A_50 = tpu.memref_slice %arg8[%dma_wait3A, %dma_wait3A_49] : memref<80x128xf32, #tpu.memory_space<vmem>> -> memref<80x128xf32, #tpu.memory_space<vmem>>
      %dma_wait3A_51 = arith.constant 0 : i32
      %dma_wait3A_52 = tpu.memref_slice %arg5[%add3A_39, %dma_wait3A_51] : memref<2560x128xf32, #tpu.memory_space<hbm>> -> memref<80x128xf32, #tpu.memory_space<hbm>>
      %dma_wait3A_53 = arith.constant 0 : i32
      %dma_wait3A_54 = tpu.memref_slice %arg5[%add3A_39, %dma_wait3A_53] : memref<2560x128xf32, #tpu.memory_space<hbm>> -> memref<80x128xf32, #tpu.memory_space<hbm>>
      %dma_wait3A_55 = arith.constant 0 : i32
      %dma_wait3A_56 = arith.constant 0 : i32
      %dma_wait3A_57 = tpu.memref_slice %arg8[%dma_wait3A_55, %dma_wait3A_56] : memref<80x128xf32, #tpu.memory_space<vmem>> -> memref<80x128xf32, #tpu.memory_space<vmem>>
      tpu.wait_dma2 semaphore(%run_scoped3A : memref<!tpu.dma_semaphore, #tpu.memory_space<semaphore_mem>>) src(%dma_wait3A_57 : memref<80x128xf32, #tpu.memory_space<vmem>>) dst(%dma_wait3A_54 : memref<80x128xf32, #tpu.memory_space<hbm>>)
      tpu.yield
    }) : () -> ()
    return
  }
}

#map = affine_map<(d0, d1) -> (0, 0)>
module attributes {stable_mosaic.version = 14 : i64} {
  func.func @_sc_scatter_body(%arg0: i32, %arg1: i32, %arg2: memref<1250x128xi32, #tpu.memory_space<hbm>>, %arg3: memref<20000x128xf32, #tpu.memory_space<hbm>>, %arg4: memref<640x16xf32, #tpu.memory_space<hbm>>, %arg5: memref<2560x128xf32, #tpu.memory_space<hbm>>, %arg6: memref<40x128xi32, #tpu.memory_space<vmem>>, %arg7: memref<2560x16xf32, #tpu.memory_space<vmem>>, %arg8: memref<320x128xf32, #tpu.memory_space<vmem>>, %arg9: memref<10240x16xf32, #tpu.memory_space<vmem_shared>>, %arg10: memref<!tpu.dma_semaphore, #tpu.memory_space<semaphore_mem>>, %arg11: memref<!tpu.dma_semaphore, #tpu.memory_space<semaphore_mem>>) attributes {dimension_semantics = [#tpu.dimension_semantics<core_parallel>, #tpu.dimension_semantics<subcore_parallel>], iteration_bounds = array<i64: 2, 16>, scalar_prefetch = 0 : i64, scratch_operands = 6 : i64, tpu.core_type = #tpu.core_type<sc_vector_subcore>, window_params = [{transform_indices = #map}, {transform_indices = #map}, {transform_indices = #map}, {transform_indices = #map}]} {
    %mul3A = arith.constant 2 : i32
    %mul3A_0 = arith.muli %arg1, %mul3A : i32
    %add3A = arith.addi %mul3A_0, %arg0 : i32
    %mul3A_1 = arith.constant 640 : i32
    %mul3A_2 = arith.muli %arg1, %mul3A_1 : i32
    "tpu.region"() ({
      %run_scoped3A = tpu.sem_alloc : memref<!tpu.dma_semaphore, #tpu.memory_space<semaphore_mem>>
      %dma_start3A = arith.constant 0 : i32
      %dma_start3A_88 = tpu.memref_slice %arg9[%mul3A_2, %dma_start3A] : memref<10240x16xf32, #tpu.memory_space<vmem_shared>> -> memref<640x16xf32, #tpu.memory_space<vmem_shared>>
      tpu.enqueue_dma source(%arg4 : memref<640x16xf32, #tpu.memory_space<hbm>>) target(%dma_start3A_88 : memref<640x16xf32, #tpu.memory_space<vmem_shared>>) target_semaphore(%run_scoped3A : memref<!tpu.dma_semaphore, #tpu.memory_space<semaphore_mem>>)
      %dma_wait3A = arith.constant 0 : i32
      %dma_wait3A_89 = tpu.memref_slice %arg9[%mul3A_2, %dma_wait3A] : memref<10240x16xf32, #tpu.memory_space<vmem_shared>> -> memref<640x16xf32, #tpu.memory_space<vmem_shared>>
      tpu.wait_dma2 semaphore(%run_scoped3A : memref<!tpu.dma_semaphore, #tpu.memory_space<semaphore_mem>>) src(%arg4 : memref<640x16xf32, #tpu.memory_space<hbm>>) dst(%dma_wait3A_89 : memref<640x16xf32, #tpu.memory_space<vmem_shared>>)
      tpu.yield
    }) : () -> ()
    %barrier3A = arith.constant 0 : index
    tpu.barrier barrier_id(%barrier3A)
    %scan3A = arith.constant 0 : i32
    %scan3A_3 = arith.constant 0 : i32
    %scan3A_4 = arith.constant 40 : i32
    %scan3A_5 = arith.addi %scan3A_3, %scan3A_4 : i32
    %scan3A_6 = arith.constant 1 : i32
    scf.for %scan3A_88 = %scan3A_3 to %scan3A_5 step %scan3A_6  : i32 {
      %mul3A_89 = arith.constant 32 : i32
      %mul3A_90 = arith.muli %mul3A_89, %scan3A_88 : i32
      %add3A_91 = arith.addi %add3A, %mul3A_90 : i32
      %lt3A = arith.constant 1250 : i32
      %lt3A_92 = arith.cmpi slt, %add3A_91, %lt3A : i32
      %convert_element_type3A = arith.extui %lt3A_92 : i1 to i32
      %cond3A = arith.constant 0 : i32
      %cond3A_93 = arith.cmpi ne, %convert_element_type3A, %cond3A : i32
      scf.if %cond3A_93 {
        %dma_start3A = arith.constant 0 : i32
        %dma_start3A_94 = tpu.memref_slice %arg6[%scan3A_88, %dma_start3A] : memref<40x128xi32, #tpu.memory_space<vmem>> -> memref<1x128xi32, #tpu.memory_space<vmem>>
        %dma_start3A_95 = tpu.memref_squeeze %dma_start3A_94 : memref<1x128xi32, #tpu.memory_space<vmem>> -> memref<128xi32, #tpu.memory_space<vmem>>
        %dma_start3A_96 = arith.constant 0 : i32
        %dma_start3A_97 = tpu.memref_slice %arg2[%add3A_91, %dma_start3A_96] : memref<1250x128xi32, #tpu.memory_space<hbm>> -> memref<1x128xi32, #tpu.memory_space<hbm>>
        %dma_start3A_98 = tpu.memref_squeeze %dma_start3A_97 : memref<1x128xi32, #tpu.memory_space<hbm>> -> memref<128xi32, #tpu.memory_space<hbm>>
        %dma_start3A_99 = arith.constant 0 : i32
        %dma_start3A_100 = tpu.memref_slice %arg6[%scan3A_88, %dma_start3A_99] : memref<40x128xi32, #tpu.memory_space<vmem>> -> memref<1x128xi32, #tpu.memory_space<vmem>>
        %dma_start3A_101 = tpu.memref_squeeze %dma_start3A_100 : memref<1x128xi32, #tpu.memory_space<vmem>> -> memref<128xi32, #tpu.memory_space<vmem>>
        %dma_start3A_102 = arith.constant 0 : i32
        %dma_start3A_103 = tpu.memref_slice %arg2[%add3A_91, %dma_start3A_102] : memref<1250x128xi32, #tpu.memory_space<hbm>> -> memref<1x128xi32, #tpu.memory_space<hbm>>
        %dma_start3A_104 = tpu.memref_squeeze %dma_start3A_103 : memref<1x128xi32, #tpu.memory_space<hbm>> -> memref<128xi32, #tpu.memory_space<hbm>>
        tpu.enqueue_dma source(%dma_start3A_104 : memref<128xi32, #tpu.memory_space<hbm>>) target(%dma_start3A_101 : memref<128xi32, #tpu.memory_space<vmem>>) target_semaphore(%arg10 : memref<!tpu.dma_semaphore, #tpu.memory_space<semaphore_mem>>)
      } else {
      }
    }
    %scan3A_7 = arith.constant 40 : i32
    %scan3A_8 = arith.constant 0 : i32
    %scan3A_9 = arith.constant 0 : i32
    %scan3A_10 = arith.constant 40 : i32
    %scan3A_11 = arith.addi %scan3A_9, %scan3A_10 : i32
    %scan3A_12 = arith.constant 1 : i32
    scf.for %scan3A_88 = %scan3A_9 to %scan3A_11 step %scan3A_12  : i32 {
      %mul3A_89 = arith.constant 32 : i32
      %mul3A_90 = arith.muli %mul3A_89, %scan3A_88 : i32
      %add3A_91 = arith.addi %add3A, %mul3A_90 : i32
      %lt3A = arith.constant 1250 : i32
      %lt3A_92 = arith.cmpi slt, %add3A_91, %lt3A : i32
      %convert_element_type3A = arith.extui %lt3A_92 : i1 to i32
      %cond3A = arith.constant 0 : i32
      %cond3A_93 = arith.cmpi ne, %convert_element_type3A, %cond3A : i32
      scf.if %cond3A_93 {
        %dma_wait3A = arith.constant 0 : i32
        %dma_wait3A_94 = tpu.memref_slice %arg6[%scan3A_88, %dma_wait3A] : memref<40x128xi32, #tpu.memory_space<vmem>> -> memref<1x128xi32, #tpu.memory_space<vmem>>
        %dma_wait3A_95 = tpu.memref_squeeze %dma_wait3A_94 : memref<1x128xi32, #tpu.memory_space<vmem>> -> memref<128xi32, #tpu.memory_space<vmem>>
        %dma_wait3A_96 = arith.constant 0 : i32
        %dma_wait3A_97 = tpu.memref_slice %arg2[%add3A_91, %dma_wait3A_96] : memref<1250x128xi32, #tpu.memory_space<hbm>> -> memref<1x128xi32, #tpu.memory_space<hbm>>
        %dma_wait3A_98 = tpu.memref_squeeze %dma_wait3A_97 : memref<1x128xi32, #tpu.memory_space<hbm>> -> memref<128xi32, #tpu.memory_space<hbm>>
        %dma_wait3A_99 = arith.constant 0 : i32
        %dma_wait3A_100 = tpu.memref_slice %arg6[%scan3A_88, %dma_wait3A_99] : memref<40x128xi32, #tpu.memory_space<vmem>> -> memref<1x128xi32, #tpu.memory_space<vmem>>
        %dma_wait3A_101 = tpu.memref_squeeze %dma_wait3A_100 : memref<1x128xi32, #tpu.memory_space<vmem>> -> memref<128xi32, #tpu.memory_space<vmem>>
        %dma_wait3A_102 = arith.constant 0 : i32
        %dma_wait3A_103 = tpu.memref_slice %arg2[%add3A_91, %dma_wait3A_102] : memref<1250x128xi32, #tpu.memory_space<hbm>> -> memref<1x128xi32, #tpu.memory_space<hbm>>
        %dma_wait3A_104 = tpu.memref_squeeze %dma_wait3A_103 : memref<1x128xi32, #tpu.memory_space<hbm>> -> memref<128xi32, #tpu.memory_space<hbm>>
        tpu.wait_dma2 semaphore(%arg10 : memref<!tpu.dma_semaphore, #tpu.memory_space<semaphore_mem>>) src(%dma_wait3A_104 : memref<128xi32, #tpu.memory_space<hbm>>) dst(%dma_wait3A_101 : memref<128xi32, #tpu.memory_space<vmem>>)
      } else {
      }
    }
    %scan3A_13 = arith.constant 40 : i32
    %scan3A_14 = arith.constant 0 : i32
    %scan3A_15 = arith.constant 0 : i32
    %scan3A_16 = arith.constant 20 : i32
    %scan3A_17 = arith.addi %scan3A_15, %scan3A_16 : i32
    %scan3A_18 = arith.constant 1 : i32
    scf.for %scan3A_88 = %scan3A_15 to %scan3A_17 step %scan3A_18  : i32 {
      %add3A_89 = arith.constant 0 : i32
      %add3A_90 = arith.addi %add3A_89, %scan3A_88 : i32
      %mul3A_91 = arith.constant 32 : i32
      %mul3A_92 = arith.muli %mul3A_91, %add3A_90 : i32
      %add3A_93 = arith.addi %add3A, %mul3A_92 : i32
      %lt3A = arith.constant 1250 : i32
      %lt3A_94 = arith.cmpi slt, %add3A_93, %lt3A : i32
      %convert_element_type3A = arith.extui %lt3A_94 : i1 to i32
      %cond3A = arith.constant 0 : i32
      %cond3A_95 = arith.cmpi ne, %convert_element_type3A, %cond3A : i32
      scf.if %cond3A_95 {
        %mul3A_96 = arith.constant 16 : i32
        %mul3A_97 = arith.muli %add3A_93, %mul3A_96 : i32
        %mul3A_98 = arith.constant 16 : i32
        %mul3A_99 = arith.muli %scan3A_88, %mul3A_98 : i32
        %dma_start3A = arith.constant 0 : i32
        %dma_start3A_100 = tpu.memref_slice %arg8[%mul3A_99, %dma_start3A] : memref<320x128xf32, #tpu.memory_space<vmem>> -> memref<16x128xf32, #tpu.memory_space<vmem>>
        %dma_start3A_101 = arith.constant 0 : i32
        %dma_start3A_102 = tpu.memref_slice %arg3[%mul3A_97, %dma_start3A_101] : memref<20000x128xf32, #tpu.memory_space<hbm>> -> memref<16x128xf32, #tpu.memory_space<hbm>>
        %dma_start3A_103 = arith.constant 0 : i32
        %dma_start3A_104 = tpu.memref_slice %arg8[%mul3A_99, %dma_start3A_103] : memref<320x128xf32, #tpu.memory_space<vmem>> -> memref<16x128xf32, #tpu.memory_space<vmem>>
        %dma_start3A_105 = arith.constant 0 : i32
        %dma_start3A_106 = tpu.memref_slice %arg3[%mul3A_97, %dma_start3A_105] : memref<20000x128xf32, #tpu.memory_space<hbm>> -> memref<16x128xf32, #tpu.memory_space<hbm>>
        tpu.enqueue_dma source(%dma_start3A_106 : memref<16x128xf32, #tpu.memory_space<hbm>>) target(%dma_start3A_104 : memref<16x128xf32, #tpu.memory_space<vmem>>) target_semaphore(%arg10 : memref<!tpu.dma_semaphore, #tpu.memory_space<semaphore_mem>>)
      } else {
      }
    }
    %scan3A_19 = arith.constant 20 : i32
    %scan3A_20 = arith.constant 0 : i32
    %scan3A_21 = arith.constant 0 : i32
    %scan3A_22 = arith.constant 20 : i32
    %scan3A_23 = arith.addi %scan3A_21, %scan3A_22 : i32
    %scan3A_24 = arith.constant 1 : i32
    scf.for %scan3A_88 = %scan3A_21 to %scan3A_23 step %scan3A_24  : i32 {
      %add3A_89 = arith.constant 0 : i32
      %add3A_90 = arith.addi %add3A_89, %scan3A_88 : i32
      %mul3A_91 = arith.constant 32 : i32
      %mul3A_92 = arith.muli %mul3A_91, %add3A_90 : i32
      %add3A_93 = arith.addi %add3A, %mul3A_92 : i32
      %lt3A = arith.constant 1250 : i32
      %lt3A_94 = arith.cmpi slt, %add3A_93, %lt3A : i32
      %convert_element_type3A = arith.extui %lt3A_94 : i1 to i32
      %cond3A = arith.constant 0 : i32
      %cond3A_95 = arith.cmpi ne, %convert_element_type3A, %cond3A : i32
      scf.if %cond3A_95 {
        %mul3A_96 = arith.constant 16 : i32
        %mul3A_97 = arith.muli %add3A_93, %mul3A_96 : i32
        %mul3A_98 = arith.constant 16 : i32
        %mul3A_99 = arith.muli %scan3A_88, %mul3A_98 : i32
        %dma_wait3A = arith.constant 0 : i32
        %dma_wait3A_100 = tpu.memref_slice %arg8[%mul3A_99, %dma_wait3A] : memref<320x128xf32, #tpu.memory_space<vmem>> -> memref<16x128xf32, #tpu.memory_space<vmem>>
        %dma_wait3A_101 = arith.constant 0 : i32
        %dma_wait3A_102 = tpu.memref_slice %arg3[%mul3A_97, %dma_wait3A_101] : memref<20000x128xf32, #tpu.memory_space<hbm>> -> memref<16x128xf32, #tpu.memory_space<hbm>>
        %dma_wait3A_103 = arith.constant 0 : i32
        %dma_wait3A_104 = tpu.memref_slice %arg8[%mul3A_99, %dma_wait3A_103] : memref<320x128xf32, #tpu.memory_space<vmem>> -> memref<16x128xf32, #tpu.memory_space<vmem>>
        %dma_wait3A_105 = arith.constant 0 : i32
        %dma_wait3A_106 = tpu.memref_slice %arg3[%mul3A_97, %dma_wait3A_105] : memref<20000x128xf32, #tpu.memory_space<hbm>> -> memref<16x128xf32, #tpu.memory_space<hbm>>
        tpu.wait_dma2 semaphore(%arg10 : memref<!tpu.dma_semaphore, #tpu.memory_space<semaphore_mem>>) src(%dma_wait3A_106 : memref<16x128xf32, #tpu.memory_space<hbm>>) dst(%dma_wait3A_104 : memref<16x128xf32, #tpu.memory_space<vmem>>)
      } else {
      }
    }
    %scan3A_25 = arith.constant 20 : i32
    %scan3A_26 = arith.constant 0 : i32
    %scan3A_27 = arith.constant 0 : i32
    %scan3A_28 = arith.constant 320 : i32
    %scan3A_29 = arith.addi %scan3A_27, %scan3A_28 : i32
    %scan3A_30 = arith.constant 1 : i32
    scf.for %scan3A_88 = %scan3A_27 to %scan3A_29 step %scan3A_30  : i32 {
      %add3A_89 = arith.constant 0 : i32
      %add3A_90 = arith.addi %add3A_89, %scan3A_88 : i32
      %get3A = arith.index_cast %add3A_90 : i32 to index
      %get3A_91 = arith.constant 0 : index
      %get3A_92 = tpu.vector_load %arg8[%get3A, %get3A_91] {strides = array<i32>} : memref<320x128xf32, #tpu.memory_space<vmem>>, vector<1x16xf32>,
      %get3A_93 = vector.shape_cast %get3A_92 : vector<1x16xf32> to vector<16xf32>
      %mul3A_94 = arith.constant 8 : i32
      %mul3A_95 = arith.muli %scan3A_88, %mul3A_94 : i32
      %add3A_96 = arith.constant 0 : i32
      %add3A_97 = arith.addi %mul3A_95, %add3A_96 : i32
      %swap3A = arith.index_cast %add3A_97 : i32 to index
      %swap3A_98 = arith.constant 0 : index
      %swap3A_99 = tpu.vector_load %arg7[%swap3A, %swap3A_98] {strides = array<i32>} : memref<2560x16xf32, #tpu.memory_space<vmem>>, vector<1x16xf32>,
      %swap3A_100 = vector.shape_cast %swap3A_99 : vector<1x16xf32> to vector<16xf32>
      %swap3A_101 = vector.shape_cast %get3A_93 : vector<16xf32> to vector<1x16xf32>
      tpu.vector_store %arg7[%swap3A, %swap3A_98], %swap3A_101 {strides = array<i32>} : memref<2560x16xf32, #tpu.memory_space<vmem>>, vector<1x16xf32>,
      %add3A_102 = arith.constant 0 : i32
      %add3A_103 = arith.addi %add3A_102, %scan3A_88 : i32
      %get3A_104 = arith.index_cast %add3A_103 : i32 to index
      %get3A_105 = arith.constant 16 : index
      %get3A_106 = tpu.vector_load %arg8[%get3A_104, %get3A_105] {strides = array<i32>} : memref<320x128xf32, #tpu.memory_space<vmem>>, vector<1x16xf32>,
      %get3A_107 = vector.shape_cast %get3A_106 : vector<1x16xf32> to vector<16xf32>
      %mul3A_108 = arith.constant 8 : i32
      %mul3A_109 = arith.muli %scan3A_88, %mul3A_108 : i32
      %add3A_110 = arith.constant 1 : i32
      %add3A_111 = arith.addi %mul3A_109, %add3A_110 : i32
      %swap3A_112 = arith.index_cast %add3A_111 : i32 to index
      %swap3A_113 = arith.constant 0 : index
      %swap3A_114 = tpu.vector_load %arg7[%swap3A_112, %swap3A_113] {strides = array<i32>} : memref<2560x16xf32, #tpu.memory_space<vmem>>, vector<1x16xf32>,
      %swap3A_115 = vector.shape_cast %swap3A_114 : vector<1x16xf32> to vector<16xf32>
      %swap3A_116 = vector.shape_cast %get3A_107 : vector<16xf32> to vector<1x16xf32>
      tpu.vector_store %arg7[%swap3A_112, %swap3A_113], %swap3A_116 {strides = array<i32>} : memref<2560x16xf32, #tpu.memory_space<vmem>>, vector<1x16xf32>,
      %add3A_117 = arith.constant 0 : i32
      %add3A_118 = arith.addi %add3A_117, %scan3A_88 : i32
      %get3A_119 = arith.index_cast %add3A_118 : i32 to index
      %get3A_120 = arith.constant 32 : index
      %get3A_121 = tpu.vector_load %arg8[%get3A_119, %get3A_120] {strides = array<i32>} : memref<320x128xf32, #tpu.memory_space<vmem>>, vector<1x16xf32>,
      %get3A_122 = vector.shape_cast %get3A_121 : vector<1x16xf32> to vector<16xf32>
      %mul3A_123 = arith.constant 8 : i32
      %mul3A_124 = arith.muli %scan3A_88, %mul3A_123 : i32
      %add3A_125 = arith.constant 2 : i32
      %add3A_126 = arith.addi %mul3A_124, %add3A_125 : i32
      %swap3A_127 = arith.index_cast %add3A_126 : i32 to index
      %swap3A_128 = arith.constant 0 : index
      %swap3A_129 = tpu.vector_load %arg7[%swap3A_127, %swap3A_128] {strides = array<i32>} : memref<2560x16xf32, #tpu.memory_space<vmem>>, vector<1x16xf32>,
      %swap3A_130 = vector.shape_cast %swap3A_129 : vector<1x16xf32> to vector<16xf32>
      %swap3A_131 = vector.shape_cast %get3A_122 : vector<16xf32> to vector<1x16xf32>
      tpu.vector_store %arg7[%swap3A_127, %swap3A_128], %swap3A_131 {strides = array<i32>} : memref<2560x16xf32, #tpu.memory_space<vmem>>, vector<1x16xf32>,
      %add3A_132 = arith.constant 0 : i32
      %add3A_133 = arith.addi %add3A_132, %scan3A_88 : i32
      %get3A_134 = arith.index_cast %add3A_133 : i32 to index
      %get3A_135 = arith.constant 48 : index
      %get3A_136 = tpu.vector_load %arg8[%get3A_134, %get3A_135] {strides = array<i32>} : memref<320x128xf32, #tpu.memory_space<vmem>>, vector<1x16xf32>,
      %get3A_137 = vector.shape_cast %get3A_136 : vector<1x16xf32> to vector<16xf32>
      %mul3A_138 = arith.constant 8 : i32
      %mul3A_139 = arith.muli %scan3A_88, %mul3A_138 : i32
      %add3A_140 = arith.constant 3 : i32
      %add3A_141 = arith.addi %mul3A_139, %add3A_140 : i32
      %swap3A_142 = arith.index_cast %add3A_141 : i32 to index
      %swap3A_143 = arith.constant 0 : index
      %swap3A_144 = tpu.vector_load %arg7[%swap3A_142, %swap3A_143] {strides = array<i32>} : memref<2560x16xf32, #tpu.memory_space<vmem>>, vector<1x16xf32>,
      %swap3A_145 = vector.shape_cast %swap3A_144 : vector<1x16xf32> to vector<16xf32>
      %swap3A_146 = vector.shape_cast %get3A_137 : vector<16xf32> to vector<1x16xf32>
      tpu.vector_store %arg7[%swap3A_142, %swap3A_143], %swap3A_146 {strides = array<i32>} : memref<2560x16xf32, #tpu.memory_space<vmem>>, vector<1x16xf32>,
      %add3A_147 = arith.constant 0 : i32
      %add3A_148 = arith.addi %add3A_147, %scan3A_88 : i32
      %get3A_149 = arith.index_cast %add3A_148 : i32 to index
      %get3A_150 = arith.constant 64 : index
      %get3A_151 = tpu.vector_load %arg8[%get3A_149, %get3A_150] {strides = array<i32>} : memref<320x128xf32, #tpu.memory_space<vmem>>, vector<1x16xf32>,
      %get3A_152 = vector.shape_cast %get3A_151 : vector<1x16xf32> to vector<16xf32>
      %mul3A_153 = arith.constant 8 : i32
      %mul3A_154 = arith.muli %scan3A_88, %mul3A_153 : i32
      %add3A_155 = arith.constant 4 : i32
      %add3A_156 = arith.addi %mul3A_154, %add3A_155 : i32
      %swap3A_157 = arith.index_cast %add3A_156 : i32 to index
      %swap3A_158 = arith.constant 0 : index
      %swap3A_159 = tpu.vector_load %arg7[%swap3A_157, %swap3A_158] {strides = array<i32>} : memref<2560x16xf32, #tpu.memory_space<vmem>>, vector<1x16xf32>,
      %swap3A_160 = vector.shape_cast %swap3A_159 : vector<1x16xf32> to vector<16xf32>
      %swap3A_161 = vector.shape_cast %get3A_152 : vector<16xf32> to vector<1x16xf32>
      tpu.vector_store %arg7[%swap3A_157, %swap3A_158], %swap3A_161 {strides = array<i32>} : memref<2560x16xf32, #tpu.memory_space<vmem>>, vector<1x16xf32>,
      %add3A_162 = arith.constant 0 : i32
      %add3A_163 = arith.addi %add3A_162, %scan3A_88 : i32
      %get3A_164 = arith.index_cast %add3A_163 : i32 to index
      %get3A_165 = arith.constant 80 : index
      %get3A_166 = tpu.vector_load %arg8[%get3A_164, %get3A_165] {strides = array<i32>} : memref<320x128xf32, #tpu.memory_space<vmem>>, vector<1x16xf32>,
      %get3A_167 = vector.shape_cast %get3A_166 : vector<1x16xf32> to vector<16xf32>
      %mul3A_168 = arith.constant 8 : i32
      %mul3A_169 = arith.muli %scan3A_88, %mul3A_168 : i32
      %add3A_170 = arith.constant 5 : i32
      %add3A_171 = arith.addi %mul3A_169, %add3A_170 : i32
      %swap3A_172 = arith.index_cast %add3A_171 : i32 to index
      %swap3A_173 = arith.constant 0 : index
      %swap3A_174 = tpu.vector_load %arg7[%swap3A_172, %swap3A_173] {strides = array<i32>} : memref<2560x16xf32, #tpu.memory_space<vmem>>, vector<1x16xf32>,
      %swap3A_175 = vector.shape_cast %swap3A_174 : vector<1x16xf32> to vector<16xf32>
      %swap3A_176 = vector.shape_cast %get3A_167 : vector<16xf32> to vector<1x16xf32>
      tpu.vector_store %arg7[%swap3A_172, %swap3A_173], %swap3A_176 {strides = array<i32>} : memref<2560x16xf32, #tpu.memory_space<vmem>>, vector<1x16xf32>,
      %add3A_177 = arith.constant 0 : i32
      %add3A_178 = arith.addi %add3A_177, %scan3A_88 : i32
      %get3A_179 = arith.index_cast %add3A_178 : i32 to index
      %get3A_180 = arith.constant 96 : index
      %get3A_181 = tpu.vector_load %arg8[%get3A_179, %get3A_180] {strides = array<i32>} : memref<320x128xf32, #tpu.memory_space<vmem>>, vector<1x16xf32>,
      %get3A_182 = vector.shape_cast %get3A_181 : vector<1x16xf32> to vector<16xf32>
      %mul3A_183 = arith.constant 8 : i32
      %mul3A_184 = arith.muli %scan3A_88, %mul3A_183 : i32
      %add3A_185 = arith.constant 6 : i32
      %add3A_186 = arith.addi %mul3A_184, %add3A_185 : i32
      %swap3A_187 = arith.index_cast %add3A_186 : i32 to index
      %swap3A_188 = arith.constant 0 : index
      %swap3A_189 = tpu.vector_load %arg7[%swap3A_187, %swap3A_188] {strides = array<i32>} : memref<2560x16xf32, #tpu.memory_space<vmem>>, vector<1x16xf32>,
      %swap3A_190 = vector.shape_cast %swap3A_189 : vector<1x16xf32> to vector<16xf32>
      %swap3A_191 = vector.shape_cast %get3A_182 : vector<16xf32> to vector<1x16xf32>
      tpu.vector_store %arg7[%swap3A_187, %swap3A_188], %swap3A_191 {strides = array<i32>} : memref<2560x16xf32, #tpu.memory_space<vmem>>, vector<1x16xf32>,
      %add3A_192 = arith.constant 0 : i32
      %add3A_193 = arith.addi %add3A_192, %scan3A_88 : i32
      %get3A_194 = arith.index_cast %add3A_193 : i32 to index
      %get3A_195 = arith.constant 112 : index
      %get3A_196 = tpu.vector_load %arg8[%get3A_194, %get3A_195] {strides = array<i32>} : memref<320x128xf32, #tpu.memory_space<vmem>>, vector<1x16xf32>,
      %get3A_197 = vector.shape_cast %get3A_196 : vector<1x16xf32> to vector<16xf32>
      %mul3A_198 = arith.constant 8 : i32
      %mul3A_199 = arith.muli %scan3A_88, %mul3A_198 : i32
      %add3A_200 = arith.constant 7 : i32
      %add3A_201 = arith.addi %mul3A_199, %add3A_200 : i32
      %swap3A_202 = arith.index_cast %add3A_201 : i32 to index
      %swap3A_203 = arith.constant 0 : index
      %swap3A_204 = tpu.vector_load %arg7[%swap3A_202, %swap3A_203] {strides = array<i32>} : memref<2560x16xf32, #tpu.memory_space<vmem>>, vector<1x16xf32>,
      %swap3A_205 = vector.shape_cast %swap3A_204 : vector<1x16xf32> to vector<16xf32>
      %swap3A_206 = vector.shape_cast %get3A_197 : vector<16xf32> to vector<1x16xf32>
      tpu.vector_store %arg7[%swap3A_202, %swap3A_203], %swap3A_206 {strides = array<i32>} : memref<2560x16xf32, #tpu.memory_space<vmem>>, vector<1x16xf32>,
    }
    %scan3A_31 = arith.constant 320 : i32
    %scan3A_32 = arith.constant 0 : i32
    %scan3A_33 = arith.constant 0 : i32
    %scan3A_34 = arith.constant 20 : i32
    %scan3A_35 = arith.addi %scan3A_33, %scan3A_34 : i32
    %scan3A_36 = arith.constant 1 : i32
    scf.for %scan3A_88 = %scan3A_33 to %scan3A_35 step %scan3A_36  : i32 {
      %add3A_89 = arith.constant 0 : i32
      %add3A_90 = arith.addi %add3A_89, %scan3A_88 : i32
      %mul3A_91 = arith.constant 32 : i32
      %mul3A_92 = arith.muli %mul3A_91, %add3A_90 : i32
      %add3A_93 = arith.addi %add3A, %mul3A_92 : i32
      %lt3A = arith.constant 1250 : i32
      %lt3A_94 = arith.cmpi slt, %add3A_93, %lt3A : i32
      %convert_element_type3A = arith.extui %lt3A_94 : i1 to i32
      %cond3A = arith.constant 0 : i32
      %cond3A_95 = arith.cmpi ne, %convert_element_type3A, %cond3A : i32
      scf.if %cond3A_95 {
        %mul3A_96 = arith.constant 128 : i32
        %mul3A_97 = arith.muli %scan3A_88, %mul3A_96 : i32
        %add3A_98 = arith.constant 0 : i32
        %add3A_99 = arith.addi %add3A_98, %scan3A_88 : i32
        %dma_start3A = arith.constant 0 : i32
        %dma_start3A_100 = tpu.memref_slice %arg7[%mul3A_97, %dma_start3A] : memref<2560x16xf32, #tpu.memory_space<vmem>> -> memref<128x16xf32, #tpu.memory_space<vmem>>
        %dma_start3A_101 = arith.constant 0 : i32
        %dma_start3A_102 = tpu.memref_slice %arg6[%add3A_99, %dma_start3A_101] : memref<40x128xi32, #tpu.memory_space<vmem>> -> memref<1x128xi32, #tpu.memory_space<vmem>>
        %dma_start3A_103 = tpu.memref_squeeze %dma_start3A_102 : memref<1x128xi32, #tpu.memory_space<vmem>> -> memref<128xi32, #tpu.memory_space<vmem>>
        %dma_start3A_104 = arith.constant 0 : i32
        %dma_start3A_105 = arith.constant 0 : i32
        %dma_start3A_106 = tpu.memref_slice %arg9[%dma_start3A_104, %dma_start3A_105] : memref<10240x16xf32, #tpu.memory_space<vmem_shared>> -> memref<10240x16xf32, #tpu.memory_space<vmem_shared>>
        tpu.enqueue_indirect_dma source(%dma_start3A_100 : memref<128x16xf32, #tpu.memory_space<vmem>>) target(%dma_start3A_106 : memref<10240x16xf32, #tpu.memory_space<vmem_shared>>) offsets(%dma_start3A_103 : memref<128xi32, #tpu.memory_space<vmem>>) semaphore(%arg11 : memref<!tpu.dma_semaphore, #tpu.memory_space<semaphore_mem>>) {add = true}
      } else {
      }
    }
    %scan3A_37 = arith.constant 20 : i32
    %scan3A_38 = arith.constant 0 : i32
    %scan3A_39 = arith.constant 0 : i32
    %scan3A_40 = arith.constant 20 : i32
    %scan3A_41 = arith.addi %scan3A_39, %scan3A_40 : i32
    %scan3A_42 = arith.constant 1 : i32
    scf.for %scan3A_88 = %scan3A_39 to %scan3A_41 step %scan3A_42  : i32 {
      %add3A_89 = arith.constant 20 : i32
      %add3A_90 = arith.addi %add3A_89, %scan3A_88 : i32
      %mul3A_91 = arith.constant 32 : i32
      %mul3A_92 = arith.muli %mul3A_91, %add3A_90 : i32
      %add3A_93 = arith.addi %add3A, %mul3A_92 : i32
      %lt3A = arith.constant 1250 : i32
      %lt3A_94 = arith.cmpi slt, %add3A_93, %lt3A : i32
      %convert_element_type3A = arith.extui %lt3A_94 : i1 to i32
      %cond3A = arith.constant 0 : i32
      %cond3A_95 = arith.cmpi ne, %convert_element_type3A, %cond3A : i32
      scf.if %cond3A_95 {
        %mul3A_96 = arith.constant 16 : i32
        %mul3A_97 = arith.muli %add3A_93, %mul3A_96 : i32
        %mul3A_98 = arith.constant 16 : i32
        %mul3A_99 = arith.muli %scan3A_88, %mul3A_98 : i32
        %dma_start3A = arith.constant 0 : i32
        %dma_start3A_100 = tpu.memref_slice %arg8[%mul3A_99, %dma_start3A] : memref<320x128xf32, #tpu.memory_space<vmem>> -> memref<16x128xf32, #tpu.memory_space<vmem>>
        %dma_start3A_101 = arith.constant 0 : i32
        %dma_start3A_102 = tpu.memref_slice %arg3[%mul3A_97, %dma_start3A_101] : memref<20000x128xf32, #tpu.memory_space<hbm>> -> memref<16x128xf32, #tpu.memory_space<hbm>>
        %dma_start3A_103 = arith.constant 0 : i32
        %dma_start3A_104 = tpu.memref_slice %arg8[%mul3A_99, %dma_start3A_103] : memref<320x128xf32, #tpu.memory_space<vmem>> -> memref<16x128xf32, #tpu.memory_space<vmem>>
        %dma_start3A_105 = arith.constant 0 : i32
        %dma_start3A_106 = tpu.memref_slice %arg3[%mul3A_97, %dma_start3A_105] : memref<20000x128xf32, #tpu.memory_space<hbm>> -> memref<16x128xf32, #tpu.memory_space<hbm>>
        tpu.enqueue_dma source(%dma_start3A_106 : memref<16x128xf32, #tpu.memory_space<hbm>>) target(%dma_start3A_104 : memref<16x128xf32, #tpu.memory_space<vmem>>) target_semaphore(%arg10 : memref<!tpu.dma_semaphore, #tpu.memory_space<semaphore_mem>>)
      } else {
      }
    }
    %scan3A_43 = arith.constant 20 : i32
    %scan3A_44 = arith.constant 0 : i32
    %scan3A_45 = arith.constant 0 : i32
    %scan3A_46 = arith.constant 20 : i32
    %scan3A_47 = arith.addi %scan3A_45, %scan3A_46 : i32
    %scan3A_48 = arith.constant 1 : i32
    scf.for %scan3A_88 = %scan3A_45 to %scan3A_47 step %scan3A_48  : i32 {
      %add3A_89 = arith.constant 0 : i32
      %add3A_90 = arith.addi %add3A_89, %scan3A_88 : i32
      %mul3A_91 = arith.constant 32 : i32
      %mul3A_92 = arith.muli %mul3A_91, %add3A_90 : i32
      %add3A_93 = arith.addi %add3A, %mul3A_92 : i32
      %lt3A = arith.constant 1250 : i32
      %lt3A_94 = arith.cmpi slt, %add3A_93, %lt3A : i32
      %convert_element_type3A = arith.extui %lt3A_94 : i1 to i32
      %cond3A = arith.constant 0 : i32
      %cond3A_95 = arith.cmpi ne, %convert_element_type3A, %cond3A : i32
      scf.if %cond3A_95 {
        %mul3A_96 = arith.constant 128 : i32
        %mul3A_97 = arith.muli %scan3A_88, %mul3A_96 : i32
        %add3A_98 = arith.constant 0 : i32
        %add3A_99 = arith.addi %add3A_98, %scan3A_88 : i32
        %dma_wait3A = arith.constant 0 : i32
        %dma_wait3A_100 = tpu.memref_slice %arg7[%mul3A_97, %dma_wait3A] : memref<2560x16xf32, #tpu.memory_space<vmem>> -> memref<128x16xf32, #tpu.memory_space<vmem>>
        %dma_wait3A_101 = arith.constant 0 : i32
        %dma_wait3A_102 = tpu.memref_slice %arg6[%add3A_99, %dma_wait3A_101] : memref<40x128xi32, #tpu.memory_space<vmem>> -> memref<1x128xi32, #tpu.memory_space<vmem>>
        %dma_wait3A_103 = tpu.memref_squeeze %dma_wait3A_102 : memref<1x128xi32, #tpu.memory_space<vmem>> -> memref<128xi32, #tpu.memory_space<vmem>>
        %dma_wait3A_104 = arith.constant 0 : i32
        %dma_wait3A_105 = arith.constant 0 : i32
        %dma_wait3A_106 = tpu.memref_slice %arg9[%dma_wait3A_104, %dma_wait3A_105] : memref<10240x16xf32, #tpu.memory_space<vmem_shared>> -> memref<10240x16xf32, #tpu.memory_space<vmem_shared>>
        tpu.wait_indirect_dma semaphore(%arg11 : memref<!tpu.dma_semaphore, #tpu.memory_space<semaphore_mem>>) src(%dma_wait3A_100 : memref<128x16xf32, #tpu.memory_space<vmem>>) dst(%dma_wait3A_106 : memref<10240x16xf32, #tpu.memory_space<vmem_shared>>)
      } else {
      }
    }
    %scan3A_49 = arith.constant 20 : i32
    %scan3A_50 = arith.constant 0 : i32
    %scan3A_51 = arith.constant 0 : i32
    %scan3A_52 = arith.constant 20 : i32
    %scan3A_53 = arith.addi %scan3A_51, %scan3A_52 : i32
    %scan3A_54 = arith.constant 1 : i32
    scf.for %scan3A_88 = %scan3A_51 to %scan3A_53 step %scan3A_54  : i32 {
      %add3A_89 = arith.constant 20 : i32
      %add3A_90 = arith.addi %add3A_89, %scan3A_88 : i32
      %mul3A_91 = arith.constant 32 : i32
      %mul3A_92 = arith.muli %mul3A_91, %add3A_90 : i32
      %add3A_93 = arith.addi %add3A, %mul3A_92 : i32
      %lt3A = arith.constant 1250 : i32
      %lt3A_94 = arith.cmpi slt, %add3A_93, %lt3A : i32
      %convert_element_type3A = arith.extui %lt3A_94 : i1 to i32
      %cond3A = arith.constant 0 : i32
      %cond3A_95 = arith.cmpi ne, %convert_element_type3A, %cond3A : i32
      scf.if %cond3A_95 {
        %mul3A_96 = arith.constant 16 : i32
        %mul3A_97 = arith.muli %add3A_93, %mul3A_96 : i32
        %mul3A_98 = arith.constant 16 : i32
        %mul3A_99 = arith.muli %scan3A_88, %mul3A_98 : i32
        %dma_wait3A = arith.constant 0 : i32
        %dma_wait3A_100 = tpu.memref_slice %arg8[%mul3A_99, %dma_wait3A] : memref<320x128xf32, #tpu.memory_space<vmem>> -> memref<16x128xf32, #tpu.memory_space<vmem>>
        %dma_wait3A_101 = arith.constant 0 : i32
        %dma_wait3A_102 = tpu.memref_slice %arg3[%mul3A_97, %dma_wait3A_101] : memref<20000x128xf32, #tpu.memory_space<hbm>> -> memref<16x128xf32, #tpu.memory_space<hbm>>
        %dma_wait3A_103 = arith.constant 0 : i32
        %dma_wait3A_104 = tpu.memref_slice %arg8[%mul3A_99, %dma_wait3A_103] : memref<320x128xf32, #tpu.memory_space<vmem>> -> memref<16x128xf32, #tpu.memory_space<vmem>>
        %dma_wait3A_105 = arith.constant 0 : i32
        %dma_wait3A_106 = tpu.memref_slice %arg3[%mul3A_97, %dma_wait3A_105] : memref<20000x128xf32, #tpu.memory_space<hbm>> -> memref<16x128xf32, #tpu.memory_space<hbm>>
        tpu.wait_dma2 semaphore(%arg10 : memref<!tpu.dma_semaphore, #tpu.memory_space<semaphore_mem>>) src(%dma_wait3A_106 : memref<16x128xf32, #tpu.memory_space<hbm>>) dst(%dma_wait3A_104 : memref<16x128xf32, #tpu.memory_space<vmem>>)
      } else {
      }
    }
    %scan3A_55 = arith.constant 20 : i32
    %scan3A_56 = arith.constant 0 : i32
    %scan3A_57 = arith.constant 0 : i32
    %scan3A_58 = arith.constant 320 : i32
    %scan3A_59 = arith.addi %scan3A_57, %scan3A_58 : i32
    %scan3A_60 = arith.constant 1 : i32
    scf.for %scan3A_88 = %scan3A_57 to %scan3A_59 step %scan3A_60  : i32 {
      %add3A_89 = arith.constant 0 : i32
      %add3A_90 = arith.addi %add3A_89, %scan3A_88 : i32
      %get3A = arith.index_cast %add3A_90 : i32 to index
      %get3A_91 = arith.constant 0 : index
      %get3A_92 = tpu.vector_load %arg8[%get3A, %get3A_91] {strides = array<i32>} : memref<320x128xf32, #tpu.memory_space<vmem>>, vector<1x16xf32>,
      %get3A_93 = vector.shape_cast %get3A_92 : vector<1x16xf32> to vector<16xf32>
      %mul3A_94 = arith.constant 8 : i32
      %mul3A_95 = arith.muli %scan3A_88, %mul3A_94 : i32
      %add3A_96 = arith.constant 0 : i32
      %add3A_97 = arith.addi %mul3A_95, %add3A_96 : i32
      %swap3A = arith.index_cast %add3A_97 : i32 to index
      %swap3A_98 = arith.constant 0 : index
      %swap3A_99 = tpu.vector_load %arg7[%swap3A, %swap3A_98] {strides = array<i32>} : memref<2560x16xf32, #tpu.memory_space<vmem>>, vector<1x16xf32>,
      %swap3A_100 = vector.shape_cast %swap3A_99 : vector<1x16xf32> to vector<16xf32>
      %swap3A_101 = vector.shape_cast %get3A_93 : vector<16xf32> to vector<1x16xf32>
      tpu.vector_store %arg7[%swap3A, %swap3A_98], %swap3A_101 {strides = array<i32>} : memref<2560x16xf32, #tpu.memory_space<vmem>>, vector<1x16xf32>,
      %add3A_102 = arith.constant 0 : i32
      %add3A_103 = arith.addi %add3A_102, %scan3A_88 : i32
      %get3A_104 = arith.index_cast %add3A_103 : i32 to index
      %get3A_105 = arith.constant 16 : index
      %get3A_106 = tpu.vector_load %arg8[%get3A_104, %get3A_105] {strides = array<i32>} : memref<320x128xf32, #tpu.memory_space<vmem>>, vector<1x16xf32>,
      %get3A_107 = vector.shape_cast %get3A_106 : vector<1x16xf32> to vector<16xf32>
      %mul3A_108 = arith.constant 8 : i32
      %mul3A_109 = arith.muli %scan3A_88, %mul3A_108 : i32
      %add3A_110 = arith.constant 1 : i32
      %add3A_111 = arith.addi %mul3A_109, %add3A_110 : i32
      %swap3A_112 = arith.index_cast %add3A_111 : i32 to index
      %swap3A_113 = arith.constant 0 : index
      %swap3A_114 = tpu.vector_load %arg7[%swap3A_112, %swap3A_113] {strides = array<i32>} : memref<2560x16xf32, #tpu.memory_space<vmem>>, vector<1x16xf32>,
      %swap3A_115 = vector.shape_cast %swap3A_114 : vector<1x16xf32> to vector<16xf32>
      %swap3A_116 = vector.shape_cast %get3A_107 : vector<16xf32> to vector<1x16xf32>
      tpu.vector_store %arg7[%swap3A_112, %swap3A_113], %swap3A_116 {strides = array<i32>} : memref<2560x16xf32, #tpu.memory_space<vmem>>, vector<1x16xf32>,
      %add3A_117 = arith.constant 0 : i32
      %add3A_118 = arith.addi %add3A_117, %scan3A_88 : i32
      %get3A_119 = arith.index_cast %add3A_118 : i32 to index
      %get3A_120 = arith.constant 32 : index
      %get3A_121 = tpu.vector_load %arg8[%get3A_119, %get3A_120] {strides = array<i32>} : memref<320x128xf32, #tpu.memory_space<vmem>>, vector<1x16xf32>,
      %get3A_122 = vector.shape_cast %get3A_121 : vector<1x16xf32> to vector<16xf32>
      %mul3A_123 = arith.constant 8 : i32
      %mul3A_124 = arith.muli %scan3A_88, %mul3A_123 : i32
      %add3A_125 = arith.constant 2 : i32
      %add3A_126 = arith.addi %mul3A_124, %add3A_125 : i32
      %swap3A_127 = arith.index_cast %add3A_126 : i32 to index
      %swap3A_128 = arith.constant 0 : index
      %swap3A_129 = tpu.vector_load %arg7[%swap3A_127, %swap3A_128] {strides = array<i32>} : memref<2560x16xf32, #tpu.memory_space<vmem>>, vector<1x16xf32>,
      %swap3A_130 = vector.shape_cast %swap3A_129 : vector<1x16xf32> to vector<16xf32>
      %swap3A_131 = vector.shape_cast %get3A_122 : vector<16xf32> to vector<1x16xf32>
      tpu.vector_store %arg7[%swap3A_127, %swap3A_128], %swap3A_131 {strides = array<i32>} : memref<2560x16xf32, #tpu.memory_space<vmem>>, vector<1x16xf32>,
      %add3A_132 = arith.constant 0 : i32
      %add3A_133 = arith.addi %add3A_132, %scan3A_88 : i32
      %get3A_134 = arith.index_cast %add3A_133 : i32 to index
      %get3A_135 = arith.constant 48 : index
      %get3A_136 = tpu.vector_load %arg8[%get3A_134, %get3A_135] {strides = array<i32>} : memref<320x128xf32, #tpu.memory_space<vmem>>, vector<1x16xf32>,
      %get3A_137 = vector.shape_cast %get3A_136 : vector<1x16xf32> to vector<16xf32>
      %mul3A_138 = arith.constant 8 : i32
      %mul3A_139 = arith.muli %scan3A_88, %mul3A_138 : i32
      %add3A_140 = arith.constant 3 : i32
      %add3A_141 = arith.addi %mul3A_139, %add3A_140 : i32
      %swap3A_142 = arith.index_cast %add3A_141 : i32 to index
      %swap3A_143 = arith.constant 0 : index
      %swap3A_144 = tpu.vector_load %arg7[%swap3A_142, %swap3A_143] {strides = array<i32>} : memref<2560x16xf32, #tpu.memory_space<vmem>>, vector<1x16xf32>,
      %swap3A_145 = vector.shape_cast %swap3A_144 : vector<1x16xf32> to vector<16xf32>
      %swap3A_146 = vector.shape_cast %get3A_137 : vector<16xf32> to vector<1x16xf32>
      tpu.vector_store %arg7[%swap3A_142, %swap3A_143], %swap3A_146 {strides = array<i32>} : memref<2560x16xf32, #tpu.memory_space<vmem>>, vector<1x16xf32>,
      %add3A_147 = arith.constant 0 : i32
      %add3A_148 = arith.addi %add3A_147, %scan3A_88 : i32
      %get3A_149 = arith.index_cast %add3A_148 : i32 to index
      %get3A_150 = arith.constant 64 : index
      %get3A_151 = tpu.vector_load %arg8[%get3A_149, %get3A_150] {strides = array<i32>} : memref<320x128xf32, #tpu.memory_space<vmem>>, vector<1x16xf32>,
      %get3A_152 = vector.shape_cast %get3A_151 : vector<1x16xf32> to vector<16xf32>
      %mul3A_153 = arith.constant 8 : i32
      %mul3A_154 = arith.muli %scan3A_88, %mul3A_153 : i32
      %add3A_155 = arith.constant 4 : i32
      %add3A_156 = arith.addi %mul3A_154, %add3A_155 : i32
      %swap3A_157 = arith.index_cast %add3A_156 : i32 to index
      %swap3A_158 = arith.constant 0 : index
      %swap3A_159 = tpu.vector_load %arg7[%swap3A_157, %swap3A_158] {strides = array<i32>} : memref<2560x16xf32, #tpu.memory_space<vmem>>, vector<1x16xf32>,
      %swap3A_160 = vector.shape_cast %swap3A_159 : vector<1x16xf32> to vector<16xf32>
      %swap3A_161 = vector.shape_cast %get3A_152 : vector<16xf32> to vector<1x16xf32>
      tpu.vector_store %arg7[%swap3A_157, %swap3A_158], %swap3A_161 {strides = array<i32>} : memref<2560x16xf32, #tpu.memory_space<vmem>>, vector<1x16xf32>,
      %add3A_162 = arith.constant 0 : i32
      %add3A_163 = arith.addi %add3A_162, %scan3A_88 : i32
      %get3A_164 = arith.index_cast %add3A_163 : i32 to index
      %get3A_165 = arith.constant 80 : index
      %get3A_166 = tpu.vector_load %arg8[%get3A_164, %get3A_165] {strides = array<i32>} : memref<320x128xf32, #tpu.memory_space<vmem>>, vector<1x16xf32>,
      %get3A_167 = vector.shape_cast %get3A_166 : vector<1x16xf32> to vector<16xf32>
      %mul3A_168 = arith.constant 8 : i32
      %mul3A_169 = arith.muli %scan3A_88, %mul3A_168 : i32
      %add3A_170 = arith.constant 5 : i32
      %add3A_171 = arith.addi %mul3A_169, %add3A_170 : i32
      %swap3A_172 = arith.index_cast %add3A_171 : i32 to index
      %swap3A_173 = arith.constant 0 : index
      %swap3A_174 = tpu.vector_load %arg7[%swap3A_172, %swap3A_173] {strides = array<i32>} : memref<2560x16xf32, #tpu.memory_space<vmem>>, vector<1x16xf32>,
      %swap3A_175 = vector.shape_cast %swap3A_174 : vector<1x16xf32> to vector<16xf32>
      %swap3A_176 = vector.shape_cast %get3A_167 : vector<16xf32> to vector<1x16xf32>
      tpu.vector_store %arg7[%swap3A_172, %swap3A_173], %swap3A_176 {strides = array<i32>} : memref<2560x16xf32, #tpu.memory_space<vmem>>, vector<1x16xf32>,
      %add3A_177 = arith.constant 0 : i32
      %add3A_178 = arith.addi %add3A_177, %scan3A_88 : i32
      %get3A_179 = arith.index_cast %add3A_178 : i32 to index
      %get3A_180 = arith.constant 96 : index
      %get3A_181 = tpu.vector_load %arg8[%get3A_179, %get3A_180] {strides = array<i32>} : memref<320x128xf32, #tpu.memory_space<vmem>>, vector<1x16xf32>,
      %get3A_182 = vector.shape_cast %get3A_181 : vector<1x16xf32> to vector<16xf32>
      %mul3A_183 = arith.constant 8 : i32
      %mul3A_184 = arith.muli %scan3A_88, %mul3A_183 : i32
      %add3A_185 = arith.constant 6 : i32
      %add3A_186 = arith.addi %mul3A_184, %add3A_185 : i32
      %swap3A_187 = arith.index_cast %add3A_186 : i32 to index
      %swap3A_188 = arith.constant 0 : index
      %swap3A_189 = tpu.vector_load %arg7[%swap3A_187, %swap3A_188] {strides = array<i32>} : memref<2560x16xf32, #tpu.memory_space<vmem>>, vector<1x16xf32>,
      %swap3A_190 = vector.shape_cast %swap3A_189 : vector<1x16xf32> to vector<16xf32>
      %swap3A_191 = vector.shape_cast %get3A_182 : vector<16xf32> to vector<1x16xf32>
      tpu.vector_store %arg7[%swap3A_187, %swap3A_188], %swap3A_191 {strides = array<i32>} : memref<2560x16xf32, #tpu.memory_space<vmem>>, vector<1x16xf32>,
      %add3A_192 = arith.constant 0 : i32
      %add3A_193 = arith.addi %add3A_192, %scan3A_88 : i32
      %get3A_194 = arith.index_cast %add3A_193 : i32 to index
      %get3A_195 = arith.constant 112 : index
      %get3A_196 = tpu.vector_load %arg8[%get3A_194, %get3A_195] {strides = array<i32>} : memref<320x128xf32, #tpu.memory_space<vmem>>, vector<1x16xf32>,
      %get3A_197 = vector.shape_cast %get3A_196 : vector<1x16xf32> to vector<16xf32>
      %mul3A_198 = arith.constant 8 : i32
      %mul3A_199 = arith.muli %scan3A_88, %mul3A_198 : i32
      %add3A_200 = arith.constant 7 : i32
      %add3A_201 = arith.addi %mul3A_199, %add3A_200 : i32
      %swap3A_202 = arith.index_cast %add3A_201 : i32 to index
      %swap3A_203 = arith.constant 0 : index
      %swap3A_204 = tpu.vector_load %arg7[%swap3A_202, %swap3A_203] {strides = array<i32>} : memref<2560x16xf32, #tpu.memory_space<vmem>>, vector<1x16xf32>,
      %swap3A_205 = vector.shape_cast %swap3A_204 : vector<1x16xf32> to vector<16xf32>
      %swap3A_206 = vector.shape_cast %get3A_197 : vector<16xf32> to vector<1x16xf32>
      tpu.vector_store %arg7[%swap3A_202, %swap3A_203], %swap3A_206 {strides = array<i32>} : memref<2560x16xf32, #tpu.memory_space<vmem>>, vector<1x16xf32>,
    }
    %scan3A_61 = arith.constant 320 : i32
    %scan3A_62 = arith.constant 0 : i32
    %scan3A_63 = arith.constant 0 : i32
    %scan3A_64 = arith.constant 20 : i32
    %scan3A_65 = arith.addi %scan3A_63, %scan3A_64 : i32
    %scan3A_66 = arith.constant 1 : i32
    scf.for %scan3A_88 = %scan3A_63 to %scan3A_65 step %scan3A_66  : i32 {
      %add3A_89 = arith.constant 20 : i32
      %add3A_90 = arith.addi %add3A_89, %scan3A_88 : i32
      %mul3A_91 = arith.constant 32 : i32
      %mul3A_92 = arith.muli %mul3A_91, %add3A_90 : i32
      %add3A_93 = arith.addi %add3A, %mul3A_92 : i32
      %lt3A = arith.constant 1250 : i32
      %lt3A_94 = arith.cmpi slt, %add3A_93, %lt3A : i32
      %convert_element_type3A = arith.extui %lt3A_94 : i1 to i32
      %cond3A = arith.constant 0 : i32
      %cond3A_95 = arith.cmpi ne, %convert_element_type3A, %cond3A : i32
      scf.if %cond3A_95 {
        %mul3A_96 = arith.constant 128 : i32
        %mul3A_97 = arith.muli %scan3A_88, %mul3A_96 : i32
        %add3A_98 = arith.constant 20 : i32
        %add3A_99 = arith.addi %add3A_98, %scan3A_88 : i32
        %dma_start3A = arith.constant 0 : i32
        %dma_start3A_100 = tpu.memref_slice %arg7[%mul3A_97, %dma_start3A] : memref<2560x16xf32, #tpu.memory_space<vmem>> -> memref<128x16xf32, #tpu.memory_space<vmem>>
        %dma_start3A_101 = arith.constant 0 : i32
        %dma_start3A_102 = tpu.memref_slice %arg6[%add3A_99, %dma_start3A_101] : memref<40x128xi32, #tpu.memory_space<vmem>> -> memref<1x128xi32, #tpu.memory_space<vmem>>
        %dma_start3A_103 = tpu.memref_squeeze %dma_start3A_102 : memref<1x128xi32, #tpu.memory_space<vmem>> -> memref<128xi32, #tpu.memory_space<vmem>>
        %dma_start3A_104 = arith.constant 0 : i32
        %dma_start3A_105 = arith.constant 0 : i32
        %dma_start3A_106 = tpu.memref_slice %arg9[%dma_start3A_104, %dma_start3A_105] : memref<10240x16xf32, #tpu.memory_space<vmem_shared>> -> memref<10240x16xf32, #tpu.memory_space<vmem_shared>>
        tpu.enqueue_indirect_dma source(%dma_start3A_100 : memref<128x16xf32, #tpu.memory_space<vmem>>) target(%dma_start3A_106 : memref<10240x16xf32, #tpu.memory_space<vmem_shared>>) offsets(%dma_start3A_103 : memref<128xi32, #tpu.memory_space<vmem>>) semaphore(%arg11 : memref<!tpu.dma_semaphore, #tpu.memory_space<semaphore_mem>>) {add = true}
      } else {
      }
    }
    %scan3A_67 = arith.constant 20 : i32
    %scan3A_68 = arith.constant 0 : i32
    %scan3A_69 = arith.constant 0 : i32
    %scan3A_70 = arith.constant 20 : i32
    %scan3A_71 = arith.addi %scan3A_69, %scan3A_70 : i32
    %scan3A_72 = arith.constant 1 : i32
    scf.for %scan3A_88 = %scan3A_69 to %scan3A_71 step %scan3A_72  : i32 {
      %add3A_89 = arith.constant 20 : i32
      %add3A_90 = arith.addi %add3A_89, %scan3A_88 : i32
      %mul3A_91 = arith.constant 32 : i32
      %mul3A_92 = arith.muli %mul3A_91, %add3A_90 : i32
      %add3A_93 = arith.addi %add3A, %mul3A_92 : i32
      %lt3A = arith.constant 1250 : i32
      %lt3A_94 = arith.cmpi slt, %add3A_93, %lt3A : i32
      %convert_element_type3A = arith.extui %lt3A_94 : i1 to i32
      %cond3A = arith.constant 0 : i32
      %cond3A_95 = arith.cmpi ne, %convert_element_type3A, %cond3A : i32
      scf.if %cond3A_95 {
        %mul3A_96 = arith.constant 128 : i32
        %mul3A_97 = arith.muli %scan3A_88, %mul3A_96 : i32
        %add3A_98 = arith.constant 20 : i32
        %add3A_99 = arith.addi %add3A_98, %scan3A_88 : i32
        %dma_wait3A = arith.constant 0 : i32
        %dma_wait3A_100 = tpu.memref_slice %arg7[%mul3A_97, %dma_wait3A] : memref<2560x16xf32, #tpu.memory_space<vmem>> -> memref<128x16xf32, #tpu.memory_space<vmem>>
        %dma_wait3A_101 = arith.constant 0 : i32
        %dma_wait3A_102 = tpu.memref_slice %arg6[%add3A_99, %dma_wait3A_101] : memref<40x128xi32, #tpu.memory_space<vmem>> -> memref<1x128xi32, #tpu.memory_space<vmem>>
        %dma_wait3A_103 = tpu.memref_squeeze %dma_wait3A_102 : memref<1x128xi32, #tpu.memory_space<vmem>> -> memref<128xi32, #tpu.memory_space<vmem>>
        %dma_wait3A_104 = arith.constant 0 : i32
        %dma_wait3A_105 = arith.constant 0 : i32
        %dma_wait3A_106 = tpu.memref_slice %arg9[%dma_wait3A_104, %dma_wait3A_105] : memref<10240x16xf32, #tpu.memory_space<vmem_shared>> -> memref<10240x16xf32, #tpu.memory_space<vmem_shared>>
        tpu.wait_indirect_dma semaphore(%arg11 : memref<!tpu.dma_semaphore, #tpu.memory_space<semaphore_mem>>) src(%dma_wait3A_100 : memref<128x16xf32, #tpu.memory_space<vmem>>) dst(%dma_wait3A_106 : memref<10240x16xf32, #tpu.memory_space<vmem_shared>>)
      } else {
      }
    }
    %scan3A_73 = arith.constant 20 : i32
    %barrier3A_74 = arith.constant 0 : index
    tpu.barrier barrier_id(%barrier3A_74)
    %mul3A_75 = arith.constant 640 : i32
    %mul3A_76 = arith.muli %arg1, %mul3A_75 : i32
    "tpu.region"() ({
      %run_scoped3A = tpu.sem_alloc : memref<!tpu.dma_semaphore, #tpu.memory_space<semaphore_mem>>
      %dma_start3A = arith.constant 0 : i32
      %dma_start3A_88 = arith.constant 0 : i32
      %dma_start3A_89 = tpu.memref_slice %arg7[%dma_start3A, %dma_start3A_88] : memref<2560x16xf32, #tpu.memory_space<vmem>> -> memref<640x16xf32, #tpu.memory_space<vmem>>
      %dma_start3A_90 = arith.constant 0 : i32
      %dma_start3A_91 = tpu.memref_slice %arg9[%mul3A_76, %dma_start3A_90] : memref<10240x16xf32, #tpu.memory_space<vmem_shared>> -> memref<640x16xf32, #tpu.memory_space<vmem_shared>>
      %dma_start3A_92 = arith.constant 0 : i32
      %dma_start3A_93 = arith.constant 0 : i32
      %dma_start3A_94 = tpu.memref_slice %arg7[%dma_start3A_92, %dma_start3A_93] : memref<2560x16xf32, #tpu.memory_space<vmem>> -> memref<640x16xf32, #tpu.memory_space<vmem>>
      %dma_start3A_95 = arith.constant 0 : i32
      %dma_start3A_96 = tpu.memref_slice %arg9[%mul3A_76, %dma_start3A_95] : memref<10240x16xf32, #tpu.memory_space<vmem_shared>> -> memref<640x16xf32, #tpu.memory_space<vmem_shared>>
      tpu.enqueue_dma source(%dma_start3A_96 : memref<640x16xf32, #tpu.memory_space<vmem_shared>>) target(%dma_start3A_94 : memref<640x16xf32, #tpu.memory_space<vmem>>) target_semaphore(%run_scoped3A : memref<!tpu.dma_semaphore, #tpu.memory_space<semaphore_mem>>)
      %dma_wait3A = arith.constant 0 : i32
      %dma_wait3A_97 = arith.constant 0 : i32
      %dma_wait3A_98 = tpu.memref_slice %arg7[%dma_wait3A, %dma_wait3A_97] : memref<2560x16xf32, #tpu.memory_space<vmem>> -> memref<640x16xf32, #tpu.memory_space<vmem>>
      %dma_wait3A_99 = arith.constant 0 : i32
      %dma_wait3A_100 = tpu.memref_slice %arg9[%mul3A_76, %dma_wait3A_99] : memref<10240x16xf32, #tpu.memory_space<vmem_shared>> -> memref<640x16xf32, #tpu.memory_space<vmem_shared>>
      %dma_wait3A_101 = arith.constant 0 : i32
      %dma_wait3A_102 = arith.constant 0 : i32
      %dma_wait3A_103 = tpu.memref_slice %arg7[%dma_wait3A_101, %dma_wait3A_102] : memref<2560x16xf32, #tpu.memory_space<vmem>> -> memref<640x16xf32, #tpu.memory_space<vmem>>
      %dma_wait3A_104 = arith.constant 0 : i32
      %dma_wait3A_105 = tpu.memref_slice %arg9[%mul3A_76, %dma_wait3A_104] : memref<10240x16xf32, #tpu.memory_space<vmem_shared>> -> memref<640x16xf32, #tpu.memory_space<vmem_shared>>
      tpu.wait_dma2 semaphore(%run_scoped3A : memref<!tpu.dma_semaphore, #tpu.memory_space<semaphore_mem>>) src(%dma_wait3A_105 : memref<640x16xf32, #tpu.memory_space<vmem_shared>>) dst(%dma_wait3A_103 : memref<640x16xf32, #tpu.memory_space<vmem>>)
      tpu.yield
    }) : () -> ()
    %scan3A_77 = arith.constant 0 : i32
    %scan3A_78 = arith.constant 0 : i32
    %scan3A_79 = arith.constant 80 : i32
    %scan3A_80 = arith.addi %scan3A_78, %scan3A_79 : i32
    %scan3A_81 = arith.constant 1 : i32
    scf.for %scan3A_88 = %scan3A_78 to %scan3A_80 step %scan3A_81  : i32 {
      %mul3A_89 = arith.constant 8 : i32
      %mul3A_90 = arith.muli %scan3A_88, %mul3A_89 : i32
      %add3A_91 = arith.constant 0 : i32
      %add3A_92 = arith.addi %add3A_91, %mul3A_90 : i32
      %add3A_93 = arith.constant 0 : i32
      %add3A_94 = arith.addi %add3A_92, %add3A_93 : i32
      %get3A = arith.index_cast %add3A_94 : i32 to index
      %get3A_95 = arith.constant 0 : index
      %get3A_96 = tpu.vector_load %arg7[%get3A, %get3A_95] {strides = array<i32>} : memref<2560x16xf32, #tpu.memory_space<vmem>>, vector<1x16xf32>,
      %get3A_97 = vector.shape_cast %get3A_96 : vector<1x16xf32> to vector<16xf32>
      %swap3A = arith.index_cast %scan3A_88 : i32 to index
      %swap3A_98 = arith.constant 0 : index
      %swap3A_99 = tpu.vector_load %arg8[%swap3A, %swap3A_98] {strides = array<i32>} : memref<320x128xf32, #tpu.memory_space<vmem>>, vector<1x16xf32>,
      %swap3A_100 = vector.shape_cast %swap3A_99 : vector<1x16xf32> to vector<16xf32>
      %swap3A_101 = vector.shape_cast %get3A_97 : vector<16xf32> to vector<1x16xf32>
      tpu.vector_store %arg8[%swap3A, %swap3A_98], %swap3A_101 {strides = array<i32>} : memref<320x128xf32, #tpu.memory_space<vmem>>, vector<1x16xf32>,
      %mul3A_102 = arith.constant 8 : i32
      %mul3A_103 = arith.muli %scan3A_88, %mul3A_102 : i32
      %add3A_104 = arith.constant 0 : i32
      %add3A_105 = arith.addi %add3A_104, %mul3A_103 : i32
      %add3A_106 = arith.constant 1 : i32
      %add3A_107 = arith.addi %add3A_105, %add3A_106 : i32
      %get3A_108 = arith.index_cast %add3A_107 : i32 to index
      %get3A_109 = arith.constant 0 : index
      %get3A_110 = tpu.vector_load %arg7[%get3A_108, %get3A_109] {strides = array<i32>} : memref<2560x16xf32, #tpu.memory_space<vmem>>, vector<1x16xf32>,
      %get3A_111 = vector.shape_cast %get3A_110 : vector<1x16xf32> to vector<16xf32>
      %swap3A_112 = arith.index_cast %scan3A_88 : i32 to index
      %swap3A_113 = arith.constant 16 : index
      %swap3A_114 = tpu.vector_load %arg8[%swap3A_112, %swap3A_113] {strides = array<i32>} : memref<320x128xf32, #tpu.memory_space<vmem>>, vector<1x16xf32>,
      %swap3A_115 = vector.shape_cast %swap3A_114 : vector<1x16xf32> to vector<16xf32>
      %swap3A_116 = vector.shape_cast %get3A_111 : vector<16xf32> to vector<1x16xf32>
      tpu.vector_store %arg8[%swap3A_112, %swap3A_113], %swap3A_116 {strides = array<i32>} : memref<320x128xf32, #tpu.memory_space<vmem>>, vector<1x16xf32>,
      %mul3A_117 = arith.constant 8 : i32
      %mul3A_118 = arith.muli %scan3A_88, %mul3A_117 : i32
      %add3A_119 = arith.constant 0 : i32
      %add3A_120 = arith.addi %add3A_119, %mul3A_118 : i32
      %add3A_121 = arith.constant 2 : i32
      %add3A_122 = arith.addi %add3A_120, %add3A_121 : i32
      %get3A_123 = arith.index_cast %add3A_122 : i32 to index
      %get3A_124 = arith.constant 0 : index
      %get3A_125 = tpu.vector_load %arg7[%get3A_123, %get3A_124] {strides = array<i32>} : memref<2560x16xf32, #tpu.memory_space<vmem>>, vector<1x16xf32>,
      %get3A_126 = vector.shape_cast %get3A_125 : vector<1x16xf32> to vector<16xf32>
      %swap3A_127 = arith.index_cast %scan3A_88 : i32 to index
      %swap3A_128 = arith.constant 32 : index
      %swap3A_129 = tpu.vector_load %arg8[%swap3A_127, %swap3A_128] {strides = array<i32>} : memref<320x128xf32, #tpu.memory_space<vmem>>, vector<1x16xf32>,
      %swap3A_130 = vector.shape_cast %swap3A_129 : vector<1x16xf32> to vector<16xf32>
      %swap3A_131 = vector.shape_cast %get3A_126 : vector<16xf32> to vector<1x16xf32>
      tpu.vector_store %arg8[%swap3A_127, %swap3A_128], %swap3A_131 {strides = array<i32>} : memref<320x128xf32, #tpu.memory_space<vmem>>, vector<1x16xf32>,
      %mul3A_132 = arith.constant 8 : i32
      %mul3A_133 = arith.muli %scan3A_88, %mul3A_132 : i32
      %add3A_134 = arith.constant 0 : i32
      %add3A_135 = arith.addi %add3A_134, %mul3A_133 : i32
      %add3A_136 = arith.constant 3 : i32
      %add3A_137 = arith.addi %add3A_135, %add3A_136 : i32
      %get3A_138 = arith.index_cast %add3A_137 : i32 to index
      %get3A_139 = arith.constant 0 : index
      %get3A_140 = tpu.vector_load %arg7[%get3A_138, %get3A_139] {strides = array<i32>} : memref<2560x16xf32, #tpu.memory_space<vmem>>, vector<1x16xf32>,
      %get3A_141 = vector.shape_cast %get3A_140 : vector<1x16xf32> to vector<16xf32>
      %swap3A_142 = arith.index_cast %scan3A_88 : i32 to index
      %swap3A_143 = arith.constant 48 : index
      %swap3A_144 = tpu.vector_load %arg8[%swap3A_142, %swap3A_143] {strides = array<i32>} : memref<320x128xf32, #tpu.memory_space<vmem>>, vector<1x16xf32>,
      %swap3A_145 = vector.shape_cast %swap3A_144 : vector<1x16xf32> to vector<16xf32>
      %swap3A_146 = vector.shape_cast %get3A_141 : vector<16xf32> to vector<1x16xf32>
      tpu.vector_store %arg8[%swap3A_142, %swap3A_143], %swap3A_146 {strides = array<i32>} : memref<320x128xf32, #tpu.memory_space<vmem>>, vector<1x16xf32>,
      %mul3A_147 = arith.constant 8 : i32
      %mul3A_148 = arith.muli %scan3A_88, %mul3A_147 : i32
      %add3A_149 = arith.constant 0 : i32
      %add3A_150 = arith.addi %add3A_149, %mul3A_148 : i32
      %add3A_151 = arith.constant 4 : i32
      %add3A_152 = arith.addi %add3A_150, %add3A_151 : i32
      %get3A_153 = arith.index_cast %add3A_152 : i32 to index
      %get3A_154 = arith.constant 0 : index
      %get3A_155 = tpu.vector_load %arg7[%get3A_153, %get3A_154] {strides = array<i32>} : memref<2560x16xf32, #tpu.memory_space<vmem>>, vector<1x16xf32>,
      %get3A_156 = vector.shape_cast %get3A_155 : vector<1x16xf32> to vector<16xf32>
      %swap3A_157 = arith.index_cast %scan3A_88 : i32 to index
      %swap3A_158 = arith.constant 64 : index
      %swap3A_159 = tpu.vector_load %arg8[%swap3A_157, %swap3A_158] {strides = array<i32>} : memref<320x128xf32, #tpu.memory_space<vmem>>, vector<1x16xf32>,
      %swap3A_160 = vector.shape_cast %swap3A_159 : vector<1x16xf32> to vector<16xf32>
      %swap3A_161 = vector.shape_cast %get3A_156 : vector<16xf32> to vector<1x16xf32>
      tpu.vector_store %arg8[%swap3A_157, %swap3A_158], %swap3A_161 {strides = array<i32>} : memref<320x128xf32, #tpu.memory_space<vmem>>, vector<1x16xf32>,
      %mul3A_162 = arith.constant 8 : i32
      %mul3A_163 = arith.muli %scan3A_88, %mul3A_162 : i32
      %add3A_164 = arith.constant 0 : i32
      %add3A_165 = arith.addi %add3A_164, %mul3A_163 : i32
      %add3A_166 = arith.constant 5 : i32
      %add3A_167 = arith.addi %add3A_165, %add3A_166 : i32
      %get3A_168 = arith.index_cast %add3A_167 : i32 to index
      %get3A_169 = arith.constant 0 : index
      %get3A_170 = tpu.vector_load %arg7[%get3A_168, %get3A_169] {strides = array<i32>} : memref<2560x16xf32, #tpu.memory_space<vmem>>, vector<1x16xf32>,
      %get3A_171 = vector.shape_cast %get3A_170 : vector<1x16xf32> to vector<16xf32>
      %swap3A_172 = arith.index_cast %scan3A_88 : i32 to index
      %swap3A_173 = arith.constant 80 : index
      %swap3A_174 = tpu.vector_load %arg8[%swap3A_172, %swap3A_173] {strides = array<i32>} : memref<320x128xf32, #tpu.memory_space<vmem>>, vector<1x16xf32>,
      %swap3A_175 = vector.shape_cast %swap3A_174 : vector<1x16xf32> to vector<16xf32>
      %swap3A_176 = vector.shape_cast %get3A_171 : vector<16xf32> to vector<1x16xf32>
      tpu.vector_store %arg8[%swap3A_172, %swap3A_173], %swap3A_176 {strides = array<i32>} : memref<320x128xf32, #tpu.memory_space<vmem>>, vector<1x16xf32>,
      %mul3A_177 = arith.constant 8 : i32
      %mul3A_178 = arith.muli %scan3A_88, %mul3A_177 : i32
      %add3A_179 = arith.constant 0 : i32
      %add3A_180 = arith.addi %add3A_179, %mul3A_178 : i32
      %add3A_181 = arith.constant 6 : i32
      %add3A_182 = arith.addi %add3A_180, %add3A_181 : i32
      %get3A_183 = arith.index_cast %add3A_182 : i32 to index
      %get3A_184 = arith.constant 0 : index
      %get3A_185 = tpu.vector_load %arg7[%get3A_183, %get3A_184] {strides = array<i32>} : memref<2560x16xf32, #tpu.memory_space<vmem>>, vector<1x16xf32>,
      %get3A_186 = vector.shape_cast %get3A_185 : vector<1x16xf32> to vector<16xf32>
      %swap3A_187 = arith.index_cast %scan3A_88 : i32 to index
      %swap3A_188 = arith.constant 96 : index
      %swap3A_189 = tpu.vector_load %arg8[%swap3A_187, %swap3A_188] {strides = array<i32>} : memref<320x128xf32, #tpu.memory_space<vmem>>, vector<1x16xf32>,
      %swap3A_190 = vector.shape_cast %swap3A_189 : vector<1x16xf32> to vector<16xf32>
      %swap3A_191 = vector.shape_cast %get3A_186 : vector<16xf32> to vector<1x16xf32>
      tpu.vector_store %arg8[%swap3A_187, %swap3A_188], %swap3A_191 {strides = array<i32>} : memref<320x128xf32, #tpu.memory_space<vmem>>, vector<1x16xf32>,
      %mul3A_192 = arith.constant 8 : i32
      %mul3A_193 = arith.muli %scan3A_88, %mul3A_192 : i32
      %add3A_194 = arith.constant 0 : i32
      %add3A_195 = arith.addi %add3A_194, %mul3A_193 : i32
      %add3A_196 = arith.constant 7 : i32
      %add3A_197 = arith.addi %add3A_195, %add3A_196 : i32
      %get3A_198 = arith.index_cast %add3A_197 : i32 to index
      %get3A_199 = arith.constant 0 : index
      %get3A_200 = tpu.vector_load %arg7[%get3A_198, %get3A_199] {strides = array<i32>} : memref<2560x16xf32, #tpu.memory_space<vmem>>, vector<1x16xf32>,
      %get3A_201 = vector.shape_cast %get3A_200 : vector<1x16xf32> to vector<16xf32>
      %swap3A_202 = arith.index_cast %scan3A_88 : i32 to index
      %swap3A_203 = arith.constant 112 : index
      %swap3A_204 = tpu.vector_load %arg8[%swap3A_202, %swap3A_203] {strides = array<i32>} : memref<320x128xf32, #tpu.memory_space<vmem>>, vector<1x16xf32>,
      %swap3A_205 = vector.shape_cast %swap3A_204 : vector<1x16xf32> to vector<16xf32>
      %swap3A_206 = vector.shape_cast %get3A_201 : vector<16xf32> to vector<1x16xf32>
      tpu.vector_store %arg8[%swap3A_202, %swap3A_203], %swap3A_206 {strides = array<i32>} : memref<320x128xf32, #tpu.memory_space<vmem>>, vector<1x16xf32>,
    }
    %scan3A_82 = arith.constant 80 : i32
    %mul3A_83 = arith.constant 1280 : i32
    %mul3A_84 = arith.muli %arg0, %mul3A_83 : i32
    %mul3A_85 = arith.constant 80 : i32
    %mul3A_86 = arith.muli %arg1, %mul3A_85 : i32
    %add3A_87 = arith.addi %mul3A_84, %mul3A_86 : i32
    "tpu.region"() ({
      %run_scoped3A = tpu.sem_alloc : memref<!tpu.dma_semaphore, #tpu.memory_space<semaphore_mem>>
      %dma_start3A = arith.constant 0 : i32
      %dma_start3A_88 = arith.constant 0 : i32
      %dma_start3A_89 = tpu.memref_slice %arg8[%dma_start3A, %dma_start3A_88] : memref<320x128xf32, #tpu.memory_space<vmem>> -> memref<80x128xf32, #tpu.memory_space<vmem>>
      %dma_start3A_90 = arith.constant 0 : i32
      %dma_start3A_91 = tpu.memref_slice %arg5[%add3A_87, %dma_start3A_90] : memref<2560x128xf32, #tpu.memory_space<hbm>> -> memref<80x128xf32, #tpu.memory_space<hbm>>
      %dma_start3A_92 = arith.constant 0 : i32
      %dma_start3A_93 = tpu.memref_slice %arg5[%add3A_87, %dma_start3A_92] : memref<2560x128xf32, #tpu.memory_space<hbm>> -> memref<80x128xf32, #tpu.memory_space<hbm>>
      %dma_start3A_94 = arith.constant 0 : i32
      %dma_start3A_95 = arith.constant 0 : i32
      %dma_start3A_96 = tpu.memref_slice %arg8[%dma_start3A_94, %dma_start3A_95] : memref<320x128xf32, #tpu.memory_space<vmem>> -> memref<80x128xf32, #tpu.memory_space<vmem>>
      tpu.enqueue_dma source(%dma_start3A_96 : memref<80x128xf32, #tpu.memory_space<vmem>>) target(%dma_start3A_93 : memref<80x128xf32, #tpu.memory_space<hbm>>) target_semaphore(%run_scoped3A : memref<!tpu.dma_semaphore, #tpu.memory_space<semaphore_mem>>)
      %dma_wait3A = arith.constant 0 : i32
      %dma_wait3A_97 = arith.constant 0 : i32
      %dma_wait3A_98 = tpu.memref_slice %arg8[%dma_wait3A, %dma_wait3A_97] : memref<320x128xf32, #tpu.memory_space<vmem>> -> memref<80x128xf32, #tpu.memory_space<vmem>>
      %dma_wait3A_99 = arith.constant 0 : i32
      %dma_wait3A_100 = tpu.memref_slice %arg5[%add3A_87, %dma_wait3A_99] : memref<2560x128xf32, #tpu.memory_space<hbm>> -> memref<80x128xf32, #tpu.memory_space<hbm>>
      %dma_wait3A_101 = arith.constant 0 : i32
      %dma_wait3A_102 = tpu.memref_slice %arg5[%add3A_87, %dma_wait3A_101] : memref<2560x128xf32, #tpu.memory_space<hbm>> -> memref<80x128xf32, #tpu.memory_space<hbm>>
      %dma_wait3A_103 = arith.constant 0 : i32
      %dma_wait3A_104 = arith.constant 0 : i32
      %dma_wait3A_105 = tpu.memref_slice %arg8[%dma_wait3A_103, %dma_wait3A_104] : memref<320x128xf32, #tpu.memory_space<vmem>> -> memref<80x128xf32, #tpu.memory_space<vmem>>
      tpu.wait_dma2 semaphore(%run_scoped3A : memref<!tpu.dma_semaphore, #tpu.memory_space<semaphore_mem>>) src(%dma_wait3A_105 : memref<80x128xf32, #tpu.memory_space<vmem>>) dst(%dma_wait3A_102 : memref<80x128xf32, #tpu.memory_space<hbm>>)
      tpu.yield
    }) : () -> ()
    return
  }
}

module attributes {stable_mosaic.version = 14 : i64} {
  func.func @_msg_body(%arg0: i32, %arg1: memref<1000x128xf32, #tpu.memory_space<vmem>>, %arg2: memref<1000x128xf32, #tpu.memory_space<vmem>>, %arg3: memref<128x512xf32, #tpu.memory_space<vmem>>, %arg4: memref<1x512xf32, #tpu.memory_space<vmem>>, %arg5: memref<64x256xf32, #tpu.memory_space<vmem>>, %arg6: memref<1x2048xf32, #tpu.memory_space<vmem>>, %arg7: memref<128x2048xf32, #tpu.memory_space<vmem>>, %arg8: memref<2048x128xf32, #tpu.memory_space<vmem>>, %arg9: memref<1000x128xf32, #tpu.memory_space<vmem>>) attributes {dimension_semantics = [#tpu.dimension_semantics<arbitrary>], iteration_bounds = array<i64: 20>, scalar_prefetch = 0 : i64, scratch_operands = 0 : i64, tpu.core_type = #tpu.core_type<tc>, window_params = [{transform_indices = @transform_0, window_bounds = array<i64: 1000, 128>}, {transform_indices = @transform_1, window_bounds = array<i64: 1000, 128>}, {pipeline_mode = #tpu.pipeline_mode<synchronous>, transform_indices = @transform_2, window_bounds = array<i64: 128, 512>}, {pipeline_mode = #tpu.pipeline_mode<synchronous>, transform_indices = @transform_3, window_bounds = array<i64: 1, 512>}, {pipeline_mode = #tpu.pipeline_mode<synchronous>, transform_indices = @transform_4, window_bounds = array<i64: 64, 256>}, {pipeline_mode = #tpu.pipeline_mode<synchronous>, transform_indices = @transform_5, window_bounds = array<i64: 1, 2048>}, {pipeline_mode = #tpu.pipeline_mode<synchronous>, transform_indices = @transform_6, window_bounds = array<i64: 128, 2048>}, {pipeline_mode = #tpu.pipeline_mode<synchronous>, transform_indices = @transform_7, window_bounds = array<i64: 2048, 128>}, {transform_indices = @transform_8, window_bounds = array<i64: 1000, 128>}]} {
    %get3A = arith.constant 0 : index
    %get3A_0 = arith.constant 0 : index
    %get3A_1 = vector.load %arg1[%get3A, %get3A_0] : memref<1000x128xf32, #tpu.memory_space<vmem>>, vector<1000x128xf32>
    %get3A_2 = arith.constant 0 : index
    %get3A_3 = arith.constant 0 : index
    %get3A_4 = vector.load %arg3[%get3A_2, %get3A_3] : memref<128x512xf32, #tpu.memory_space<vmem>>, vector<128x512xf32>
    %dot_general3A = arith.constant dense<0.000000e+00> : vector<1000x512xf32>
    %dot_general3A_5 = tpu.matmul %get3A_1, %get3A_4, %dot_general3A {dimension_numbers = #tpu.dot_dimension_numbers<[1], [0], [0], [1], [0, 0, 1, 1], [], []>, transpose_lhs_hint = false} : vector<1000x128xf32>, vector<128x512xf32>, vector<1000x512xf32> -> vector<1000x512xf32>
    %get3A_6 = arith.constant 0 : index
    %get3A_7 = arith.constant 0 : index
    %get3A_8 = vector.load %arg4[%get3A_6, %get3A_7] : memref<1x512xf32, #tpu.memory_space<vmem>>, vector<1x512xf32>
    %add3A = vector.broadcast %get3A_8 : vector<1x512xf32> to vector<1000x512xf32>
    %add3A_9 = arith.addf %dot_general3A_5, %add3A : vector<1000x512xf32>
    %max3A = arith.constant 0.000000e+00 : f32
    %max3A_10 = vector.broadcast %max3A : f32 to vector<1000x512xf32>
    %max3A_11 = arith.maximumf %add3A_9, %max3A_10 : vector<1000x512xf32>
    %slice3A = vector.extract_strided_slice %max3A_11 {offsets = [0, 0], sizes = [1000, 64], strides = [1, 1]} : vector<1000x512xf32> to vector<1000x64xf32>
    %get3A_12 = arith.constant 0 : index
    %get3A_13 = arith.constant 0 : index
    %get3A_14 = vector.load %arg5[%get3A_12, %get3A_13] : memref<64x256xf32, #tpu.memory_space<vmem>>, vector<64x256xf32>
    %dot_general3A_15 = arith.constant dense<0.000000e+00> : vector<1000x256xf32>
    %dot_general3A_16 = tpu.matmul %slice3A, %get3A_14, %dot_general3A_15 {dimension_numbers = #tpu.dot_dimension_numbers<[1], [0], [0], [1], [0, 0, 1, 1], [], []>, transpose_lhs_hint = false} : vector<1000x64xf32>, vector<64x256xf32>, vector<1000x256xf32> -> vector<1000x256xf32>
    %slice3A_17 = vector.extract_strided_slice %max3A_11 {offsets = [0, 64], sizes = [1000, 64], strides = [1, 1]} : vector<1000x512xf32> to vector<1000x64xf32>
    %get3A_18 = arith.constant 0 : index
    %get3A_19 = arith.constant 0 : index
    %get3A_20 = vector.load %arg5[%get3A_18, %get3A_19] : memref<64x256xf32, #tpu.memory_space<vmem>>, vector<64x256xf32>
    %dot_general3A_21 = arith.constant dense<0.000000e+00> : vector<1000x256xf32>
    %dot_general3A_22 = tpu.matmul %slice3A_17, %get3A_20, %dot_general3A_21 {dimension_numbers = #tpu.dot_dimension_numbers<[1], [0], [0], [1], [0, 0, 1, 1], [], []>, transpose_lhs_hint = false} : vector<1000x64xf32>, vector<64x256xf32>, vector<1000x256xf32> -> vector<1000x256xf32>
    %slice3A_23 = vector.extract_strided_slice %max3A_11 {offsets = [0, 128], sizes = [1000, 64], strides = [1, 1]} : vector<1000x512xf32> to vector<1000x64xf32>
    %get3A_24 = arith.constant 0 : index
    %get3A_25 = arith.constant 0 : index
    %get3A_26 = vector.load %arg5[%get3A_24, %get3A_25] : memref<64x256xf32, #tpu.memory_space<vmem>>, vector<64x256xf32>
    %dot_general3A_27 = arith.constant dense<0.000000e+00> : vector<1000x256xf32>
    %dot_general3A_28 = tpu.matmul %slice3A_23, %get3A_26, %dot_general3A_27 {dimension_numbers = #tpu.dot_dimension_numbers<[1], [0], [0], [1], [0, 0, 1, 1], [], []>, transpose_lhs_hint = false} : vector<1000x64xf32>, vector<64x256xf32>, vector<1000x256xf32> -> vector<1000x256xf32>
    %slice3A_29 = vector.extract_strided_slice %max3A_11 {offsets = [0, 192], sizes = [1000, 64], strides = [1, 1]} : vector<1000x512xf32> to vector<1000x64xf32>
    %get3A_30 = arith.constant 0 : index
    %get3A_31 = arith.constant 0 : index
    %get3A_32 = vector.load %arg5[%get3A_30, %get3A_31] : memref<64x256xf32, #tpu.memory_space<vmem>>, vector<64x256xf32>
    %dot_general3A_33 = arith.constant dense<0.000000e+00> : vector<1000x256xf32>
    %dot_general3A_34 = tpu.matmul %slice3A_29, %get3A_32, %dot_general3A_33 {dimension_numbers = #tpu.dot_dimension_numbers<[1], [0], [0], [1], [0, 0, 1, 1], [], []>, transpose_lhs_hint = false} : vector<1000x64xf32>, vector<64x256xf32>, vector<1000x256xf32> -> vector<1000x256xf32>
    %slice3A_35 = vector.extract_strided_slice %max3A_11 {offsets = [0, 256], sizes = [1000, 64], strides = [1, 1]} : vector<1000x512xf32> to vector<1000x64xf32>
    %get3A_36 = arith.constant 0 : index
    %get3A_37 = arith.constant 0 : index
    %get3A_38 = vector.load %arg5[%get3A_36, %get3A_37] : memref<64x256xf32, #tpu.memory_space<vmem>>, vector<64x256xf32>
    %dot_general3A_39 = arith.constant dense<0.000000e+00> : vector<1000x256xf32>
    %dot_general3A_40 = tpu.matmul %slice3A_35, %get3A_38, %dot_general3A_39 {dimension_numbers = #tpu.dot_dimension_numbers<[1], [0], [0], [1], [0, 0, 1, 1], [], []>, transpose_lhs_hint = false} : vector<1000x64xf32>, vector<64x256xf32>, vector<1000x256xf32> -> vector<1000x256xf32>
    %slice3A_41 = vector.extract_strided_slice %max3A_11 {offsets = [0, 320], sizes = [1000, 64], strides = [1, 1]} : vector<1000x512xf32> to vector<1000x64xf32>
    %get3A_42 = arith.constant 0 : index
    %get3A_43 = arith.constant 0 : index
    %get3A_44 = vector.load %arg5[%get3A_42, %get3A_43] : memref<64x256xf32, #tpu.memory_space<vmem>>, vector<64x256xf32>
    %dot_general3A_45 = arith.constant dense<0.000000e+00> : vector<1000x256xf32>
    %dot_general3A_46 = tpu.matmul %slice3A_41, %get3A_44, %dot_general3A_45 {dimension_numbers = #tpu.dot_dimension_numbers<[1], [0], [0], [1], [0, 0, 1, 1], [], []>, transpose_lhs_hint = false} : vector<1000x64xf32>, vector<64x256xf32>, vector<1000x256xf32> -> vector<1000x256xf32>
    %slice3A_47 = vector.extract_strided_slice %max3A_11 {offsets = [0, 384], sizes = [1000, 64], strides = [1, 1]} : vector<1000x512xf32> to vector<1000x64xf32>
    %get3A_48 = arith.constant 0 : index
    %get3A_49 = arith.constant 0 : index
    %get3A_50 = vector.load %arg5[%get3A_48, %get3A_49] : memref<64x256xf32, #tpu.memory_space<vmem>>, vector<64x256xf32>
    %dot_general3A_51 = arith.constant dense<0.000000e+00> : vector<1000x256xf32>
    %dot_general3A_52 = tpu.matmul %slice3A_47, %get3A_50, %dot_general3A_51 {dimension_numbers = #tpu.dot_dimension_numbers<[1], [0], [0], [1], [0, 0, 1, 1], [], []>, transpose_lhs_hint = false} : vector<1000x64xf32>, vector<64x256xf32>, vector<1000x256xf32> -> vector<1000x256xf32>
    %slice3A_53 = vector.extract_strided_slice %max3A_11 {offsets = [0, 448], sizes = [1000, 64], strides = [1, 1]} : vector<1000x512xf32> to vector<1000x64xf32>
    %get3A_54 = arith.constant 0 : index
    %get3A_55 = arith.constant 0 : index
    %get3A_56 = vector.load %arg5[%get3A_54, %get3A_55] : memref<64x256xf32, #tpu.memory_space<vmem>>, vector<64x256xf32>
    %dot_general3A_57 = arith.constant dense<0.000000e+00> : vector<1000x256xf32>
    %dot_general3A_58 = tpu.matmul %slice3A_53, %get3A_56, %dot_general3A_57 {dimension_numbers = #tpu.dot_dimension_numbers<[1], [0], [0], [1], [0, 0, 1, 1], [], []>, transpose_lhs_hint = false} : vector<1000x64xf32>, vector<64x256xf32>, vector<1000x256xf32> -> vector<1000x256xf32>
    %concatenate3A = tpu.concatenate %dot_general3A_16, %dot_general3A_22, %dot_general3A_28, %dot_general3A_34, %dot_general3A_40, %dot_general3A_46, %dot_general3A_52, %dot_general3A_58 in 1 : vector<1000x256xf32>, vector<1000x256xf32>, vector<1000x256xf32>, vector<1000x256xf32>, vector<1000x256xf32>, vector<1000x256xf32>, vector<1000x256xf32>, vector<1000x256xf32> -> vector<1000x2048xf32>
    %get3A_59 = arith.constant 0 : index
    %get3A_60 = arith.constant 0 : index
    %get3A_61 = vector.load %arg6[%get3A_59, %get3A_60] : memref<1x2048xf32, #tpu.memory_space<vmem>>, vector<1x2048xf32>
    %add3A_62 = vector.broadcast %get3A_61 : vector<1x2048xf32> to vector<1000x2048xf32>
    %add3A_63 = arith.addf %concatenate3A, %add3A_62 : vector<1000x2048xf32>
    %get3A_64 = arith.constant 0 : index
    %get3A_65 = arith.constant 0 : index
    %get3A_66 = vector.load %arg2[%get3A_64, %get3A_65] : memref<1000x128xf32, #tpu.memory_space<vmem>>, vector<1000x128xf32>
    %get3A_67 = arith.constant 0 : index
    %get3A_68 = arith.constant 0 : index
    %get3A_69 = vector.load %arg7[%get3A_67, %get3A_68] : memref<128x2048xf32, #tpu.memory_space<vmem>>, vector<128x2048xf32>
    %dot_general3A_70 = arith.constant dense<0.000000e+00> : vector<1000x2048xf32>
    %dot_general3A_71 = tpu.matmul %get3A_66, %get3A_69, %dot_general3A_70 {dimension_numbers = #tpu.dot_dimension_numbers<[1], [0], [0], [1], [0, 0, 1, 1], [], []>, transpose_lhs_hint = false} : vector<1000x128xf32>, vector<128x2048xf32>, vector<1000x2048xf32> -> vector<1000x2048xf32>
    %mul3A = arith.mulf %dot_general3A_71, %add3A_63 : vector<1000x2048xf32>
    %get3A_72 = arith.constant 0 : index
    %get3A_73 = arith.constant 0 : index
    %get3A_74 = vector.load %arg8[%get3A_72, %get3A_73] : memref<2048x128xf32, #tpu.memory_space<vmem>>, vector<2048x128xf32>
    %dot_general3A_75 = arith.constant dense<0.000000e+00> : vector<1000x128xf32>
    %dot_general3A_76 = tpu.matmul %mul3A, %get3A_74, %dot_general3A_75 {dimension_numbers = #tpu.dot_dimension_numbers<[1], [0], [0], [1], [0, 0, 1, 1], [], []>, transpose_lhs_hint = false} : vector<1000x2048xf32>, vector<2048x128xf32>, vector<1000x128xf32> -> vector<1000x128xf32>
    %swap3A = arith.constant 0 : index
    %swap3A_77 = arith.constant 0 : index
    %swap3A_78 = vector.load %arg9[%swap3A, %swap3A_77] : memref<1000x128xf32, #tpu.memory_space<vmem>>, vector<1000x128xf32>
    tpu.vector_store %arg9[%swap3A, %swap3A_77], %dot_general3A_76 {strides = array<i32>} : memref<1000x128xf32, #tpu.memory_space<vmem>>, vector<1000x128xf32>,
    return
  }
  func.func @transform_0(%arg0: i32) -> (i32, i32) {
    %c0_i32 = arith.constant 0 : i32
    %c0_i32_0 = arith.constant 0 : i32
    return %arg0, %c0_i32 : i32, i32
  }
  func.func @transform_1(%arg0: i32) -> (i32, i32) {
    %c0_i32 = arith.constant 0 : i32
    %c0_i32_0 = arith.constant 0 : i32
    return %arg0, %c0_i32 : i32, i32
  }
  func.func @transform_2(%arg0: i32) -> (i32, i32) {
    %c0_i32 = arith.constant 0 : i32
    %c0_i32_0 = arith.constant 0 : i32
    %c0_i32_1 = arith.constant 0 : i32
    return %c0_i32, %c0_i32_0 : i32, i32
  }
  func.func @transform_3(%arg0: i32) -> (i32, i32) {
    %c0_i32 = arith.constant 0 : i32
    %c0_i32_0 = arith.constant 0 : i32
    %c0_i32_1 = arith.constant 0 : i32
    return %c0_i32, %c0_i32_0 : i32, i32
  }
  func.func @transform_4(%arg0: i32) -> (i32, i32) {
    %c0_i32 = arith.constant 0 : i32
    %c0_i32_0 = arith.constant 0 : i32
    %c0_i32_1 = arith.constant 0 : i32
    return %c0_i32, %c0_i32_0 : i32, i32
  }
  func.func @transform_5(%arg0: i32) -> (i32, i32) {
    %c0_i32 = arith.constant 0 : i32
    %c0_i32_0 = arith.constant 0 : i32
    %c0_i32_1 = arith.constant 0 : i32
    return %c0_i32, %c0_i32_0 : i32, i32
  }
  func.func @transform_6(%arg0: i32) -> (i32, i32) {
    %c0_i32 = arith.constant 0 : i32
    %c0_i32_0 = arith.constant 0 : i32
    %c0_i32_1 = arith.constant 0 : i32
    return %c0_i32, %c0_i32_0 : i32, i32
  }
  func.func @transform_7(%arg0: i32) -> (i32, i32) {
    %c0_i32 = arith.constant 0 : i32
    %c0_i32_0 = arith.constant 0 : i32
    %c0_i32_1 = arith.constant 0 : i32
    return %c0_i32, %c0_i32_0 : i32, i32
  }
  func.func @transform_8(%arg0: i32) -> (i32, i32) {
    %c0_i32 = arith.constant 0 : i32
    %c0_i32_0 = arith.constant 0 : i32
    return %arg0, %c0_i32 : i32, i32
  }
}

module attributes {stable_mosaic.version = 14 : i64} {
  func.func @_combine_body(%arg0: memref<2560x128xf32, #tpu.memory_space<vmem>>, %arg1: memref<2560x128xf32, #tpu.memory_space<vmem>>, %arg2: memref<1250x128xf32, #tpu.memory_space<vmem>>, %arg3: memref<128x128xf32, #tpu.memory_space<vmem>>, %arg4: memref<1x128xf32, #tpu.memory_space<vmem>>, %arg5: memref<1x128xf32, #tpu.memory_space<vmem>>, %arg6: memref<1x128xf32, #tpu.memory_space<vmem>>, %arg7: memref<128x128xf32, #tpu.memory_space<vmem>>, %arg8: memref<128x16xf32, #tpu.memory_space<vmem>>, %arg9: memref<1250x128xf32, #tpu.memory_space<vmem>>) attributes {dimension_semantics = [], scalar_prefetch = 0 : i64, scratch_operands = 0 : i64, tpu.core_type = #tpu.core_type<tc>} {
    %get3A = arith.constant 0 : index
    %get3A_0 = arith.constant 0 : index
    %get3A_1 = vector.load %arg0[%get3A, %get3A_0] : memref<2560x128xf32, #tpu.memory_space<vmem>>, vector<1250x128xf32>
    %get3A_2 = arith.constant 1280 : index
    %get3A_3 = arith.constant 0 : index
    %get3A_4 = vector.load %arg0[%get3A_2, %get3A_3] : memref<2560x128xf32, #tpu.memory_space<vmem>>, vector<1250x128xf32>
    %add3A = arith.addf %get3A_1, %get3A_4 : vector<1250x128xf32>
    %get3A_5 = arith.constant 0 : index
    %get3A_6 = arith.constant 0 : index
    %get3A_7 = vector.load %arg1[%get3A_5, %get3A_6] : memref<2560x128xf32, #tpu.memory_space<vmem>>, vector<1250x128xf32>
    %get3A_8 = arith.constant 1280 : index
    %get3A_9 = arith.constant 0 : index
    %get3A_10 = vector.load %arg1[%get3A_8, %get3A_9] : memref<2560x128xf32, #tpu.memory_space<vmem>>, vector<1250x128xf32>
    %add3A_11 = arith.addf %get3A_7, %get3A_10 : vector<1250x128xf32>
    %max3A = arith.constant 1.000000e+00 : f32
    %max3A_12 = vector.broadcast %max3A : f32 to vector<1250x128xf32>
    %max3A_13 = arith.maximumf %add3A_11, %max3A_12 : vector<1250x128xf32>
    %div3A = arith.divf %add3A, %max3A_13 : vector<1250x128xf32>
    %get3A_14 = arith.constant 0 : index
    %get3A_15 = arith.constant 0 : index
    %get3A_16 = vector.load %arg2[%get3A_14, %get3A_15] : memref<1250x128xf32, #tpu.memory_space<vmem>>, vector<1250x128xf32>
    %get3A_17 = arith.constant 0 : index
    %get3A_18 = arith.constant 0 : index
    %get3A_19 = vector.load %arg3[%get3A_17, %get3A_18] : memref<128x128xf32, #tpu.memory_space<vmem>>, vector<128x128xf32>
    %dot_general3A = arith.constant dense<0.000000e+00> : vector<1250x128xf32>
    %dot_general3A_20 = tpu.matmul %get3A_16, %get3A_19, %dot_general3A {dimension_numbers = #tpu.dot_dimension_numbers<[1], [0], [0], [1], [0, 0, 1, 1], [], []>, transpose_lhs_hint = false} : vector<1250x128xf32>, vector<128x128xf32>, vector<1250x128xf32> -> vector<1250x128xf32>
    %add3A_21 = arith.addf %div3A, %dot_general3A_20 : vector<1250x128xf32>
    %get3A_22 = arith.constant 0 : index
    %get3A_23 = arith.constant 0 : index
    %get3A_24 = vector.load %arg4[%get3A_22, %get3A_23] : memref<1x128xf32, #tpu.memory_space<vmem>>, vector<1x128xf32>
    %add3A_25 = vector.broadcast %get3A_24 : vector<1x128xf32> to vector<1250x128xf32>
    %add3A_26 = arith.addf %add3A_21, %add3A_25 : vector<1250x128xf32>
    %max3A_27 = arith.constant 0.000000e+00 : f32
    %max3A_28 = vector.broadcast %max3A_27 : f32 to vector<1250x128xf32>
    %max3A_29 = arith.maximumf %add3A_26, %max3A_28 : vector<1250x128xf32>
    %get3A_30 = arith.constant 0 : index
    %get3A_31 = arith.constant 0 : index
    %get3A_32 = vector.load %arg7[%get3A_30, %get3A_31] : memref<128x128xf32, #tpu.memory_space<vmem>>, vector<128x128xf32>
    %dot_general3A_33 = arith.constant dense<0.000000e+00> : vector<1250x128xf32>
    %dot_general3A_34 = tpu.matmul %max3A_29, %get3A_32, %dot_general3A_33 {dimension_numbers = #tpu.dot_dimension_numbers<[1], [0], [0], [1], [0, 0, 1, 1], [], []>, transpose_lhs_hint = false} : vector<1250x128xf32>, vector<128x128xf32>, vector<1250x128xf32> -> vector<1250x128xf32>
    %sub3A = arith.subf %max3A_29, %dot_general3A_34 : vector<1250x128xf32>
    %sub3A_35 = arith.subf %max3A_29, %dot_general3A_34 : vector<1250x128xf32>
    %mul3A = arith.mulf %sub3A, %sub3A_35 : vector<1250x128xf32>
    %get3A_36 = arith.constant 0 : index
    %get3A_37 = arith.constant 0 : index
    %get3A_38 = vector.load %arg7[%get3A_36, %get3A_37] : memref<128x128xf32, #tpu.memory_space<vmem>>, vector<128x128xf32>
    %dot_general3A_39 = arith.constant dense<0.000000e+00> : vector<1250x128xf32>
    %dot_general3A_40 = tpu.matmul %mul3A, %get3A_38, %dot_general3A_39 {dimension_numbers = #tpu.dot_dimension_numbers<[1], [0], [0], [1], [0, 0, 1, 1], [], []>, transpose_lhs_hint = false} : vector<1250x128xf32>, vector<128x128xf32>, vector<1250x128xf32> -> vector<1250x128xf32>
    %sub3A_41 = arith.subf %max3A_29, %dot_general3A_34 : vector<1250x128xf32>
    %add3A_42 = arith.constant 9.99999974E-6 : f32
    %add3A_43 = vector.broadcast %add3A_42 : f32 to vector<1250x128xf32>
    %add3A_44 = arith.addf %dot_general3A_40, %add3A_43 : vector<1250x128xf32>
    %rsqrt3A = math.rsqrt %add3A_44 : vector<1250x128xf32>
    %mul3A_45 = arith.mulf %sub3A_41, %rsqrt3A : vector<1250x128xf32>
    %get3A_46 = arith.constant 0 : index
    %get3A_47 = arith.constant 0 : index
    %get3A_48 = vector.load %arg5[%get3A_46, %get3A_47] : memref<1x128xf32, #tpu.memory_space<vmem>>, vector<1x128xf32>
    %mul3A_49 = vector.broadcast %get3A_48 : vector<1x128xf32> to vector<1250x128xf32>
    %mul3A_50 = arith.mulf %mul3A_45, %mul3A_49 : vector<1250x128xf32>
    %get3A_51 = arith.constant 0 : index
    %get3A_52 = arith.constant 0 : index
    %get3A_53 = vector.load %arg6[%get3A_51, %get3A_52] : memref<1x128xf32, #tpu.memory_space<vmem>>, vector<1x128xf32>
    %add3A_54 = vector.broadcast %get3A_53 : vector<1x128xf32> to vector<1250x128xf32>
    %add3A_55 = arith.addf %mul3A_50, %add3A_54 : vector<1250x128xf32>
    %swap3A = arith.constant 0 : index
    %swap3A_56 = arith.constant 0 : index
    %swap3A_57 = vector.load %arg9[%swap3A, %swap3A_56] : memref<1250x128xf32, #tpu.memory_space<vmem>>, vector<1250x128xf32>
    tpu.vector_store %arg9[%swap3A, %swap3A_56], %add3A_55 {strides = array<i32>} : memref<1250x128xf32, #tpu.memory_space<vmem>>, vector<1250x128xf32>,
    return
  }
}

module attributes {stable_mosaic.version = 14 : i64} {
  func.func @_msg_body(%arg0: i32, %arg1: memref<1000x128xf32, #tpu.memory_space<vmem>>, %arg2: memref<1000x128xf32, #tpu.memory_space<vmem>>, %arg3: memref<128x1024xf32, #tpu.memory_space<vmem>>, %arg4: memref<1x1024xf32, #tpu.memory_space<vmem>>, %arg5: memref<128x256xf32, #tpu.memory_space<vmem>>, %arg6: memref<1x2048xf32, #tpu.memory_space<vmem>>, %arg7: memref<128x2048xf32, #tpu.memory_space<vmem>>, %arg8: memref<2048x128xf32, #tpu.memory_space<vmem>>, %arg9: memref<1000x128xf32, #tpu.memory_space<vmem>>) attributes {dimension_semantics = [#tpu.dimension_semantics<arbitrary>], iteration_bounds = array<i64: 20>, scalar_prefetch = 0 : i64, scratch_operands = 0 : i64, tpu.core_type = #tpu.core_type<tc>, window_params = [{transform_indices = @transform_0, window_bounds = array<i64: 1000, 128>}, {transform_indices = @transform_1, window_bounds = array<i64: 1000, 128>}, {pipeline_mode = #tpu.pipeline_mode<synchronous>, transform_indices = @transform_2, window_bounds = array<i64: 128, 1024>}, {pipeline_mode = #tpu.pipeline_mode<synchronous>, transform_indices = @transform_3, window_bounds = array<i64: 1, 1024>}, {pipeline_mode = #tpu.pipeline_mode<synchronous>, transform_indices = @transform_4, window_bounds = array<i64: 128, 256>}, {pipeline_mode = #tpu.pipeline_mode<synchronous>, transform_indices = @transform_5, window_bounds = array<i64: 1, 2048>}, {pipeline_mode = #tpu.pipeline_mode<synchronous>, transform_indices = @transform_6, window_bounds = array<i64: 128, 2048>}, {pipeline_mode = #tpu.pipeline_mode<synchronous>, transform_indices = @transform_7, window_bounds = array<i64: 2048, 128>}, {transform_indices = @transform_8, window_bounds = array<i64: 1000, 128>}]} {
    %get3A = arith.constant 0 : index
    %get3A_0 = arith.constant 0 : index
    %get3A_1 = vector.load %arg1[%get3A, %get3A_0] : memref<1000x128xf32, #tpu.memory_space<vmem>>, vector<1000x128xf32>
    %get3A_2 = arith.constant 0 : index
    %get3A_3 = arith.constant 0 : index
    %get3A_4 = vector.load %arg3[%get3A_2, %get3A_3] : memref<128x1024xf32, #tpu.memory_space<vmem>>, vector<128x1024xf32>
    %dot_general3A = arith.constant dense<0.000000e+00> : vector<1000x1024xf32>
    %dot_general3A_5 = tpu.matmul %get3A_1, %get3A_4, %dot_general3A {dimension_numbers = #tpu.dot_dimension_numbers<[1], [0], [0], [1], [0, 0, 1, 1], [], []>, transpose_lhs_hint = false} : vector<1000x128xf32>, vector<128x1024xf32>, vector<1000x1024xf32> -> vector<1000x1024xf32>
    %get3A_6 = arith.constant 0 : index
    %get3A_7 = arith.constant 0 : index
    %get3A_8 = vector.load %arg4[%get3A_6, %get3A_7] : memref<1x1024xf32, #tpu.memory_space<vmem>>, vector<1x1024xf32>
    %add3A = vector.broadcast %get3A_8 : vector<1x1024xf32> to vector<1000x1024xf32>
    %add3A_9 = arith.addf %dot_general3A_5, %add3A : vector<1000x1024xf32>
    %max3A = arith.constant 0.000000e+00 : f32
    %max3A_10 = vector.broadcast %max3A : f32 to vector<1000x1024xf32>
    %max3A_11 = arith.maximumf %add3A_9, %max3A_10 : vector<1000x1024xf32>
    %slice3A = vector.extract_strided_slice %max3A_11 {offsets = [0, 0], sizes = [1000, 128], strides = [1, 1]} : vector<1000x1024xf32> to vector<1000x128xf32>
    %get3A_12 = arith.constant 0 : index
    %get3A_13 = arith.constant 0 : index
    %get3A_14 = vector.load %arg5[%get3A_12, %get3A_13] : memref<128x256xf32, #tpu.memory_space<vmem>>, vector<128x256xf32>
    %dot_general3A_15 = arith.constant dense<0.000000e+00> : vector<1000x256xf32>
    %dot_general3A_16 = tpu.matmul %slice3A, %get3A_14, %dot_general3A_15 {dimension_numbers = #tpu.dot_dimension_numbers<[1], [0], [0], [1], [0, 0, 1, 1], [], []>, transpose_lhs_hint = false} : vector<1000x128xf32>, vector<128x256xf32>, vector<1000x256xf32> -> vector<1000x256xf32>
    %slice3A_17 = vector.extract_strided_slice %max3A_11 {offsets = [0, 128], sizes = [1000, 128], strides = [1, 1]} : vector<1000x1024xf32> to vector<1000x128xf32>
    %get3A_18 = arith.constant 0 : index
    %get3A_19 = arith.constant 0 : index
    %get3A_20 = vector.load %arg5[%get3A_18, %get3A_19] : memref<128x256xf32, #tpu.memory_space<vmem>>, vector<128x256xf32>
    %dot_general3A_21 = arith.constant dense<0.000000e+00> : vector<1000x256xf32>
    %dot_general3A_22 = tpu.matmul %slice3A_17, %get3A_20, %dot_general3A_21 {dimension_numbers = #tpu.dot_dimension_numbers<[1], [0], [0], [1], [0, 0, 1, 1], [], []>, transpose_lhs_hint = false} : vector<1000x128xf32>, vector<128x256xf32>, vector<1000x256xf32> -> vector<1000x256xf32>
    %slice3A_23 = vector.extract_strided_slice %max3A_11 {offsets = [0, 256], sizes = [1000, 128], strides = [1, 1]} : vector<1000x1024xf32> to vector<1000x128xf32>
    %get3A_24 = arith.constant 0 : index
    %get3A_25 = arith.constant 0 : index
    %get3A_26 = vector.load %arg5[%get3A_24, %get3A_25] : memref<128x256xf32, #tpu.memory_space<vmem>>, vector<128x256xf32>
    %dot_general3A_27 = arith.constant dense<0.000000e+00> : vector<1000x256xf32>
    %dot_general3A_28 = tpu.matmul %slice3A_23, %get3A_26, %dot_general3A_27 {dimension_numbers = #tpu.dot_dimension_numbers<[1], [0], [0], [1], [0, 0, 1, 1], [], []>, transpose_lhs_hint = false} : vector<1000x128xf32>, vector<128x256xf32>, vector<1000x256xf32> -> vector<1000x256xf32>
    %slice3A_29 = vector.extract_strided_slice %max3A_11 {offsets = [0, 384], sizes = [1000, 128], strides = [1, 1]} : vector<1000x1024xf32> to vector<1000x128xf32>
    %get3A_30 = arith.constant 0 : index
    %get3A_31 = arith.constant 0 : index
    %get3A_32 = vector.load %arg5[%get3A_30, %get3A_31] : memref<128x256xf32, #tpu.memory_space<vmem>>, vector<128x256xf32>
    %dot_general3A_33 = arith.constant dense<0.000000e+00> : vector<1000x256xf32>
    %dot_general3A_34 = tpu.matmul %slice3A_29, %get3A_32, %dot_general3A_33 {dimension_numbers = #tpu.dot_dimension_numbers<[1], [0], [0], [1], [0, 0, 1, 1], [], []>, transpose_lhs_hint = false} : vector<1000x128xf32>, vector<128x256xf32>, vector<1000x256xf32> -> vector<1000x256xf32>
    %slice3A_35 = vector.extract_strided_slice %max3A_11 {offsets = [0, 512], sizes = [1000, 128], strides = [1, 1]} : vector<1000x1024xf32> to vector<1000x128xf32>
    %get3A_36 = arith.constant 0 : index
    %get3A_37 = arith.constant 0 : index
    %get3A_38 = vector.load %arg5[%get3A_36, %get3A_37] : memref<128x256xf32, #tpu.memory_space<vmem>>, vector<128x256xf32>
    %dot_general3A_39 = arith.constant dense<0.000000e+00> : vector<1000x256xf32>
    %dot_general3A_40 = tpu.matmul %slice3A_35, %get3A_38, %dot_general3A_39 {dimension_numbers = #tpu.dot_dimension_numbers<[1], [0], [0], [1], [0, 0, 1, 1], [], []>, transpose_lhs_hint = false} : vector<1000x128xf32>, vector<128x256xf32>, vector<1000x256xf32> -> vector<1000x256xf32>
    %slice3A_41 = vector.extract_strided_slice %max3A_11 {offsets = [0, 640], sizes = [1000, 128], strides = [1, 1]} : vector<1000x1024xf32> to vector<1000x128xf32>
    %get3A_42 = arith.constant 0 : index
    %get3A_43 = arith.constant 0 : index
    %get3A_44 = vector.load %arg5[%get3A_42, %get3A_43] : memref<128x256xf32, #tpu.memory_space<vmem>>, vector<128x256xf32>
    %dot_general3A_45 = arith.constant dense<0.000000e+00> : vector<1000x256xf32>
    %dot_general3A_46 = tpu.matmul %slice3A_41, %get3A_44, %dot_general3A_45 {dimension_numbers = #tpu.dot_dimension_numbers<[1], [0], [0], [1], [0, 0, 1, 1], [], []>, transpose_lhs_hint = false} : vector<1000x128xf32>, vector<128x256xf32>, vector<1000x256xf32> -> vector<1000x256xf32>
    %slice3A_47 = vector.extract_strided_slice %max3A_11 {offsets = [0, 768], sizes = [1000, 128], strides = [1, 1]} : vector<1000x1024xf32> to vector<1000x128xf32>
    %get3A_48 = arith.constant 0 : index
    %get3A_49 = arith.constant 0 : index
    %get3A_50 = vector.load %arg5[%get3A_48, %get3A_49] : memref<128x256xf32, #tpu.memory_space<vmem>>, vector<128x256xf32>
    %dot_general3A_51 = arith.constant dense<0.000000e+00> : vector<1000x256xf32>
    %dot_general3A_52 = tpu.matmul %slice3A_47, %get3A_50, %dot_general3A_51 {dimension_numbers = #tpu.dot_dimension_numbers<[1], [0], [0], [1], [0, 0, 1, 1], [], []>, transpose_lhs_hint = false} : vector<1000x128xf32>, vector<128x256xf32>, vector<1000x256xf32> -> vector<1000x256xf32>
    %slice3A_53 = vector.extract_strided_slice %max3A_11 {offsets = [0, 896], sizes = [1000, 128], strides = [1, 1]} : vector<1000x1024xf32> to vector<1000x128xf32>
    %get3A_54 = arith.constant 0 : index
    %get3A_55 = arith.constant 0 : index
    %get3A_56 = vector.load %arg5[%get3A_54, %get3A_55] : memref<128x256xf32, #tpu.memory_space<vmem>>, vector<128x256xf32>
    %dot_general3A_57 = arith.constant dense<0.000000e+00> : vector<1000x256xf32>
    %dot_general3A_58 = tpu.matmul %slice3A_53, %get3A_56, %dot_general3A_57 {dimension_numbers = #tpu.dot_dimension_numbers<[1], [0], [0], [1], [0, 0, 1, 1], [], []>, transpose_lhs_hint = false} : vector<1000x128xf32>, vector<128x256xf32>, vector<1000x256xf32> -> vector<1000x256xf32>
    %concatenate3A = tpu.concatenate %dot_general3A_16, %dot_general3A_22, %dot_general3A_28, %dot_general3A_34, %dot_general3A_40, %dot_general3A_46, %dot_general3A_52, %dot_general3A_58 in 1 : vector<1000x256xf32>, vector<1000x256xf32>, vector<1000x256xf32>, vector<1000x256xf32>, vector<1000x256xf32>, vector<1000x256xf32>, vector<1000x256xf32>, vector<1000x256xf32> -> vector<1000x2048xf32>
    %get3A_59 = arith.constant 0 : index
    %get3A_60 = arith.constant 0 : index
    %get3A_61 = vector.load %arg6[%get3A_59, %get3A_60] : memref<1x2048xf32, #tpu.memory_space<vmem>>, vector<1x2048xf32>
    %add3A_62 = vector.broadcast %get3A_61 : vector<1x2048xf32> to vector<1000x2048xf32>
    %add3A_63 = arith.addf %concatenate3A, %add3A_62 : vector<1000x2048xf32>
    %get3A_64 = arith.constant 0 : index
    %get3A_65 = arith.constant 0 : index
    %get3A_66 = vector.load %arg2[%get3A_64, %get3A_65] : memref<1000x128xf32, #tpu.memory_space<vmem>>, vector<1000x128xf32>
    %get3A_67 = arith.constant 0 : index
    %get3A_68 = arith.constant 0 : index
    %get3A_69 = vector.load %arg7[%get3A_67, %get3A_68] : memref<128x2048xf32, #tpu.memory_space<vmem>>, vector<128x2048xf32>
    %dot_general3A_70 = arith.constant dense<0.000000e+00> : vector<1000x2048xf32>
    %dot_general3A_71 = tpu.matmul %get3A_66, %get3A_69, %dot_general3A_70 {dimension_numbers = #tpu.dot_dimension_numbers<[1], [0], [0], [1], [0, 0, 1, 1], [], []>, transpose_lhs_hint = false} : vector<1000x128xf32>, vector<128x2048xf32>, vector<1000x2048xf32> -> vector<1000x2048xf32>
    %mul3A = arith.mulf %dot_general3A_71, %add3A_63 : vector<1000x2048xf32>
    %get3A_72 = arith.constant 0 : index
    %get3A_73 = arith.constant 0 : index
    %get3A_74 = vector.load %arg8[%get3A_72, %get3A_73] : memref<2048x128xf32, #tpu.memory_space<vmem>>, vector<2048x128xf32>
    %dot_general3A_75 = arith.constant dense<0.000000e+00> : vector<1000x128xf32>
    %dot_general3A_76 = tpu.matmul %mul3A, %get3A_74, %dot_general3A_75 {dimension_numbers = #tpu.dot_dimension_numbers<[1], [0], [0], [1], [0, 0, 1, 1], [], []>, transpose_lhs_hint = false} : vector<1000x2048xf32>, vector<2048x128xf32>, vector<1000x128xf32> -> vector<1000x128xf32>
    %swap3A = arith.constant 0 : index
    %swap3A_77 = arith.constant 0 : index
    %swap3A_78 = vector.load %arg9[%swap3A, %swap3A_77] : memref<1000x128xf32, #tpu.memory_space<vmem>>, vector<1000x128xf32>
    tpu.vector_store %arg9[%swap3A, %swap3A_77], %dot_general3A_76 {strides = array<i32>} : memref<1000x128xf32, #tpu.memory_space<vmem>>, vector<1000x128xf32>,
    return
  }
  func.func @transform_0(%arg0: i32) -> (i32, i32) {
    %c0_i32 = arith.constant 0 : i32
    %c0_i32_0 = arith.constant 0 : i32
    return %arg0, %c0_i32 : i32, i32
  }
  func.func @transform_1(%arg0: i32) -> (i32, i32) {
    %c0_i32 = arith.constant 0 : i32
    %c0_i32_0 = arith.constant 0 : i32
    return %arg0, %c0_i32 : i32, i32
  }
  func.func @transform_2(%arg0: i32) -> (i32, i32) {
    %c0_i32 = arith.constant 0 : i32
    %c0_i32_0 = arith.constant 0 : i32
    %c0_i32_1 = arith.constant 0 : i32
    return %c0_i32, %c0_i32_0 : i32, i32
  }
  func.func @transform_3(%arg0: i32) -> (i32, i32) {
    %c0_i32 = arith.constant 0 : i32
    %c0_i32_0 = arith.constant 0 : i32
    %c0_i32_1 = arith.constant 0 : i32
    return %c0_i32, %c0_i32_0 : i32, i32
  }
  func.func @transform_4(%arg0: i32) -> (i32, i32) {
    %c0_i32 = arith.constant 0 : i32
    %c0_i32_0 = arith.constant 0 : i32
    %c0_i32_1 = arith.constant 0 : i32
    return %c0_i32, %c0_i32_0 : i32, i32
  }
  func.func @transform_5(%arg0: i32) -> (i32, i32) {
    %c0_i32 = arith.constant 0 : i32
    %c0_i32_0 = arith.constant 0 : i32
    %c0_i32_1 = arith.constant 0 : i32
    return %c0_i32, %c0_i32_0 : i32, i32
  }
  func.func @transform_6(%arg0: i32) -> (i32, i32) {
    %c0_i32 = arith.constant 0 : i32
    %c0_i32_0 = arith.constant 0 : i32
    %c0_i32_1 = arith.constant 0 : i32
    return %c0_i32, %c0_i32_0 : i32, i32
  }
  func.func @transform_7(%arg0: i32) -> (i32, i32) {
    %c0_i32 = arith.constant 0 : i32
    %c0_i32_0 = arith.constant 0 : i32
    %c0_i32_1 = arith.constant 0 : i32
    return %c0_i32, %c0_i32_0 : i32, i32
  }
  func.func @transform_8(%arg0: i32) -> (i32, i32) {
    %c0_i32 = arith.constant 0 : i32
    %c0_i32_0 = arith.constant 0 : i32
    return %arg0, %c0_i32 : i32, i32
  }
}

module attributes {stable_mosaic.version = 14 : i64} {
  func.func @_combine_body(%arg0: memref<2560x128xf32, #tpu.memory_space<vmem>>, %arg1: memref<2560x128xf32, #tpu.memory_space<vmem>>, %arg2: memref<1250x128xf32, #tpu.memory_space<vmem>>, %arg3: memref<128x128xf32, #tpu.memory_space<vmem>>, %arg4: memref<1x128xf32, #tpu.memory_space<vmem>>, %arg5: memref<1x128xf32, #tpu.memory_space<vmem>>, %arg6: memref<1x128xf32, #tpu.memory_space<vmem>>, %arg7: memref<128x128xf32, #tpu.memory_space<vmem>>, %arg8: memref<128x16xf32, #tpu.memory_space<vmem>>, %arg9: memref<1x16xf32, #tpu.memory_space<vmem>>) attributes {dimension_semantics = [], scalar_prefetch = 0 : i64, scratch_operands = 0 : i64, tpu.core_type = #tpu.core_type<tc>} {
    %get3A = arith.constant 0 : index
    %get3A_0 = arith.constant 0 : index
    %get3A_1 = vector.load %arg0[%get3A, %get3A_0] : memref<2560x128xf32, #tpu.memory_space<vmem>>, vector<1250x128xf32>
    %get3A_2 = arith.constant 1280 : index
    %get3A_3 = arith.constant 0 : index
    %get3A_4 = vector.load %arg0[%get3A_2, %get3A_3] : memref<2560x128xf32, #tpu.memory_space<vmem>>, vector<1250x128xf32>
    %add3A = arith.addf %get3A_1, %get3A_4 : vector<1250x128xf32>
    %get3A_5 = arith.constant 0 : index
    %get3A_6 = arith.constant 0 : index
    %get3A_7 = vector.load %arg1[%get3A_5, %get3A_6] : memref<2560x128xf32, #tpu.memory_space<vmem>>, vector<1250x128xf32>
    %get3A_8 = arith.constant 1280 : index
    %get3A_9 = arith.constant 0 : index
    %get3A_10 = vector.load %arg1[%get3A_8, %get3A_9] : memref<2560x128xf32, #tpu.memory_space<vmem>>, vector<1250x128xf32>
    %add3A_11 = arith.addf %get3A_7, %get3A_10 : vector<1250x128xf32>
    %max3A = arith.constant 1.000000e+00 : f32
    %max3A_12 = vector.broadcast %max3A : f32 to vector<1250x128xf32>
    %max3A_13 = arith.maximumf %add3A_11, %max3A_12 : vector<1250x128xf32>
    %div3A = arith.divf %add3A, %max3A_13 : vector<1250x128xf32>
    %get3A_14 = arith.constant 0 : index
    %get3A_15 = arith.constant 0 : index
    %get3A_16 = vector.load %arg2[%get3A_14, %get3A_15] : memref<1250x128xf32, #tpu.memory_space<vmem>>, vector<1250x128xf32>
    %get3A_17 = arith.constant 0 : index
    %get3A_18 = arith.constant 0 : index
    %get3A_19 = vector.load %arg3[%get3A_17, %get3A_18] : memref<128x128xf32, #tpu.memory_space<vmem>>, vector<128x128xf32>
    %dot_general3A = arith.constant dense<0.000000e+00> : vector<1250x128xf32>
    %dot_general3A_20 = tpu.matmul %get3A_16, %get3A_19, %dot_general3A {dimension_numbers = #tpu.dot_dimension_numbers<[1], [0], [0], [1], [0, 0, 1, 1], [], []>, transpose_lhs_hint = false} : vector<1250x128xf32>, vector<128x128xf32>, vector<1250x128xf32> -> vector<1250x128xf32>
    %add3A_21 = arith.addf %div3A, %dot_general3A_20 : vector<1250x128xf32>
    %get3A_22 = arith.constant 0 : index
    %get3A_23 = arith.constant 0 : index
    %get3A_24 = vector.load %arg4[%get3A_22, %get3A_23] : memref<1x128xf32, #tpu.memory_space<vmem>>, vector<1x128xf32>
    %add3A_25 = vector.broadcast %get3A_24 : vector<1x128xf32> to vector<1250x128xf32>
    %add3A_26 = arith.addf %add3A_21, %add3A_25 : vector<1250x128xf32>
    %max3A_27 = arith.constant 0.000000e+00 : f32
    %max3A_28 = vector.broadcast %max3A_27 : f32 to vector<1250x128xf32>
    %max3A_29 = arith.maximumf %add3A_26, %max3A_28 : vector<1250x128xf32>
    %get3A_30 = arith.constant 0 : index
    %get3A_31 = arith.constant 0 : index
    %get3A_32 = vector.load %arg7[%get3A_30, %get3A_31] : memref<128x128xf32, #tpu.memory_space<vmem>>, vector<128x128xf32>
    %dot_general3A_33 = arith.constant dense<0.000000e+00> : vector<1250x128xf32>
    %dot_general3A_34 = tpu.matmul %max3A_29, %get3A_32, %dot_general3A_33 {dimension_numbers = #tpu.dot_dimension_numbers<[1], [0], [0], [1], [0, 0, 1, 1], [], []>, transpose_lhs_hint = false} : vector<1250x128xf32>, vector<128x128xf32>, vector<1250x128xf32> -> vector<1250x128xf32>
    %sub3A = arith.subf %max3A_29, %dot_general3A_34 : vector<1250x128xf32>
    %sub3A_35 = arith.subf %max3A_29, %dot_general3A_34 : vector<1250x128xf32>
    %mul3A = arith.mulf %sub3A, %sub3A_35 : vector<1250x128xf32>
    %get3A_36 = arith.constant 0 : index
    %get3A_37 = arith.constant 0 : index
    %get3A_38 = vector.load %arg7[%get3A_36, %get3A_37] : memref<128x128xf32, #tpu.memory_space<vmem>>, vector<128x128xf32>
    %dot_general3A_39 = arith.constant dense<0.000000e+00> : vector<1250x128xf32>
    %dot_general3A_40 = tpu.matmul %mul3A, %get3A_38, %dot_general3A_39 {dimension_numbers = #tpu.dot_dimension_numbers<[1], [0], [0], [1], [0, 0, 1, 1], [], []>, transpose_lhs_hint = false} : vector<1250x128xf32>, vector<128x128xf32>, vector<1250x128xf32> -> vector<1250x128xf32>
    %sub3A_41 = arith.subf %max3A_29, %dot_general3A_34 : vector<1250x128xf32>
    %add3A_42 = arith.constant 9.99999974E-6 : f32
    %add3A_43 = vector.broadcast %add3A_42 : f32 to vector<1250x128xf32>
    %add3A_44 = arith.addf %dot_general3A_40, %add3A_43 : vector<1250x128xf32>
    %rsqrt3A = math.rsqrt %add3A_44 : vector<1250x128xf32>
    %mul3A_45 = arith.mulf %sub3A_41, %rsqrt3A : vector<1250x128xf32>
    %get3A_46 = arith.constant 0 : index
    %get3A_47 = arith.constant 0 : index
    %get3A_48 = vector.load %arg5[%get3A_46, %get3A_47] : memref<1x128xf32, #tpu.memory_space<vmem>>, vector<1x128xf32>
    %mul3A_49 = vector.broadcast %get3A_48 : vector<1x128xf32> to vector<1250x128xf32>
    %mul3A_50 = arith.mulf %mul3A_45, %mul3A_49 : vector<1250x128xf32>
    %get3A_51 = arith.constant 0 : index
    %get3A_52 = arith.constant 0 : index
    %get3A_53 = vector.load %arg6[%get3A_51, %get3A_52] : memref<1x128xf32, #tpu.memory_space<vmem>>, vector<1x128xf32>
    %add3A_54 = vector.broadcast %get3A_53 : vector<1x128xf32> to vector<1250x128xf32>
    %add3A_55 = arith.addf %mul3A_50, %add3A_54 : vector<1250x128xf32>
    %reduce_sum3A = arith.constant dense<0.000000e+00> : vector<128xf32>
    %reduce_sum3A_56 = vector.multi_reduction <add>, %add3A_55, %reduce_sum3A [0] : vector<1250x128xf32> to vector<128xf32>
    %broadcast_in_dim3A = vector.shape_cast %reduce_sum3A_56 : vector<128xf32> to vector<1x128xf32>
    %get3A_57 = arith.constant 0 : index
    %get3A_58 = arith.constant 0 : index
    %get3A_59 = vector.load %arg8[%get3A_57, %get3A_58] : memref<128x16xf32, #tpu.memory_space<vmem>>, vector<128x16xf32>
    %dot_general3A_60 = arith.constant dense<0.000000e+00> : vector<1x16xf32>
    %dot_general3A_61 = tpu.matmul %broadcast_in_dim3A, %get3A_59, %dot_general3A_60 {dimension_numbers = #tpu.dot_dimension_numbers<[1], [0], [0], [1], [0, 0, 1, 1], [], []>, transpose_lhs_hint = false} : vector<1x128xf32>, vector<128x16xf32>, vector<1x16xf32> -> vector<1x16xf32>
    %div3A_62 = arith.constant 1.000000e+04 : f32
    %div3A_63 = vector.broadcast %div3A_62 : f32 to vector<1x16xf32>
    %div3A_64 = arith.divf %dot_general3A_61, %div3A_63 : vector<1x16xf32>
    %swap3A = arith.constant 0 : index
    %swap3A_65 = arith.constant 0 : index
    %swap3A_66 = vector.load %arg9[%swap3A, %swap3A_65] : memref<1x16xf32, #tpu.memory_space<vmem>>, vector<1x16xf32>
    tpu.vector_store %arg9[%swap3A, %swap3A_65], %div3A_64 {strides = array<i32>} : memref<1x16xf32, #tpu.memory_space<vmem>>, vector<1x16xf32>,
    return
  }
}

</mosaic_0001>

<sc_bundles>
// kernel: kernel.11.cloned.1.call-start
scs
__scs_entry_jumppad:
0x0: {  	(pc) =	sbr.rel $0x88, $3  }
0x1: {  	(tag) =	ssettag $0x0;
	lr =	simm.s32 $0x1  }
0x2: {  	[smem:$0x3F8E] =	sst lr;
	_ =	strace $0xD0000000  }
0x3: {  	_ = 	snop  }
0x4: {  	_ = 	snop  }
0x5: {  	_ = 	snop  }
0x6: {  	_ = 	snop  }
0x7: {  	_ = 	snop  }
__scs_overlays_trampoline_lowered:
0x8: {  	[smem:$0x3F9D] =	sst s0  }
0x9: {  	[smem:$0x3F9E] =	sst s1  }
0xa: {  	[smem:$0x3F9F] =	sst s2  }
0xb: {  	[smem:$0x3FA0] =	sst s3  }
0xc: {  	[smem:$0x3FA1] =	sst s4  }
0xd: {  	[smem:$0x3FA2] =	sst s5  }
0xe: {  	[smem:$0x3FA3] =	sst s6  }
0xf: {  	[smem:$0x3FA4] =	sst s7  }
0x10: {  	[smem:$0x3FA5] =	sst s8  }
0x11: {  	[smem:$0x3FA6] =	sst s9;
	s0 =	simm.s32 @!p0 $0x0  }
0x12: {  	s1 =	sld [smem:$0x3F8C];
	s0 =	simm.s32 @p0 $0x1  }
0x13: {  	[smem:$0x3FA7] =	sst s0;
	s0 =	simm.s32 @!p1 $0x0  }
0x14: {  	s2 =	sld [smem:$0x3F8B];
	s0 =	simm.s32 @p1 $0x1  }
0x15: {  	[smem:$0x3FA8] =	sst s0;
	s0 =	simm.s32 @!p2 $0x0  }
0x16: {  	s3 =	sld [smem:$0x3FDB];
	s0 =	simm.s32 @p2 $0x1  }
0x17: {  	s4 =	simm.s32 $0x1BF5;
	[smem:$0x3FAA] =	sst s0  }
0x18: {  	s0 =	sld [smem:$0x3F8D];
	_ =	swait.ge [sflag:s4], $0x0  }
0x19: {  	s7 =	sld [smem:$0x3F8E]  }
0x1a: {  	s8 =	sadd.s32 $0xFFFFE003, lr  }
0x1b: {  	s9 =	sadd.s32 $0xFFFFFEF7, lr;
	s5 =	simm.s32 $0xFFFFFFFF;
	p2 =	slt.u32 s8, $0xFFFFF086  }
0x1c: {  	p1 =	slt.u32 s9, $0xF7A;
	s5 =	simm.s32 @!p2 $0x0  }
0x1d: {  	s5 =	simm.s32 @p1 $0x1;
	p0 =	seq.s32 s7, s2  }
0x1e: {  	s7 =	smul.u32 @!p0 $0xF7A, s2;
	p2 =	seq.s32 @!p0 s5, $0x0  }
0x1f: {  	s9 =	smul.u32 $0xF7A, s1;
	s8 =	simm.s32 @!p0 $0x1BF5;
	p2 =	por !p2, p0  }
0x20: {  	[sflag:s8] =	ssyncset.s32 @!p0 $0xFFFFF086;
	s6 =	sadd.s32 @!p0 s3, s7;
	s7 =	simm.s32 @!p0 $0x108  }
0x21: {  	s3 =	sadd.s32 s3, s9;
	s6 =	sadd.s32 @!p0 $0x88, s6;
	s7 =	simm.s32 @p2 $0x1082  }
0x22: {  	[simem:s7], [sflag:s8] =	dma.local @!p0 [hbm:s6], $0xF7A  }
0x23: {  	s9 =	sor.u32 $0xD0000000, s2;
	s6 =	simm.s32 $0x108;
	_ =	swait.ge @!p0 [sflag:s8], $0x0  }
0x24: {  	s3 =	sadd.s32 $0x88, s3;
	s6 =	simm.s32 @!p1 $0x1082;
	[sflag:s4] =	ssyncset.s32 $0xFFFFF086  }
0x25: {  	[simem:s6], [sflag:s4] =	dma.local [hbm:s3], $0xF7A  }
0x26: {  	[smem:$0x3F8E] =	sst s1;
	(tag) =	ssettag s2;
	_ =	strace s9  }
0x27: {  	s1 =	sld [smem:$0x3F9E]  }
0x28: {  	s2 =	sld [smem:$0x3F9F]  }
0x29: {  	s4 =	sld [smem:$0x3FA1]  }
0x2a: {  	p0 =	seq.s32 s5, $0x0;
	s5 =	sld [smem:$0x3FA2]  }
0x2b: {  	s6 =	sld [smem:$0x3FA3]  }
0x2c: {  	s7 =	sld [smem:$0x3FA4]  }
0x2d: {  	s3 =	simm.s32 $0x108;
	s8 =	sld [smem:$0x3FA5]  }
0x2e: {  	s3 =	simm.s32 @!p0 $0x1082;
	s9 =	sld [smem:$0x3FA6]  }
0x2f: {  	lr =	sadd.s32 s0, s3;
	s0 =	sld [smem:$0x3F9D]  }
0x30: {  	s3 =	sld [smem:$0x3FA0]  }
0x31: {  	[smem:$0x3FA9] =	sst s10  }
0x32: {  	s10 =	sld [smem:$0x3FA7];
	_ =	sdelay $0x3  }
0x33: {  	p0 =	seq.s32 s10, $0x1;
	s10 =	sld [smem:$0x3FA9];
	_ =	sdelay $0x3  }
0x34: {  	[smem:$0x3FA9] =	sst s10  }
0x35: {  	s10 =	sld [smem:$0x3FA8];
	_ =	sdelay $0x3  }
0x36: {  	p1 =	seq.s32 s10, $0x1;
	s10 =	sld [smem:$0x3FA9];
	_ =	sdelay $0x3  }
0x37: {  	[smem:$0x3FA9] =	sst s10  }
0x38: {  	s10 =	sld [smem:$0x3FAA]  }
0x39: {  	_ = 	snop;
	(pc) =	sbr.ind lr, $3  }
0x3a: {  	_ = 	snop  }
0x3b: {  	_ = 	snop  }
0x3c: {  	p2 =	seq.s32 s10, $0x1;
	s10 =	sld [smem:$0x3FA9]  }
0x3d: {  	_ =	shalt  }
0x3e: {  	_ =	shalt  }
0x3f: {  	_ =	shalt  }
0x40: {  	_ =	shalt  }
0x41: {  	_ =	shalt  }
0x42: {  	_ =	shalt  }
0x43: {  	_ =	shalt  }
0x44: {  	_ =	shalt  }
0x45: {  	_ =	shalt  }
0x46: {  	_ =	shalt  }
0x47: {  	_ =	shalt  }
0x48: {  	_ =	shalt  }
0x49: {  	_ =	shalt  }
0x4a: {  	_ =	shalt  }
0x4b: {  	_ =	shalt  }
0x4c: {  	_ =	shalt  }
0x4d: {  	_ =	shalt  }
0x4e: {  	_ =	shalt  }
0x4f: {  	_ =	shalt  }
0x50: {  	_ =	shalt  }
0x51: {  	_ =	shalt  }
0x52: {  	_ =	shalt  }
0x53: {  	_ =	shalt  }
0x54: {  	_ =	shalt  }
0x55: {  	_ =	shalt  }
0x56: {  	_ =	shalt  }
0x57: {  	_ =	shalt  }
0x58: {  	_ =	shalt  }
0x59: {  	_ =	shalt  }
0x5a: {  	_ =	shalt  }
0x5b: {  	_ =	shalt  }
0x5c: {  	_ =	shalt  }
0x5d: {  	_ =	shalt  }
0x5e: {  	_ =	shalt  }
0x5f: {  	_ =	shalt  }
0x60: {  	_ =	shalt  }
0x61: {  	_ =	shalt  }
0x62: {  	_ =	shalt  }
0x63: {  	_ =	shalt  }
0x64: {  	_ =	shalt  }
0x65: {  	_ =	shalt  }
0x66: {  	_ =	shalt  }
0x67: {  	_ =	shalt  }
0x68: {  	_ =	shalt  }
0x69: {  	_ =	shalt  }
0x6a: {  	_ =	shalt  }
0x6b: {  	_ =	shalt  }
0x6c: {  	_ =	shalt  }
0x6d: {  	_ =	shalt  }
0x6e: {  	_ =	shalt  }
0x6f: {  	_ =	shalt  }
0x70: {  	_ =	shalt  }
0x71: {  	_ =	shalt  }
0x72: {  	_ =	shalt  }
0x73: {  	_ =	shalt  }
0x74: {  	_ =	shalt  }
0x75: {  	_ =	shalt  }
0x76: {  	_ =	shalt  }
0x77: {  	_ =	shalt  }
0x78: {  	_ =	shalt  }
0x79: {  	_ =	shalt  }
0x7a: {  	_ =	shalt  }
0x7b: {  	_ =	shalt  }
0x7c: {  	_ =	shalt  }
0x7d: {  	_ =	shalt  }
0x7e: {  	_ =	shalt  }
0x7f: {  	_ =	shalt  }
0x80: {  	_ =	shalt  }
0x81: {  	_ =	shalt  }
0x82: {  	_ =	shalt  }
0x83: {  	_ =	shalt  }
0x84: {  	_ =	shalt  }
0x85: {  	_ =	shalt  }
0x86: {  	_ =	shalt  }
0x87: {  	_ =	shalt  }
.Lfunc_end0:
.L_simem_size_0:
called_computation_lowered:
.L_overlay_start_0:
0x88: {  	s2 =	sld [smem:$0x3FD9]  }
0x89: {  	s3 =	sld [smem:$0x3FFE];
	_ =	sdelay $0x1  }
0x8a: {  	s1 =	srdreg.scid  }
0x8b: {  	s0 =	sand.u32 $0x1, s1  }
0x8c: {  	s17 =	sshll.u32 s0, $0xA;
	s2 =	sadd.s32 s3, s2  }
0x8d: {  	s2 =	sadd.s32 s2, s17  }
0x8e: {  	[smem:$0x3FB5] =	sst s2  }
0x8f: {  	_ = 	snop  }
0x90: {  	(tm) =	ssettm $0x1  }
0x91: {  	s18 =	sld [smem:$0x3FFB];
	_ =	sdelay $0x3  }
0x92: {  	_ =	strace s18  }
0x93: {  	s2 =	sld [smem:$0x3FFC];
	_ =	sdelay $0x3  }
0x94: {  	_ =	strace s2  }
0x95: {  	s2 =	sld [smem:$0x3FFD];
	_ =	sdelay $0x3  }
0x96: {  	_ =	strace s2  }
0x97: {  	_ =	strace $0x8FFFFFFF  }
0x98: {  	s19 =	sld [smem:$0x3FDB];
	_ =	sdelay $0x1  }
0x99: {  	s20 =	simm.s32 $_scs_section_size  }
0x9a: {  	s4 =	simm.s32 $_size__tile_overlayer_lowered;
	s5 =	simm.s32 $_tile_overlayer_lowered  }
0x9b: {  	s6 =	simm.s32 $0x1BFF;
	s21 =	sshll.u32 s5, $0x1;
	s3 =	sadd.s32 s20, s19  }
0x9c: {  	s22 =	simm.s32 $0x0;
	s4 =	sshll.u32 s4, $0x1;
	s5 =	sadd.s32 s21, s3  }
0x9d: {  	[timem:s22], [sflag:s6] =	dma.local [hbm:s5], s4  }
0x9e: {  	_ =	swait.ge [sflag:s6], s4  }
0x9f: {  	s4 =	ssub.s32 $0x0, s4;
	[sflag:s6] =	ssyncset.done $0x0  }
0xa0: {  	[sflag:s6] =	ssyncadd.s32 s4;
	_ =	sdelay $0x1  }
0xa1: {  	s23 =	simm.s32 $0x1B8B  }
0xa2: {  	_ =	swait.ge [sflag:s23], $0x1  }
0xa3: {  	[sflag:s23] =	ssyncset.done $0x0  }
0xa4: {  	[sflag:s23] =	ssyncadd.s32 $0xFFFFFFFF  }
0xa5: {  	s4 =	sld [smem:$0x0]  }
0xa6: {  	s5 =	sand.u32 $0xFFFFFFFE, s1  }
0xa7: {  	p0 =	sne.s32 s1, s5  }
0xa8: {  	s5 =	sshll.u32 @p0 s5, $0xE  }
0xa9: {  	s5 =	sadd.s32 @p0 $0x11B8D, s5;
	s6 =	sshll.u32 @p0 s4, $0x11  }
0xaa: {  	s5 =	sor.u32 @p0 s6, s5  }
0xab: {  	[sflag:s5] =	ssyncadd.remote.s32 @p0 $0x1;
	_ =	sdelay $0x1  }
0xac: {  	s5 =	simm.s32 @p0 $0x1B8D  }
0xad: {  	_ =	swait.eq @p0 [sflag:s5], $0x1  }
0xae: {  	[sflag:s5] =	ssyncadd.s32 @p0 $0xFFFFFFFF  }
0xaf: {  	s6 =	sshll.u32 @!p0 s1, $0xE  }
0xb0: {  	s6 =	sor.u32 @!p0 $0x4000, s6;
	s5 =	simm.s32 @!p0 $0x1B8D  }
0xb1: {  	s4 =	sshll.u32 @!p0 s4, $0x11;
	s6 =	sadd.s32 @!p0 $0x11B8D, s6;
	_ =	swait.eq @!p0 [sflag:s5], $0x1  }
0xb2: {  	s4 =	sor.u32 @!p0 s4, s6;
	[sflag:s5] =	ssyncadd.s32 @!p0 $0xFFFFFFFF  }
0xb3: {  	s25 =	simm.s32 $0x1B8E;
	s24 =	sld [smem:$0x3FFE];
	[sflag:s4] =	ssyncadd.remote.s32 @!p0 $0x1  }
0xb4: {  	s26 =	simm.s32 $execute0_lowered;
	[smem:$0x3FD2] =	sst s25  }
0xb5: {  	s5 =	sshll.u32 s26, $0x1;
	_ =	strace $0x80000049;
	[dreg:$0x1] =	wrdreg $0xFFFFFFFF  }
0xb6: {  	s28 =	simm.s32 $_size_execute0_lowered;
	s3 =	sadd.s32 s3, s5;
	[dreg:$0x0] =	wrdreg $0x0  }
0xb7: {  	s5 =	sshll.u32 s28, $0x1;
	[dreg:$0x2] =	wrdreg s3  }
0xb8: {  	[dreg:$0x3] =	wrdreg s5  }
0xb9: {  	[dreg:$0x4] =	wrdreg $0xC0  }
0xba: {  	_ =	task [dreg:s22], $0x5FFFF  }
0xbb: {  	[dreg:$0x1] =	wrdreg $0xFFFFFFFF  }
0xbc: {  	[dreg:$0x0] =	wrdreg $0x60  }
0xbd: {  	[dreg:$0x2] =	wrdreg s24  }
0xbe: {  	[dreg:$0x3] =	wrdreg $0x6C000  }
0xbf: {  	[dreg:$0x4] =	wrdreg $0x9  }
0xc0: {  	_ =	task.clear_ibuf [dreg:s22], $0x5FFFF;
	_ =	strace $0x90000049  }
0xc1: {  	s29 =	simm.s32 $0x9;
	_ =	strace $0x8000004B  }
0xc2: {  	_ =	swait.ge [sflag:s29], $0x1  }
0xc3: {  	[sflag:s29] =	ssyncadd.s32 $0xFFFFFFFF  }
0xc4: {  	_ =	strace $0x9000004B  }
0xc5: {  	_ =	sfence  }
0xc6: {  	s30 =	sld [smem:$0x0];
	_ =	sdelay $0x2  }
0xc7: {  	s31 =	sshll.u32 s1, $0xD;
	s1 =	sshrl.u32 s1, $0x2  }
0xc8: {  	s4 =	sand.u32 $0x4000, s31;
	s1 =	sadd.s32 s1, s30  }
0xc9: {  	s0 =	sor.u32 s4, s0;
	s1 =	sshll.u32 s1, $0x11  }
0xca: {  	s0 =	sor.u32 s1, s0  }
0xcb: {  	s0 =	sadd.s32 $0x8F2B, s0  }
0xcc: {  	[sflag:s0] =	ssyncadd.remote.s32 $0x1  }
0xcd: {  	_ =	sfence.sel $0xFFFF  }
0xce: {  	[dreg:$0x0] =	wrdreg $0xFFFFFFFF;
	(pc) =	sbr.abs _section_cstart, $3  }
0xcf: {  	[dreg:$0x1] =	wrdreg $0xFFFFFFFF  }
0xd0: {  	_ =	task.clear_ibuf [dreg:s22], $0x2FFFF;
	_ =	strace $0x9FFFFFFF  }
0xd1: {  	(tm) =	ssettm $0x7FFFFFFF  }
tec
execute0_lowered:
.L_overlay_start_1:
0x0: {  	(tag) =	ssettag $0x1  }
0x1: {  	s6 =	rddreg [dreg:$0x0]  }
0x2: {  	s1 =	rddreg [dreg:$0x1]  }
0x3: {  	s2 =	srdreg.scid;
	s0 =	rddreg [dreg:$0x2];
	s3 =	simm.s32 $0x0  }
0x4: {  	s15 =	simm.s32 $0x6400;
	s16 =	simm.s32 $0x1400;
	s17 =	simm.s32 $0x3C00  }
0x5: {  	s18 =	simm.s32 $0x0;
	s8 =	sand.u32 $0x1, s2;
	s2 =	stileid.u32  }
0x6: {  	[smem:$0x7FF] =	sst s3;
	s5 =	smul.u32 $0x5000, s8;
	s4 =	sshll.u32 s2, $0x5  }
0x7: {  	s7 =	smul.u32 $0x500, s2;
	_ =	strace $0x8000004A;
	s9 =	ssub.s32 $0x2, s8  }
0x8: {  	s11 =	smul.u32 $0xA000, s2;
	s30 =	sshll.u32 s2, $0x6;
	s31 =	sshll.u32 s8, $0x4  }
0x9: {  	s10 =	sadd.s32 s4, s6;
	s4 =	sadd.s32 $0x62A00, s6;
	s28 =	sshrl.u32 s9, $0x1  }
0xa: {  	s8 =	sor.u32 $0x1C02, s30;
	s7 =	sadd.s32 s7, s5;
	s5 =	sadd.s32 $0x63000, s6  }
0xb: {  	s13 =	ssub.s32 s9, s28;
	s29 =	sshrl.u32 s11, $0x2;
	s14 =	sadd.s32 s31, s10  }
0xc: {  	s12 =	sadd.s32 s7, s6;
	s6 =	sshll.u32 s2, $0x1;
	s7 =	sadd.s32 s29, s1  }
0xd: {  	s11 =	smax.u32 s13, $0x1;
	s9 =	ssub.s32 $0x4E2, s6;
	s10 =	sadd.s32 $0x63200, s12  }
0xe: {  	s12 =	sadd.s32 $0xA800, s14;
	s13 =	sshrl.u32 s7, $0x3;
	s14 =	simm.s32 $0x2  }
.LBB2_1:
0xf: {  	[spmem:s13], [sflag:s8] =	dma.local [hbm:s4], $0x500  }
0x10: {  	_ =	swait.ge [sflag:s14], $0x500  }
0x11: {  	[sflag:s14] =	ssyncset.done $0x0  }
0x12: {  	[sflag:s14] =	ssyncadd.s32 $0xFFFFFB00  }
0x13: {  	[tilespmem:s15], [sflag:$0x2] =	stream.linear.gather [hbm4b:s5+s3], $0x800, $0x38;
	[tilespmem:$0x9400] =	vst v63  }
0x14: {  	_ =	swait.ge [sflag:s14], $0x800  }
0x15: {  	s20 =	simm.s32 $0x200;
	p0 =	sgt.u32 s6, $0x4E1;
	[sflag:s14] =	ssyncset.done $0x0  }
0x16: {  	s21 =	sadd.s32 $0x20, s6;
	s22 =	simm.s32 @!p0 $0x0;
	[sflag:s14] =	ssyncadd.s32 $0xFFFFF800  }
0x17: {  	s23 =	sadd.s32 @!p0 $0x0, s12;
	s24 =	simm.s32 @!p0 $0x0;
	[bflag:$0x0] =	sbarrier.arrive $0xFFFF  }
.LBB2_2:
0x18: {  	[tilespmem:s22], [sflag:$0x1] =	stream.linear.gather @!p0 [hbm4b:s23+s24], $0x80, $0x38;
	[tilespmem:$0x9400] =	vst v63  }
0x19: {  	s23 =	smov.u32 s20;
	s20 =	sadd.s32 $0x200, s20  }
0x1a: {  	p1 =	sne.s32 s20, $0x5000  }
.Ltmp0:
0x1b: {  	(pc) =	sbr.rel @p1 .LBB2_2-.Ltmp0, $3  }
0x1c: {  	_ =	sdelay $0x1  }
0x1d: {  	p0 =	sgt.u32 s21, $0x4E1;
	s21 =	sadd.s32 $0x20, s21;
	s19 =	simm.s32 $0x0  }
0x1e: {  	s22 =	sshra.s32 @!p0 s23, $0x2;
	s23 =	sadd.s32 @!p0 s23, s12;
	s24 =	simm.s32 @!p0 $0x0  }
0x1f: {  	[tilespmem:s22], [sflag:$0x1] =	stream.linear.gather @!p0 [hbm4b:s23+s24], $0x80, $0x38;
	[tilespmem:$0x9400] =	vst v63  }
0x20: {  	p0 =	sle.u32 s9, $0x0  }
0x21: {  	s21 =	simm.s32 @!p0 $0x1  }
0x22: {  	_ =	swait.ge @!p0 [sflag:s21], $0x80  }
0x23: {  	s20 =	simm.s32 $0x20;
	[sflag:s21] =	ssyncset.done @!p0 $0x0  }
.LBB2_4:
0x24: {  	[sflag:s21] =	ssyncadd.s32 @!p0 $0xFFFFFF80;
	s21 =	smov.u32 s20;
	s20 =	sadd.s32 $0x20, s20  }
0x25: {  	p1 =	sne.s32 s20, $0x500  }
.Ltmp1:
0x26: {  	(pc) =	sbr.rel @p1 .LBB2_4-.Ltmp1, $4  }
0x27: {  	p0 =	sge.u32 s21, s9  }
0x28: {  	s21 =	simm.s32 @!p0 $0x1  }
0x29: {  	_ =	swait.ge @!p0 [sflag:s21], $0x80  }
0x2a: {  	[sflag:s21] =	ssyncset.done @!p0 $0x0  }
0x2b: {  	[sflag:s21] =	ssyncadd.s32 @!p0 $0xFFFFFF80;
	s20 =	simm.s32 $0x0  }
.LBB2_6:
0x2c: {  	p0 =	sge.u32 s20, s9  }
0x2d: {  	s20 =	sadd.s32 $0x20, s20;
	s21 =	simm.s32 @!p0 $0x80;
	s22 =	simm.s32 @!p0 $0x6400  }
0x2e: {  	[spmem:s1] =	stream.indirect.scatter.add.f32 @!p0 [tilespmem:s22], [sflag:$0x1], $0x10, s19, s21, $0xb8;
	[tilespmem:$0x9400] =	vst v63  }
0x2f: {  	p0 =	sne.s32 s20, $0x500  }
.Ltmp2:
0x30: {  	_ = 	snop;
	(pc) =	sbr.rel @p0 .LBB2_6-.Ltmp2, $2  }
0x31: {  	_ =	sdelay $0x2  }
0x32: {  	s19 =	sadd.s32 $0x80, s19  }
0x33: {  	p0 =	sle.u32 s9, $0x0  }
0x34: {  	s20 =	simm.s32 @!p0 $0x1  }
0x35: {  	_ =	swait.ge @!p0 [sflag:s20], $0x800  }
0x36: {  	s19 =	simm.s32 $0x20;
	[sflag:s20] =	ssyncset.done @!p0 $0x0  }
.LBB2_8:
0x37: {  	[sflag:s20] =	ssyncadd.s32 @!p0 $0xFFFFF800;
	s20 =	smov.u32 s19;
	s19 =	sadd.s32 $0x20, s19  }
0x38: {  	p1 =	sne.s32 s19, $0x500  }
.Ltmp3:
0x39: {  	(pc) =	sbr.rel @p1 .LBB2_8-.Ltmp3, $4  }
0x3a: {  	p0 =	sge.u32 s20, s9  }
0x3b: {  	s20 =	simm.s32 @!p0 $0x1  }
0x3c: {  	_ =	swait.ge @!p0 [sflag:s20], $0x800  }
0x3d: {  	[sflag:s20] =	ssyncset.done @!p0 $0x0  }
0x3e: {  	[sflag:s20] =	ssyncadd.s32 @!p0 $0xFFFFF800  }
0x3f: {  	[bflag:$0x0] =	sbarrier.arrive $0xFFFF  }
0x40: {  	[tilespmem:s16], [sflag:$0x2] =	stream.linear.gather [spmem:s7], $0x2800, $0x38;
	[tilespmem:$0x9400] =	vst v63  }
0x41: {  	_ =	swait.ge [sflag:s14], $0x2800  }
0x42: {  	[sflag:s14] =	ssyncset.done $0x0  }
0x43: {  	s19 =	simm.s32 $0x0;
	[sflag:s14] =	ssyncadd.s32 $0xFFFFD800  }
0x44: {  	v3 =	vld [tilespmem:s19+$0x1470]  }
0x45: {  	v4 =	vld [tilespmem:s19+$0x1400]  }
0x46: {  	v5 =	vld [tilespmem:s19+$0x1410]  }
0x47: {  	v2 =	vld [tilespmem:s19+$0x1420]  }
0x48: {  	v0 =	vld [tilespmem:s19+$0x1430]  }
0x49: {  	v1 =	vld [tilespmem:s19+$0x1440];
	[tilespmem:s19+$0x3C70] =	vst v3  }
0x4a: {  	[tilespmem:s19+$0x3C00] =	vst v4;
	v3 =	vld [tilespmem:s19+$0x1450]  }
0x4b: {  	s20 =	simm.s32 $0x80;
	s21 =	simm.s32 $0x400;
	[tilespmem:s19+$0x3C10] =	vst v5;
	v4 =	vld [tilespmem:s19+$0x1460]  }
.LBB2_10:
0x4c: {  	p0 =	sne.s32 s21, $0x9E00;
	v5 =	vld [tilespmem:s20+$0x1470];
	[tilespmem:s19+$0x3C20] =	vst v2  }
0x4d: {  	v6 =	vld [tilespmem:s20+$0x1400];
	[tilespmem:s19+$0x3C30] =	vst v0  }
0x4e: {  	v7 =	vld [tilespmem:s20+$0x1410];
	[tilespmem:s19+$0x3C40] =	vst v1  }
.Ltmp4:
0x4f: {  	v2 =	vld [tilespmem:s20+$0x1420];
	[tilespmem:s19+$0x3C50] =	vst v3;
	(pc) =	sbr.rel @p0 .LBB2_10-.Ltmp4, $4  }
0x50: {  	v0 =	vld [tilespmem:s20+$0x1430];
	[tilespmem:s19+$0x3C60] =	vst v4;
	s19 =	smov.u32 s20  }
0x51: {  	v1 =	vld [tilespmem:s19+$0x1440];
	[tilespmem:s19+$0x3C70] =	vst v5  }
0x52: {  	[tilespmem:s19+$0x3C00] =	vst v6;
	v3 =	vld [tilespmem:s19+$0x1450]  }
0x53: {  	s20 =	sshra.s32 s21, $0x2;
	s21 =	sadd.s32 $0x200, s21;
	[tilespmem:s19+$0x3C10] =	vst v7;
	v4 =	vld [tilespmem:s19+$0x1460]  }
0x54: {  	v5 =	vld [tilespmem:s20+$0x1470];
	[tilespmem:s19+$0x3C20] =	vst v2  }
0x55: {  	v2 =	vld [tilespmem:s20+$0x1400];
	[tilespmem:s19+$0x3C30] =	vst v0  }
0x56: {  	v0 =	vld [tilespmem:s20+$0x1410];
	[tilespmem:s19+$0x3C40] =	vst v1  }
0x57: {  	v1 =	vld [tilespmem:s20+$0x1420];
	[tilespmem:s19+$0x3C50] =	vst v3  }
0x58: {  	v3 =	vld [tilespmem:s20+$0x1430];
	[tilespmem:s19+$0x3C60] =	vst v4  }
0x59: {  	v4 =	vld [tilespmem:s20+$0x1440];
	[tilespmem:s20+$0x3C70] =	vst v5  }
0x5a: {  	v62 =	vld [tilespmem:s20+$0x1450];
	[tilespmem:s20+$0x3C00] =	vst v2  }
0x5b: {  	v63 =	vld [tilespmem:s20+$0x1460];
	[tilespmem:s20+$0x3C10] =	vst v0  }
0x5c: {  	[tilespmem:s20+$0x3C20] =	vst v1  }
0x5d: {  	[tilespmem:s20+$0x3C30] =	vst v3  }
0x5e: {  	s18 =	sadd.s32 $0x1, s18;
	[tilespmem:s20+$0x3C40] =	vst v4  }
0x5f: {  	p0 =	sne.s32 s18, s11;
	[tilespmem:s20+$0x3C50] =	vst v62  }
.Ltmp5:
0x60: {  	[tilespmem:s20+$0x3C60] =	vst v63;
	(pc) =	sbr.rel @p0 .LBB2_1-.Ltmp5, $4  }
0x61: {  	[hbm4b:s10+s3] =	stream.linear.scatter [tilespmem:s17], [sflag:$0x2], $0x2800, $0x38;
	[tilespmem:$0x9400] =	vst v63  }
0x62: {  	_ =	swait.ge [sflag:s14], $0x2800  }
0x63: {  	[sflag:s14] =	ssyncset.done $0x0  }
0x64: {  	[sflag:s14] =	ssyncadd.s32 $0xFFFFD800  }
0x65: {  	_ =	sfence.sel $0x180000  }
0x66: {  	[bflag:$0x0] =	sbarrier.arrive $0xFFFF  }
0x67: {  	p0 =	sne.s32 s2, $0x0;
	_ =	strace $0x9000004A  }
0x68: {  	s0 =	sadd.s32 @!p0 $0x100000, s0;
	[bflag:$0x2] =	sbarrier.arrive $0xFFFF  }
0x69: {  	[sflag:s0] =	ssyncadd.tile.s32 @!p0 $0x1;
	_ =	shalt  }
.Lfunc_end2:
_tile_overlayer_lowered:
.L_overlay_start_2:
0x6a: {  	(tag) =	ssettag $0x2  }
0x6b: {  	s0 =	rddreg [dreg:$0x0];
	s2 =	stileid.u32  }
0x6c: {  	s1 =	rddreg [dreg:$0x1];
	p0 =	sne.s32 s2, $0x0  }
0x6d: {  	s3 =	rddreg [dreg:$0x2];
	[bflag:$0x3] =	sbarrier.arrive $0xFFFF;
	s2 =	simm.s32 @!p0 $0x1C02  }
0x6e: {  	[timem:s3], [sflag:s2] =	dma.local @!p0 [hbm:s0], s1  }
0x6f: {  	s0 =	simm.s32 @!p0 $0x2  }
0x70: {  	_ =	swait.ge @!p0 [sflag:s0], s1  }
0x71: {  	s1 =	ssub.s32 @!p0 $0x0, s1;
	[sflag:s0] =	ssyncset.done @!p0 $0x0  }
0x72: {  	[sflag:s0] =	ssyncadd.s32 @!p0 s1  }
0x73: {  	[bflag:$0x3] =	sbarrier.arrive $0xFFFF  }
0x74: {  	_ =	shalt  }

// kernel: kernel.14.cloned.1.call-start
scs
__scs_entry_jumppad:
0x0: {  	(pc) =	sbr.rel $0x88, $3  }
0x1: {  	(tag) =	ssettag $0x0;
	lr =	simm.s32 $0x1  }
0x2: {  	[smem:$0x3F8E] =	sst lr;
	_ =	strace $0xD0000000  }
0x3: {  	_ = 	snop  }
0x4: {  	_ = 	snop  }
0x5: {  	_ = 	snop  }
0x6: {  	_ = 	snop  }
0x7: {  	_ = 	snop  }
__scs_overlays_trampoline_lowered:
0x8: {  	[smem:$0x3F9D] =	sst s0  }
0x9: {  	[smem:$0x3F9E] =	sst s1  }
0xa: {  	[smem:$0x3F9F] =	sst s2  }
0xb: {  	[smem:$0x3FA0] =	sst s3  }
0xc: {  	[smem:$0x3FA1] =	sst s4  }
0xd: {  	[smem:$0x3FA2] =	sst s5  }
0xe: {  	[smem:$0x3FA3] =	sst s6  }
0xf: {  	[smem:$0x3FA4] =	sst s7  }
0x10: {  	[smem:$0x3FA5] =	sst s8  }
0x11: {  	[smem:$0x3FA6] =	sst s9;
	s0 =	simm.s32 @!p0 $0x0  }
0x12: {  	s1 =	sld [smem:$0x3F8C];
	s0 =	simm.s32 @p0 $0x1  }
0x13: {  	[smem:$0x3FA7] =	sst s0;
	s0 =	simm.s32 @!p1 $0x0  }
0x14: {  	s2 =	sld [smem:$0x3F8B];
	s0 =	simm.s32 @p1 $0x1  }
0x15: {  	[smem:$0x3FA8] =	sst s0;
	s0 =	simm.s32 @!p2 $0x0  }
0x16: {  	s3 =	sld [smem:$0x3FDB];
	s0 =	simm.s32 @p2 $0x1  }
0x17: {  	s4 =	simm.s32 $0x1BF5;
	[smem:$0x3FAA] =	sst s0  }
0x18: {  	s0 =	sld [smem:$0x3F8D];
	_ =	swait.ge [sflag:s4], $0x0  }
0x19: {  	s7 =	sld [smem:$0x3F8E]  }
0x1a: {  	s8 =	sadd.s32 $0xFFFFE003, lr  }
0x1b: {  	s9 =	sadd.s32 $0xFFFFFEF7, lr;
	s5 =	simm.s32 $0xFFFFFFFF;
	p2 =	slt.u32 s8, $0xFFFFF086  }
0x1c: {  	p1 =	slt.u32 s9, $0xF7A;
	s5 =	simm.s32 @!p2 $0x0  }
0x1d: {  	s5 =	simm.s32 @p1 $0x1;
	p0 =	seq.s32 s7, s2  }
0x1e: {  	s7 =	smul.u32 @!p0 $0xF7A, s2;
	p2 =	seq.s32 @!p0 s5, $0x0  }
0x1f: {  	s9 =	smul.u32 $0xF7A, s1;
	s8 =	simm.s32 @!p0 $0x1BF5;
	p2 =	por !p2, p0  }
0x20: {  	[sflag:s8] =	ssyncset.s32 @!p0 $0xFFFFF086;
	s6 =	sadd.s32 @!p0 s3, s7;
	s7 =	simm.s32 @!p0 $0x108  }
0x21: {  	s3 =	sadd.s32 s3, s9;
	s6 =	sadd.s32 @!p0 $0x88, s6;
	s7 =	simm.s32 @p2 $0x1082  }
0x22: {  	[simem:s7], [sflag:s8] =	dma.local @!p0 [hbm:s6], $0xF7A  }
0x23: {  	s9 =	sor.u32 $0xD0000000, s2;
	s6 =	simm.s32 $0x108;
	_ =	swait.ge @!p0 [sflag:s8], $0x0  }
0x24: {  	s3 =	sadd.s32 $0x88, s3;
	s6 =	simm.s32 @!p1 $0x1082;
	[sflag:s4] =	ssyncset.s32 $0xFFFFF086  }
0x25: {  	[simem:s6], [sflag:s4] =	dma.local [hbm:s3], $0xF7A  }
0x26: {  	[smem:$0x3F8E] =	sst s1;
	(tag) =	ssettag s2;
	_ =	strace s9  }
0x27: {  	s1 =	sld [smem:$0x3F9E]  }
0x28: {  	s2 =	sld [smem:$0x3F9F]  }
0x29: {  	s4 =	sld [smem:$0x3FA1]  }
0x2a: {  	p0 =	seq.s32 s5, $0x0;
	s5 =	sld [smem:$0x3FA2]  }
0x2b: {  	s6 =	sld [smem:$0x3FA3]  }
0x2c: {  	s7 =	sld [smem:$0x3FA4]  }
0x2d: {  	s3 =	simm.s32 $0x108;
	s8 =	sld [smem:$0x3FA5]  }
0x2e: {  	s3 =	simm.s32 @!p0 $0x1082;
	s9 =	sld [smem:$0x3FA6]  }
0x2f: {  	lr =	sadd.s32 s0, s3;
	s0 =	sld [smem:$0x3F9D]  }
0x30: {  	s3 =	sld [smem:$0x3FA0]  }
0x31: {  	[smem:$0x3FA9] =	sst s10  }
0x32: {  	s10 =	sld [smem:$0x3FA7];
	_ =	sdelay $0x3  }
0x33: {  	p0 =	seq.s32 s10, $0x1;
	s10 =	sld [smem:$0x3FA9];
	_ =	sdelay $0x3  }
0x34: {  	[smem:$0x3FA9] =	sst s10  }
0x35: {  	s10 =	sld [smem:$0x3FA8];
	_ =	sdelay $0x3  }
0x36: {  	p1 =	seq.s32 s10, $0x1;
	s10 =	sld [smem:$0x3FA9];
	_ =	sdelay $0x3  }
0x37: {  	[smem:$0x3FA9] =	sst s10  }
0x38: {  	s10 =	sld [smem:$0x3FAA]  }
0x39: {  	_ = 	snop;
	(pc) =	sbr.ind lr, $3  }
0x3a: {  	_ = 	snop  }
0x3b: {  	_ = 	snop  }
0x3c: {  	p2 =	seq.s32 s10, $0x1;
	s10 =	sld [smem:$0x3FA9]  }
0x3d: {  	_ =	shalt  }
0x3e: {  	_ =	shalt  }
0x3f: {  	_ =	shalt  }
0x40: {  	_ =	shalt  }
0x41: {  	_ =	shalt  }
0x42: {  	_ =	shalt  }
0x43: {  	_ =	shalt  }
0x44: {  	_ =	shalt  }
0x45: {  	_ =	shalt  }
0x46: {  	_ =	shalt  }
0x47: {  	_ =	shalt  }
0x48: {  	_ =	shalt  }
0x49: {  	_ =	shalt  }
0x4a: {  	_ =	shalt  }
0x4b: {  	_ =	shalt  }
0x4c: {  	_ =	shalt  }
0x4d: {  	_ =	shalt  }
0x4e: {  	_ =	shalt  }
0x4f: {  	_ =	shalt  }
0x50: {  	_ =	shalt  }
0x51: {  	_ =	shalt  }
0x52: {  	_ =	shalt  }
0x53: {  	_ =	shalt  }
0x54: {  	_ =	shalt  }
0x55: {  	_ =	shalt  }
0x56: {  	_ =	shalt  }
0x57: {  	_ =	shalt  }
0x58: {  	_ =	shalt  }
0x59: {  	_ =	shalt  }
0x5a: {  	_ =	shalt  }
0x5b: {  	_ =	shalt  }
0x5c: {  	_ =	shalt  }
0x5d: {  	_ =	shalt  }
0x5e: {  	_ =	shalt  }
0x5f: {  	_ =	shalt  }
0x60: {  	_ =	shalt  }
0x61: {  	_ =	shalt  }
0x62: {  	_ =	shalt  }
0x63: {  	_ =	shalt  }
0x64: {  	_ =	shalt  }
0x65: {  	_ =	shalt  }
0x66: {  	_ =	shalt  }
0x67: {  	_ =	shalt  }
0x68: {  	_ =	shalt  }
0x69: {  	_ =	shalt  }
0x6a: {  	_ =	shalt  }
0x6b: {  	_ =	shalt  }
0x6c: {  	_ =	shalt  }
0x6d: {  	_ =	shalt  }
0x6e: {  	_ =	shalt  }
0x6f: {  	_ =	shalt  }
0x70: {  	_ =	shalt  }
0x71: {  	_ =	shalt  }
0x72: {  	_ =	shalt  }
0x73: {  	_ =	shalt  }
0x74: {  	_ =	shalt  }
0x75: {  	_ =	shalt  }
0x76: {  	_ =	shalt  }
0x77: {  	_ =	shalt  }
0x78: {  	_ =	shalt  }
0x79: {  	_ =	shalt  }
0x7a: {  	_ =	shalt  }
0x7b: {  	_ =	shalt  }
0x7c: {  	_ =	shalt  }
0x7d: {  	_ =	shalt  }
0x7e: {  	_ =	shalt  }
0x7f: {  	_ =	shalt  }
0x80: {  	_ =	shalt  }
0x81: {  	_ =	shalt  }
0x82: {  	_ =	shalt  }
0x83: {  	_ =	shalt  }
0x84: {  	_ =	shalt  }
0x85: {  	_ =	shalt  }
0x86: {  	_ =	shalt  }
0x87: {  	_ =	shalt  }
.Lfunc_end0:
.L_simem_size_0:
called_computation.1_lowered:
.L_overlay_start_0:
0x88: {  	s2 =	sld [smem:$0x3FD9]  }
0x89: {  	s3 =	sld [smem:$0x3FFE];
	_ =	sdelay $0x1  }
0x8a: {  	s1 =	srdreg.scid  }
0x8b: {  	s0 =	sand.u32 $0x1, s1  }
0x8c: {  	s16 =	sshll.u32 s0, $0xA;
	s2 =	sadd.s32 s3, s2  }
0x8d: {  	s2 =	sadd.s32 s2, s16  }
0x8e: {  	[smem:$0x3FB5] =	sst s2  }
0x8f: {  	_ = 	snop  }
0x90: {  	(tm) =	ssettm $0x1  }
0x91: {  	s17 =	sld [smem:$0x3FFB];
	_ =	sdelay $0x3  }
0x92: {  	_ =	strace s17  }
0x93: {  	s2 =	sld [smem:$0x3FFC];
	_ =	sdelay $0x3  }
0x94: {  	_ =	strace s2  }
0x95: {  	s2 =	sld [smem:$0x3FFD];
	_ =	sdelay $0x3  }
0x96: {  	_ =	strace s2  }
0x97: {  	_ =	strace $0x8FFFFFFF  }
0x98: {  	s18 =	sld [smem:$0x3FDB];
	_ =	sdelay $0x1  }
0x99: {  	s19 =	simm.s32 $_scs_section_size  }
0x9a: {  	s4 =	simm.s32 $_size__tile_overlayer_lowered;
	s5 =	simm.s32 $_tile_overlayer_lowered  }
0x9b: {  	s22 =	simm.s32 $0x1BFF;
	s21 =	sshll.u32 s5, $0x1;
	s2 =	sadd.s32 s19, s18  }
0x9c: {  	s6 =	simm.s32 $0x0;
	s20 =	sshll.u32 s4, $0x1;
	s4 =	sadd.s32 s21, s2  }
0x9d: {  	[timem:s6], [sflag:s22] =	dma.local [hbm:s4], s20  }
0x9e: {  	_ =	swait.ge [sflag:s22], s20  }
0x9f: {  	s3 =	ssub.s32 $0x0, s20;
	[sflag:s22] =	ssyncset.done $0x0  }
0xa0: {  	[sflag:s22] =	ssyncadd.s32 s3;
	_ =	sdelay $0x1  }
0xa1: {  	s23 =	simm.s32 $0x1B8B  }
0xa2: {  	_ =	swait.ge [sflag:s23], $0x1  }
0xa3: {  	[sflag:s23] =	ssyncset.done $0x0  }
0xa4: {  	s25 =	simm.s32 $0x1B8E;
	s24 =	sld [smem:$0x3FFE];
	[sflag:s23] =	ssyncadd.s32 $0xFFFFFFFF  }
0xa5: {  	s26 =	simm.s32 $execute0_lowered;
	[smem:$0x3FD2] =	sst s25  }
0xa6: {  	s4 =	sshll.u32 s26, $0x1;
	_ =	strace $0x80000046;
	[dreg:$0x1] =	wrdreg $0xFFFFFFFF  }
0xa7: {  	s28 =	simm.s32 $_size_execute0_lowered;
	s2 =	sadd.s32 s2, s4;
	[dreg:$0x0] =	wrdreg $0x0  }
0xa8: {  	s4 =	sshll.u32 s28, $0x1;
	[dreg:$0x2] =	wrdreg s2  }
0xa9: {  	[dreg:$0x3] =	wrdreg s4  }
0xaa: {  	[dreg:$0x4] =	wrdreg $0xC0  }
0xab: {  	_ =	task [dreg:s6], $0x5FFFF  }
0xac: {  	[dreg:$0x1] =	wrdreg $0xFFFFFFFF  }
0xad: {  	[dreg:$0x0] =	wrdreg $0x60  }
0xae: {  	[dreg:$0x2] =	wrdreg s24  }
0xaf: {  	[dreg:$0x3] =	wrdreg $0xA  }
0xb0: {  	_ =	task.clear_ibuf [dreg:s6], $0x4FFFF;
	_ =	strace $0x90000046  }
0xb1: {  	s29 =	simm.s32 $0xA;
	_ =	strace $0x80000048  }
0xb2: {  	_ =	swait.ge [sflag:s29], $0x1  }
0xb3: {  	[sflag:s29] =	ssyncadd.s32 $0xFFFFFFFF  }
0xb4: {  	_ =	strace $0x90000048  }
0xb5: {  	_ =	sfence  }
0xb6: {  	s30 =	sld [smem:$0x0];
	_ =	sdelay $0x2  }
0xb7: {  	s31 =	sshll.u32 s1, $0xD;
	s1 =	sshrl.u32 s1, $0x2  }
0xb8: {  	s3 =	sand.u32 $0x4000, s31;
	s1 =	sadd.s32 s1, s30  }
0xb9: {  	s0 =	sor.u32 s3, s0;
	s1 =	sshll.u32 s1, $0x11  }
0xba: {  	s0 =	sor.u32 s1, s0  }
0xbb: {  	s0 =	sadd.s32 $0x8F2B, s0  }
0xbc: {  	[sflag:s0] =	ssyncadd.remote.s32 $0x1  }
0xbd: {  	_ =	sfence.sel $0xFFFF  }
0xbe: {  	[dreg:$0x0] =	wrdreg $0xFFFFFFFF;
	(pc) =	sbr.abs _section_cstart, $3  }
0xbf: {  	[dreg:$0x1] =	wrdreg $0xFFFFFFFF  }
0xc0: {  	_ =	task.clear_ibuf [dreg:s6], $0x2FFFF;
	_ =	strace $0x9FFFFFFF  }
0xc1: {  	(tm) =	ssettm $0x7FFFFFFF  }
tec
execute0_lowered:
.L_overlay_start_1:
0x0: {  	(tag) =	ssettag $0x1  }
0x1: {  	s0 =	rddreg [dreg:$0x0]  }
0x2: {  	s2 =	simm.s32 $0x0;
	s6 =	stileid.u32;
	s3 =	srdreg.scid  }
0x3: {  	s12 =	simm.s32 $0x80;
	s19 =	simm.s32 $0x8400;
	s20 =	simm.s32 $0x780  }
0x4: {  	s21 =	simm.s32 $0x8C00;
	s22 =	simm.s32 $0x800;
	s23 =	simm.s32 $0x9400  }
0x5: {  	s24 =	simm.s32 $0x880;
	s28 =	simm.s32 $0xA400;
	s29 =	simm.s32 $0x980  }
0x6: {  	s30 =	simm.s32 $0xAC00;
	s31 =	simm.s32 $0x1;
	[smem:$0x7FF] =	sst s2  }
0x7: {  	s1 =	sshll.u32 s6, $0x5;
	s8 =	sand.u32 $0x1, s3;
	s3 =	sadd.s32 $0xF800, s0  }
0x8: {  	s4 =	sshll.u32 s6, $0x9;
	s9 =	sshll.u32 s6, $0x1;
	_ =	strace $0x80000047  }
0x9: {  	s1 =	sadd.s32 s1, s0;
	s5 =	ssub.s32 $0x2, s8;
	s0 =	sadd.s32 s4, s0  }
0xa: {  	s4 =	ssub.s32 $0x4E2, s9;
	s7 =	sshll.u32 s8, $0x4;
	s10 =	sshll.u32 s8, $0x8  }
0xb: {  	s8 =	sor.u32 s8, s9;
	s25 =	sshrl.u32 s5, $0x1;
	s1 =	sadd.s32 s7, s1  }
0xc: {  	s0 =	sadd.s32 s10, s0;
	s11 =	sor.u32 $0x280, s8;
	s26 =	ssub.s32 s5, s25  }
0xd: {  	s5 =	ssub.s32 $0x262, s9;
	s7 =	sadd.s32 $0x5800, s1;
	s9 =	sadd.s32 $0x14800, s0  }
0xe: {  	s10 =	sadd.s32 $0x3C800, s0;
	s25 =	simm.s32 $0x9C00;
	s0 =	simm.s32 $0x3  }
0xf: {  	s1 =	simm.s32 $0x0;
	s6 =	smax.u32 s26, $0x1;
	s26 =	simm.s32 $0x900  }
.LBB2_1:
0x10: {  	s13 =	smov.u32 s8;
	s14 =	simm.s32 $0x0  }
.LBB2_2:
0x11: {  	p0 =	sgt.u32 s13, $0x4E1  }
0x12: {  	s15 =	sshra.s32 @!p0 s14, $0x2  }
0x13: {  	s16 =	sadd.s32 @!p0 s14, s7;
	s17 =	simm.s32 @!p0 $0x0;
	s14 =	sadd.s32 $0x200, s14  }
0x14: {  	[tilespmem:s15], [sflag:$0x1] =	stream.linear.gather @!p0 [hbm4b:s16+s17], $0x80, $0x38;
	[tilespmem:$0x1F400] =	vst v63  }
0x15: {  	p0 =	sne.s32 s14, $0x5000  }
.Ltmp0:
0x16: {  	_ = 	snop;
	(pc) =	sbr.rel @p0 .LBB2_2-.Ltmp0, $2  }
0x17: {  	_ =	sdelay $0x2  }
0x18: {  	s13 =	sadd.s32 $0x20, s13  }
0x19: {  	p0 =	sle.u32 s4, $0x0  }
0x1a: {  	s14 =	simm.s32 @!p0 $0x1  }
0x1b: {  	_ =	swait.ge @!p0 [sflag:s14], $0x80  }
0x1c: {  	s13 =	simm.s32 $0x20;
	[sflag:s14] =	ssyncset.done @!p0 $0x0  }
.LBB2_4:
0x1d: {  	[sflag:s14] =	ssyncadd.s32 @!p0 $0xFFFFFF80;
	s14 =	smov.u32 s13;
	s13 =	sadd.s32 $0x20, s13  }
0x1e: {  	p1 =	sne.s32 s13, $0x500  }
.Ltmp1:
0x1f: {  	(pc) =	sbr.rel @p1 .LBB2_4-.Ltmp1, $4  }
0x20: {  	p0 =	sge.u32 s14, s4  }
0x21: {  	s14 =	simm.s32 @!p0 $0x1  }
0x22: {  	_ =	swait.ge @!p0 [sflag:s14], $0x80  }
0x23: {  	[sflag:s14] =	ssyncset.done @!p0 $0x0  }
0x24: {  	[sflag:s14] =	ssyncadd.s32 @!p0 $0xFFFFFF80;
	s13 =	simm.s32 $0x1400  }
0x25: {  	[tilespmem:s13], [sflag:$0x1] =	stream.indirect.gather [hbm4b:s3+s12], $0x10, s2, s12, $0xb8;
	[tilespmem:$0x1F400] =	vst v63  }
0x26: {  	s14 =	simm.s32 $0x1C00  }
0x27: {  	[tilespmem:s14], [sflag:$0x1] =	stream.indirect.gather [hbm4b:s3+s12], $0x10, s12, s12, $0xb8;
	[tilespmem:$0x1F400] =	vst v63  }
0x28: {  	s15 =	simm.s32 $0x100;
	s16 =	simm.s32 $0x2400  }
0x29: {  	[tilespmem:s16], [sflag:$0x1] =	stream.indirect.gather [hbm4b:s3+s12], $0x10, s15, s12, $0xb8;
	[tilespmem:$0x1F400] =	vst v63  }
0x2a: {  	s17 =	simm.s32 $0x180;
	s18 =	simm.s32 $0x2C00  }
0x2b: {  	[tilespmem:s18], [sflag:$0x1] =	stream.indirect.gather [hbm4b:s3+s12], $0x10, s17, s12, $0xb8;
	[tilespmem:$0x1F400] =	vst v63  }
0x2c: {  	s15 =	simm.s32 $0x200;
	s16 =	simm.s32 $0x3400  }
0x2d: {  	[tilespmem:s16], [sflag:$0x1] =	stream.indirect.gather [hbm4b:s3+s12], $0x10, s15, s12, $0xb8;
	[tilespmem:$0x1F400] =	vst v63  }
0x2e: {  	s17 =	simm.s32 $0x280;
	s18 =	simm.s32 $0x3C00  }
0x2f: {  	[tilespmem:s18], [sflag:$0x1] =	stream.indirect.gather [hbm4b:s3+s12], $0x10, s17, s12, $0xb8;
	[tilespmem:$0x1F400] =	vst v63  }
0x30: {  	s15 =	simm.s32 $0x300;
	s16 =	simm.s32 $0x4400  }
0x31: {  	[tilespmem:s16], [sflag:$0x1] =	stream.indirect.gather [hbm4b:s3+s12], $0x10, s15, s12, $0xb8;
	[tilespmem:$0x1F400] =	vst v63  }
0x32: {  	s17 =	simm.s32 $0x380;
	s18 =	simm.s32 $0x4C00  }
0x33: {  	[tilespmem:s18], [sflag:$0x1] =	stream.indirect.gather [hbm4b:s3+s12], $0x10, s17, s12, $0xb8;
	[tilespmem:$0x1F400] =	vst v63  }
0x34: {  	s15 =	simm.s32 $0x400;
	s16 =	simm.s32 $0x5400  }
0x35: {  	[tilespmem:s16], [sflag:$0x1] =	stream.indirect.gather [hbm4b:s3+s12], $0x10, s15, s12, $0xb8;
	[tilespmem:$0x1F400] =	vst v63  }
0x36: {  	s17 =	simm.s32 $0x480;
	s18 =	simm.s32 $0x5C00  }
0x37: {  	[tilespmem:s18], [sflag:$0x1] =	stream.indirect.gather [hbm4b:s3+s12], $0x10, s17, s12, $0xb8;
	[tilespmem:$0x1F400] =	vst v63  }
0x38: {  	s15 =	simm.s32 $0x500;
	s16 =	simm.s32 $0x6400  }
0x39: {  	[tilespmem:s16], [sflag:$0x1] =	stream.indirect.gather [hbm4b:s3+s12], $0x10, s15, s12, $0xb8;
	[tilespmem:$0x1F400] =	vst v63  }
0x3a: {  	s17 =	simm.s32 $0x580;
	s18 =	simm.s32 $0x6C00  }
0x3b: {  	[tilespmem:s18], [sflag:$0x1] =	stream.indirect.gather [hbm4b:s3+s12], $0x10, s17, s12, $0xb8;
	[tilespmem:$0x1F400] =	vst v63  }
0x3c: {  	s14 =	simm.s32 $0x600;
	s15 =	simm.s32 $0x7400  }
0x3d: {  	[tilespmem:s15], [sflag:$0x1] =	stream.indirect.gather [hbm4b:s3+s12], $0x10, s14, s12, $0xb8;
	[tilespmem:$0x1F400] =	vst v63  }
0x3e: {  	s16 =	simm.s32 $0x680;
	s17 =	simm.s32 $0x7C00  }
0x3f: {  	[tilespmem:s17], [sflag:$0x1] =	stream.indirect.gather [hbm4b:s3+s12], $0x10, s16, s12, $0xb8;
	[tilespmem:$0x1F400] =	vst v63  }
0x40: {  	s18 =	simm.s32 $0x700  }
0x41: {  	[tilespmem:s19], [sflag:$0x1] =	stream.indirect.gather [hbm4b:s3+s12], $0x10, s18, s12, $0xb8;
	[tilespmem:$0x1F400] =	vst v63  }
0x42: {  	_ = 	snop  }
0x43: {  	[tilespmem:s21], [sflag:$0x1] =	stream.indirect.gather [hbm4b:s3+s12], $0x10, s20, s12, $0xb8;
	[tilespmem:$0x1F400] =	vst v63  }
0x44: {  	_ = 	snop  }
0x45: {  	[tilespmem:s23], [sflag:$0x1] =	stream.indirect.gather [hbm4b:s3+s12], $0x10, s22, s12, $0xb8;
	[tilespmem:$0x1F400] =	vst v63  }
0x46: {  	p0 =	sle.u32 s4, $0x280  }
0x47: {  	[tilespmem:s25], [sflag:$0x1] =	stream.indirect.gather [hbm4b:s3+s12], $0x10, s24, s12, $0xb8;
	[tilespmem:$0x1F400] =	vst v63  }
0x48: {  	s13 =	simm.s32 $0x2A0;
	s14 =	simm.s32 $0xA00;
	s15 =	simm.s32 $0xA80  }
0x49: {  	[tilespmem:s28], [sflag:$0x1] =	stream.indirect.gather [hbm4b:s3+s12], $0x10, s26, s12, $0xb8;
	[tilespmem:$0x1F400] =	vst v63  }
0x4a: {  	s17 =	simm.s32 $0xB400;
	s16 =	simm.s32 $0xBC00;
	s18 =	simm.s32 @!p0 $0x80  }
0x4b: {  	[tilespmem:s30], [sflag:$0x1] =	stream.indirect.gather [hbm4b:s3+s12], $0x10, s29, s12, $0xb8;
	[tilespmem:$0x1F400] =	vst v63  }
.LBB2_6:
0x4c: {  	[tilespmem:s17], [sflag:$0x2] =	stream.indirect.gather @!p0 [hbm4b:s3+s18], $0x10, s14, s18, $0xb8;
	[tilespmem:$0x1F400] =	vst v63  }
0x4d: {  	s18 =	smov.u32 s13;
	s13 =	sadd.s32 $0x20, s13  }
0x4e: {  	p1 =	sne.s32 s13, $0x500  }
.Ltmp2:
0x4f: {  	(pc) =	sbr.rel @p1 .LBB2_6-.Ltmp2, $3  }
0x50: {  	s14 =	smov.u32 s15;
	s17 =	smov.u32 s16;
	_ =	sdelay $0x1  }
0x51: {  	p0 =	sge.u32 s18, s4  }
0x52: {  	s15 =	sadd.s32 $0x80, s15;
	s16 =	sadd.s32 $0x800, s16;
	s18 =	simm.s32 @!p0 $0x80  }
0x53: {  	[tilespmem:s17], [sflag:$0x2] =	stream.indirect.gather @!p0 [hbm4b:s3+s18], $0x10, s14, s18, $0xb8;
	[tilespmem:$0x1F400] =	vst v63  }
0x54: {  	_ =	swait.ge [sflag:s31], $0x800  }
0x55: {  	[sflag:s31] =	ssyncset.done $0x0  }
0x56: {  	[sflag:s31] =	ssyncadd.s32 $0xFFFFF800  }
0x57: {  	_ =	swait.ge [sflag:s31], $0x800  }
0x58: {  	[sflag:s31] =	ssyncset.done $0x0  }
0x59: {  	[sflag:s31] =	ssyncadd.s32 $0xFFFFF800  }
0x5a: {  	_ =	swait.ge [sflag:s31], $0x800  }
0x5b: {  	[sflag:s31] =	ssyncset.done $0x0  }
0x5c: {  	[sflag:s31] =	ssyncadd.s32 $0xFFFFF800  }
0x5d: {  	_ =	swait.ge [sflag:s31], $0x800  }
0x5e: {  	[sflag:s31] =	ssyncset.done $0x0  }
0x5f: {  	[sflag:s31] =	ssyncadd.s32 $0xFFFFF800  }
0x60: {  	_ =	swait.ge [sflag:s31], $0x800  }
0x61: {  	[sflag:s31] =	ssyncset.done $0x0  }
0x62: {  	[sflag:s31] =	ssyncadd.s32 $0xFFFFF800  }
0x63: {  	_ =	swait.ge [sflag:s31], $0x800  }
0x64: {  	[sflag:s31] =	ssyncset.done $0x0  }
0x65: {  	[sflag:s31] =	ssyncadd.s32 $0xFFFFF800  }
0x66: {  	_ =	swait.ge [sflag:s31], $0x800  }
0x67: {  	[sflag:s31] =	ssyncset.done $0x0  }
0x68: {  	[sflag:s31] =	ssyncadd.s32 $0xFFFFF800  }
0x69: {  	_ =	swait.ge [sflag:s31], $0x800  }
0x6a: {  	[sflag:s31] =	ssyncset.done $0x0  }
0x6b: {  	[sflag:s31] =	ssyncadd.s32 $0xFFFFF800  }
0x6c: {  	_ =	swait.ge [sflag:s31], $0x800  }
0x6d: {  	[sflag:s31] =	ssyncset.done $0x0  }
0x6e: {  	[sflag:s31] =	ssyncadd.s32 $0xFFFFF800  }
0x6f: {  	_ =	swait.ge [sflag:s31], $0x800  }
0x70: {  	[sflag:s31] =	ssyncset.done $0x0  }
0x71: {  	[sflag:s31] =	ssyncadd.s32 $0xFFFFF800  }
0x72: {  	_ =	swait.ge [sflag:s31], $0x800  }
0x73: {  	[sflag:s31] =	ssyncset.done $0x0  }
0x74: {  	[sflag:s31] =	ssyncadd.s32 $0xFFFFF800  }
0x75: {  	_ =	swait.ge [sflag:s31], $0x800  }
0x76: {  	[sflag:s31] =	ssyncset.done $0x0  }
0x77: {  	[sflag:s31] =	ssyncadd.s32 $0xFFFFF800  }
0x78: {  	_ =	swait.ge [sflag:s31], $0x800  }
0x79: {  	[sflag:s31] =	ssyncset.done $0x0  }
0x7a: {  	[sflag:s31] =	ssyncadd.s32 $0xFFFFF800  }
0x7b: {  	_ =	swait.ge [sflag:s31], $0x800  }
0x7c: {  	[sflag:s31] =	ssyncset.done $0x0  }
0x7d: {  	[sflag:s31] =	ssyncadd.s32 $0xFFFFF800  }
0x7e: {  	_ =	swait.ge [sflag:s31], $0x800  }
0x7f: {  	[sflag:s31] =	ssyncset.done $0x0  }
0x80: {  	[sflag:s31] =	ssyncadd.s32 $0xFFFFF800  }
0x81: {  	_ =	swait.ge [sflag:s31], $0x800  }
0x82: {  	[sflag:s31] =	ssyncset.done $0x0  }
0x83: {  	[sflag:s31] =	ssyncadd.s32 $0xFFFFF800  }
0x84: {  	_ =	swait.ge [sflag:s31], $0x800  }
0x85: {  	[sflag:s31] =	ssyncset.done $0x0  }
0x86: {  	[sflag:s31] =	ssyncadd.s32 $0xFFFFF800  }
0x87: {  	_ =	swait.ge [sflag:s31], $0x800  }
0x88: {  	[sflag:s31] =	ssyncset.done $0x0  }
0x89: {  	[sflag:s31] =	ssyncadd.s32 $0xFFFFF800  }
0x8a: {  	_ =	swait.ge [sflag:s31], $0x800  }
0x8b: {  	[sflag:s31] =	ssyncset.done $0x0  }
0x8c: {  	[sflag:s31] =	ssyncadd.s32 $0xFFFFF800  }
0x8d: {  	_ =	swait.ge [sflag:s31], $0x800  }
0x8e: {  	[sflag:s31] =	ssyncset.done $0x0  }
0x8f: {  	s13 =	simm.s32 $0x0;
	[sflag:s31] =	ssyncadd.s32 $0xFFFFF800  }
0x90: {  	v3 =	vld [tilespmem:s13+$0x1470]  }
0x91: {  	v4 =	vld [tilespmem:s13+$0x1400]  }
0x92: {  	v5 =	vld [tilespmem:s13+$0x1410]  }
0x93: {  	v2 =	vld [tilespmem:s13+$0x1420]  }
0x94: {  	v0 =	vld [tilespmem:s13+$0x1430]  }
0x95: {  	v1 =	vld [tilespmem:s13+$0x1440];
	[tilespmem:s13+$0x15470] =	vst v3  }
0x96: {  	[tilespmem:s13+$0x15400] =	vst v4;
	v3 =	vld [tilespmem:s13+$0x1450]  }
0x97: {  	s14 =	simm.s32 $0x80;
	s15 =	simm.s32 $0x400;
	[tilespmem:s13+$0x15410] =	vst v5;
	v4 =	vld [tilespmem:s13+$0x1460]  }
.LBB2_8:
0x98: {  	p0 =	sne.s32 s15, $0x27E00;
	v5 =	vld [tilespmem:s14+$0x1470];
	[tilespmem:s13+$0x15420] =	vst v2  }
0x99: {  	v6 =	vld [tilespmem:s14+$0x1400];
	[tilespmem:s13+$0x15430] =	vst v0  }
0x9a: {  	v7 =	vld [tilespmem:s14+$0x1410];
	[tilespmem:s13+$0x15440] =	vst v1  }
.Ltmp3:
0x9b: {  	v2 =	vld [tilespmem:s14+$0x1420];
	[tilespmem:s13+$0x15450] =	vst v3;
	(pc) =	sbr.rel @p0 .LBB2_8-.Ltmp3, $4  }
0x9c: {  	v0 =	vld [tilespmem:s14+$0x1430];
	[tilespmem:s13+$0x15460] =	vst v4;
	s13 =	smov.u32 s14  }
0x9d: {  	v1 =	vld [tilespmem:s13+$0x1440];
	[tilespmem:s13+$0x15470] =	vst v5  }
0x9e: {  	[tilespmem:s13+$0x15400] =	vst v6;
	v3 =	vld [tilespmem:s13+$0x1450]  }
0x9f: {  	s14 =	sshra.s32 s15, $0x2;
	s15 =	sadd.s32 $0x200, s15;
	[tilespmem:s13+$0x15410] =	vst v7;
	v4 =	vld [tilespmem:s13+$0x1460]  }
0xa0: {  	v5 =	vld [tilespmem:s14+$0x1470];
	[tilespmem:s13+$0x15420] =	vst v2  }
0xa1: {  	v2 =	vld [tilespmem:s14+$0x1400];
	[tilespmem:s13+$0x15430] =	vst v0  }
0xa2: {  	v0 =	vld [tilespmem:s14+$0x1410];
	[tilespmem:s13+$0x15440] =	vst v1  }
0xa3: {  	v1 =	vld [tilespmem:s14+$0x1420];
	[tilespmem:s13+$0x15450] =	vst v3  }
0xa4: {  	v3 =	vld [tilespmem:s14+$0x1430];
	[tilespmem:s13+$0x15460] =	vst v4  }
0xa5: {  	v4 =	vld [tilespmem:s14+$0x1440];
	[tilespmem:s14+$0x15470] =	vst v5  }
0xa6: {  	v62 =	vld [tilespmem:s14+$0x1450];
	[tilespmem:s14+$0x15400] =	vst v2  }
0xa7: {  	v63 =	vld [tilespmem:s14+$0x1460];
	[tilespmem:s14+$0x15410] =	vst v0  }
0xa8: {  	[tilespmem:s14+$0x15420] =	vst v1  }
0xa9: {  	[tilespmem:s14+$0x15430] =	vst v3  }
0xaa: {  	[tilespmem:s14+$0x15440] =	vst v4  }
0xab: {  	[tilespmem:s14+$0x15450] =	vst v62  }
0xac: {  	s15 =	simm.s32 $0x15400;
	s13 =	simm.s32 $0x2000;
	[tilespmem:s14+$0x15460] =	vst v63;
	s14 =	sadd.s32 $0x0, s9  }
.LBB2_10:
0xad: {  	[hbm4b:s14+s2] =	stream.linear.scatter [tilespmem:s15], [sflag:$0x3], $0x800, $0x38;
	[tilespmem:$0x1F400] =	vst v63  }
0xae: {  	s14 =	smov.u32 s13;
	p0 =	sne.s32 s13, $0x26000  }
.Ltmp4:
0xaf: {  	s13 =	sadd.s32 $0x2000, s13;
	(pc) =	sbr.rel @p0 .LBB2_10-.Ltmp4, $3  }
0xb0: {  	_ =	sdelay $0x1  }
0xb1: {  	s15 =	sshra.s32 s14, $0x2  }
0xb2: {  	s14 =	sadd.s32 s14, s9;
	s15 =	sadd.s32 $0x15400, s15  }
0xb3: {  	[hbm4b:s14+s2] =	stream.linear.scatter [tilespmem:s15], [sflag:$0x3], $0x800, $0x38;
	[tilespmem:$0x1F400] =	vst v63  }
0xb4: {  	_ =	swait.ge [sflag:s0], $0x800  }
0xb5: {  	[sflag:s0] =	ssyncset.done $0x0  }
0xb6: {  	[sflag:s0] =	ssyncadd.s32 $0xFFFFF800  }
0xb7: {  	_ =	swait.ge [sflag:s0], $0x800  }
0xb8: {  	[sflag:s0] =	ssyncset.done $0x0  }
0xb9: {  	[sflag:s0] =	ssyncadd.s32 $0xFFFFF800  }
0xba: {  	_ =	swait.ge [sflag:s0], $0x800  }
0xbb: {  	[sflag:s0] =	ssyncset.done $0x0  }
0xbc: {  	[sflag:s0] =	ssyncadd.s32 $0xFFFFF800  }
0xbd: {  	_ =	swait.ge [sflag:s0], $0x800  }
0xbe: {  	[sflag:s0] =	ssyncset.done $0x0  }
0xbf: {  	[sflag:s0] =	ssyncadd.s32 $0xFFFFF800  }
0xc0: {  	_ =	swait.ge [sflag:s0], $0x800  }
0xc1: {  	[sflag:s0] =	ssyncset.done $0x0  }
0xc2: {  	[sflag:s0] =	ssyncadd.s32 $0xFFFFF800  }
0xc3: {  	_ =	swait.ge [sflag:s0], $0x800  }
0xc4: {  	[sflag:s0] =	ssyncset.done $0x0  }
0xc5: {  	[sflag:s0] =	ssyncadd.s32 $0xFFFFF800  }
0xc6: {  	_ =	swait.ge [sflag:s0], $0x800  }
0xc7: {  	[sflag:s0] =	ssyncset.done $0x0  }
0xc8: {  	[sflag:s0] =	ssyncadd.s32 $0xFFFFF800  }
0xc9: {  	_ =	swait.ge [sflag:s0], $0x800  }
0xca: {  	[sflag:s0] =	ssyncset.done $0x0  }
0xcb: {  	[sflag:s0] =	ssyncadd.s32 $0xFFFFF800  }
0xcc: {  	_ =	swait.ge [sflag:s0], $0x800  }
0xcd: {  	[sflag:s0] =	ssyncset.done $0x0  }
0xce: {  	[sflag:s0] =	ssyncadd.s32 $0xFFFFF800  }
0xcf: {  	_ =	swait.ge [sflag:s0], $0x800  }
0xd0: {  	[sflag:s0] =	ssyncset.done $0x0  }
0xd1: {  	[sflag:s0] =	ssyncadd.s32 $0xFFFFF800  }
0xd2: {  	_ =	swait.ge [sflag:s0], $0x800  }
0xd3: {  	[sflag:s0] =	ssyncset.done $0x0  }
0xd4: {  	[sflag:s0] =	ssyncadd.s32 $0xFFFFF800  }
0xd5: {  	_ =	swait.ge [sflag:s0], $0x800  }
0xd6: {  	[sflag:s0] =	ssyncset.done $0x0  }
0xd7: {  	[sflag:s0] =	ssyncadd.s32 $0xFFFFF800  }
0xd8: {  	_ =	swait.ge [sflag:s0], $0x800  }
0xd9: {  	[sflag:s0] =	ssyncset.done $0x0  }
0xda: {  	[sflag:s0] =	ssyncadd.s32 $0xFFFFF800  }
0xdb: {  	_ =	swait.ge [sflag:s0], $0x800  }
0xdc: {  	[sflag:s0] =	ssyncset.done $0x0  }
0xdd: {  	[sflag:s0] =	ssyncadd.s32 $0xFFFFF800  }
0xde: {  	_ =	swait.ge [sflag:s0], $0x800  }
0xdf: {  	[sflag:s0] =	ssyncset.done $0x0  }
0xe0: {  	[sflag:s0] =	ssyncadd.s32 $0xFFFFF800  }
0xe1: {  	_ =	swait.ge [sflag:s0], $0x800  }
0xe2: {  	[sflag:s0] =	ssyncset.done $0x0  }
0xe3: {  	[sflag:s0] =	ssyncadd.s32 $0xFFFFF800  }
0xe4: {  	_ =	swait.ge [sflag:s0], $0x800  }
0xe5: {  	[sflag:s0] =	ssyncset.done $0x0  }
0xe6: {  	[sflag:s0] =	ssyncadd.s32 $0xFFFFF800  }
0xe7: {  	_ =	swait.ge [sflag:s0], $0x800  }
0xe8: {  	[sflag:s0] =	ssyncset.done $0x0  }
0xe9: {  	[sflag:s0] =	ssyncadd.s32 $0xFFFFF800  }
0xea: {  	_ =	swait.ge [sflag:s0], $0x800  }
0xeb: {  	[sflag:s0] =	ssyncset.done $0x0  }
0xec: {  	[sflag:s0] =	ssyncadd.s32 $0xFFFFF800  }
0xed: {  	_ =	swait.ge [sflag:s0], $0x800  }
0xee: {  	p0 =	sle.u32 s5, $0x0;
	[sflag:s0] =	ssyncset.done $0x0  }
0xef: {  	s14 =	simm.s32 @!p0 $0x2;
	[sflag:s0] =	ssyncadd.s32 $0xFFFFF800  }
0xf0: {  	_ =	swait.ge @!p0 [sflag:s14], $0x800  }
0xf1: {  	s13 =	simm.s32 $0x20;
	[sflag:s14] =	ssyncset.done @!p0 $0x0  }
.LBB2_12:
0xf2: {  	[sflag:s14] =	ssyncadd.s32 @!p0 $0xFFFFF800;
	s14 =	smov.u32 s13;
	s13 =	sadd.s32 $0x20, s13  }
0xf3: {  	p1 =	sne.s32 s13, $0x280  }
.Ltmp5:
0xf4: {  	(pc) =	sbr.rel @p1 .LBB2_12-.Ltmp5, $4  }
0xf5: {  	p0 =	sge.u32 s14, s5  }
0xf6: {  	s14 =	simm.s32 @!p0 $0x2  }
0xf7: {  	_ =	swait.ge @!p0 [sflag:s14], $0x800  }
0xf8: {  	[sflag:s14] =	ssyncset.done @!p0 $0x0  }
0xf9: {  	[sflag:s14] =	ssyncadd.s32 @!p0 $0xFFFFF800;
	s13 =	simm.s32 $0x0  }
0xfa: {  	v3 =	vld [tilespmem:s13+$0xB470]  }
0xfb: {  	v4 =	vld [tilespmem:s13+$0xB400]  }
0xfc: {  	v5 =	vld [tilespmem:s13+$0xB410]  }
0xfd: {  	v2 =	vld [tilespmem:s13+$0xB420]  }
0xfe: {  	v0 =	vld [tilespmem:s13+$0xB430]  }
0xff: {  	v1 =	vld [tilespmem:s13+$0xB440];
	[tilespmem:s13+$0x15470] =	vst v3  }
0x100: {  	[tilespmem:s13+$0x15400] =	vst v4;
	v3 =	vld [tilespmem:s13+$0xB450]  }
0x101: {  	s14 =	simm.s32 $0x80;
	s15 =	simm.s32 $0x400;
	[tilespmem:s13+$0x15410] =	vst v5;
	v4 =	vld [tilespmem:s13+$0xB460]  }
.LBB2_14:
0x102: {  	p0 =	sne.s32 s15, $0x27E00;
	v5 =	vld [tilespmem:s14+$0xB470];
	[tilespmem:s13+$0x15420] =	vst v2  }
0x103: {  	v6 =	vld [tilespmem:s14+$0xB400];
	[tilespmem:s13+$0x15430] =	vst v0  }
0x104: {  	v7 =	vld [tilespmem:s14+$0xB410];
	[tilespmem:s13+$0x15440] =	vst v1  }
.Ltmp6:
0x105: {  	v2 =	vld [tilespmem:s14+$0xB420];
	[tilespmem:s13+$0x15450] =	vst v3;
	(pc) =	sbr.rel @p0 .LBB2_14-.Ltmp6, $4  }
0x106: {  	v0 =	vld [tilespmem:s14+$0xB430];
	[tilespmem:s13+$0x15460] =	vst v4;
	s13 =	smov.u32 s14  }
0x107: {  	v1 =	vld [tilespmem:s13+$0xB440];
	[tilespmem:s13+$0x15470] =	vst v5  }
0x108: {  	[tilespmem:s13+$0x15400] =	vst v6;
	v3 =	vld [tilespmem:s13+$0xB450]  }
0x109: {  	s14 =	sshra.s32 s15, $0x2;
	s15 =	sadd.s32 $0x200, s15;
	[tilespmem:s13+$0x15410] =	vst v7;
	v4 =	vld [tilespmem:s13+$0xB460]  }
0x10a: {  	v5 =	vld [tilespmem:s14+$0xB470];
	[tilespmem:s13+$0x15420] =	vst v2  }
0x10b: {  	v2 =	vld [tilespmem:s14+$0xB400];
	[tilespmem:s13+$0x15430] =	vst v0  }
0x10c: {  	v0 =	vld [tilespmem:s14+$0xB410];
	[tilespmem:s13+$0x15440] =	vst v1  }
0x10d: {  	v1 =	vld [tilespmem:s14+$0xB420];
	[tilespmem:s13+$0x15450] =	vst v3  }
0x10e: {  	v3 =	vld [tilespmem:s14+$0xB430];
	[tilespmem:s13+$0x15460] =	vst v4  }
0x10f: {  	v4 =	vld [tilespmem:s14+$0xB440];
	[tilespmem:s14+$0x15470] =	vst v5  }
0x110: {  	v62 =	vld [tilespmem:s14+$0xB450];
	[tilespmem:s14+$0x15400] =	vst v2  }
0x111: {  	p1 =	por $0x1, $0x1;
	v63 =	vld [tilespmem:s14+$0xB460];
	[tilespmem:s14+$0x15410] =	vst v0  }
.Ltmp7:
0x112: {  	[tilespmem:s14+$0x15420] =	vst v1;
	(pc) =	sbr.rel @!p1 .LBB2_17-.Ltmp7, $4  }
0x113: {  	[tilespmem:s14+$0x15430] =	vst v3  }
0x114: {  	p0 =	sgt.u32 s11, $0x4E1;
	[tilespmem:s14+$0x15440] =	vst v4  }
0x115: {  	s15 =	sadd.s32 $0x20, s11;
	s16 =	simm.s32 @!p0 $0x15400;
	[tilespmem:s14+$0x15450] =	vst v62  }
0x116: {  	s17 =	simm.s32 @!p0 $0x0;
	s13 =	simm.s32 $0x2000;
	[tilespmem:s14+$0x15460] =	vst v63;
	s14 =	sadd.s32 @!p0 $0x0, s10  }
.LBB2_16:
0x117: {  	[hbm4b:s14+s17] =	stream.linear.scatter @!p0 [tilespmem:s16], [sflag:$0x3], $0x800, $0x38;
	[tilespmem:$0x1F400] =	vst v63  }
0x118: {  	s14 =	smov.u32 s13;
	s13 =	sadd.s32 $0x2000, s13  }
0x119: {  	p1 =	sne.s32 s13, $0x28000  }
.Ltmp8:
0x11a: {  	(pc) =	sbr.rel @p1 .LBB2_16-.Ltmp8, $4  }
0x11b: {  	_ = 	snop  }
0x11c: {  	p0 =	sgt.u32 s15, $0x4E1  }
0x11d: {  	s15 =	sadd.s32 $0x20, s15;
	s16 =	sshra.s32 @!p0 s14, $0x2  }
0x11e: {  	s14 =	sadd.s32 @!p0 s14, s10;
	s17 =	simm.s32 @!p0 $0x0;
	s16 =	sadd.s32 @!p0 $0x15400, s16  }
.LBB2_17:
0x11f: {  	[hbm4b:s14+s17] =	stream.linear.scatter @!p0 [tilespmem:s16], [sflag:$0x3], $0x800, $0x38;
	[tilespmem:$0x1F400] =	vst v63  }
0x120: {  	p1 =	por $0x1, $0x1  }
.Ltmp9:
0x121: {  	_ = 	snop;
	(pc) =	sbr.rel @!p1 .LBB2_19-.Ltmp9, $4  }
0x122: {  	p0 =	sle.u32 s5, $0x0  }
0x123: {  	s14 =	simm.s32 @!p0 $0x3  }
0x124: {  	_ =	swait.ge @!p0 [sflag:s14], $0x800  }
0x125: {  	s13 =	simm.s32 $0x20;
	[sflag:s14] =	ssyncset.done @!p0 $0x0  }
.LBB2_18:
0x126: {  	[sflag:s14] =	ssyncadd.s32 @!p0 $0xFFFFF800;
	s14 =	smov.u32 s13;
	s13 =	sadd.s32 $0x20, s13  }
0x127: {  	p1 =	sne.s32 s13, $0x280  }
.Ltmp10:
0x128: {  	(pc) =	sbr.rel @p1 .LBB2_18-.Ltmp10, $4  }
0x129: {  	p0 =	sge.u32 s14, s5  }
0x12a: {  	s14 =	simm.s32 @!p0 $0x3  }
0x12b: {  	_ =	swait.ge @!p0 [sflag:s14], $0x800  }
0x12c: {  	[sflag:s14] =	ssyncset.done @!p0 $0x0  }
.LBB2_19:
0x12d: {  	s1 =	sadd.s32 $0x1, s1  }
0x12e: {  	p1 =	sne.s32 s1, s6  }
.Ltmp11:
0x12f: {  	_ = 	snop;
	(pc) =	sbr.rel @p1 .LBB2_1-.Ltmp11, $2  }
0x130: {  	_ =	sdelay $0x2  }
0x131: {  	[sflag:s14] =	ssyncadd.s32 @!p0 $0xFFFFF800  }
0x132: {  	_ =	sfence.sel $0x180000  }
0x133: {  	[bflag:$0x0] =	sbarrier.arrive $0xFFFF  }
0x134: {  	_ =	strace $0x90000047  }
0x135: {  	s0 =	stileid.u32;
	[bflag:$0x2] =	sbarrier.arrive $0xFFFF  }
0x136: {  	p0 =	sne.s32 s0, $0x0;
	s0 =	rddreg [dreg:$0x1]  }
0x137: {  	s0 =	sadd.s32 @!p0 $0x100000, s0  }
0x138: {  	[sflag:s0] =	ssyncadd.tile.s32 @!p0 $0x1;
	_ =	shalt  }
.Lfunc_end2:
_tile_overlayer_lowered:
.L_overlay_start_2:
0x139: {  	(tag) =	ssettag $0x2  }
0x13a: {  	s0 =	rddreg [dreg:$0x0];
	s2 =	stileid.u32  }
0x13b: {  	s1 =	rddreg [dreg:$0x1];
	p0 =	sne.s32 s2, $0x0  }
0x13c: {  	s3 =	rddreg [dreg:$0x2];
	[bflag:$0x3] =	sbarrier.arrive $0xFFFF;
	s2 =	simm.s32 @!p0 $0x1C04  }
0x13d: {  	[timem:s3], [sflag:s2] =	dma.local @!p0 [hbm:s0], s1  }
0x13e: {  	s0 =	simm.s32 @!p0 $0x4  }
0x13f: {  	_ =	swait.ge @!p0 [sflag:s0], s1  }
0x140: {  	s1 =	ssub.s32 @!p0 $0x0, s1;
	[sflag:s0] =	ssyncset.done @!p0 $0x0  }
0x141: {  	[sflag:s0] =	ssyncadd.s32 @!p0 s1  }
0x142: {  	[bflag:$0x3] =	sbarrier.arrive $0xFFFF  }
0x143: {  	_ =	shalt  }

// kernel: kernel.17.cloned.1.call-start
scs
__scs_entry_jumppad:
0x0: {  	(pc) =	sbr.rel $0x88, $3  }
0x1: {  	(tag) =	ssettag $0x0;
	lr =	simm.s32 $0x1  }
0x2: {  	[smem:$0x3F8E] =	sst lr;
	_ =	strace $0xD0000000  }
0x3: {  	_ = 	snop  }
0x4: {  	_ = 	snop  }
0x5: {  	_ = 	snop  }
0x6: {  	_ = 	snop  }
0x7: {  	_ = 	snop  }
__scs_overlays_trampoline_lowered:
0x8: {  	[smem:$0x3F9D] =	sst s0  }
0x9: {  	[smem:$0x3F9E] =	sst s1  }
0xa: {  	[smem:$0x3F9F] =	sst s2  }
0xb: {  	[smem:$0x3FA0] =	sst s3  }
0xc: {  	[smem:$0x3FA1] =	sst s4  }
0xd: {  	[smem:$0x3FA2] =	sst s5  }
0xe: {  	[smem:$0x3FA3] =	sst s6  }
0xf: {  	[smem:$0x3FA4] =	sst s7  }
0x10: {  	[smem:$0x3FA5] =	sst s8  }
0x11: {  	[smem:$0x3FA6] =	sst s9;
	s0 =	simm.s32 @!p0 $0x0  }
0x12: {  	s1 =	sld [smem:$0x3F8C];
	s0 =	simm.s32 @p0 $0x1  }
0x13: {  	[smem:$0x3FA7] =	sst s0;
	s0 =	simm.s32 @!p1 $0x0  }
0x14: {  	s2 =	sld [smem:$0x3F8B];
	s0 =	simm.s32 @p1 $0x1  }
0x15: {  	[smem:$0x3FA8] =	sst s0;
	s0 =	simm.s32 @!p2 $0x0  }
0x16: {  	s3 =	sld [smem:$0x3FDB];
	s0 =	simm.s32 @p2 $0x1  }
0x17: {  	s4 =	simm.s32 $0x1BF5;
	[smem:$0x3FAA] =	sst s0  }
0x18: {  	s0 =	sld [smem:$0x3F8D];
	_ =	swait.ge [sflag:s4], $0x0  }
0x19: {  	s7 =	sld [smem:$0x3F8E]  }
0x1a: {  	s8 =	sadd.s32 $0xFFFFE003, lr  }
0x1b: {  	s9 =	sadd.s32 $0xFFFFFEF7, lr;
	s5 =	simm.s32 $0xFFFFFFFF;
	p2 =	slt.u32 s8, $0xFFFFF086  }
0x1c: {  	p1 =	slt.u32 s9, $0xF7A;
	s5 =	simm.s32 @!p2 $0x0  }
0x1d: {  	s5 =	simm.s32 @p1 $0x1;
	p0 =	seq.s32 s7, s2  }
0x1e: {  	s7 =	smul.u32 @!p0 $0xF7A, s2;
	p2 =	seq.s32 @!p0 s5, $0x0  }
0x1f: {  	s9 =	smul.u32 $0xF7A, s1;
	s8 =	simm.s32 @!p0 $0x1BF5;
	p2 =	por !p2, p0  }
0x20: {  	[sflag:s8] =	ssyncset.s32 @!p0 $0xFFFFF086;
	s6 =	sadd.s32 @!p0 s3, s7;
	s7 =	simm.s32 @!p0 $0x108  }
0x21: {  	s3 =	sadd.s32 s3, s9;
	s6 =	sadd.s32 @!p0 $0x88, s6;
	s7 =	simm.s32 @p2 $0x1082  }
0x22: {  	[simem:s7], [sflag:s8] =	dma.local @!p0 [hbm:s6], $0xF7A  }
0x23: {  	s9 =	sor.u32 $0xD0000000, s2;
	s6 =	simm.s32 $0x108;
	_ =	swait.ge @!p0 [sflag:s8], $0x0  }
0x24: {  	s3 =	sadd.s32 $0x88, s3;
	s6 =	simm.s32 @!p1 $0x1082;
	[sflag:s4] =	ssyncset.s32 $0xFFFFF086  }
0x25: {  	[simem:s6], [sflag:s4] =	dma.local [hbm:s3], $0xF7A  }
0x26: {  	[smem:$0x3F8E] =	sst s1;
	(tag) =	ssettag s2;
	_ =	strace s9  }
0x27: {  	s1 =	sld [smem:$0x3F9E]  }
0x28: {  	s2 =	sld [smem:$0x3F9F]  }
0x29: {  	s4 =	sld [smem:$0x3FA1]  }
0x2a: {  	p0 =	seq.s32 s5, $0x0;
	s5 =	sld [smem:$0x3FA2]  }
0x2b: {  	s6 =	sld [smem:$0x3FA3]  }
0x2c: {  	s7 =	sld [smem:$0x3FA4]  }
0x2d: {  	s3 =	simm.s32 $0x108;
	s8 =	sld [smem:$0x3FA5]  }
0x2e: {  	s3 =	simm.s32 @!p0 $0x1082;
	s9 =	sld [smem:$0x3FA6]  }
0x2f: {  	lr =	sadd.s32 s0, s3;
	s0 =	sld [smem:$0x3F9D]  }
0x30: {  	s3 =	sld [smem:$0x3FA0]  }
0x31: {  	[smem:$0x3FA9] =	sst s10  }
0x32: {  	s10 =	sld [smem:$0x3FA7];
	_ =	sdelay $0x3  }
0x33: {  	p0 =	seq.s32 s10, $0x1;
	s10 =	sld [smem:$0x3FA9];
	_ =	sdelay $0x3  }
0x34: {  	[smem:$0x3FA9] =	sst s10  }
0x35: {  	s10 =	sld [smem:$0x3FA8];
	_ =	sdelay $0x3  }
0x36: {  	p1 =	seq.s32 s10, $0x1;
	s10 =	sld [smem:$0x3FA9];
	_ =	sdelay $0x3  }
0x37: {  	[smem:$0x3FA9] =	sst s10  }
0x38: {  	s10 =	sld [smem:$0x3FAA]  }
0x39: {  	_ = 	snop;
	(pc) =	sbr.ind lr, $3  }
0x3a: {  	_ = 	snop  }
0x3b: {  	_ = 	snop  }
0x3c: {  	p2 =	seq.s32 s10, $0x1;
	s10 =	sld [smem:$0x3FA9]  }
0x3d: {  	_ =	shalt  }
0x3e: {  	_ =	shalt  }
0x3f: {  	_ =	shalt  }
0x40: {  	_ =	shalt  }
0x41: {  	_ =	shalt  }
0x42: {  	_ =	shalt  }
0x43: {  	_ =	shalt  }
0x44: {  	_ =	shalt  }
0x45: {  	_ =	shalt  }
0x46: {  	_ =	shalt  }
0x47: {  	_ =	shalt  }
0x48: {  	_ =	shalt  }
0x49: {  	_ =	shalt  }
0x4a: {  	_ =	shalt  }
0x4b: {  	_ =	shalt  }
0x4c: {  	_ =	shalt  }
0x4d: {  	_ =	shalt  }
0x4e: {  	_ =	shalt  }
0x4f: {  	_ =	shalt  }
0x50: {  	_ =	shalt  }
0x51: {  	_ =	shalt  }
0x52: {  	_ =	shalt  }
0x53: {  	_ =	shalt  }
0x54: {  	_ =	shalt  }
0x55: {  	_ =	shalt  }
0x56: {  	_ =	shalt  }
0x57: {  	_ =	shalt  }
0x58: {  	_ =	shalt  }
0x59: {  	_ =	shalt  }
0x5a: {  	_ =	shalt  }
0x5b: {  	_ =	shalt  }
0x5c: {  	_ =	shalt  }
0x5d: {  	_ =	shalt  }
0x5e: {  	_ =	shalt  }
0x5f: {  	_ =	shalt  }
0x60: {  	_ =	shalt  }
0x61: {  	_ =	shalt  }
0x62: {  	_ =	shalt  }
0x63: {  	_ =	shalt  }
0x64: {  	_ =	shalt  }
0x65: {  	_ =	shalt  }
0x66: {  	_ =	shalt  }
0x67: {  	_ =	shalt  }
0x68: {  	_ =	shalt  }
0x69: {  	_ =	shalt  }
0x6a: {  	_ =	shalt  }
0x6b: {  	_ =	shalt  }
0x6c: {  	_ =	shalt  }
0x6d: {  	_ =	shalt  }
0x6e: {  	_ =	shalt  }
0x6f: {  	_ =	shalt  }
0x70: {  	_ =	shalt  }
0x71: {  	_ =	shalt  }
0x72: {  	_ =	shalt  }
0x73: {  	_ =	shalt  }
0x74: {  	_ =	shalt  }
0x75: {  	_ =	shalt  }
0x76: {  	_ =	shalt  }
0x77: {  	_ =	shalt  }
0x78: {  	_ =	shalt  }
0x79: {  	_ =	shalt  }
0x7a: {  	_ =	shalt  }
0x7b: {  	_ =	shalt  }
0x7c: {  	_ =	shalt  }
0x7d: {  	_ =	shalt  }
0x7e: {  	_ =	shalt  }
0x7f: {  	_ =	shalt  }
0x80: {  	_ =	shalt  }
0x81: {  	_ =	shalt  }
0x82: {  	_ =	shalt  }
0x83: {  	_ =	shalt  }
0x84: {  	_ =	shalt  }
0x85: {  	_ =	shalt  }
0x86: {  	_ =	shalt  }
0x87: {  	_ =	shalt  }
.Lfunc_end0:
.L_simem_size_0:
called_computation.2_lowered:
.L_overlay_start_0:
0x88: {  	s2 =	sld [smem:$0x3FD9]  }
0x89: {  	s3 =	sld [smem:$0x3FFE];
	_ =	sdelay $0x1  }
0x8a: {  	s1 =	srdreg.scid  }
0x8b: {  	s0 =	sand.u32 $0x1, s1  }
0x8c: {  	s17 =	sshll.u32 s0, $0xA;
	s2 =	sadd.s32 s3, s2  }
0x8d: {  	s2 =	sadd.s32 s2, s17  }
0x8e: {  	[smem:$0x3FB5] =	sst s2  }
0x8f: {  	_ = 	snop  }
0x90: {  	(tm) =	ssettm $0x1  }
0x91: {  	s18 =	sld [smem:$0x3FFB];
	_ =	sdelay $0x3  }
0x92: {  	_ =	strace s18  }
0x93: {  	s2 =	sld [smem:$0x3FFC];
	_ =	sdelay $0x3  }
0x94: {  	_ =	strace s2  }
0x95: {  	s2 =	sld [smem:$0x3FFD];
	_ =	sdelay $0x3  }
0x96: {  	_ =	strace s2  }
0x97: {  	_ =	strace $0x8FFFFFFF  }
0x98: {  	s19 =	sld [smem:$0x3FDB];
	_ =	sdelay $0x1  }
0x99: {  	s20 =	simm.s32 $_scs_section_size  }
0x9a: {  	s4 =	simm.s32 $_size__tile_overlayer_lowered;
	s5 =	simm.s32 $_tile_overlayer_lowered  }
0x9b: {  	s6 =	simm.s32 $0x1BFF;
	s21 =	sshll.u32 s5, $0x1;
	s3 =	sadd.s32 s20, s19  }
0x9c: {  	s22 =	simm.s32 $0x0;
	s4 =	sshll.u32 s4, $0x1;
	s5 =	sadd.s32 s21, s3  }
0x9d: {  	[timem:s22], [sflag:s6] =	dma.local [hbm:s5], s4  }
0x9e: {  	_ =	swait.ge [sflag:s6], s4  }
0x9f: {  	s4 =	ssub.s32 $0x0, s4;
	[sflag:s6] =	ssyncset.done $0x0  }
0xa0: {  	[sflag:s6] =	ssyncadd.s32 s4;
	_ =	sdelay $0x1  }
0xa1: {  	s23 =	simm.s32 $0x1B8B  }
0xa2: {  	_ =	swait.ge [sflag:s23], $0x1  }
0xa3: {  	[sflag:s23] =	ssyncset.done $0x0  }
0xa4: {  	[sflag:s23] =	ssyncadd.s32 $0xFFFFFFFF  }
0xa5: {  	s4 =	sld [smem:$0x0]  }
0xa6: {  	s5 =	sand.u32 $0xFFFFFFFE, s1  }
0xa7: {  	p0 =	sne.s32 s1, s5  }
0xa8: {  	s5 =	sshll.u32 @p0 s5, $0xE  }
0xa9: {  	s5 =	sadd.s32 @p0 $0x11B8D, s5;
	s6 =	sshll.u32 @p0 s4, $0x11  }
0xaa: {  	s5 =	sor.u32 @p0 s6, s5  }
0xab: {  	[sflag:s5] =	ssyncadd.remote.s32 @p0 $0x1;
	_ =	sdelay $0x1  }
0xac: {  	s5 =	simm.s32 @p0 $0x1B8D  }
0xad: {  	_ =	swait.eq @p0 [sflag:s5], $0x1  }
0xae: {  	[sflag:s5] =	ssyncadd.s32 @p0 $0xFFFFFFFF  }
0xaf: {  	s6 =	sshll.u32 @!p0 s1, $0xE  }
0xb0: {  	s6 =	sor.u32 @!p0 $0x4000, s6;
	s5 =	simm.s32 @!p0 $0x1B8D  }
0xb1: {  	s4 =	sshll.u32 @!p0 s4, $0x11;
	s6 =	sadd.s32 @!p0 $0x11B8D, s6;
	_ =	swait.eq @!p0 [sflag:s5], $0x1  }
0xb2: {  	s4 =	sor.u32 @!p0 s4, s6;
	[sflag:s5] =	ssyncadd.s32 @!p0 $0xFFFFFFFF  }
0xb3: {  	s25 =	simm.s32 $0x1B8E;
	s24 =	sld [smem:$0x3FFE];
	[sflag:s4] =	ssyncadd.remote.s32 @!p0 $0x1  }
0xb4: {  	s26 =	simm.s32 $execute0_lowered;
	[smem:$0x3FD2] =	sst s25  }
0xb5: {  	s5 =	sshll.u32 s26, $0x1;
	_ =	strace $0x8000004C;
	[dreg:$0x1] =	wrdreg $0xFFFFFFFF  }
0xb6: {  	s28 =	simm.s32 $_size_execute0_lowered;
	s3 =	sadd.s32 s3, s5;
	[dreg:$0x0] =	wrdreg $0x0  }
0xb7: {  	s5 =	sshll.u32 s28, $0x1;
	[dreg:$0x2] =	wrdreg s3  }
0xb8: {  	[dreg:$0x3] =	wrdreg s5  }
0xb9: {  	[dreg:$0x4] =	wrdreg $0xC0  }
0xba: {  	_ =	task [dreg:s22], $0x5FFFF  }
0xbb: {  	[dreg:$0x1] =	wrdreg $0xFFFFFFFF  }
0xbc: {  	[dreg:$0x0] =	wrdreg $0x60  }
0xbd: {  	[dreg:$0x2] =	wrdreg s24  }
0xbe: {  	[dreg:$0x3] =	wrdreg $0x154000  }
0xbf: {  	[dreg:$0x4] =	wrdreg $0xA  }
0xc0: {  	_ =	task.clear_ibuf [dreg:s22], $0x5FFFF;
	_ =	strace $0x9000004C  }
0xc1: {  	s29 =	simm.s32 $0xA;
	_ =	strace $0x8000004E  }
0xc2: {  	_ =	swait.ge [sflag:s29], $0x1  }
0xc3: {  	[sflag:s29] =	ssyncadd.s32 $0xFFFFFFFF  }
0xc4: {  	_ =	strace $0x9000004E  }
0xc5: {  	_ =	sfence  }
0xc6: {  	s30 =	sld [smem:$0x0];
	_ =	sdelay $0x2  }
0xc7: {  	s31 =	sshll.u32 s1, $0xD;
	s1 =	sshrl.u32 s1, $0x2  }
0xc8: {  	s4 =	sand.u32 $0x4000, s31;
	s1 =	sadd.s32 s1, s30  }
0xc9: {  	s0 =	sor.u32 s4, s0;
	s1 =	sshll.u32 s1, $0x11  }
0xca: {  	s0 =	sor.u32 s1, s0  }
0xcb: {  	s0 =	sadd.s32 $0x8F2B, s0  }
0xcc: {  	[sflag:s0] =	ssyncadd.remote.s32 $0x1  }
0xcd: {  	_ =	sfence.sel $0xFFFF  }
0xce: {  	[dreg:$0x0] =	wrdreg $0xFFFFFFFF;
	(pc) =	sbr.abs _section_cstart, $3  }
0xcf: {  	[dreg:$0x1] =	wrdreg $0xFFFFFFFF  }
0xd0: {  	_ =	task.clear_ibuf [dreg:s22], $0x2FFFF;
	_ =	strace $0x9FFFFFFF  }
0xd1: {  	(tm) =	ssettm $0x7FFFFFFF  }
tec
execute0_lowered:
.L_overlay_start_1:
0x0: {  	(tag) =	ssettag $0x1  }
0x1: {  	s0 =	rddreg [dreg:$0x0]  }
0x2: {  	s1 =	rddreg [dreg:$0x1];
	s2 =	simm.s32 $0x0  }
0x3: {  	s3 =	srdreg.scid;
	s9 =	stileid.u32;
	s17 =	simm.s32 $0x3  }
0x4: {  	s18 =	simm.s32 $0x1;
	s19 =	simm.s32 $0x80;
	s20 =	simm.s32 $0x1400  }
0x5: {  	s31 =	simm.s32 $0x900;
	s21 =	simm.s32 $0xAC00;
	s22 =	simm.s32 $0x2  }
0x6: {  	[smem:$0x7FF] =	sst s2;
	s3 =	sand.u32 $0x1, s3;
	s7 =	smul.u32 $0x500, s9  }
0x7: {  	s5 =	sshll.u32 s9, $0x5;
	s6 =	sshll.u32 s9, $0x9;
	s8 =	smul.u32 $0xA000, s9  }
0x8: {  	s12 =	sshll.u32 s9, $0x1;
	s28 =	sshll.u32 s9, $0x6;
	_ =	strace $0x8000004D  }
0x9: {  	s4 =	smul.u32 $0x5000, s3;
	s11 =	sadd.s32 s5, s0;
	s13 =	sadd.s32 s6, s0  }
0xa: {  	s23 =	ssub.s32 $0x2, s3;
	s6 =	sor.u32 $0x1C03, s28;
	s29 =	sshll.u32 s3, $0x4  }
0xb: {  	s14 =	sshll.u32 s3, $0x8;
	s25 =	sshrl.u32 s23, $0x1;
	s26 =	sshrl.u32 s8, $0x2  }
0xc: {  	s8 =	ssub.s32 $0x262, s12;
	s30 =	sadd.s32 s14, s13;
	s24 =	sadd.s32 s7, s4  }
0xd: {  	s4 =	sadd.s32 $0x62A00, s0;
	s10 =	ssub.s32 s23, s25;
	s5 =	sadd.s32 s26, s1  }
0xe: {  	s7 =	ssub.s32 $0x4E2, s12;
	s12 =	sor.u32 s3, s12;
	s13 =	sadd.s32 $0xF800, s30  }
0xf: {  	s14 =	sadd.s32 $0x37800, s30;
	s3 =	simm.s32 $0x980;
	s23 =	simm.s32 $0xB400  }
0x10: {  	s0 =	sadd.s32 s24, s0;
	s10 =	smax.u32 s10, $0x1;
	s15 =	sor.u32 $0x280, s12  }
0x11: {  	s16 =	sshrl.u32 s5, $0x3;
	s9 =	sadd.s32 $0xBB400, s0;
	s0 =	sadd.s32 s29, s11  }
0x12: {  	s24 =	simm.s32 $0x0;
	s11 =	sadd.s32 $0xA800, s0;
	s0 =	simm.s32 $0xA400  }
.LBB2_1:
0x13: {  	[spmem:s16], [sflag:s6] =	dma.local [hbm:s4], $0x500  }
0x14: {  	_ =	swait.ge [sflag:s17], $0x500  }
0x15: {  	s25 =	simm.s32 $0x200;
	p0 =	sgt.u32 s12, $0x4E1;
	[sflag:s17] =	ssyncset.done $0x0  }
0x16: {  	s26 =	sadd.s32 $0x20, s12;
	s28 =	simm.s32 @!p0 $0x0;
	[sflag:s17] =	ssyncadd.s32 $0xFFFFFB00  }
0x17: {  	s29 =	sadd.s32 @!p0 $0x0, s11;
	s30 =	simm.s32 @!p0 $0x0;
	[bflag:$0x0] =	sbarrier.arrive $0xFFFF  }
.LBB2_2:
0x18: {  	[tilespmem:s28], [sflag:$0x1] =	stream.linear.gather @!p0 [hbm4b:s29+s30], $0x80, $0x38;
	[tilespmem:$0x17C00] =	vst v63  }
0x19: {  	s29 =	smov.u32 s25;
	s25 =	sadd.s32 $0x200, s25  }
0x1a: {  	p1 =	sne.s32 s25, $0x5000  }
.Ltmp0:
0x1b: {  	(pc) =	sbr.rel @p1 .LBB2_2-.Ltmp0, $3  }
0x1c: {  	_ =	sdelay $0x1  }
0x1d: {  	p0 =	sgt.u32 s26, $0x4E1;
	s26 =	sadd.s32 $0x20, s26  }
0x1e: {  	s28 =	sshra.s32 @!p0 s29, $0x2;
	s29 =	sadd.s32 @!p0 s29, s11;
	s30 =	simm.s32 @!p0 $0x0  }
0x1f: {  	[tilespmem:s28], [sflag:$0x1] =	stream.linear.gather @!p0 [hbm4b:s29+s30], $0x80, $0x38;
	[tilespmem:$0x17C00] =	vst v63  }
0x20: {  	p0 =	sle.u32 s7, $0x0  }
0x21: {  	s26 =	simm.s32 @!p0 $0x1  }
0x22: {  	_ =	swait.ge @!p0 [sflag:s26], $0x80  }
0x23: {  	s25 =	simm.s32 $0x20;
	[sflag:s26] =	ssyncset.done @!p0 $0x0  }
.LBB2_4:
0x24: {  	[sflag:s26] =	ssyncadd.s32 @!p0 $0xFFFFFF80;
	s26 =	smov.u32 s25;
	s25 =	sadd.s32 $0x20, s25  }
0x25: {  	p1 =	sne.s32 s25, $0x500  }
.Ltmp1:
0x26: {  	(pc) =	sbr.rel @p1 .LBB2_4-.Ltmp1, $4  }
0x27: {  	p0 =	sge.u32 s26, s7  }
0x28: {  	s26 =	simm.s32 @!p0 $0x1  }
0x29: {  	_ =	swait.ge @!p0 [sflag:s26], $0x80  }
0x2a: {  	[sflag:s26] =	ssyncset.done @!p0 $0x0  }
0x2b: {  	[sflag:s26] =	ssyncadd.s32 @!p0 $0xFFFFFF80  }
0x2c: {  	s25 =	simm.s32 $0x2000;
	s26 =	simm.s32 $0xB400;
	s28 =	sadd.s32 $0x0, s13  }
.LBB2_6:
0x2d: {  	[tilespmem:s26], [sflag:$0x1] =	stream.linear.gather [hbm4b:s28+s2], $0x800, $0x38;
	[tilespmem:$0x17C00] =	vst v63  }
0x2e: {  	s28 =	smov.u32 s25;
	p0 =	sne.s32 s25, $0x26000  }
.Ltmp2:
0x2f: {  	s25 =	sadd.s32 $0x2000, s25;
	(pc) =	sbr.rel @p0 .LBB2_6-.Ltmp2, $3  }
0x30: {  	_ =	sdelay $0x1  }
0x31: {  	s26 =	sshra.s32 s28, $0x2  }
0x32: {  	s28 =	sadd.s32 s28, s13;
	s26 =	sadd.s32 $0xB400, s26  }
0x33: {  	[tilespmem:s26], [sflag:$0x1] =	stream.linear.gather [hbm4b:s28+s2], $0x800, $0x38;
	[tilespmem:$0x17C00] =	vst v63  }
0x34: {  	_ =	swait.ge [sflag:s18], $0x800  }
0x35: {  	[sflag:s18] =	ssyncset.done $0x0  }
0x36: {  	[sflag:s18] =	ssyncadd.s32 $0xFFFFF800  }
0x37: {  	_ =	swait.ge [sflag:s18], $0x800  }
0x38: {  	[sflag:s18] =	ssyncset.done $0x0  }
0x39: {  	[sflag:s18] =	ssyncadd.s32 $0xFFFFF800  }
0x3a: {  	_ =	swait.ge [sflag:s18], $0x800  }
0x3b: {  	[sflag:s18] =	ssyncset.done $0x0  }
0x3c: {  	[sflag:s18] =	ssyncadd.s32 $0xFFFFF800  }
0x3d: {  	_ =	swait.ge [sflag:s18], $0x800  }
0x3e: {  	[sflag:s18] =	ssyncset.done $0x0  }
0x3f: {  	[sflag:s18] =	ssyncadd.s32 $0xFFFFF800  }
0x40: {  	_ =	swait.ge [sflag:s18], $0x800  }
0x41: {  	[sflag:s18] =	ssyncset.done $0x0  }
0x42: {  	[sflag:s18] =	ssyncadd.s32 $0xFFFFF800  }
0x43: {  	_ =	swait.ge [sflag:s18], $0x800  }
0x44: {  	[sflag:s18] =	ssyncset.done $0x0  }
0x45: {  	[sflag:s18] =	ssyncadd.s32 $0xFFFFF800  }
0x46: {  	_ =	swait.ge [sflag:s18], $0x800  }
0x47: {  	[sflag:s18] =	ssyncset.done $0x0  }
0x48: {  	[sflag:s18] =	ssyncadd.s32 $0xFFFFF800  }
0x49: {  	_ =	swait.ge [sflag:s18], $0x800  }
0x4a: {  	[sflag:s18] =	ssyncset.done $0x0  }
0x4b: {  	[sflag:s18] =	ssyncadd.s32 $0xFFFFF800  }
0x4c: {  	_ =	swait.ge [sflag:s18], $0x800  }
0x4d: {  	[sflag:s18] =	ssyncset.done $0x0  }
0x4e: {  	[sflag:s18] =	ssyncadd.s32 $0xFFFFF800  }
0x4f: {  	_ =	swait.ge [sflag:s18], $0x800  }
0x50: {  	[sflag:s18] =	ssyncset.done $0x0  }
0x51: {  	[sflag:s18] =	ssyncadd.s32 $0xFFFFF800  }
0x52: {  	_ =	swait.ge [sflag:s18], $0x800  }
0x53: {  	[sflag:s18] =	ssyncset.done $0x0  }
0x54: {  	[sflag:s18] =	ssyncadd.s32 $0xFFFFF800  }
0x55: {  	_ =	swait.ge [sflag:s18], $0x800  }
0x56: {  	[sflag:s18] =	ssyncset.done $0x0  }
0x57: {  	[sflag:s18] =	ssyncadd.s32 $0xFFFFF800  }
0x58: {  	_ =	swait.ge [sflag:s18], $0x800  }
0x59: {  	[sflag:s18] =	ssyncset.done $0x0  }
0x5a: {  	[sflag:s18] =	ssyncadd.s32 $0xFFFFF800  }
0x5b: {  	_ =	swait.ge [sflag:s18], $0x800  }
0x5c: {  	[sflag:s18] =	ssyncset.done $0x0  }
0x5d: {  	[sflag:s18] =	ssyncadd.s32 $0xFFFFF800  }
0x5e: {  	_ =	swait.ge [sflag:s18], $0x800  }
0x5f: {  	[sflag:s18] =	ssyncset.done $0x0  }
0x60: {  	[sflag:s18] =	ssyncadd.s32 $0xFFFFF800  }
0x61: {  	_ =	swait.ge [sflag:s18], $0x800  }
0x62: {  	[sflag:s18] =	ssyncset.done $0x0  }
0x63: {  	[sflag:s18] =	ssyncadd.s32 $0xFFFFF800  }
0x64: {  	_ =	swait.ge [sflag:s18], $0x800  }
0x65: {  	[sflag:s18] =	ssyncset.done $0x0  }
0x66: {  	[sflag:s18] =	ssyncadd.s32 $0xFFFFF800  }
0x67: {  	_ =	swait.ge [sflag:s18], $0x800  }
0x68: {  	[sflag:s18] =	ssyncset.done $0x0  }
0x69: {  	[sflag:s18] =	ssyncadd.s32 $0xFFFFF800  }
0x6a: {  	_ =	swait.ge [sflag:s18], $0x800  }
0x6b: {  	[sflag:s18] =	ssyncset.done $0x0  }
0x6c: {  	[sflag:s18] =	ssyncadd.s32 $0xFFFFF800  }
0x6d: {  	_ =	swait.ge [sflag:s18], $0x800  }
0x6e: {  	[sflag:s18] =	ssyncset.done $0x0  }
0x6f: {  	s25 =	simm.s32 $0x0;
	[sflag:s18] =	ssyncadd.s32 $0xFFFFF800  }
0x70: {  	v3 =	vld [tilespmem:s25+$0xB470]  }
0x71: {  	v4 =	vld [tilespmem:s25+$0xB400]  }
0x72: {  	v5 =	vld [tilespmem:s25+$0xB410]  }
0x73: {  	v2 =	vld [tilespmem:s25+$0xB420]  }
0x74: {  	v0 =	vld [tilespmem:s25+$0xB430]  }
0x75: {  	v1 =	vld [tilespmem:s25+$0xB440];
	[tilespmem:s25+$0x1470] =	vst v3  }
0x76: {  	[tilespmem:s25+$0x1400] =	vst v4;
	v3 =	vld [tilespmem:s25+$0xB450]  }
0x77: {  	s26 =	simm.s32 $0x80;
	s28 =	simm.s32 $0x400;
	[tilespmem:s25+$0x1410] =	vst v5;
	v4 =	vld [tilespmem:s25+$0xB460]  }
.LBB2_8:
0x78: {  	p0 =	sne.s32 s28, $0x27E00;
	v5 =	vld [tilespmem:s26+$0xB470];
	[tilespmem:s25+$0x1420] =	vst v2  }
0x79: {  	v6 =	vld [tilespmem:s26+$0xB400];
	[tilespmem:s25+$0x1430] =	vst v0  }
0x7a: {  	v7 =	vld [tilespmem:s26+$0xB410];
	[tilespmem:s25+$0x1440] =	vst v1  }
.Ltmp3:
0x7b: {  	v2 =	vld [tilespmem:s26+$0xB420];
	[tilespmem:s25+$0x1450] =	vst v3;
	(pc) =	sbr.rel @p0 .LBB2_8-.Ltmp3, $4  }
0x7c: {  	v0 =	vld [tilespmem:s26+$0xB430];
	[tilespmem:s25+$0x1460] =	vst v4;
	s25 =	smov.u32 s26  }
0x7d: {  	v1 =	vld [tilespmem:s25+$0xB440];
	[tilespmem:s25+$0x1470] =	vst v5  }
0x7e: {  	[tilespmem:s25+$0x1400] =	vst v6;
	v3 =	vld [tilespmem:s25+$0xB450]  }
0x7f: {  	s26 =	sshra.s32 s28, $0x2;
	s28 =	sadd.s32 $0x200, s28;
	[tilespmem:s25+$0x1410] =	vst v7;
	v4 =	vld [tilespmem:s25+$0xB460]  }
0x80: {  	v5 =	vld [tilespmem:s26+$0xB470];
	[tilespmem:s25+$0x1420] =	vst v2  }
0x81: {  	v2 =	vld [tilespmem:s26+$0xB400];
	[tilespmem:s25+$0x1430] =	vst v0  }
0x82: {  	v0 =	vld [tilespmem:s26+$0xB410];
	[tilespmem:s25+$0x1440] =	vst v1  }
0x83: {  	v1 =	vld [tilespmem:s26+$0xB420];
	[tilespmem:s25+$0x1450] =	vst v3  }
0x84: {  	v3 =	vld [tilespmem:s26+$0xB430];
	[tilespmem:s25+$0x1460] =	vst v4  }
0x85: {  	v4 =	vld [tilespmem:s26+$0xB440];
	[tilespmem:s26+$0x1470] =	vst v5  }
0x86: {  	v62 =	vld [tilespmem:s26+$0xB450];
	[tilespmem:s26+$0x1400] =	vst v2  }
0x87: {  	v63 =	vld [tilespmem:s26+$0xB460];
	[tilespmem:s26+$0x1410] =	vst v0  }
0x88: {  	[tilespmem:s26+$0x1420] =	vst v1  }
0x89: {  	[tilespmem:s26+$0x1430] =	vst v3  }
0x8a: {  	[tilespmem:s26+$0x1440] =	vst v4  }
0x8b: {  	[tilespmem:s26+$0x1450] =	vst v62  }
0x8c: {  	[tilespmem:s26+$0x1460] =	vst v63;
	s26 =	simm.s32 $0x0  }
0x8d: {  	[spmem:s1] =	stream.indirect.scatter.add.f32 [tilespmem:s20], [sflag:$0x2], $0x10, s26, s19, $0xb8;
	[tilespmem:$0x17C00] =	vst v63  }
0x8e: {  	s26 =	simm.s32 $0x1C00  }
0x8f: {  	[spmem:s1] =	stream.indirect.scatter.add.f32 [tilespmem:s26], [sflag:$0x2], $0x10, s19, s19, $0xb8;
	[tilespmem:$0x17C00] =	vst v63  }
0x90: {  	s25 =	simm.s32 $0x100;
	s26 =	simm.s32 $0x2400  }
0x91: {  	[spmem:s1] =	stream.indirect.scatter.add.f32 [tilespmem:s26], [sflag:$0x2], $0x10, s25, s19, $0xb8;
	[tilespmem:$0x17C00] =	vst v63  }
0x92: {  	s25 =	simm.s32 $0x180;
	s26 =	simm.s32 $0x2C00  }
0x93: {  	[spmem:s1] =	stream.indirect.scatter.add.f32 [tilespmem:s26], [sflag:$0x2], $0x10, s25, s19, $0xb8;
	[tilespmem:$0x17C00] =	vst v63  }
0x94: {  	s25 =	simm.s32 $0x200;
	s26 =	simm.s32 $0x3400  }
0x95: {  	[spmem:s1] =	stream.indirect.scatter.add.f32 [tilespmem:s26], [sflag:$0x2], $0x10, s25, s19, $0xb8;
	[tilespmem:$0x17C00] =	vst v63  }
0x96: {  	s25 =	simm.s32 $0x280;
	s26 =	simm.s32 $0x3C00  }
0x97: {  	[spmem:s1] =	stream.indirect.scatter.add.f32 [tilespmem:s26], [sflag:$0x2], $0x10, s25, s19, $0xb8;
	[tilespmem:$0x17C00] =	vst v63  }
0x98: {  	s25 =	simm.s32 $0x300;
	s26 =	simm.s32 $0x4400  }
0x99: {  	[spmem:s1] =	stream.indirect.scatter.add.f32 [tilespmem:s26], [sflag:$0x2], $0x10, s25, s19, $0xb8;
	[tilespmem:$0x17C00] =	vst v63  }
0x9a: {  	s25 =	simm.s32 $0x380;
	s26 =	simm.s32 $0x4C00  }
0x9b: {  	[spmem:s1] =	stream.indirect.scatter.add.f32 [tilespmem:s26], [sflag:$0x2], $0x10, s25, s19, $0xb8;
	[tilespmem:$0x17C00] =	vst v63  }
0x9c: {  	s25 =	simm.s32 $0x400;
	s26 =	simm.s32 $0x5400  }
0x9d: {  	[spmem:s1] =	stream.indirect.scatter.add.f32 [tilespmem:s26], [sflag:$0x2], $0x10, s25, s19, $0xb8;
	[tilespmem:$0x17C00] =	vst v63  }
0x9e: {  	s25 =	simm.s32 $0x480;
	s26 =	simm.s32 $0x5C00  }
0x9f: {  	[spmem:s1] =	stream.indirect.scatter.add.f32 [tilespmem:s26], [sflag:$0x2], $0x10, s25, s19, $0xb8;
	[tilespmem:$0x17C00] =	vst v63  }
0xa0: {  	s25 =	simm.s32 $0x500;
	s26 =	simm.s32 $0x6400  }
0xa1: {  	[spmem:s1] =	stream.indirect.scatter.add.f32 [tilespmem:s26], [sflag:$0x2], $0x10, s25, s19, $0xb8;
	[tilespmem:$0x17C00] =	vst v63  }
0xa2: {  	s25 =	simm.s32 $0x580;
	s26 =	simm.s32 $0x6C00  }
0xa3: {  	[spmem:s1] =	stream.indirect.scatter.add.f32 [tilespmem:s26], [sflag:$0x2], $0x10, s25, s19, $0xb8;
	[tilespmem:$0x17C00] =	vst v63  }
0xa4: {  	s25 =	simm.s32 $0x600;
	s26 =	simm.s32 $0x7400  }
0xa5: {  	[spmem:s1] =	stream.indirect.scatter.add.f32 [tilespmem:s26], [sflag:$0x2], $0x10, s25, s19, $0xb8;
	[tilespmem:$0x17C00] =	vst v63  }
0xa6: {  	s25 =	simm.s32 $0x680;
	s26 =	simm.s32 $0x7C00  }
0xa7: {  	[spmem:s1] =	stream.indirect.scatter.add.f32 [tilespmem:s26], [sflag:$0x2], $0x10, s25, s19, $0xb8;
	[tilespmem:$0x17C00] =	vst v63  }
0xa8: {  	s25 =	simm.s32 $0x700;
	s26 =	simm.s32 $0x8400  }
0xa9: {  	[spmem:s1] =	stream.indirect.scatter.add.f32 [tilespmem:s26], [sflag:$0x2], $0x10, s25, s19, $0xb8;
	[tilespmem:$0x17C00] =	vst v63  }
0xaa: {  	s25 =	simm.s32 $0x780;
	s26 =	simm.s32 $0x8C00  }
0xab: {  	[spmem:s1] =	stream.indirect.scatter.add.f32 [tilespmem:s26], [sflag:$0x2], $0x10, s25, s19, $0xb8;
	[tilespmem:$0x17C00] =	vst v63  }
0xac: {  	s25 =	simm.s32 $0x800;
	s26 =	simm.s32 $0x9400  }
0xad: {  	[spmem:s1] =	stream.indirect.scatter.add.f32 [tilespmem:s26], [sflag:$0x2], $0x10, s25, s19, $0xb8;
	[tilespmem:$0x17C00] =	vst v63  }
0xae: {  	p0 =	sgt.u32 s15, $0x4E1;
	s25 =	simm.s32 $0x880;
	s26 =	simm.s32 $0x9C00  }
0xaf: {  	[spmem:s1] =	stream.indirect.scatter.add.f32 [tilespmem:s26], [sflag:$0x2], $0x10, s25, s19, $0xb8;
	[tilespmem:$0x17C00] =	vst v63  }
0xb0: {  	s28 =	simm.s32 @!p0 $0xB400;
	s29 =	sadd.s32 @!p0 $0x0, s14  }
0xb1: {  	[spmem:s1] =	stream.indirect.scatter.add.f32 [tilespmem:s0], [sflag:$0x2], $0x10, s31, s19, $0xb8;
	[tilespmem:$0x17C00] =	vst v63  }
0xb2: {  	s30 =	simm.s32 @!p0 $0x0;
	s25 =	simm.s32 $0x2000;
	s26 =	sadd.s32 $0x20, s15  }
0xb3: {  	[spmem:s1] =	stream.indirect.scatter.add.f32 [tilespmem:s21], [sflag:$0x2], $0x10, s3, s19, $0xb8;
	[tilespmem:$0x17C00] =	vst v63  }
.LBB2_10:
0xb4: {  	[tilespmem:s28], [sflag:$0x1] =	stream.linear.gather @!p0 [hbm4b:s29+s30], $0x800, $0x38;
	[tilespmem:$0x17C00] =	vst v63  }
0xb5: {  	s29 =	smov.u32 s25;
	s25 =	sadd.s32 $0x2000, s25  }
0xb6: {  	p1 =	sne.s32 s25, $0x28000  }
.Ltmp4:
0xb7: {  	(pc) =	sbr.rel @p1 .LBB2_10-.Ltmp4, $4  }
0xb8: {  	_ = 	snop  }
0xb9: {  	p0 =	sgt.u32 s26, $0x4E1  }
0xba: {  	s26 =	sadd.s32 $0x20, s26;
	s28 =	sshra.s32 @!p0 s29, $0x2  }
0xbb: {  	s29 =	sadd.s32 @!p0 s29, s14;
	s30 =	simm.s32 @!p0 $0x0;
	s28 =	sadd.s32 @!p0 $0xB400, s28  }
0xbc: {  	[tilespmem:s28], [sflag:$0x1] =	stream.linear.gather @!p0 [hbm4b:s29+s30], $0x800, $0x38;
	[tilespmem:$0x17C00] =	vst v63  }
0xbd: {  	_ =	swait.ge [sflag:s22], $0x800  }
0xbe: {  	[sflag:s22] =	ssyncset.done $0x0  }
0xbf: {  	[sflag:s22] =	ssyncadd.s32 $0xFFFFF800  }
0xc0: {  	_ =	swait.ge [sflag:s22], $0x800  }
0xc1: {  	[sflag:s22] =	ssyncset.done $0x0  }
0xc2: {  	[sflag:s22] =	ssyncadd.s32 $0xFFFFF800  }
0xc3: {  	_ =	swait.ge [sflag:s22], $0x800  }
0xc4: {  	[sflag:s22] =	ssyncset.done $0x0  }
0xc5: {  	[sflag:s22] =	ssyncadd.s32 $0xFFFFF800  }
0xc6: {  	_ =	swait.ge [sflag:s22], $0x800  }
0xc7: {  	[sflag:s22] =	ssyncset.done $0x0  }
0xc8: {  	[sflag:s22] =	ssyncadd.s32 $0xFFFFF800  }
0xc9: {  	_ =	swait.ge [sflag:s22], $0x800  }
0xca: {  	[sflag:s22] =	ssyncset.done $0x0  }
0xcb: {  	[sflag:s22] =	ssyncadd.s32 $0xFFFFF800  }
0xcc: {  	_ =	swait.ge [sflag:s22], $0x800  }
0xcd: {  	[sflag:s22] =	ssyncset.done $0x0  }
0xce: {  	[sflag:s22] =	ssyncadd.s32 $0xFFFFF800  }
0xcf: {  	_ =	swait.ge [sflag:s22], $0x800  }
0xd0: {  	[sflag:s22] =	ssyncset.done $0x0  }
0xd1: {  	[sflag:s22] =	ssyncadd.s32 $0xFFFFF800  }
0xd2: {  	_ =	swait.ge [sflag:s22], $0x800  }
0xd3: {  	[sflag:s22] =	ssyncset.done $0x0  }
0xd4: {  	[sflag:s22] =	ssyncadd.s32 $0xFFFFF800  }
0xd5: {  	_ =	swait.ge [sflag:s22], $0x800  }
0xd6: {  	[sflag:s22] =	ssyncset.done $0x0  }
0xd7: {  	[sflag:s22] =	ssyncadd.s32 $0xFFFFF800  }
0xd8: {  	_ =	swait.ge [sflag:s22], $0x800  }
0xd9: {  	[sflag:s22] =	ssyncset.done $0x0  }
0xda: {  	[sflag:s22] =	ssyncadd.s32 $0xFFFFF800  }
0xdb: {  	_ =	swait.ge [sflag:s22], $0x800  }
0xdc: {  	[sflag:s22] =	ssyncset.done $0x0  }
0xdd: {  	[sflag:s22] =	ssyncadd.s32 $0xFFFFF800  }
0xde: {  	_ =	swait.ge [sflag:s22], $0x800  }
0xdf: {  	[sflag:s22] =	ssyncset.done $0x0  }
0xe0: {  	[sflag:s22] =	ssyncadd.s32 $0xFFFFF800  }
0xe1: {  	_ =	swait.ge [sflag:s22], $0x800  }
0xe2: {  	[sflag:s22] =	ssyncset.done $0x0  }
0xe3: {  	[sflag:s22] =	ssyncadd.s32 $0xFFFFF800  }
0xe4: {  	_ =	swait.ge [sflag:s22], $0x800  }
0xe5: {  	[sflag:s22] =	ssyncset.done $0x0  }
0xe6: {  	[sflag:s22] =	ssyncadd.s32 $0xFFFFF800  }
0xe7: {  	_ =	swait.ge [sflag:s22], $0x800  }
0xe8: {  	[sflag:s22] =	ssyncset.done $0x0  }
0xe9: {  	[sflag:s22] =	ssyncadd.s32 $0xFFFFF800  }
0xea: {  	_ =	swait.ge [sflag:s22], $0x800  }
0xeb: {  	[sflag:s22] =	ssyncset.done $0x0  }
0xec: {  	[sflag:s22] =	ssyncadd.s32 $0xFFFFF800  }
0xed: {  	_ =	swait.ge [sflag:s22], $0x800  }
0xee: {  	[sflag:s22] =	ssyncset.done $0x0  }
0xef: {  	[sflag:s22] =	ssyncadd.s32 $0xFFFFF800  }
0xf0: {  	_ =	swait.ge [sflag:s22], $0x800  }
0xf1: {  	[sflag:s22] =	ssyncset.done $0x0  }
0xf2: {  	[sflag:s22] =	ssyncadd.s32 $0xFFFFF800  }
0xf3: {  	_ =	swait.ge [sflag:s22], $0x800  }
0xf4: {  	[sflag:s22] =	ssyncset.done $0x0  }
0xf5: {  	[sflag:s22] =	ssyncadd.s32 $0xFFFFF800  }
0xf6: {  	_ =	swait.ge [sflag:s22], $0x800  }
0xf7: {  	p0 =	sle.u32 s8, $0x0;
	[sflag:s22] =	ssyncset.done $0x0  }
0xf8: {  	s26 =	simm.s32 @!p0 $0x1;
	[sflag:s22] =	ssyncadd.s32 $0xFFFFF800  }
0xf9: {  	_ =	swait.ge @!p0 [sflag:s26], $0x800  }
0xfa: {  	s25 =	simm.s32 $0x20;
	[sflag:s26] =	ssyncset.done @!p0 $0x0  }
.LBB2_12:
0xfb: {  	[sflag:s26] =	ssyncadd.s32 @!p0 $0xFFFFF800;
	s26 =	smov.u32 s25;
	s25 =	sadd.s32 $0x20, s25  }
0xfc: {  	p1 =	sne.s32 s25, $0x280  }
.Ltmp5:
0xfd: {  	(pc) =	sbr.rel @p1 .LBB2_12-.Ltmp5, $4  }
0xfe: {  	p0 =	sge.u32 s26, s8  }
0xff: {  	s26 =	simm.s32 @!p0 $0x1  }
0x100: {  	_ =	swait.ge @!p0 [sflag:s26], $0x800  }
0x101: {  	[sflag:s26] =	ssyncset.done @!p0 $0x0  }
0x102: {  	[sflag:s26] =	ssyncadd.s32 @!p0 $0xFFFFF800;
	s25 =	simm.s32 $0x0  }
0x103: {  	v3 =	vld [tilespmem:s25+$0xB470]  }
0x104: {  	v4 =	vld [tilespmem:s25+$0xB400]  }
0x105: {  	v5 =	vld [tilespmem:s25+$0xB410]  }
0x106: {  	v2 =	vld [tilespmem:s25+$0xB420]  }
0x107: {  	v0 =	vld [tilespmem:s25+$0xB430]  }
0x108: {  	v1 =	vld [tilespmem:s25+$0xB440];
	[tilespmem:s25+$0x1470] =	vst v3  }
0x109: {  	[tilespmem:s25+$0x1400] =	vst v4;
	v3 =	vld [tilespmem:s25+$0xB450]  }
0x10a: {  	s26 =	simm.s32 $0x80;
	s28 =	simm.s32 $0x400;
	[tilespmem:s25+$0x1410] =	vst v5;
	v4 =	vld [tilespmem:s25+$0xB460]  }
.LBB2_14:
0x10b: {  	p0 =	sne.s32 s28, $0x27E00;
	v5 =	vld [tilespmem:s26+$0xB470];
	[tilespmem:s25+$0x1420] =	vst v2  }
0x10c: {  	v6 =	vld [tilespmem:s26+$0xB400];
	[tilespmem:s25+$0x1430] =	vst v0  }
0x10d: {  	v7 =	vld [tilespmem:s26+$0xB410];
	[tilespmem:s25+$0x1440] =	vst v1  }
.Ltmp6:
0x10e: {  	v2 =	vld [tilespmem:s26+$0xB420];
	[tilespmem:s25+$0x1450] =	vst v3;
	(pc) =	sbr.rel @p0 .LBB2_14-.Ltmp6, $4  }
0x10f: {  	v0 =	vld [tilespmem:s26+$0xB430];
	[tilespmem:s25+$0x1460] =	vst v4;
	s25 =	smov.u32 s26  }
0x110: {  	v1 =	vld [tilespmem:s25+$0xB440];
	[tilespmem:s25+$0x1470] =	vst v5  }
0x111: {  	[tilespmem:s25+$0x1400] =	vst v6;
	v3 =	vld [tilespmem:s25+$0xB450]  }
0x112: {  	s26 =	sshra.s32 s28, $0x2;
	s28 =	sadd.s32 $0x200, s28;
	[tilespmem:s25+$0x1410] =	vst v7;
	v4 =	vld [tilespmem:s25+$0xB460]  }
0x113: {  	v5 =	vld [tilespmem:s26+$0xB470];
	[tilespmem:s25+$0x1420] =	vst v2  }
0x114: {  	v2 =	vld [tilespmem:s26+$0xB400];
	[tilespmem:s25+$0x1430] =	vst v0  }
0x115: {  	v0 =	vld [tilespmem:s26+$0xB410];
	[tilespmem:s25+$0x1440] =	vst v1  }
0x116: {  	v1 =	vld [tilespmem:s26+$0xB420];
	[tilespmem:s25+$0x1450] =	vst v3  }
0x117: {  	v3 =	vld [tilespmem:s26+$0xB430];
	[tilespmem:s25+$0x1460] =	vst v4  }
0x118: {  	v4 =	vld [tilespmem:s26+$0xB440];
	[tilespmem:s26+$0x1470] =	vst v5  }
0x119: {  	v62 =	vld [tilespmem:s26+$0xB450];
	[tilespmem:s26+$0x1400] =	vst v2  }
0x11a: {  	v63 =	vld [tilespmem:s26+$0xB460];
	[tilespmem:s26+$0x1410] =	vst v0  }
0x11b: {  	[tilespmem:s26+$0x1420] =	vst v1  }
0x11c: {  	[tilespmem:s26+$0x1430] =	vst v3  }
0x11d: {  	[tilespmem:s26+$0x1440] =	vst v4  }
0x11e: {  	[tilespmem:s26+$0x1450] =	vst v62  }
0x11f: {  	s28 =	simm.s32 $0xA00;
	s25 =	simm.s32 $0x280;
	[tilespmem:s26+$0x1460] =	vst v63;
	s26 =	simm.s32 $0x1400  }
.LBB2_16:
0x120: {  	p0 =	sge.u32 s25, s7  }
0x121: {  	s25 =	sadd.s32 $0x20, s25;
	s29 =	simm.s32 @!p0 $0x80  }
0x122: {  	[spmem:s1] =	stream.indirect.scatter.add.f32 @!p0 [tilespmem:s26], [sflag:$0x2], $0x10, s28, s29, $0xb8;
	[tilespmem:$0x17C00] =	vst v63  }
0x123: {  	p0 =	sne.s32 s25, $0x500  }
.Ltmp7:
0x124: {  	_ = 	snop;
	(pc) =	sbr.rel @p0 .LBB2_16-.Ltmp7, $2  }
0x125: {  	_ =	sdelay $0x2  }
0x126: {  	s26 =	sadd.s32 $0x800, s26;
	s28 =	sadd.s32 $0x80, s28  }
0x127: {  	p0 =	sle.u32 s8, $0x0  }
0x128: {  	s26 =	simm.s32 @!p0 $0x2  }
0x129: {  	_ =	swait.ge @!p0 [sflag:s26], $0x800  }
0x12a: {  	s25 =	simm.s32 $0x20;
	[sflag:s26] =	ssyncset.done @!p0 $0x0  }
.LBB2_18:
0x12b: {  	[sflag:s26] =	ssyncadd.s32 @!p0 $0xFFFFF800;
	s26 =	smov.u32 s25;
	s25 =	sadd.s32 $0x20, s25  }
0x12c: {  	p1 =	sne.s32 s25, $0x280  }
.Ltmp8:
0x12d: {  	(pc) =	sbr.rel @p1 .LBB2_18-.Ltmp8, $4  }
0x12e: {  	p0 =	sge.u32 s26, s8  }
0x12f: {  	s26 =	simm.s32 @!p0 $0x2  }
0x130: {  	_ =	swait.ge @!p0 [sflag:s26], $0x800  }
0x131: {  	[sflag:s26] =	ssyncset.done @!p0 $0x0  }
0x132: {  	[sflag:s26] =	ssyncadd.s32 @!p0 $0xFFFFF800  }
0x133: {  	[bflag:$0x0] =	sbarrier.arrive $0xFFFF  }
0x134: {  	[tilespmem:s20], [sflag:$0x3] =	stream.linear.gather [spmem:s5], $0x2800, $0x38;
	[tilespmem:$0x17C00] =	vst v63  }
0x135: {  	_ =	swait.ge [sflag:s17], $0x2800  }
0x136: {  	[sflag:s17] =	ssyncset.done $0x0  }
0x137: {  	s25 =	simm.s32 $0x0;
	[sflag:s17] =	ssyncadd.s32 $0xFFFFD800  }
0x138: {  	v3 =	vld [tilespmem:s25+$0x1470]  }
0x139: {  	v4 =	vld [tilespmem:s25+$0x1400]  }
0x13a: {  	v5 =	vld [tilespmem:s25+$0x1410]  }
0x13b: {  	v2 =	vld [tilespmem:s25+$0x1420]  }
0x13c: {  	v0 =	vld [tilespmem:s25+$0x1430]  }
0x13d: {  	v1 =	vld [tilespmem:s25+$0x1440];
	[tilespmem:s25+$0xB470] =	vst v3  }
0x13e: {  	[tilespmem:s25+$0xB400] =	vst v4;
	v3 =	vld [tilespmem:s25+$0x1450]  }
0x13f: {  	s26 =	simm.s32 $0x80;
	s28 =	simm.s32 $0x400;
	[tilespmem:s25+$0xB410] =	vst v5;
	v4 =	vld [tilespmem:s25+$0x1460]  }
.LBB2_20:
0x140: {  	p0 =	sne.s32 s28, $0x9E00;
	v5 =	vld [tilespmem:s26+$0x1470];
	[tilespmem:s25+$0xB420] =	vst v2  }
0x141: {  	v6 =	vld [tilespmem:s26+$0x1400];
	[tilespmem:s25+$0xB430] =	vst v0  }
0x142: {  	v7 =	vld [tilespmem:s26+$0x1410];
	[tilespmem:s25+$0xB440] =	vst v1  }
.Ltmp9:
0x143: {  	v2 =	vld [tilespmem:s26+$0x1420];
	[tilespmem:s25+$0xB450] =	vst v3;
	(pc) =	sbr.rel @p0 .LBB2_20-.Ltmp9, $4  }
0x144: {  	v0 =	vld [tilespmem:s26+$0x1430];
	[tilespmem:s25+$0xB460] =	vst v4;
	s25 =	smov.u32 s26  }
0x145: {  	v1 =	vld [tilespmem:s25+$0x1440];
	[tilespmem:s25+$0xB470] =	vst v5  }
0x146: {  	[tilespmem:s25+$0xB400] =	vst v6;
	v3 =	vld [tilespmem:s25+$0x1450]  }
0x147: {  	s26 =	sshra.s32 s28, $0x2;
	s28 =	sadd.s32 $0x200, s28;
	[tilespmem:s25+$0xB410] =	vst v7;
	v4 =	vld [tilespmem:s25+$0x1460]  }
0x148: {  	v5 =	vld [tilespmem:s26+$0x1470];
	[tilespmem:s25+$0xB420] =	vst v2  }
0x149: {  	v2 =	vld [tilespmem:s26+$0x1400];
	[tilespmem:s25+$0xB430] =	vst v0  }
0x14a: {  	v0 =	vld [tilespmem:s26+$0x1410];
	[tilespmem:s25+$0xB440] =	vst v1  }
0x14b: {  	v1 =	vld [tilespmem:s26+$0x1420];
	[tilespmem:s25+$0xB450] =	vst v3  }
0x14c: {  	v3 =	vld [tilespmem:s26+$0x1430];
	[tilespmem:s25+$0xB460] =	vst v4  }
0x14d: {  	v4 =	vld [tilespmem:s26+$0x1440];
	[tilespmem:s26+$0xB470] =	vst v5  }
0x14e: {  	v62 =	vld [tilespmem:s26+$0x1450];
	[tilespmem:s26+$0xB400] =	vst v2  }
0x14f: {  	v63 =	vld [tilespmem:s26+$0x1460];
	[tilespmem:s26+$0xB410] =	vst v0  }
0x150: {  	[tilespmem:s26+$0xB420] =	vst v1  }
0x151: {  	[tilespmem:s26+$0xB430] =	vst v3  }
0x152: {  	s24 =	sadd.s32 $0x1, s24;
	[tilespmem:s26+$0xB440] =	vst v4  }
0x153: {  	p0 =	sne.s32 s24, s10;
	[tilespmem:s26+$0xB450] =	vst v62  }
.Ltmp10:
0x154: {  	[tilespmem:s26+$0xB460] =	vst v63;
	(pc) =	sbr.rel @p0 .LBB2_1-.Ltmp10, $4  }
0x155: {  	[hbm4b:s9+s2] =	stream.linear.scatter [tilespmem:s23], [sflag:$0x3], $0x2800, $0x38;
	[tilespmem:$0x17C00] =	vst v63  }
0x156: {  	_ =	swait.ge [sflag:s17], $0x2800  }
0x157: {  	[sflag:s17] =	ssyncset.done $0x0  }
0x158: {  	[sflag:s17] =	ssyncadd.s32 $0xFFFFD800  }
0x159: {  	_ =	sfence.sel $0x180000  }
0x15a: {  	[bflag:$0x0] =	sbarrier.arrive $0xFFFF  }
0x15b: {  	_ =	strace $0x9000004D  }
0x15c: {  	s0 =	stileid.u32;
	[bflag:$0x2] =	sbarrier.arrive $0xFFFF  }
0x15d: {  	p0 =	sne.s32 s0, $0x0;
	s0 =	rddreg [dreg:$0x2]  }
0x15e: {  	s0 =	sadd.s32 @!p0 $0x100000, s0  }
0x15f: {  	[sflag:s0] =	ssyncadd.tile.s32 @!p0 $0x1;
	_ =	shalt  }
.Lfunc_end2:
_tile_overlayer_lowered:
.L_overlay_start_2:
0x160: {  	(tag) =	ssettag $0x2  }
0x161: {  	s0 =	rddreg [dreg:$0x0];
	s2 =	stileid.u32  }
0x162: {  	s1 =	rddreg [dreg:$0x1];
	p0 =	sne.s32 s2, $0x0  }
0x163: {  	s3 =	rddreg [dreg:$0x2];
	[bflag:$0x3] =	sbarrier.arrive $0xFFFF;
	s2 =	simm.s32 @!p0 $0x1C03  }
0x164: {  	[timem:s3], [sflag:s2] =	dma.local @!p0 [hbm:s0], s1  }
0x165: {  	s0 =	simm.s32 @!p0 $0x3  }
0x166: {  	_ =	swait.ge @!p0 [sflag:s0], s1  }
0x167: {  	s1 =	ssub.s32 @!p0 $0x0, s1;
	[sflag:s0] =	ssyncset.done @!p0 $0x0  }
0x168: {  	[sflag:s0] =	ssyncadd.s32 @!p0 s1  }
0x169: {  	[bflag:$0x3] =	sbarrier.arrive $0xFFFF  }
0x16a: {  	_ =	shalt  }

// kernel: kernel.20.cloned.1.call-start
scs
__scs_entry_jumppad:
0x0: {  	(pc) =	sbr.rel $0x88, $3  }
0x1: {  	(tag) =	ssettag $0x0;
	lr =	simm.s32 $0x1  }
0x2: {  	[smem:$0x3F8E] =	sst lr;
	_ =	strace $0xD0000000  }
0x3: {  	_ = 	snop  }
0x4: {  	_ = 	snop  }
0x5: {  	_ = 	snop  }
0x6: {  	_ = 	snop  }
0x7: {  	_ = 	snop  }
__scs_overlays_trampoline_lowered:
0x8: {  	[smem:$0x3F9D] =	sst s0  }
0x9: {  	[smem:$0x3F9E] =	sst s1  }
0xa: {  	[smem:$0x3F9F] =	sst s2  }
0xb: {  	[smem:$0x3FA0] =	sst s3  }
0xc: {  	[smem:$0x3FA1] =	sst s4  }
0xd: {  	[smem:$0x3FA2] =	sst s5  }
0xe: {  	[smem:$0x3FA3] =	sst s6  }
0xf: {  	[smem:$0x3FA4] =	sst s7  }
0x10: {  	[smem:$0x3FA5] =	sst s8  }
0x11: {  	[smem:$0x3FA6] =	sst s9;
	s0 =	simm.s32 @!p0 $0x0  }
0x12: {  	s1 =	sld [smem:$0x3F8C];
	s0 =	simm.s32 @p0 $0x1  }
0x13: {  	[smem:$0x3FA7] =	sst s0;
	s0 =	simm.s32 @!p1 $0x0  }
0x14: {  	s2 =	sld [smem:$0x3F8B];
	s0 =	simm.s32 @p1 $0x1  }
0x15: {  	[smem:$0x3FA8] =	sst s0;
	s0 =	simm.s32 @!p2 $0x0  }
0x16: {  	s3 =	sld [smem:$0x3FDB];
	s0 =	simm.s32 @p2 $0x1  }
0x17: {  	s4 =	simm.s32 $0x1BF5;
	[smem:$0x3FAA] =	sst s0  }
0x18: {  	s0 =	sld [smem:$0x3F8D];
	_ =	swait.ge [sflag:s4], $0x0  }
0x19: {  	s7 =	sld [smem:$0x3F8E]  }
0x1a: {  	s8 =	sadd.s32 $0xFFFFE003, lr  }
0x1b: {  	s9 =	sadd.s32 $0xFFFFFEF7, lr;
	s5 =	simm.s32 $0xFFFFFFFF;
	p2 =	slt.u32 s8, $0xFFFFF086  }
0x1c: {  	p1 =	slt.u32 s9, $0xF7A;
	s5 =	simm.s32 @!p2 $0x0  }
0x1d: {  	s5 =	simm.s32 @p1 $0x1;
	p0 =	seq.s32 s7, s2  }
0x1e: {  	s7 =	smul.u32 @!p0 $0xF7A, s2;
	p2 =	seq.s32 @!p0 s5, $0x0  }
0x1f: {  	s9 =	smul.u32 $0xF7A, s1;
	s8 =	simm.s32 @!p0 $0x1BF5;
	p2 =	por !p2, p0  }
0x20: {  	[sflag:s8] =	ssyncset.s32 @!p0 $0xFFFFF086;
	s6 =	sadd.s32 @!p0 s3, s7;
	s7 =	simm.s32 @!p0 $0x108  }
0x21: {  	s3 =	sadd.s32 s3, s9;
	s6 =	sadd.s32 @!p0 $0x88, s6;
	s7 =	simm.s32 @p2 $0x1082  }
0x22: {  	[simem:s7], [sflag:s8] =	dma.local @!p0 [hbm:s6], $0xF7A  }
0x23: {  	s9 =	sor.u32 $0xD0000000, s2;
	s6 =	simm.s32 $0x108;
	_ =	swait.ge @!p0 [sflag:s8], $0x0  }
0x24: {  	s3 =	sadd.s32 $0x88, s3;
	s6 =	simm.s32 @!p1 $0x1082;
	[sflag:s4] =	ssyncset.s32 $0xFFFFF086  }
0x25: {  	[simem:s6], [sflag:s4] =	dma.local [hbm:s3], $0xF7A  }
0x26: {  	[smem:$0x3F8E] =	sst s1;
	(tag) =	ssettag s2;
	_ =	strace s9  }
0x27: {  	s1 =	sld [smem:$0x3F9E]  }
0x28: {  	s2 =	sld [smem:$0x3F9F]  }
0x29: {  	s4 =	sld [smem:$0x3FA1]  }
0x2a: {  	p0 =	seq.s32 s5, $0x0;
	s5 =	sld [smem:$0x3FA2]  }
0x2b: {  	s6 =	sld [smem:$0x3FA3]  }
0x2c: {  	s7 =	sld [smem:$0x3FA4]  }
0x2d: {  	s3 =	simm.s32 $0x108;
	s8 =	sld [smem:$0x3FA5]  }
0x2e: {  	s3 =	simm.s32 @!p0 $0x1082;
	s9 =	sld [smem:$0x3FA6]  }
0x2f: {  	lr =	sadd.s32 s0, s3;
	s0 =	sld [smem:$0x3F9D]  }
0x30: {  	s3 =	sld [smem:$0x3FA0]  }
0x31: {  	[smem:$0x3FA9] =	sst s10  }
0x32: {  	s10 =	sld [smem:$0x3FA7];
	_ =	sdelay $0x3  }
0x33: {  	p0 =	seq.s32 s10, $0x1;
	s10 =	sld [smem:$0x3FA9];
	_ =	sdelay $0x3  }
0x34: {  	[smem:$0x3FA9] =	sst s10  }
0x35: {  	s10 =	sld [smem:$0x3FA8];
	_ =	sdelay $0x3  }
0x36: {  	p1 =	seq.s32 s10, $0x1;
	s10 =	sld [smem:$0x3FA9];
	_ =	sdelay $0x3  }
0x37: {  	[smem:$0x3FA9] =	sst s10  }
0x38: {  	s10 =	sld [smem:$0x3FAA]  }
0x39: {  	_ = 	snop;
	(pc) =	sbr.ind lr, $3  }
0x3a: {  	_ = 	snop  }
0x3b: {  	_ = 	snop  }
0x3c: {  	p2 =	seq.s32 s10, $0x1;
	s10 =	sld [smem:$0x3FA9]  }
0x3d: {  	_ =	shalt  }
0x3e: {  	_ =	shalt  }
0x3f: {  	_ =	shalt  }
0x40: {  	_ =	shalt  }
0x41: {  	_ =	shalt  }
0x42: {  	_ =	shalt  }
0x43: {  	_ =	shalt  }
0x44: {  	_ =	shalt  }
0x45: {  	_ =	shalt  }
0x46: {  	_ =	shalt  }
0x47: {  	_ =	shalt  }
0x48: {  	_ =	shalt  }
0x49: {  	_ =	shalt  }
0x4a: {  	_ =	shalt  }
0x4b: {  	_ =	shalt  }
0x4c: {  	_ =	shalt  }
0x4d: {  	_ =	shalt  }
0x4e: {  	_ =	shalt  }
0x4f: {  	_ =	shalt  }
0x50: {  	_ =	shalt  }
0x51: {  	_ =	shalt  }
0x52: {  	_ =	shalt  }
0x53: {  	_ =	shalt  }
0x54: {  	_ =	shalt  }
0x55: {  	_ =	shalt  }
0x56: {  	_ =	shalt  }
0x57: {  	_ =	shalt  }
0x58: {  	_ =	shalt  }
0x59: {  	_ =	shalt  }
0x5a: {  	_ =	shalt  }
0x5b: {  	_ =	shalt  }
0x5c: {  	_ =	shalt  }
0x5d: {  	_ =	shalt  }
0x5e: {  	_ =	shalt  }
0x5f: {  	_ =	shalt  }
0x60: {  	_ =	shalt  }
0x61: {  	_ =	shalt  }
0x62: {  	_ =	shalt  }
0x63: {  	_ =	shalt  }
0x64: {  	_ =	shalt  }
0x65: {  	_ =	shalt  }
0x66: {  	_ =	shalt  }
0x67: {  	_ =	shalt  }
0x68: {  	_ =	shalt  }
0x69: {  	_ =	shalt  }
0x6a: {  	_ =	shalt  }
0x6b: {  	_ =	shalt  }
0x6c: {  	_ =	shalt  }
0x6d: {  	_ =	shalt  }
0x6e: {  	_ =	shalt  }
0x6f: {  	_ =	shalt  }
0x70: {  	_ =	shalt  }
0x71: {  	_ =	shalt  }
0x72: {  	_ =	shalt  }
0x73: {  	_ =	shalt  }
0x74: {  	_ =	shalt  }
0x75: {  	_ =	shalt  }
0x76: {  	_ =	shalt  }
0x77: {  	_ =	shalt  }
0x78: {  	_ =	shalt  }
0x79: {  	_ =	shalt  }
0x7a: {  	_ =	shalt  }
0x7b: {  	_ =	shalt  }
0x7c: {  	_ =	shalt  }
0x7d: {  	_ =	shalt  }
0x7e: {  	_ =	shalt  }
0x7f: {  	_ =	shalt  }
0x80: {  	_ =	shalt  }
0x81: {  	_ =	shalt  }
0x82: {  	_ =	shalt  }
0x83: {  	_ =	shalt  }
0x84: {  	_ =	shalt  }
0x85: {  	_ =	shalt  }
0x86: {  	_ =	shalt  }
0x87: {  	_ =	shalt  }
.Lfunc_end0:
.L_simem_size_0:
called_computation.3_lowered:
.L_overlay_start_0:
0x88: {  	s2 =	sld [smem:$0x3FD9]  }
0x89: {  	s3 =	sld [smem:$0x3FFE];
	_ =	sdelay $0x1  }
0x8a: {  	s1 =	srdreg.scid  }
0x8b: {  	s0 =	sand.u32 $0x1, s1  }
0x8c: {  	s16 =	sshll.u32 s0, $0xA;
	s2 =	sadd.s32 s3, s2  }
0x8d: {  	s2 =	sadd.s32 s2, s16  }
0x8e: {  	[smem:$0x3FB5] =	sst s2  }
0x8f: {  	_ = 	snop  }
0x90: {  	(tm) =	ssettm $0x1  }
0x91: {  	s17 =	sld [smem:$0x3FFB];
	_ =	sdelay $0x3  }
0x92: {  	_ =	strace s17  }
0x93: {  	s2 =	sld [smem:$0x3FFC];
	_ =	sdelay $0x3  }
0x94: {  	_ =	strace s2  }
0x95: {  	s2 =	sld [smem:$0x3FFD];
	_ =	sdelay $0x3  }
0x96: {  	_ =	strace s2  }
0x97: {  	_ =	strace $0x8FFFFFFF  }
0x98: {  	s18 =	sld [smem:$0x3FDB];
	_ =	sdelay $0x1  }
0x99: {  	s19 =	simm.s32 $_scs_section_size  }
0x9a: {  	s4 =	simm.s32 $_size__tile_overlayer_lowered;
	s5 =	simm.s32 $_tile_overlayer_lowered  }
0x9b: {  	s22 =	simm.s32 $0x1BFF;
	s21 =	sshll.u32 s5, $0x1;
	s2 =	sadd.s32 s19, s18  }
0x9c: {  	s6 =	simm.s32 $0x0;
	s20 =	sshll.u32 s4, $0x1;
	s4 =	sadd.s32 s21, s2  }
0x9d: {  	[timem:s6], [sflag:s22] =	dma.local [hbm:s4], s20  }
0x9e: {  	_ =	swait.ge [sflag:s22], s20  }
0x9f: {  	s3 =	ssub.s32 $0x0, s20;
	[sflag:s22] =	ssyncset.done $0x0  }
0xa0: {  	[sflag:s22] =	ssyncadd.s32 s3;
	_ =	sdelay $0x1  }
0xa1: {  	s23 =	simm.s32 $0x1B8B  }
0xa2: {  	_ =	swait.ge [sflag:s23], $0x1  }
0xa3: {  	[sflag:s23] =	ssyncset.done $0x0  }
0xa4: {  	s25 =	simm.s32 $0x1B8E;
	s24 =	sld [smem:$0x3FFE];
	[sflag:s23] =	ssyncadd.s32 $0xFFFFFFFF  }
0xa5: {  	s26 =	simm.s32 $execute0_lowered;
	[smem:$0x3FD2] =	sst s25  }
0xa6: {  	s4 =	sshll.u32 s26, $0x1;
	_ =	strace $0x8000004F;
	[dreg:$0x1] =	wrdreg $0xFFFFFFFF  }
0xa7: {  	s28 =	simm.s32 $_size_execute0_lowered;
	s2 =	sadd.s32 s2, s4;
	[dreg:$0x0] =	wrdreg $0x0  }
0xa8: {  	s4 =	sshll.u32 s28, $0x1;
	[dreg:$0x2] =	wrdreg s2  }
0xa9: {  	[dreg:$0x3] =	wrdreg s4  }
0xaa: {  	[dreg:$0x4] =	wrdreg $0xC0  }
0xab: {  	_ =	task [dreg:s6], $0x5FFFF  }
0xac: {  	[dreg:$0x1] =	wrdreg $0xFFFFFFFF  }
0xad: {  	[dreg:$0x0] =	wrdreg $0x60  }
0xae: {  	[dreg:$0x2] =	wrdreg s24  }
0xaf: {  	[dreg:$0x3] =	wrdreg $0x9  }
0xb0: {  	_ =	task.clear_ibuf [dreg:s6], $0x4FFFF;
	_ =	strace $0x9000004F  }
0xb1: {  	s29 =	simm.s32 $0x9;
	_ =	strace $0x80000051  }
0xb2: {  	_ =	swait.ge [sflag:s29], $0x1  }
0xb3: {  	[sflag:s29] =	ssyncadd.s32 $0xFFFFFFFF  }
0xb4: {  	_ =	strace $0x90000051  }
0xb5: {  	_ =	sfence  }
0xb6: {  	s30 =	sld [smem:$0x0];
	_ =	sdelay $0x2  }
0xb7: {  	s31 =	sshll.u32 s1, $0xD;
	s1 =	sshrl.u32 s1, $0x2  }
0xb8: {  	s3 =	sand.u32 $0x4000, s31;
	s1 =	sadd.s32 s1, s30  }
0xb9: {  	s0 =	sor.u32 s3, s0;
	s1 =	sshll.u32 s1, $0x11  }
0xba: {  	s0 =	sor.u32 s1, s0  }
0xbb: {  	s0 =	sadd.s32 $0x8F2B, s0  }
0xbc: {  	[sflag:s0] =	ssyncadd.remote.s32 $0x1  }
0xbd: {  	_ =	sfence.sel $0xFFFF  }
0xbe: {  	[dreg:$0x0] =	wrdreg $0xFFFFFFFF;
	(pc) =	sbr.abs _section_cstart, $3  }
0xbf: {  	[dreg:$0x1] =	wrdreg $0xFFFFFFFF  }
0xc0: {  	_ =	task.clear_ibuf [dreg:s6], $0x2FFFF;
	_ =	strace $0x9FFFFFFF  }
0xc1: {  	(tm) =	ssettm $0x7FFFFFFF  }
tec
execute0_lowered:
.L_overlay_start_1:
0x0: {  	(tag) =	ssettag $0x1  }
0x1: {  	s0 =	rddreg [dreg:$0x0]  }
0x2: {  	s2 =	simm.s32 $0x0;
	s6 =	stileid.u32;
	s3 =	srdreg.scid  }
0x3: {  	s12 =	simm.s32 $0x80;
	s19 =	simm.s32 $0x8400;
	s20 =	simm.s32 $0x780  }
0x4: {  	s21 =	simm.s32 $0x8C00;
	s22 =	simm.s32 $0x800;
	s23 =	simm.s32 $0x9400  }
0x5: {  	s24 =	simm.s32 $0x880;
	s28 =	simm.s32 $0xA400;
	s29 =	simm.s32 $0x980  }
0x6: {  	s30 =	simm.s32 $0xAC00;
	s31 =	simm.s32 $0x1;
	[smem:$0x7FF] =	sst s2  }
0x7: {  	s1 =	sshll.u32 s6, $0x5;
	s8 =	sand.u32 $0x1, s3;
	s3 =	sadd.s32 $0xF800, s0  }
0x8: {  	s4 =	sshll.u32 s6, $0x9;
	s9 =	sshll.u32 s6, $0x1;
	_ =	strace $0x80000050  }
0x9: {  	s1 =	sadd.s32 s1, s0;
	s5 =	ssub.s32 $0x2, s8;
	s0 =	sadd.s32 s4, s0  }
0xa: {  	s4 =	ssub.s32 $0x4E2, s9;
	s7 =	sshll.u32 s8, $0x4;
	s10 =	sshll.u32 s8, $0x8  }
0xb: {  	s8 =	sor.u32 s8, s9;
	s25 =	sshrl.u32 s5, $0x1;
	s1 =	sadd.s32 s7, s1  }
0xc: {  	s0 =	sadd.s32 s10, s0;
	s11 =	sor.u32 $0x280, s8;
	s26 =	ssub.s32 s5, s25  }
0xd: {  	s5 =	ssub.s32 $0x262, s9;
	s7 =	sadd.s32 $0x5800, s1;
	s9 =	sadd.s32 $0x14800, s0  }
0xe: {  	s10 =	sadd.s32 $0x3C800, s0;
	s25 =	simm.s32 $0x9C00;
	s0 =	simm.s32 $0x3  }
0xf: {  	s1 =	simm.s32 $0x0;
	s6 =	smax.u32 s26, $0x1;
	s26 =	simm.s32 $0x900  }
.LBB2_1:
0x10: {  	s13 =	smov.u32 s8;
	s14 =	simm.s32 $0x0  }
.LBB2_2:
0x11: {  	p0 =	sgt.u32 s13, $0x4E1  }
0x12: {  	s15 =	sshra.s32 @!p0 s14, $0x2  }
0x13: {  	s16 =	sadd.s32 @!p0 s14, s7;
	s17 =	simm.s32 @!p0 $0x0;
	s14 =	sadd.s32 $0x200, s14  }
0x14: {  	[tilespmem:s15], [sflag:$0x1] =	stream.linear.gather @!p0 [hbm4b:s16+s17], $0x80, $0x38;
	[tilespmem:$0x1F400] =	vst v63  }
0x15: {  	p0 =	sne.s32 s14, $0x5000  }
.Ltmp0:
0x16: {  	_ = 	snop;
	(pc) =	sbr.rel @p0 .LBB2_2-.Ltmp0, $2  }
0x17: {  	_ =	sdelay $0x2  }
0x18: {  	s13 =	sadd.s32 $0x20, s13  }
0x19: {  	p0 =	sle.u32 s4, $0x0  }
0x1a: {  	s14 =	simm.s32 @!p0 $0x1  }
0x1b: {  	_ =	swait.ge @!p0 [sflag:s14], $0x80  }
0x1c: {  	s13 =	simm.s32 $0x20;
	[sflag:s14] =	ssyncset.done @!p0 $0x0  }
.LBB2_4:
0x1d: {  	[sflag:s14] =	ssyncadd.s32 @!p0 $0xFFFFFF80;
	s14 =	smov.u32 s13;
	s13 =	sadd.s32 $0x20, s13  }
0x1e: {  	p1 =	sne.s32 s13, $0x500  }
.Ltmp1:
0x1f: {  	(pc) =	sbr.rel @p1 .LBB2_4-.Ltmp1, $4  }
0x20: {  	p0 =	sge.u32 s14, s4  }
0x21: {  	s14 =	simm.s32 @!p0 $0x1  }
0x22: {  	_ =	swait.ge @!p0 [sflag:s14], $0x80  }
0x23: {  	[sflag:s14] =	ssyncset.done @!p0 $0x0  }
0x24: {  	[sflag:s14] =	ssyncadd.s32 @!p0 $0xFFFFFF80;
	s13 =	simm.s32 $0x1400  }
0x25: {  	[tilespmem:s13], [sflag:$0x1] =	stream.indirect.gather [hbm4b:s3+s12], $0x10, s2, s12, $0xb8;
	[tilespmem:$0x1F400] =	vst v63  }
0x26: {  	s14 =	simm.s32 $0x1C00  }
0x27: {  	[tilespmem:s14], [sflag:$0x1] =	stream.indirect.gather [hbm4b:s3+s12], $0x10, s12, s12, $0xb8;
	[tilespmem:$0x1F400] =	vst v63  }
0x28: {  	s15 =	simm.s32 $0x100;
	s16 =	simm.s32 $0x2400  }
0x29: {  	[tilespmem:s16], [sflag:$0x1] =	stream.indirect.gather [hbm4b:s3+s12], $0x10, s15, s12, $0xb8;
	[tilespmem:$0x1F400] =	vst v63  }
0x2a: {  	s17 =	simm.s32 $0x180;
	s18 =	simm.s32 $0x2C00  }
0x2b: {  	[tilespmem:s18], [sflag:$0x1] =	stream.indirect.gather [hbm4b:s3+s12], $0x10, s17, s12, $0xb8;
	[tilespmem:$0x1F400] =	vst v63  }
0x2c: {  	s15 =	simm.s32 $0x200;
	s16 =	simm.s32 $0x3400  }
0x2d: {  	[tilespmem:s16], [sflag:$0x1] =	stream.indirect.gather [hbm4b:s3+s12], $0x10, s15, s12, $0xb8;
	[tilespmem:$0x1F400] =	vst v63  }
0x2e: {  	s17 =	simm.s32 $0x280;
	s18 =	simm.s32 $0x3C00  }
0x2f: {  	[tilespmem:s18], [sflag:$0x1] =	stream.indirect.gather [hbm4b:s3+s12], $0x10, s17, s12, $0xb8;
	[tilespmem:$0x1F400] =	vst v63  }
0x30: {  	s15 =	simm.s32 $0x300;
	s16 =	simm.s32 $0x4400  }
0x31: {  	[tilespmem:s16], [sflag:$0x1] =	stream.indirect.gather [hbm4b:s3+s12], $0x10, s15, s12, $0xb8;
	[tilespmem:$0x1F400] =	vst v63  }
0x32: {  	s17 =	simm.s32 $0x380;
	s18 =	simm.s32 $0x4C00  }
0x33: {  	[tilespmem:s18], [sflag:$0x1] =	stream.indirect.gather [hbm4b:s3+s12], $0x10, s17, s12, $0xb8;
	[tilespmem:$0x1F400] =	vst v63  }
0x34: {  	s15 =	simm.s32 $0x400;
	s16 =	simm.s32 $0x5400  }
0x35: {  	[tilespmem:s16], [sflag:$0x1] =	stream.indirect.gather [hbm4b:s3+s12], $0x10, s15, s12, $0xb8;
	[tilespmem:$0x1F400] =	vst v63  }
0x36: {  	s17 =	simm.s32 $0x480;
	s18 =	simm.s32 $0x5C00  }
0x37: {  	[tilespmem:s18], [sflag:$0x1] =	stream.indirect.gather [hbm4b:s3+s12], $0x10, s17, s12, $0xb8;
	[tilespmem:$0x1F400] =	vst v63  }
0x38: {  	s15 =	simm.s32 $0x500;
	s16 =	simm.s32 $0x6400  }
0x39: {  	[tilespmem:s16], [sflag:$0x1] =	stream.indirect.gather [hbm4b:s3+s12], $0x10, s15, s12, $0xb8;
	[tilespmem:$0x1F400] =	vst v63  }
0x3a: {  	s17 =	simm.s32 $0x580;
	s18 =	simm.s32 $0x6C00  }
0x3b: {  	[tilespmem:s18], [sflag:$0x1] =	stream.indirect.gather [hbm4b:s3+s12], $0x10, s17, s12, $0xb8;
	[tilespmem:$0x1F400] =	vst v63  }
0x3c: {  	s14 =	simm.s32 $0x600;
	s15 =	simm.s32 $0x7400  }
0x3d: {  	[tilespmem:s15], [sflag:$0x1] =	stream.indirect.gather [hbm4b:s3+s12], $0x10, s14, s12, $0xb8;
	[tilespmem:$0x1F400] =	vst v63  }
0x3e: {  	s16 =	simm.s32 $0x680;
	s17 =	simm.s32 $0x7C00  }
0x3f: {  	[tilespmem:s17], [sflag:$0x1] =	stream.indirect.gather [hbm4b:s3+s12], $0x10, s16, s12, $0xb8;
	[tilespmem:$0x1F400] =	vst v63  }
0x40: {  	s18 =	simm.s32 $0x700  }
0x41: {  	[tilespmem:s19], [sflag:$0x1] =	stream.indirect.gather [hbm4b:s3+s12], $0x10, s18, s12, $0xb8;
	[tilespmem:$0x1F400] =	vst v63  }
0x42: {  	_ = 	snop  }
0x43: {  	[tilespmem:s21], [sflag:$0x1] =	stream.indirect.gather [hbm4b:s3+s12], $0x10, s20, s12, $0xb8;
	[tilespmem:$0x1F400] =	vst v63  }
0x44: {  	_ = 	snop  }
0x45: {  	[tilespmem:s23], [sflag:$0x1] =	stream.indirect.gather [hbm4b:s3+s12], $0x10, s22, s12, $0xb8;
	[tilespmem:$0x1F400] =	vst v63  }
0x46: {  	p0 =	sle.u32 s4, $0x280  }
0x47: {  	[tilespmem:s25], [sflag:$0x1] =	stream.indirect.gather [hbm4b:s3+s12], $0x10, s24, s12, $0xb8;
	[tilespmem:$0x1F400] =	vst v63  }
0x48: {  	s13 =	simm.s32 $0x2A0;
	s14 =	simm.s32 $0xA00;
	s15 =	simm.s32 $0xA80  }
0x49: {  	[tilespmem:s28], [sflag:$0x1] =	stream.indirect.gather [hbm4b:s3+s12], $0x10, s26, s12, $0xb8;
	[tilespmem:$0x1F400] =	vst v63  }
0x4a: {  	s17 =	simm.s32 $0xB400;
	s16 =	simm.s32 $0xBC00;
	s18 =	simm.s32 @!p0 $0x80  }
0x4b: {  	[tilespmem:s30], [sflag:$0x1] =	stream.indirect.gather [hbm4b:s3+s12], $0x10, s29, s12, $0xb8;
	[tilespmem:$0x1F400] =	vst v63  }
.LBB2_6:
0x4c: {  	[tilespmem:s17], [sflag:$0x2] =	stream.indirect.gather @!p0 [hbm4b:s3+s18], $0x10, s14, s18, $0xb8;
	[tilespmem:$0x1F400] =	vst v63  }
0x4d: {  	s18 =	smov.u32 s13;
	s13 =	sadd.s32 $0x20, s13  }
0x4e: {  	p1 =	sne.s32 s13, $0x500  }
.Ltmp2:
0x4f: {  	(pc) =	sbr.rel @p1 .LBB2_6-.Ltmp2, $3  }
0x50: {  	s14 =	smov.u32 s15;
	s17 =	smov.u32 s16;
	_ =	sdelay $0x1  }
0x51: {  	p0 =	sge.u32 s18, s4  }
0x52: {  	s15 =	sadd.s32 $0x80, s15;
	s16 =	sadd.s32 $0x800, s16;
	s18 =	simm.s32 @!p0 $0x80  }
0x53: {  	[tilespmem:s17], [sflag:$0x2] =	stream.indirect.gather @!p0 [hbm4b:s3+s18], $0x10, s14, s18, $0xb8;
	[tilespmem:$0x1F400] =	vst v63  }
0x54: {  	_ =	swait.ge [sflag:s31], $0x800  }
0x55: {  	[sflag:s31] =	ssyncset.done $0x0  }
0x56: {  	[sflag:s31] =	ssyncadd.s32 $0xFFFFF800  }
0x57: {  	_ =	swait.ge [sflag:s31], $0x800  }
0x58: {  	[sflag:s31] =	ssyncset.done $0x0  }
0x59: {  	[sflag:s31] =	ssyncadd.s32 $0xFFFFF800  }
0x5a: {  	_ =	swait.ge [sflag:s31], $0x800  }
0x5b: {  	[sflag:s31] =	ssyncset.done $0x0  }
0x5c: {  	[sflag:s31] =	ssyncadd.s32 $0xFFFFF800  }
0x5d: {  	_ =	swait.ge [sflag:s31], $0x800  }
0x5e: {  	[sflag:s31] =	ssyncset.done $0x0  }
0x5f: {  	[sflag:s31] =	ssyncadd.s32 $0xFFFFF800  }
0x60: {  	_ =	swait.ge [sflag:s31], $0x800  }
0x61: {  	[sflag:s31] =	ssyncset.done $0x0  }
0x62: {  	[sflag:s31] =	ssyncadd.s32 $0xFFFFF800  }
0x63: {  	_ =	swait.ge [sflag:s31], $0x800  }
0x64: {  	[sflag:s31] =	ssyncset.done $0x0  }
0x65: {  	[sflag:s31] =	ssyncadd.s32 $0xFFFFF800  }
0x66: {  	_ =	swait.ge [sflag:s31], $0x800  }
0x67: {  	[sflag:s31] =	ssyncset.done $0x0  }
0x68: {  	[sflag:s31] =	ssyncadd.s32 $0xFFFFF800  }
0x69: {  	_ =	swait.ge [sflag:s31], $0x800  }
0x6a: {  	[sflag:s31] =	ssyncset.done $0x0  }
0x6b: {  	[sflag:s31] =	ssyncadd.s32 $0xFFFFF800  }
0x6c: {  	_ =	swait.ge [sflag:s31], $0x800  }
0x6d: {  	[sflag:s31] =	ssyncset.done $0x0  }
0x6e: {  	[sflag:s31] =	ssyncadd.s32 $0xFFFFF800  }
0x6f: {  	_ =	swait.ge [sflag:s31], $0x800  }
0x70: {  	[sflag:s31] =	ssyncset.done $0x0  }
0x71: {  	[sflag:s31] =	ssyncadd.s32 $0xFFFFF800  }
0x72: {  	_ =	swait.ge [sflag:s31], $0x800  }
0x73: {  	[sflag:s31] =	ssyncset.done $0x0  }
0x74: {  	[sflag:s31] =	ssyncadd.s32 $0xFFFFF800  }
0x75: {  	_ =	swait.ge [sflag:s31], $0x800  }
0x76: {  	[sflag:s31] =	ssyncset.done $0x0  }
0x77: {  	[sflag:s31] =	ssyncadd.s32 $0xFFFFF800  }
0x78: {  	_ =	swait.ge [sflag:s31], $0x800  }
0x79: {  	[sflag:s31] =	ssyncset.done $0x0  }
0x7a: {  	[sflag:s31] =	ssyncadd.s32 $0xFFFFF800  }
0x7b: {  	_ =	swait.ge [sflag:s31], $0x800  }
0x7c: {  	[sflag:s31] =	ssyncset.done $0x0  }
0x7d: {  	[sflag:s31] =	ssyncadd.s32 $0xFFFFF800  }
0x7e: {  	_ =	swait.ge [sflag:s31], $0x800  }
0x7f: {  	[sflag:s31] =	ssyncset.done $0x0  }
0x80: {  	[sflag:s31] =	ssyncadd.s32 $0xFFFFF800  }
0x81: {  	_ =	swait.ge [sflag:s31], $0x800  }
0x82: {  	[sflag:s31] =	ssyncset.done $0x0  }
0x83: {  	[sflag:s31] =	ssyncadd.s32 $0xFFFFF800  }
0x84: {  	_ =	swait.ge [sflag:s31], $0x800  }
0x85: {  	[sflag:s31] =	ssyncset.done $0x0  }
0x86: {  	[sflag:s31] =	ssyncadd.s32 $0xFFFFF800  }
0x87: {  	_ =	swait.ge [sflag:s31], $0x800  }
0x88: {  	[sflag:s31] =	ssyncset.done $0x0  }
0x89: {  	[sflag:s31] =	ssyncadd.s32 $0xFFFFF800  }
0x8a: {  	_ =	swait.ge [sflag:s31], $0x800  }
0x8b: {  	[sflag:s31] =	ssyncset.done $0x0  }
0x8c: {  	[sflag:s31] =	ssyncadd.s32 $0xFFFFF800  }
0x8d: {  	_ =	swait.ge [sflag:s31], $0x800  }
0x8e: {  	[sflag:s31] =	ssyncset.done $0x0  }
0x8f: {  	s13 =	simm.s32 $0x0;
	[sflag:s31] =	ssyncadd.s32 $0xFFFFF800  }
0x90: {  	v3 =	vld [tilespmem:s13+$0x1470]  }
0x91: {  	v4 =	vld [tilespmem:s13+$0x1400]  }
0x92: {  	v5 =	vld [tilespmem:s13+$0x1410]  }
0x93: {  	v2 =	vld [tilespmem:s13+$0x1420]  }
0x94: {  	v0 =	vld [tilespmem:s13+$0x1430]  }
0x95: {  	v1 =	vld [tilespmem:s13+$0x1440];
	[tilespmem:s13+$0x15470] =	vst v3  }
0x96: {  	[tilespmem:s13+$0x15400] =	vst v4;
	v3 =	vld [tilespmem:s13+$0x1450]  }
0x97: {  	s14 =	simm.s32 $0x80;
	s15 =	simm.s32 $0x400;
	[tilespmem:s13+$0x15410] =	vst v5;
	v4 =	vld [tilespmem:s13+$0x1460]  }
.LBB2_8:
0x98: {  	p0 =	sne.s32 s15, $0x27E00;
	v5 =	vld [tilespmem:s14+$0x1470];
	[tilespmem:s13+$0x15420] =	vst v2  }
0x99: {  	v6 =	vld [tilespmem:s14+$0x1400];
	[tilespmem:s13+$0x15430] =	vst v0  }
0x9a: {  	v7 =	vld [tilespmem:s14+$0x1410];
	[tilespmem:s13+$0x15440] =	vst v1  }
.Ltmp3:
0x9b: {  	v2 =	vld [tilespmem:s14+$0x1420];
	[tilespmem:s13+$0x15450] =	vst v3;
	(pc) =	sbr.rel @p0 .LBB2_8-.Ltmp3, $4  }
0x9c: {  	v0 =	vld [tilespmem:s14+$0x1430];
	[tilespmem:s13+$0x15460] =	vst v4;
	s13 =	smov.u32 s14  }
0x9d: {  	v1 =	vld [tilespmem:s13+$0x1440];
	[tilespmem:s13+$0x15470] =	vst v5  }
0x9e: {  	[tilespmem:s13+$0x15400] =	vst v6;
	v3 =	vld [tilespmem:s13+$0x1450]  }
0x9f: {  	s14 =	sshra.s32 s15, $0x2;
	s15 =	sadd.s32 $0x200, s15;
	[tilespmem:s13+$0x15410] =	vst v7;
	v4 =	vld [tilespmem:s13+$0x1460]  }
0xa0: {  	v5 =	vld [tilespmem:s14+$0x1470];
	[tilespmem:s13+$0x15420] =	vst v2  }
0xa1: {  	v2 =	vld [tilespmem:s14+$0x1400];
	[tilespmem:s13+$0x15430] =	vst v0  }
0xa2: {  	v0 =	vld [tilespmem:s14+$0x1410];
	[tilespmem:s13+$0x15440] =	vst v1  }
0xa3: {  	v1 =	vld [tilespmem:s14+$0x1420];
	[tilespmem:s13+$0x15450] =	vst v3  }
0xa4: {  	v3 =	vld [tilespmem:s14+$0x1430];
	[tilespmem:s13+$0x15460] =	vst v4  }
0xa5: {  	v4 =	vld [tilespmem:s14+$0x1440];
	[tilespmem:s14+$0x15470] =	vst v5  }
0xa6: {  	v62 =	vld [tilespmem:s14+$0x1450];
	[tilespmem:s14+$0x15400] =	vst v2  }
0xa7: {  	v63 =	vld [tilespmem:s14+$0x1460];
	[tilespmem:s14+$0x15410] =	vst v0  }
0xa8: {  	[tilespmem:s14+$0x15420] =	vst v1  }
0xa9: {  	[tilespmem:s14+$0x15430] =	vst v3  }
0xaa: {  	[tilespmem:s14+$0x15440] =	vst v4  }
0xab: {  	[tilespmem:s14+$0x15450] =	vst v62  }
0xac: {  	s15 =	simm.s32 $0x15400;
	s13 =	simm.s32 $0x2000;
	[tilespmem:s14+$0x15460] =	vst v63;
	s14 =	sadd.s32 $0x0, s9  }
.LBB2_10:
0xad: {  	[hbm4b:s14+s2] =	stream.linear.scatter [tilespmem:s15], [sflag:$0x3], $0x800, $0x38;
	[tilespmem:$0x1F400] =	vst v63  }
0xae: {  	s14 =	smov.u32 s13;
	p0 =	sne.s32 s13, $0x26000  }
.Ltmp4:
0xaf: {  	s13 =	sadd.s32 $0x2000, s13;
	(pc) =	sbr.rel @p0 .LBB2_10-.Ltmp4, $3  }
0xb0: {  	_ =	sdelay $0x1  }
0xb1: {  	s15 =	sshra.s32 s14, $0x2  }
0xb2: {  	s14 =	sadd.s32 s14, s9;
	s15 =	sadd.s32 $0x15400, s15  }
0xb3: {  	[hbm4b:s14+s2] =	stream.linear.scatter [tilespmem:s15], [sflag:$0x3], $0x800, $0x38;
	[tilespmem:$0x1F400] =	vst v63  }
0xb4: {  	_ =	swait.ge [sflag:s0], $0x800  }
0xb5: {  	[sflag:s0] =	ssyncset.done $0x0  }
0xb6: {  	[sflag:s0] =	ssyncadd.s32 $0xFFFFF800  }
0xb7: {  	_ =	swait.ge [sflag:s0], $0x800  }
0xb8: {  	[sflag:s0] =	ssyncset.done $0x0  }
0xb9: {  	[sflag:s0] =	ssyncadd.s32 $0xFFFFF800  }
0xba: {  	_ =	swait.ge [sflag:s0], $0x800  }
0xbb: {  	[sflag:s0] =	ssyncset.done $0x0  }
0xbc: {  	[sflag:s0] =	ssyncadd.s32 $0xFFFFF800  }
0xbd: {  	_ =	swait.ge [sflag:s0], $0x800  }
0xbe: {  	[sflag:s0] =	ssyncset.done $0x0  }
0xbf: {  	[sflag:s0] =	ssyncadd.s32 $0xFFFFF800  }
0xc0: {  	_ =	swait.ge [sflag:s0], $0x800  }
0xc1: {  	[sflag:s0] =	ssyncset.done $0x0  }
0xc2: {  	[sflag:s0] =	ssyncadd.s32 $0xFFFFF800  }
0xc3: {  	_ =	swait.ge [sflag:s0], $0x800  }
0xc4: {  	[sflag:s0] =	ssyncset.done $0x0  }
0xc5: {  	[sflag:s0] =	ssyncadd.s32 $0xFFFFF800  }
0xc6: {  	_ =	swait.ge [sflag:s0], $0x800  }
0xc7: {  	[sflag:s0] =	ssyncset.done $0x0  }
0xc8: {  	[sflag:s0] =	ssyncadd.s32 $0xFFFFF800  }
0xc9: {  	_ =	swait.ge [sflag:s0], $0x800  }
0xca: {  	[sflag:s0] =	ssyncset.done $0x0  }
0xcb: {  	[sflag:s0] =	ssyncadd.s32 $0xFFFFF800  }
0xcc: {  	_ =	swait.ge [sflag:s0], $0x800  }
0xcd: {  	[sflag:s0] =	ssyncset.done $0x0  }
0xce: {  	[sflag:s0] =	ssyncadd.s32 $0xFFFFF800  }
0xcf: {  	_ =	swait.ge [sflag:s0], $0x800  }
0xd0: {  	[sflag:s0] =	ssyncset.done $0x0  }
0xd1: {  	[sflag:s0] =	ssyncadd.s32 $0xFFFFF800  }
0xd2: {  	_ =	swait.ge [sflag:s0], $0x800  }
0xd3: {  	[sflag:s0] =	ssyncset.done $0x0  }
0xd4: {  	[sflag:s0] =	ssyncadd.s32 $0xFFFFF800  }
0xd5: {  	_ =	swait.ge [sflag:s0], $0x800  }
0xd6: {  	[sflag:s0] =	ssyncset.done $0x0  }
0xd7: {  	[sflag:s0] =	ssyncadd.s32 $0xFFFFF800  }
0xd8: {  	_ =	swait.ge [sflag:s0], $0x800  }
0xd9: {  	[sflag:s0] =	ssyncset.done $0x0  }
0xda: {  	[sflag:s0] =	ssyncadd.s32 $0xFFFFF800  }
0xdb: {  	_ =	swait.ge [sflag:s0], $0x800  }
0xdc: {  	[sflag:s0] =	ssyncset.done $0x0  }
0xdd: {  	[sflag:s0] =	ssyncadd.s32 $0xFFFFF800  }
0xde: {  	_ =	swait.ge [sflag:s0], $0x800  }
0xdf: {  	[sflag:s0] =	ssyncset.done $0x0  }
0xe0: {  	[sflag:s0] =	ssyncadd.s32 $0xFFFFF800  }
0xe1: {  	_ =	swait.ge [sflag:s0], $0x800  }
0xe2: {  	[sflag:s0] =	ssyncset.done $0x0  }
0xe3: {  	[sflag:s0] =	ssyncadd.s32 $0xFFFFF800  }
0xe4: {  	_ =	swait.ge [sflag:s0], $0x800  }
0xe5: {  	[sflag:s0] =	ssyncset.done $0x0  }
0xe6: {  	[sflag:s0] =	ssyncadd.s32 $0xFFFFF800  }
0xe7: {  	_ =	swait.ge [sflag:s0], $0x800  }
0xe8: {  	[sflag:s0] =	ssyncset.done $0x0  }
0xe9: {  	[sflag:s0] =	ssyncadd.s32 $0xFFFFF800  }
0xea: {  	_ =	swait.ge [sflag:s0], $0x800  }
0xeb: {  	[sflag:s0] =	ssyncset.done $0x0  }
0xec: {  	[sflag:s0] =	ssyncadd.s32 $0xFFFFF800  }
0xed: {  	_ =	swait.ge [sflag:s0], $0x800  }
0xee: {  	p0 =	sle.u32 s5, $0x0;
	[sflag:s0] =	ssyncset.done $0x0  }
0xef: {  	s14 =	simm.s32 @!p0 $0x2;
	[sflag:s0] =	ssyncadd.s32 $0xFFFFF800  }
0xf0: {  	_ =	swait.ge @!p0 [sflag:s14], $0x800  }
0xf1: {  	s13 =	simm.s32 $0x20;
	[sflag:s14] =	ssyncset.done @!p0 $0x0  }
.LBB2_12:
0xf2: {  	[sflag:s14] =	ssyncadd.s32 @!p0 $0xFFFFF800;
	s14 =	smov.u32 s13;
	s13 =	sadd.s32 $0x20, s13  }
0xf3: {  	p1 =	sne.s32 s13, $0x280  }
.Ltmp5:
0xf4: {  	(pc) =	sbr.rel @p1 .LBB2_12-.Ltmp5, $4  }
0xf5: {  	p0 =	sge.u32 s14, s5  }
0xf6: {  	s14 =	simm.s32 @!p0 $0x2  }
0xf7: {  	_ =	swait.ge @!p0 [sflag:s14], $0x800  }
0xf8: {  	[sflag:s14] =	ssyncset.done @!p0 $0x0  }
0xf9: {  	[sflag:s14] =	ssyncadd.s32 @!p0 $0xFFFFF800;
	s13 =	simm.s32 $0x0  }
0xfa: {  	v3 =	vld [tilespmem:s13+$0xB470]  }
0xfb: {  	v4 =	vld [tilespmem:s13+$0xB400]  }
0xfc: {  	v5 =	vld [tilespmem:s13+$0xB410]  }
0xfd: {  	v2 =	vld [tilespmem:s13+$0xB420]  }
0xfe: {  	v0 =	vld [tilespmem:s13+$0xB430]  }
0xff: {  	v1 =	vld [tilespmem:s13+$0xB440];
	[tilespmem:s13+$0x15470] =	vst v3  }
0x100: {  	[tilespmem:s13+$0x15400] =	vst v4;
	v3 =	vld [tilespmem:s13+$0xB450]  }
0x101: {  	s14 =	simm.s32 $0x80;
	s15 =	simm.s32 $0x400;
	[tilespmem:s13+$0x15410] =	vst v5;
	v4 =	vld [tilespmem:s13+$0xB460]  }
.LBB2_14:
0x102: {  	p0 =	sne.s32 s15, $0x27E00;
	v5 =	vld [tilespmem:s14+$0xB470];
	[tilespmem:s13+$0x15420] =	vst v2  }
0x103: {  	v6 =	vld [tilespmem:s14+$0xB400];
	[tilespmem:s13+$0x15430] =	vst v0  }
0x104: {  	v7 =	vld [tilespmem:s14+$0xB410];
	[tilespmem:s13+$0x15440] =	vst v1  }
.Ltmp6:
0x105: {  	v2 =	vld [tilespmem:s14+$0xB420];
	[tilespmem:s13+$0x15450] =	vst v3;
	(pc) =	sbr.rel @p0 .LBB2_14-.Ltmp6, $4  }
0x106: {  	v0 =	vld [tilespmem:s14+$0xB430];
	[tilespmem:s13+$0x15460] =	vst v4;
	s13 =	smov.u32 s14  }
0x107: {  	v1 =	vld [tilespmem:s13+$0xB440];
	[tilespmem:s13+$0x15470] =	vst v5  }
0x108: {  	[tilespmem:s13+$0x15400] =	vst v6;
	v3 =	vld [tilespmem:s13+$0xB450]  }
0x109: {  	s14 =	sshra.s32 s15, $0x2;
	s15 =	sadd.s32 $0x200, s15;
	[tilespmem:s13+$0x15410] =	vst v7;
	v4 =	vld [tilespmem:s13+$0xB460]  }
0x10a: {  	v5 =	vld [tilespmem:s14+$0xB470];
	[tilespmem:s13+$0x15420] =	vst v2  }
0x10b: {  	v2 =	vld [tilespmem:s14+$0xB400];
	[tilespmem:s13+$0x15430] =	vst v0  }
0x10c: {  	v0 =	vld [tilespmem:s14+$0xB410];
	[tilespmem:s13+$0x15440] =	vst v1  }
0x10d: {  	v1 =	vld [tilespmem:s14+$0xB420];
	[tilespmem:s13+$0x15450] =	vst v3  }
0x10e: {  	v3 =	vld [tilespmem:s14+$0xB430];
	[tilespmem:s13+$0x15460] =	vst v4  }
0x10f: {  	v4 =	vld [tilespmem:s14+$0xB440];
	[tilespmem:s14+$0x15470] =	vst v5  }
0x110: {  	v62 =	vld [tilespmem:s14+$0xB450];
	[tilespmem:s14+$0x15400] =	vst v2  }
0x111: {  	p1 =	por $0x1, $0x1;
	v63 =	vld [tilespmem:s14+$0xB460];
	[tilespmem:s14+$0x15410] =	vst v0  }
.Ltmp7:
0x112: {  	[tilespmem:s14+$0x15420] =	vst v1;
	(pc) =	sbr.rel @!p1 .LBB2_17-.Ltmp7, $4  }
0x113: {  	[tilespmem:s14+$0x15430] =	vst v3  }
0x114: {  	p0 =	sgt.u32 s11, $0x4E1;
	[tilespmem:s14+$0x15440] =	vst v4  }
0x115: {  	s15 =	sadd.s32 $0x20, s11;
	s16 =	simm.s32 @!p0 $0x15400;
	[tilespmem:s14+$0x15450] =	vst v62  }
0x116: {  	s17 =	simm.s32 @!p0 $0x0;
	s13 =	simm.s32 $0x2000;
	[tilespmem:s14+$0x15460] =	vst v63;
	s14 =	sadd.s32 @!p0 $0x0, s10  }
.LBB2_16:
0x117: {  	[hbm4b:s14+s17] =	stream.linear.scatter @!p0 [tilespmem:s16], [sflag:$0x3], $0x800, $0x38;
	[tilespmem:$0x1F400] =	vst v63  }
0x118: {  	s14 =	smov.u32 s13;
	s13 =	sadd.s32 $0x2000, s13  }
0x119: {  	p1 =	sne.s32 s13, $0x28000  }
.Ltmp8:
0x11a: {  	(pc) =	sbr.rel @p1 .LBB2_16-.Ltmp8, $4  }
0x11b: {  	_ = 	snop  }
0x11c: {  	p0 =	sgt.u32 s15, $0x4E1  }
0x11d: {  	s15 =	sadd.s32 $0x20, s15;
	s16 =	sshra.s32 @!p0 s14, $0x2  }
0x11e: {  	s14 =	sadd.s32 @!p0 s14, s10;
	s17 =	simm.s32 @!p0 $0x0;
	s16 =	sadd.s32 @!p0 $0x15400, s16  }
.LBB2_17:
0x11f: {  	[hbm4b:s14+s17] =	stream.linear.scatter @!p0 [tilespmem:s16], [sflag:$0x3], $0x800, $0x38;
	[tilespmem:$0x1F400] =	vst v63  }
0x120: {  	p1 =	por $0x1, $0x1  }
.Ltmp9:
0x121: {  	_ = 	snop;
	(pc) =	sbr.rel @!p1 .LBB2_19-.Ltmp9, $4  }
0x122: {  	p0 =	sle.u32 s5, $0x0  }
0x123: {  	s14 =	simm.s32 @!p0 $0x3  }
0x124: {  	_ =	swait.ge @!p0 [sflag:s14], $0x800  }
0x125: {  	s13 =	simm.s32 $0x20;
	[sflag:s14] =	ssyncset.done @!p0 $0x0  }
.LBB2_18:
0x126: {  	[sflag:s14] =	ssyncadd.s32 @!p0 $0xFFFFF800;
	s14 =	smov.u32 s13;
	s13 =	sadd.s32 $0x20, s13  }
0x127: {  	p1 =	sne.s32 s13, $0x280  }
.Ltmp10:
0x128: {  	(pc) =	sbr.rel @p1 .LBB2_18-.Ltmp10, $4  }
0x129: {  	p0 =	sge.u32 s14, s5  }
0x12a: {  	s14 =	simm.s32 @!p0 $0x3  }
0x12b: {  	_ =	swait.ge @!p0 [sflag:s14], $0x800  }
0x12c: {  	[sflag:s14] =	ssyncset.done @!p0 $0x0  }
.LBB2_19:
0x12d: {  	s1 =	sadd.s32 $0x1, s1  }
0x12e: {  	p1 =	sne.s32 s1, s6  }
.Ltmp11:
0x12f: {  	_ = 	snop;
	(pc) =	sbr.rel @p1 .LBB2_1-.Ltmp11, $2  }
0x130: {  	_ =	sdelay $0x2  }
0x131: {  	[sflag:s14] =	ssyncadd.s32 @!p0 $0xFFFFF800  }
0x132: {  	_ =	sfence.sel $0x180000  }
0x133: {  	[bflag:$0x0] =	sbarrier.arrive $0xFFFF  }
0x134: {  	_ =	strace $0x90000050  }
0x135: {  	s0 =	stileid.u32;
	[bflag:$0x2] =	sbarrier.arrive $0xFFFF  }
0x136: {  	p0 =	sne.s32 s0, $0x0;
	s0 =	rddreg [dreg:$0x1]  }
0x137: {  	s0 =	sadd.s32 @!p0 $0x100000, s0  }
0x138: {  	[sflag:s0] =	ssyncadd.tile.s32 @!p0 $0x1;
	_ =	shalt  }
.Lfunc_end2:
_tile_overlayer_lowered:
.L_overlay_start_2:
0x139: {  	(tag) =	ssettag $0x2  }
0x13a: {  	s0 =	rddreg [dreg:$0x0];
	s2 =	stileid.u32  }
0x13b: {  	s1 =	rddreg [dreg:$0x1];
	p0 =	sne.s32 s2, $0x0  }
0x13c: {  	s3 =	rddreg [dreg:$0x2];
	[bflag:$0x3] =	sbarrier.arrive $0xFFFF;
	s2 =	simm.s32 @!p0 $0x1C04  }
0x13d: {  	[timem:s3], [sflag:s2] =	dma.local @!p0 [hbm:s0], s1  }
0x13e: {  	s0 =	simm.s32 @!p0 $0x4  }
0x13f: {  	_ =	swait.ge @!p0 [sflag:s0], s1  }
0x140: {  	s1 =	ssub.s32 @!p0 $0x0, s1;
	[sflag:s0] =	ssyncset.done @!p0 $0x0  }
0x141: {  	[sflag:s0] =	ssyncadd.s32 @!p0 s1  }
0x142: {  	[bflag:$0x3] =	sbarrier.arrive $0xFFFF  }
0x143: {  	_ =	shalt  }

// kernel: kernel.23.cloned.1.call-start
scs
__scs_entry_jumppad:
0x0: {  	(pc) =	sbr.rel $0x88, $3  }
0x1: {  	(tag) =	ssettag $0x0;
	lr =	simm.s32 $0x1  }
0x2: {  	[smem:$0x3F8E] =	sst lr;
	_ =	strace $0xD0000000  }
0x3: {  	_ = 	snop  }
0x4: {  	_ = 	snop  }
0x5: {  	_ = 	snop  }
0x6: {  	_ = 	snop  }
0x7: {  	_ = 	snop  }
__scs_overlays_trampoline_lowered:
0x8: {  	[smem:$0x3F9D] =	sst s0  }
0x9: {  	[smem:$0x3F9E] =	sst s1  }
0xa: {  	[smem:$0x3F9F] =	sst s2  }
0xb: {  	[smem:$0x3FA0] =	sst s3  }
0xc: {  	[smem:$0x3FA1] =	sst s4  }
0xd: {  	[smem:$0x3FA2] =	sst s5  }
0xe: {  	[smem:$0x3FA3] =	sst s6  }
0xf: {  	[smem:$0x3FA4] =	sst s7  }
0x10: {  	[smem:$0x3FA5] =	sst s8  }
0x11: {  	[smem:$0x3FA6] =	sst s9;
	s0 =	simm.s32 @!p0 $0x0  }
0x12: {  	s1 =	sld [smem:$0x3F8C];
	s0 =	simm.s32 @p0 $0x1  }
0x13: {  	[smem:$0x3FA7] =	sst s0;
	s0 =	simm.s32 @!p1 $0x0  }
0x14: {  	s2 =	sld [smem:$0x3F8B];
	s0 =	simm.s32 @p1 $0x1  }
0x15: {  	[smem:$0x3FA8] =	sst s0;
	s0 =	simm.s32 @!p2 $0x0  }
0x16: {  	s3 =	sld [smem:$0x3FDB];
	s0 =	simm.s32 @p2 $0x1  }
0x17: {  	s4 =	simm.s32 $0x1BF5;
	[smem:$0x3FAA] =	sst s0  }
0x18: {  	s0 =	sld [smem:$0x3F8D];
	_ =	swait.ge [sflag:s4], $0x0  }
0x19: {  	s7 =	sld [smem:$0x3F8E]  }
0x1a: {  	s8 =	sadd.s32 $0xFFFFE003, lr  }
0x1b: {  	s9 =	sadd.s32 $0xFFFFFEF7, lr;
	s5 =	simm.s32 $0xFFFFFFFF;
	p2 =	slt.u32 s8, $0xFFFFF086  }
0x1c: {  	p1 =	slt.u32 s9, $0xF7A;
	s5 =	simm.s32 @!p2 $0x0  }
0x1d: {  	s5 =	simm.s32 @p1 $0x1;
	p0 =	seq.s32 s7, s2  }
0x1e: {  	s7 =	smul.u32 @!p0 $0xF7A, s2;
	p2 =	seq.s32 @!p0 s5, $0x0  }
0x1f: {  	s9 =	smul.u32 $0xF7A, s1;
	s8 =	simm.s32 @!p0 $0x1BF5;
	p2 =	por !p2, p0  }
0x20: {  	[sflag:s8] =	ssyncset.s32 @!p0 $0xFFFFF086;
	s6 =	sadd.s32 @!p0 s3, s7;
	s7 =	simm.s32 @!p0 $0x108  }
0x21: {  	s3 =	sadd.s32 s3, s9;
	s6 =	sadd.s32 @!p0 $0x88, s6;
	s7 =	simm.s32 @p2 $0x1082  }
0x22: {  	[simem:s7], [sflag:s8] =	dma.local @!p0 [hbm:s6], $0xF7A  }
0x23: {  	s9 =	sor.u32 $0xD0000000, s2;
	s6 =	simm.s32 $0x108;
	_ =	swait.ge @!p0 [sflag:s8], $0x0  }
0x24: {  	s3 =	sadd.s32 $0x88, s3;
	s6 =	simm.s32 @!p1 $0x1082;
	[sflag:s4] =	ssyncset.s32 $0xFFFFF086  }
0x25: {  	[simem:s6], [sflag:s4] =	dma.local [hbm:s3], $0xF7A  }
0x26: {  	[smem:$0x3F8E] =	sst s1;
	(tag) =	ssettag s2;
	_ =	strace s9  }
0x27: {  	s1 =	sld [smem:$0x3F9E]  }
0x28: {  	s2 =	sld [smem:$0x3F9F]  }
0x29: {  	s4 =	sld [smem:$0x3FA1]  }
0x2a: {  	p0 =	seq.s32 s5, $0x0;
	s5 =	sld [smem:$0x3FA2]  }
0x2b: {  	s6 =	sld [smem:$0x3FA3]  }
0x2c: {  	s7 =	sld [smem:$0x3FA4]  }
0x2d: {  	s3 =	simm.s32 $0x108;
	s8 =	sld [smem:$0x3FA5]  }
0x2e: {  	s3 =	simm.s32 @!p0 $0x1082;
	s9 =	sld [smem:$0x3FA6]  }
0x2f: {  	lr =	sadd.s32 s0, s3;
	s0 =	sld [smem:$0x3F9D]  }
0x30: {  	s3 =	sld [smem:$0x3FA0]  }
0x31: {  	[smem:$0x3FA9] =	sst s10  }
0x32: {  	s10 =	sld [smem:$0x3FA7];
	_ =	sdelay $0x3  }
0x33: {  	p0 =	seq.s32 s10, $0x1;
	s10 =	sld [smem:$0x3FA9];
	_ =	sdelay $0x3  }
0x34: {  	[smem:$0x3FA9] =	sst s10  }
0x35: {  	s10 =	sld [smem:$0x3FA8];
	_ =	sdelay $0x3  }
0x36: {  	p1 =	seq.s32 s10, $0x1;
	s10 =	sld [smem:$0x3FA9];
	_ =	sdelay $0x3  }
0x37: {  	[smem:$0x3FA9] =	sst s10  }
0x38: {  	s10 =	sld [smem:$0x3FAA]  }
0x39: {  	_ = 	snop;
	(pc) =	sbr.ind lr, $3  }
0x3a: {  	_ = 	snop  }
0x3b: {  	_ = 	snop  }
0x3c: {  	p2 =	seq.s32 s10, $0x1;
	s10 =	sld [smem:$0x3FA9]  }
0x3d: {  	_ =	shalt  }
0x3e: {  	_ =	shalt  }
0x3f: {  	_ =	shalt  }
0x40: {  	_ =	shalt  }
0x41: {  	_ =	shalt  }
0x42: {  	_ =	shalt  }
0x43: {  	_ =	shalt  }
0x44: {  	_ =	shalt  }
0x45: {  	_ =	shalt  }
0x46: {  	_ =	shalt  }
0x47: {  	_ =	shalt  }
0x48: {  	_ =	shalt  }
0x49: {  	_ =	shalt  }
0x4a: {  	_ =	shalt  }
0x4b: {  	_ =	shalt  }
0x4c: {  	_ =	shalt  }
0x4d: {  	_ =	shalt  }
0x4e: {  	_ =	shalt  }
0x4f: {  	_ =	shalt  }
0x50: {  	_ =	shalt  }
0x51: {  	_ =	shalt  }
0x52: {  	_ =	shalt  }
0x53: {  	_ =	shalt  }
0x54: {  	_ =	shalt  }
0x55: {  	_ =	shalt  }
0x56: {  	_ =	shalt  }
0x57: {  	_ =	shalt  }
0x58: {  	_ =	shalt  }
0x59: {  	_ =	shalt  }
0x5a: {  	_ =	shalt  }
0x5b: {  	_ =	shalt  }
0x5c: {  	_ =	shalt  }
0x5d: {  	_ =	shalt  }
0x5e: {  	_ =	shalt  }
0x5f: {  	_ =	shalt  }
0x60: {  	_ =	shalt  }
0x61: {  	_ =	shalt  }
0x62: {  	_ =	shalt  }
0x63: {  	_ =	shalt  }
0x64: {  	_ =	shalt  }
0x65: {  	_ =	shalt  }
0x66: {  	_ =	shalt  }
0x67: {  	_ =	shalt  }
0x68: {  	_ =	shalt  }
0x69: {  	_ =	shalt  }
0x6a: {  	_ =	shalt  }
0x6b: {  	_ =	shalt  }
0x6c: {  	_ =	shalt  }
0x6d: {  	_ =	shalt  }
0x6e: {  	_ =	shalt  }
0x6f: {  	_ =	shalt  }
0x70: {  	_ =	shalt  }
0x71: {  	_ =	shalt  }
0x72: {  	_ =	shalt  }
0x73: {  	_ =	shalt  }
0x74: {  	_ =	shalt  }
0x75: {  	_ =	shalt  }
0x76: {  	_ =	shalt  }
0x77: {  	_ =	shalt  }
0x78: {  	_ =	shalt  }
0x79: {  	_ =	shalt  }
0x7a: {  	_ =	shalt  }
0x7b: {  	_ =	shalt  }
0x7c: {  	_ =	shalt  }
0x7d: {  	_ =	shalt  }
0x7e: {  	_ =	shalt  }
0x7f: {  	_ =	shalt  }
0x80: {  	_ =	shalt  }
0x81: {  	_ =	shalt  }
0x82: {  	_ =	shalt  }
0x83: {  	_ =	shalt  }
0x84: {  	_ =	shalt  }
0x85: {  	_ =	shalt  }
0x86: {  	_ =	shalt  }
0x87: {  	_ =	shalt  }
.Lfunc_end0:
.L_simem_size_0:
called_computation.4_lowered:
.L_overlay_start_0:
0x88: {  	s2 =	sld [smem:$0x3FD9]  }
0x89: {  	s3 =	sld [smem:$0x3FFE];
	_ =	sdelay $0x1  }
0x8a: {  	s1 =	srdreg.scid  }
0x8b: {  	s0 =	sand.u32 $0x1, s1  }
0x8c: {  	s16 =	sshll.u32 s0, $0xA;
	s2 =	sadd.s32 s3, s2  }
0x8d: {  	s2 =	sadd.s32 s2, s16  }
0x8e: {  	[smem:$0x3FB5] =	sst s2  }
0x8f: {  	_ = 	snop  }
0x90: {  	(tm) =	ssettm $0x1  }
0x91: {  	s17 =	sld [smem:$0x3FFB];
	_ =	sdelay $0x3  }
0x92: {  	_ =	strace s17  }
0x93: {  	s2 =	sld [smem:$0x3FFC];
	_ =	sdelay $0x3  }
0x94: {  	_ =	strace s2  }
0x95: {  	s2 =	sld [smem:$0x3FFD];
	_ =	sdelay $0x3  }
0x96: {  	_ =	strace s2  }
0x97: {  	_ =	strace $0x8FFFFFFF  }
0x98: {  	s18 =	sld [smem:$0x3FDB];
	_ =	sdelay $0x1  }
0x99: {  	s19 =	simm.s32 $_scs_section_size  }
0x9a: {  	s4 =	simm.s32 $_size__tile_overlayer_lowered;
	s5 =	simm.s32 $_tile_overlayer_lowered  }
0x9b: {  	s22 =	simm.s32 $0x1BFF;
	s21 =	sshll.u32 s5, $0x1;
	s2 =	sadd.s32 s19, s18  }
0x9c: {  	s6 =	simm.s32 $0x0;
	s20 =	sshll.u32 s4, $0x1;
	s4 =	sadd.s32 s21, s2  }
0x9d: {  	[timem:s6], [sflag:s22] =	dma.local [hbm:s4], s20  }
0x9e: {  	_ =	swait.ge [sflag:s22], s20  }
0x9f: {  	s3 =	ssub.s32 $0x0, s20;
	[sflag:s22] =	ssyncset.done $0x0  }
0xa0: {  	[sflag:s22] =	ssyncadd.s32 s3;
	_ =	sdelay $0x1  }
0xa1: {  	s23 =	simm.s32 $0x1B8B  }
0xa2: {  	_ =	swait.ge [sflag:s23], $0x1  }
0xa3: {  	[sflag:s23] =	ssyncset.done $0x0  }
0xa4: {  	s25 =	simm.s32 $0x1B8E;
	s24 =	sld [smem:$0x3FFE];
	[sflag:s23] =	ssyncadd.s32 $0xFFFFFFFF  }
0xa5: {  	s26 =	simm.s32 $execute0_lowered;
	[smem:$0x3FD2] =	sst s25  }
0xa6: {  	s4 =	sshll.u32 s26, $0x1;
	_ =	strace $0x80000052;
	[dreg:$0x1] =	wrdreg $0xFFFFFFFF  }
0xa7: {  	s28 =	simm.s32 $_size_execute0_lowered;
	s2 =	sadd.s32 s2, s4;
	[dreg:$0x0] =	wrdreg $0x0  }
0xa8: {  	s4 =	sshll.u32 s28, $0x1;
	[dreg:$0x2] =	wrdreg s2  }
0xa9: {  	[dreg:$0x3] =	wrdreg s4  }
0xaa: {  	[dreg:$0x4] =	wrdreg $0xC0  }
0xab: {  	_ =	task [dreg:s6], $0x5FFFF  }
0xac: {  	[dreg:$0x1] =	wrdreg $0xFFFFFFFF  }
0xad: {  	[dreg:$0x0] =	wrdreg $0x60  }
0xae: {  	[dreg:$0x2] =	wrdreg s24  }
0xaf: {  	[dreg:$0x3] =	wrdreg $0x154000  }
0xb0: {  	[dreg:$0x4] =	wrdreg $0x9  }
0xb1: {  	_ =	task.clear_ibuf [dreg:s6], $0x5FFFF;
	_ =	strace $0x90000052  }
0xb2: {  	s29 =	simm.s32 $0x9;
	_ =	strace $0x80000054  }
0xb3: {  	_ =	swait.ge [sflag:s29], $0x1  }
0xb4: {  	[sflag:s29] =	ssyncadd.s32 $0xFFFFFFFF  }
0xb5: {  	_ =	strace $0x90000054  }
0xb6: {  	_ =	sfence  }
0xb7: {  	s30 =	sld [smem:$0x0];
	_ =	sdelay $0x2  }
0xb8: {  	s31 =	sshll.u32 s1, $0xD;
	s1 =	sshrl.u32 s1, $0x2  }
0xb9: {  	s3 =	sand.u32 $0x4000, s31;
	s1 =	sadd.s32 s1, s30  }
0xba: {  	s0 =	sor.u32 s3, s0;
	s1 =	sshll.u32 s1, $0x11  }
0xbb: {  	s0 =	sor.u32 s1, s0  }
0xbc: {  	s0 =	sadd.s32 $0x8F2B, s0  }
0xbd: {  	[sflag:s0] =	ssyncadd.remote.s32 $0x1  }
0xbe: {  	_ =	sfence.sel $0xFFFF  }
0xbf: {  	[dreg:$0x0] =	wrdreg $0xFFFFFFFF;
	(pc) =	sbr.abs _section_cstart, $3  }
0xc0: {  	[dreg:$0x1] =	wrdreg $0xFFFFFFFF  }
0xc1: {  	_ =	task.clear_ibuf [dreg:s6], $0x2FFFF;
	_ =	strace $0x9FFFFFFF  }
0xc2: {  	(tm) =	ssettm $0x7FFFFFFF  }
0xc3: {  	_ =	shalt  }
tec
execute0_lowered:
.L_overlay_start_1:
0x0: {  	(tag) =	ssettag $0x1  }
0x1: {  	s0 =	rddreg [dreg:$0x0]  }
0x2: {  	s1 =	rddreg [dreg:$0x1];
	s2 =	simm.s32 $0x0  }
0x3: {  	s3 =	srdreg.scid;
	s9 =	stileid.u32;
	s17 =	simm.s32 $0x3  }
0x4: {  	s18 =	simm.s32 $0x1;
	s19 =	simm.s32 $0x80;
	s20 =	simm.s32 $0x1400  }
0x5: {  	s31 =	simm.s32 $0x900;
	s21 =	simm.s32 $0xAC00;
	s22 =	simm.s32 $0x2  }
0x6: {  	[smem:$0x7FF] =	sst s2;
	s3 =	sand.u32 $0x1, s3;
	s7 =	smul.u32 $0x500, s9  }
0x7: {  	s5 =	sshll.u32 s9, $0x5;
	s6 =	sshll.u32 s9, $0x9;
	s8 =	smul.u32 $0xA000, s9  }
0x8: {  	s12 =	sshll.u32 s9, $0x1;
	s28 =	sshll.u32 s9, $0x6;
	_ =	strace $0x80000053  }
0x9: {  	s4 =	smul.u32 $0x5000, s3;
	s11 =	sadd.s32 s5, s0;
	s13 =	sadd.s32 s6, s0  }
0xa: {  	s23 =	ssub.s32 $0x2, s3;
	s6 =	sor.u32 $0x1C03, s28;
	s29 =	sshll.u32 s3, $0x4  }
0xb: {  	s14 =	sshll.u32 s3, $0x8;
	s25 =	sshrl.u32 s23, $0x1;
	s26 =	sshrl.u32 s8, $0x2  }
0xc: {  	s8 =	ssub.s32 $0x262, s12;
	s30 =	sadd.s32 s14, s13;
	s24 =	sadd.s32 s7, s4  }
0xd: {  	s4 =	sadd.s32 $0x62A00, s0;
	s10 =	ssub.s32 s23, s25;
	s5 =	sadd.s32 s26, s1  }
0xe: {  	s7 =	ssub.s32 $0x4E2, s12;
	s12 =	sor.u32 s3, s12;
	s13 =	sadd.s32 $0x14800, s30  }
0xf: {  	s14 =	sadd.s32 $0x3C800, s30;
	s3 =	simm.s32 $0x980;
	s23 =	simm.s32 $0xB400  }
0x10: {  	s0 =	sadd.s32 s24, s0;
	s10 =	smax.u32 s10, $0x1;
	s15 =	sor.u32 $0x280, s12  }
0x11: {  	s16 =	sshrl.u32 s5, $0x3;
	s9 =	sadd.s32 $0x6D200, s0;
	s0 =	sadd.s32 s29, s11  }
0x12: {  	s24 =	simm.s32 $0x0;
	s11 =	sadd.s32 $0xA800, s0;
	s0 =	simm.s32 $0xA400  }
.LBB2_1:
0x13: {  	[spmem:s16], [sflag:s6] =	dma.local [hbm:s4], $0x500  }
0x14: {  	_ =	swait.ge [sflag:s17], $0x500  }
0x15: {  	s25 =	simm.s32 $0x200;
	p0 =	sgt.u32 s12, $0x4E1;
	[sflag:s17] =	ssyncset.done $0x0  }
0x16: {  	s26 =	sadd.s32 $0x20, s12;
	s28 =	simm.s32 @!p0 $0x0;
	[sflag:s17] =	ssyncadd.s32 $0xFFFFFB00  }
0x17: {  	s29 =	sadd.s32 @!p0 $0x0, s11;
	s30 =	simm.s32 @!p0 $0x0;
	[bflag:$0x0] =	sbarrier.arrive $0xFFFF  }
.LBB2_2:
0x18: {  	[tilespmem:s28], [sflag:$0x1] =	stream.linear.gather @!p0 [hbm4b:s29+s30], $0x80, $0x38;
	[tilespmem:$0x17C00] =	vst v63  }
0x19: {  	s29 =	smov.u32 s25;
	s25 =	sadd.s32 $0x200, s25  }
0x1a: {  	p1 =	sne.s32 s25, $0x5000  }
.Ltmp0:
0x1b: {  	(pc) =	sbr.rel @p1 .LBB2_2-.Ltmp0, $3  }
0x1c: {  	_ =	sdelay $0x1  }
0x1d: {  	p0 =	sgt.u32 s26, $0x4E1;
	s26 =	sadd.s32 $0x20, s26  }
0x1e: {  	s28 =	sshra.s32 @!p0 s29, $0x2;
	s29 =	sadd.s32 @!p0 s29, s11;
	s30 =	simm.s32 @!p0 $0x0  }
0x1f: {  	[tilespmem:s28], [sflag:$0x1] =	stream.linear.gather @!p0 [hbm4b:s29+s30], $0x80, $0x38;
	[tilespmem:$0x17C00] =	vst v63  }
0x20: {  	p0 =	sle.u32 s7, $0x0  }
0x21: {  	s26 =	simm.s32 @!p0 $0x1  }
0x22: {  	_ =	swait.ge @!p0 [sflag:s26], $0x80  }
0x23: {  	s25 =	simm.s32 $0x20;
	[sflag:s26] =	ssyncset.done @!p0 $0x0  }
.LBB2_4:
0x24: {  	[sflag:s26] =	ssyncadd.s32 @!p0 $0xFFFFFF80;
	s26 =	smov.u32 s25;
	s25 =	sadd.s32 $0x20, s25  }
0x25: {  	p1 =	sne.s32 s25, $0x500  }
.Ltmp1:
0x26: {  	(pc) =	sbr.rel @p1 .LBB2_4-.Ltmp1, $4  }
0x27: {  	p0 =	sge.u32 s26, s7  }
0x28: {  	s26 =	simm.s32 @!p0 $0x1  }
0x29: {  	_ =	swait.ge @!p0 [sflag:s26], $0x80  }
0x2a: {  	[sflag:s26] =	ssyncset.done @!p0 $0x0  }
0x2b: {  	[sflag:s26] =	ssyncadd.s32 @!p0 $0xFFFFFF80  }
0x2c: {  	s25 =	simm.s32 $0x2000;
	s26 =	simm.s32 $0xB400;
	s28 =	sadd.s32 $0x0, s13  }
.LBB2_6:
0x2d: {  	[tilespmem:s26], [sflag:$0x1] =	stream.linear.gather [hbm4b:s28+s2], $0x800, $0x38;
	[tilespmem:$0x17C00] =	vst v63  }
0x2e: {  	s28 =	smov.u32 s25;
	p0 =	sne.s32 s25, $0x26000  }
.Ltmp2:
0x2f: {  	s25 =	sadd.s32 $0x2000, s25;
	(pc) =	sbr.rel @p0 .LBB2_6-.Ltmp2, $3  }
0x30: {  	_ =	sdelay $0x1  }
0x31: {  	s26 =	sshra.s32 s28, $0x2  }
0x32: {  	s28 =	sadd.s32 s28, s13;
	s26 =	sadd.s32 $0xB400, s26  }
0x33: {  	[tilespmem:s26], [sflag:$0x1] =	stream.linear.gather [hbm4b:s28+s2], $0x800, $0x38;
	[tilespmem:$0x17C00] =	vst v63  }
0x34: {  	_ =	swait.ge [sflag:s18], $0x800  }
0x35: {  	[sflag:s18] =	ssyncset.done $0x0  }
0x36: {  	[sflag:s18] =	ssyncadd.s32 $0xFFFFF800  }
0x37: {  	_ =	swait.ge [sflag:s18], $0x800  }
0x38: {  	[sflag:s18] =	ssyncset.done $0x0  }
0x39: {  	[sflag:s18] =	ssyncadd.s32 $0xFFFFF800  }
0x3a: {  	_ =	swait.ge [sflag:s18], $0x800  }
0x3b: {  	[sflag:s18] =	ssyncset.done $0x0  }
0x3c: {  	[sflag:s18] =	ssyncadd.s32 $0xFFFFF800  }
0x3d: {  	_ =	swait.ge [sflag:s18], $0x800  }
0x3e: {  	[sflag:s18] =	ssyncset.done $0x0  }
0x3f: {  	[sflag:s18] =	ssyncadd.s32 $0xFFFFF800  }
0x40: {  	_ =	swait.ge [sflag:s18], $0x800  }
0x41: {  	[sflag:s18] =	ssyncset.done $0x0  }
0x42: {  	[sflag:s18] =	ssyncadd.s32 $0xFFFFF800  }
0x43: {  	_ =	swait.ge [sflag:s18], $0x800  }
0x44: {  	[sflag:s18] =	ssyncset.done $0x0  }
0x45: {  	[sflag:s18] =	ssyncadd.s32 $0xFFFFF800  }
0x46: {  	_ =	swait.ge [sflag:s18], $0x800  }
0x47: {  	[sflag:s18] =	ssyncset.done $0x0  }
0x48: {  	[sflag:s18] =	ssyncadd.s32 $0xFFFFF800  }
0x49: {  	_ =	swait.ge [sflag:s18], $0x800  }
0x4a: {  	[sflag:s18] =	ssyncset.done $0x0  }
0x4b: {  	[sflag:s18] =	ssyncadd.s32 $0xFFFFF800  }
0x4c: {  	_ =	swait.ge [sflag:s18], $0x800  }
0x4d: {  	[sflag:s18] =	ssyncset.done $0x0  }
0x4e: {  	[sflag:s18] =	ssyncadd.s32 $0xFFFFF800  }
0x4f: {  	_ =	swait.ge [sflag:s18], $0x800  }
0x50: {  	[sflag:s18] =	ssyncset.done $0x0  }
0x51: {  	[sflag:s18] =	ssyncadd.s32 $0xFFFFF800  }
0x52: {  	_ =	swait.ge [sflag:s18], $0x800  }
0x53: {  	[sflag:s18] =	ssyncset.done $0x0  }
0x54: {  	[sflag:s18] =	ssyncadd.s32 $0xFFFFF800  }
0x55: {  	_ =	swait.ge [sflag:s18], $0x800  }
0x56: {  	[sflag:s18] =	ssyncset.done $0x0  }
0x57: {  	[sflag:s18] =	ssyncadd.s32 $0xFFFFF800  }
0x58: {  	_ =	swait.ge [sflag:s18], $0x800  }
0x59: {  	[sflag:s18] =	ssyncset.done $0x0  }
0x5a: {  	[sflag:s18] =	ssyncadd.s32 $0xFFFFF800  }
0x5b: {  	_ =	swait.ge [sflag:s18], $0x800  }
0x5c: {  	[sflag:s18] =	ssyncset.done $0x0  }
0x5d: {  	[sflag:s18] =	ssyncadd.s32 $0xFFFFF800  }
0x5e: {  	_ =	swait.ge [sflag:s18], $0x800  }
0x5f: {  	[sflag:s18] =	ssyncset.done $0x0  }
0x60: {  	[sflag:s18] =	ssyncadd.s32 $0xFFFFF800  }
0x61: {  	_ =	swait.ge [sflag:s18], $0x800  }
0x62: {  	[sflag:s18] =	ssyncset.done $0x0  }
0x63: {  	[sflag:s18] =	ssyncadd.s32 $0xFFFFF800  }
0x64: {  	_ =	swait.ge [sflag:s18], $0x800  }
0x65: {  	[sflag:s18] =	ssyncset.done $0x0  }
0x66: {  	[sflag:s18] =	ssyncadd.s32 $0xFFFFF800  }
0x67: {  	_ =	swait.ge [sflag:s18], $0x800  }
0x68: {  	[sflag:s18] =	ssyncset.done $0x0  }
0x69: {  	[sflag:s18] =	ssyncadd.s32 $0xFFFFF800  }
0x6a: {  	_ =	swait.ge [sflag:s18], $0x800  }
0x6b: {  	[sflag:s18] =	ssyncset.done $0x0  }
0x6c: {  	[sflag:s18] =	ssyncadd.s32 $0xFFFFF800  }
0x6d: {  	_ =	swait.ge [sflag:s18], $0x800  }
0x6e: {  	[sflag:s18] =	ssyncset.done $0x0  }
0x6f: {  	s25 =	simm.s32 $0x0;
	[sflag:s18] =	ssyncadd.s32 $0xFFFFF800  }
0x70: {  	v3 =	vld [tilespmem:s25+$0xB470]  }
0x71: {  	v4 =	vld [tilespmem:s25+$0xB400]  }
0x72: {  	v5 =	vld [tilespmem:s25+$0xB410]  }
0x73: {  	v2 =	vld [tilespmem:s25+$0xB420]  }
0x74: {  	v0 =	vld [tilespmem:s25+$0xB430]  }
0x75: {  	v1 =	vld [tilespmem:s25+$0xB440];
	[tilespmem:s25+$0x1470] =	vst v3  }
0x76: {  	[tilespmem:s25+$0x1400] =	vst v4;
	v3 =	vld [tilespmem:s25+$0xB450]  }
0x77: {  	s26 =	simm.s32 $0x80;
	s28 =	simm.s32 $0x400;
	[tilespmem:s25+$0x1410] =	vst v5;
	v4 =	vld [tilespmem:s25+$0xB460]  }
.LBB2_8:
0x78: {  	p0 =	sne.s32 s28, $0x27E00;
	v5 =	vld [tilespmem:s26+$0xB470];
	[tilespmem:s25+$0x1420] =	vst v2  }
0x79: {  	v6 =	vld [tilespmem:s26+$0xB400];
	[tilespmem:s25+$0x1430] =	vst v0  }
0x7a: {  	v7 =	vld [tilespmem:s26+$0xB410];
	[tilespmem:s25+$0x1440] =	vst v1  }
.Ltmp3:
0x7b: {  	v2 =	vld [tilespmem:s26+$0xB420];
	[tilespmem:s25+$0x1450] =	vst v3;
	(pc) =	sbr.rel @p0 .LBB2_8-.Ltmp3, $4  }
0x7c: {  	v0 =	vld [tilespmem:s26+$0xB430];
	[tilespmem:s25+$0x1460] =	vst v4;
	s25 =	smov.u32 s26  }
0x7d: {  	v1 =	vld [tilespmem:s25+$0xB440];
	[tilespmem:s25+$0x1470] =	vst v5  }
0x7e: {  	[tilespmem:s25+$0x1400] =	vst v6;
	v3 =	vld [tilespmem:s25+$0xB450]  }
0x7f: {  	s26 =	sshra.s32 s28, $0x2;
	s28 =	sadd.s32 $0x200, s28;
	[tilespmem:s25+$0x1410] =	vst v7;
	v4 =	vld [tilespmem:s25+$0xB460]  }
0x80: {  	v5 =	vld [tilespmem:s26+$0xB470];
	[tilespmem:s25+$0x1420] =	vst v2  }
0x81: {  	v2 =	vld [tilespmem:s26+$0xB400];
	[tilespmem:s25+$0x1430] =	vst v0  }
0x82: {  	v0 =	vld [tilespmem:s26+$0xB410];
	[tilespmem:s25+$0x1440] =	vst v1  }
0x83: {  	v1 =	vld [tilespmem:s26+$0xB420];
	[tilespmem:s25+$0x1450] =	vst v3  }
0x84: {  	v3 =	vld [tilespmem:s26+$0xB430];
	[tilespmem:s25+$0x1460] =	vst v4  }
0x85: {  	v4 =	vld [tilespmem:s26+$0xB440];
	[tilespmem:s26+$0x1470] =	vst v5  }
0x86: {  	v62 =	vld [tilespmem:s26+$0xB450];
	[tilespmem:s26+$0x1400] =	vst v2  }
0x87: {  	v63 =	vld [tilespmem:s26+$0xB460];
	[tilespmem:s26+$0x1410] =	vst v0  }
0x88: {  	[tilespmem:s26+$0x1420] =	vst v1  }
0x89: {  	[tilespmem:s26+$0x1430] =	vst v3  }
0x8a: {  	[tilespmem:s26+$0x1440] =	vst v4  }
0x8b: {  	[tilespmem:s26+$0x1450] =	vst v62  }
0x8c: {  	[tilespmem:s26+$0x1460] =	vst v63;
	s26 =	simm.s32 $0x0  }
0x8d: {  	[spmem:s1] =	stream.indirect.scatter.add.f32 [tilespmem:s20], [sflag:$0x2], $0x10, s26, s19, $0xb8;
	[tilespmem:$0x17C00] =	vst v63  }
0x8e: {  	s26 =	simm.s32 $0x1C00  }
0x8f: {  	[spmem:s1] =	stream.indirect.scatter.add.f32 [tilespmem:s26], [sflag:$0x2], $0x10, s19, s19, $0xb8;
	[tilespmem:$0x17C00] =	vst v63  }
0x90: {  	s25 =	simm.s32 $0x100;
	s26 =	simm.s32 $0x2400  }
0x91: {  	[spmem:s1] =	stream.indirect.scatter.add.f32 [tilespmem:s26], [sflag:$0x2], $0x10, s25, s19, $0xb8;
	[tilespmem:$0x17C00] =	vst v63  }
0x92: {  	s25 =	simm.s32 $0x180;
	s26 =	simm.s32 $0x2C00  }
0x93: {  	[spmem:s1] =	stream.indirect.scatter.add.f32 [tilespmem:s26], [sflag:$0x2], $0x10, s25, s19, $0xb8;
	[tilespmem:$0x17C00] =	vst v63  }
0x94: {  	s25 =	simm.s32 $0x200;
	s26 =	simm.s32 $0x3400  }
0x95: {  	[spmem:s1] =	stream.indirect.scatter.add.f32 [tilespmem:s26], [sflag:$0x2], $0x10, s25, s19, $0xb8;
	[tilespmem:$0x17C00] =	vst v63  }
0x96: {  	s25 =	simm.s32 $0x280;
	s26 =	simm.s32 $0x3C00  }
0x97: {  	[spmem:s1] =	stream.indirect.scatter.add.f32 [tilespmem:s26], [sflag:$0x2], $0x10, s25, s19, $0xb8;
	[tilespmem:$0x17C00] =	vst v63  }
0x98: {  	s25 =	simm.s32 $0x300;
	s26 =	simm.s32 $0x4400  }
0x99: {  	[spmem:s1] =	stream.indirect.scatter.add.f32 [tilespmem:s26], [sflag:$0x2], $0x10, s25, s19, $0xb8;
	[tilespmem:$0x17C00] =	vst v63  }
0x9a: {  	s25 =	simm.s32 $0x380;
	s26 =	simm.s32 $0x4C00  }
0x9b: {  	[spmem:s1] =	stream.indirect.scatter.add.f32 [tilespmem:s26], [sflag:$0x2], $0x10, s25, s19, $0xb8;
	[tilespmem:$0x17C00] =	vst v63  }
0x9c: {  	s25 =	simm.s32 $0x400;
	s26 =	simm.s32 $0x5400  }
0x9d: {  	[spmem:s1] =	stream.indirect.scatter.add.f32 [tilespmem:s26], [sflag:$0x2], $0x10, s25, s19, $0xb8;
	[tilespmem:$0x17C00] =	vst v63  }
0x9e: {  	s25 =	simm.s32 $0x480;
	s26 =	simm.s32 $0x5C00  }
0x9f: {  	[spmem:s1] =	stream.indirect.scatter.add.f32 [tilespmem:s26], [sflag:$0x2], $0x10, s25, s19, $0xb8;
	[tilespmem:$0x17C00] =	vst v63  }
0xa0: {  	s25 =	simm.s32 $0x500;
	s26 =	simm.s32 $0x6400  }
0xa1: {  	[spmem:s1] =	stream.indirect.scatter.add.f32 [tilespmem:s26], [sflag:$0x2], $0x10, s25, s19, $0xb8;
	[tilespmem:$0x17C00] =	vst v63  }
0xa2: {  	s25 =	simm.s32 $0x580;
	s26 =	simm.s32 $0x6C00  }
0xa3: {  	[spmem:s1] =	stream.indirect.scatter.add.f32 [tilespmem:s26], [sflag:$0x2], $0x10, s25, s19, $0xb8;
	[tilespmem:$0x17C00] =	vst v63  }
0xa4: {  	s25 =	simm.s32 $0x600;
	s26 =	simm.s32 $0x7400  }
0xa5: {  	[spmem:s1] =	stream.indirect.scatter.add.f32 [tilespmem:s26], [sflag:$0x2], $0x10, s25, s19, $0xb8;
	[tilespmem:$0x17C00] =	vst v63  }
0xa6: {  	s25 =	simm.s32 $0x680;
	s26 =	simm.s32 $0x7C00  }
0xa7: {  	[spmem:s1] =	stream.indirect.scatter.add.f32 [tilespmem:s26], [sflag:$0x2], $0x10, s25, s19, $0xb8;
	[tilespmem:$0x17C00] =	vst v63  }
0xa8: {  	s25 =	simm.s32 $0x700;
	s26 =	simm.s32 $0x8400  }
0xa9: {  	[spmem:s1] =	stream.indirect.scatter.add.f32 [tilespmem:s26], [sflag:$0x2], $0x10, s25, s19, $0xb8;
	[tilespmem:$0x17C00] =	vst v63  }
0xaa: {  	s25 =	simm.s32 $0x780;
	s26 =	simm.s32 $0x8C00  }
0xab: {  	[spmem:s1] =	stream.indirect.scatter.add.f32 [tilespmem:s26], [sflag:$0x2], $0x10, s25, s19, $0xb8;
	[tilespmem:$0x17C00] =	vst v63  }
0xac: {  	s25 =	simm.s32 $0x800;
	s26 =	simm.s32 $0x9400  }
0xad: {  	[spmem:s1] =	stream.indirect.scatter.add.f32 [tilespmem:s26], [sflag:$0x2], $0x10, s25, s19, $0xb8;
	[tilespmem:$0x17C00] =	vst v63  }
0xae: {  	p0 =	sgt.u32 s15, $0x4E1;
	s25 =	simm.s32 $0x880;
	s26 =	simm.s32 $0x9C00  }
0xaf: {  	[spmem:s1] =	stream.indirect.scatter.add.f32 [tilespmem:s26], [sflag:$0x2], $0x10, s25, s19, $0xb8;
	[tilespmem:$0x17C00] =	vst v63  }
0xb0: {  	s28 =	simm.s32 @!p0 $0xB400;
	s29 =	sadd.s32 @!p0 $0x0, s14  }
0xb1: {  	[spmem:s1] =	stream.indirect.scatter.add.f32 [tilespmem:s0], [sflag:$0x2], $0x10, s31, s19, $0xb8;
	[tilespmem:$0x17C00] =	vst v63  }
0xb2: {  	s30 =	simm.s32 @!p0 $0x0;
	s25 =	simm.s32 $0x2000;
	s26 =	sadd.s32 $0x20, s15  }
0xb3: {  	[spmem:s1] =	stream.indirect.scatter.add.f32 [tilespmem:s21], [sflag:$0x2], $0x10, s3, s19, $0xb8;
	[tilespmem:$0x17C00] =	vst v63  }
.LBB2_10:
0xb4: {  	[tilespmem:s28], [sflag:$0x1] =	stream.linear.gather @!p0 [hbm4b:s29+s30], $0x800, $0x38;
	[tilespmem:$0x17C00] =	vst v63  }
0xb5: {  	s29 =	smov.u32 s25;
	s25 =	sadd.s32 $0x2000, s25  }
0xb6: {  	p1 =	sne.s32 s25, $0x28000  }
.Ltmp4:
0xb7: {  	(pc) =	sbr.rel @p1 .LBB2_10-.Ltmp4, $4  }
0xb8: {  	_ = 	snop  }
0xb9: {  	p0 =	sgt.u32 s26, $0x4E1  }
0xba: {  	s26 =	sadd.s32 $0x20, s26;
	s28 =	sshra.s32 @!p0 s29, $0x2  }
0xbb: {  	s29 =	sadd.s32 @!p0 s29, s14;
	s30 =	simm.s32 @!p0 $0x0;
	s28 =	sadd.s32 @!p0 $0xB400, s28  }
0xbc: {  	[tilespmem:s28], [sflag:$0x1] =	stream.linear.gather @!p0 [hbm4b:s29+s30], $0x800, $0x38;
	[tilespmem:$0x17C00] =	vst v63  }
0xbd: {  	_ =	swait.ge [sflag:s22], $0x800  }
0xbe: {  	[sflag:s22] =	ssyncset.done $0x0  }
0xbf: {  	[sflag:s22] =	ssyncadd.s32 $0xFFFFF800  }
0xc0: {  	_ =	swait.ge [sflag:s22], $0x800  }
0xc1: {  	[sflag:s22] =	ssyncset.done $0x0  }
0xc2: {  	[sflag:s22] =	ssyncadd.s32 $0xFFFFF800  }
0xc3: {  	_ =	swait.ge [sflag:s22], $0x800  }
0xc4: {  	[sflag:s22] =	ssyncset.done $0x0  }
0xc5: {  	[sflag:s22] =	ssyncadd.s32 $0xFFFFF800  }
0xc6: {  	_ =	swait.ge [sflag:s22], $0x800  }
0xc7: {  	[sflag:s22] =	ssyncset.done $0x0  }
0xc8: {  	[sflag:s22] =	ssyncadd.s32 $0xFFFFF800  }
0xc9: {  	_ =	swait.ge [sflag:s22], $0x800  }
0xca: {  	[sflag:s22] =	ssyncset.done $0x0  }
0xcb: {  	[sflag:s22] =	ssyncadd.s32 $0xFFFFF800  }
0xcc: {  	_ =	swait.ge [sflag:s22], $0x800  }
0xcd: {  	[sflag:s22] =	ssyncset.done $0x0  }
0xce: {  	[sflag:s22] =	ssyncadd.s32 $0xFFFFF800  }
0xcf: {  	_ =	swait.ge [sflag:s22], $0x800  }
0xd0: {  	[sflag:s22] =	ssyncset.done $0x0  }
0xd1: {  	[sflag:s22] =	ssyncadd.s32 $0xFFFFF800  }
0xd2: {  	_ =	swait.ge [sflag:s22], $0x800  }
0xd3: {  	[sflag:s22] =	ssyncset.done $0x0  }
0xd4: {  	[sflag:s22] =	ssyncadd.s32 $0xFFFFF800  }
0xd5: {  	_ =	swait.ge [sflag:s22], $0x800  }
0xd6: {  	[sflag:s22] =	ssyncset.done $0x0  }
0xd7: {  	[sflag:s22] =	ssyncadd.s32 $0xFFFFF800  }
0xd8: {  	_ =	swait.ge [sflag:s22], $0x800  }
0xd9: {  	[sflag:s22] =	ssyncset.done $0x0  }
0xda: {  	[sflag:s22] =	ssyncadd.s32 $0xFFFFF800  }
0xdb: {  	_ =	swait.ge [sflag:s22], $0x800  }
0xdc: {  	[sflag:s22] =	ssyncset.done $0x0  }
0xdd: {  	[sflag:s22] =	ssyncadd.s32 $0xFFFFF800  }
0xde: {  	_ =	swait.ge [sflag:s22], $0x800  }
0xdf: {  	[sflag:s22] =	ssyncset.done $0x0  }
0xe0: {  	[sflag:s22] =	ssyncadd.s32 $0xFFFFF800  }
0xe1: {  	_ =	swait.ge [sflag:s22], $0x800  }
0xe2: {  	[sflag:s22] =	ssyncset.done $0x0  }
0xe3: {  	[sflag:s22] =	ssyncadd.s32 $0xFFFFF800  }
0xe4: {  	_ =	swait.ge [sflag:s22], $0x800  }
0xe5: {  	[sflag:s22] =	ssyncset.done $0x0  }
0xe6: {  	[sflag:s22] =	ssyncadd.s32 $0xFFFFF800  }
0xe7: {  	_ =	swait.ge [sflag:s22], $0x800  }
0xe8: {  	[sflag:s22] =	ssyncset.done $0x0  }
0xe9: {  	[sflag:s22] =	ssyncadd.s32 $0xFFFFF800  }
0xea: {  	_ =	swait.ge [sflag:s22], $0x800  }
0xeb: {  	[sflag:s22] =	ssyncset.done $0x0  }
0xec: {  	[sflag:s22] =	ssyncadd.s32 $0xFFFFF800  }
0xed: {  	_ =	swait.ge [sflag:s22], $0x800  }
0xee: {  	[sflag:s22] =	ssyncset.done $0x0  }
0xef: {  	[sflag:s22] =	ssyncadd.s32 $0xFFFFF800  }
0xf0: {  	_ =	swait.ge [sflag:s22], $0x800  }
0xf1: {  	[sflag:s22] =	ssyncset.done $0x0  }
0xf2: {  	[sflag:s22] =	ssyncadd.s32 $0xFFFFF800  }
0xf3: {  	_ =	swait.ge [sflag:s22], $0x800  }
0xf4: {  	[sflag:s22] =	ssyncset.done $0x0  }
0xf5: {  	[sflag:s22] =	ssyncadd.s32 $0xFFFFF800  }
0xf6: {  	_ =	swait.ge [sflag:s22], $0x800  }
0xf7: {  	p0 =	sle.u32 s8, $0x0;
	[sflag:s22] =	ssyncset.done $0x0  }
0xf8: {  	s26 =	simm.s32 @!p0 $0x1;
	[sflag:s22] =	ssyncadd.s32 $0xFFFFF800  }
0xf9: {  	_ =	swait.ge @!p0 [sflag:s26], $0x800  }
0xfa: {  	s25 =	simm.s32 $0x20;
	[sflag:s26] =	ssyncset.done @!p0 $0x0  }
.LBB2_12:
0xfb: {  	[sflag:s26] =	ssyncadd.s32 @!p0 $0xFFFFF800;
	s26 =	smov.u32 s25;
	s25 =	sadd.s32 $0x20, s25  }
0xfc: {  	p1 =	sne.s32 s25, $0x280  }
.Ltmp5:
0xfd: {  	(pc) =	sbr.rel @p1 .LBB2_12-.Ltmp5, $4  }
0xfe: {  	p0 =	sge.u32 s26, s8  }
0xff: {  	s26 =	simm.s32 @!p0 $0x1  }
0x100: {  	_ =	swait.ge @!p0 [sflag:s26], $0x800  }
0x101: {  	[sflag:s26] =	ssyncset.done @!p0 $0x0  }
0x102: {  	[sflag:s26] =	ssyncadd.s32 @!p0 $0xFFFFF800;
	s25 =	simm.s32 $0x0  }
0x103: {  	v3 =	vld [tilespmem:s25+$0xB470]  }
0x104: {  	v4 =	vld [tilespmem:s25+$0xB400]  }
0x105: {  	v5 =	vld [tilespmem:s25+$0xB410]  }
0x106: {  	v2 =	vld [tilespmem:s25+$0xB420]  }
0x107: {  	v0 =	vld [tilespmem:s25+$0xB430]  }
0x108: {  	v1 =	vld [tilespmem:s25+$0xB440];
	[tilespmem:s25+$0x1470] =	vst v3  }
0x109: {  	[tilespmem:s25+$0x1400] =	vst v4;
	v3 =	vld [tilespmem:s25+$0xB450]  }
0x10a: {  	s26 =	simm.s32 $0x80;
	s28 =	simm.s32 $0x400;
	[tilespmem:s25+$0x1410] =	vst v5;
	v4 =	vld [tilespmem:s25+$0xB460]  }
.LBB2_14:
0x10b: {  	p0 =	sne.s32 s28, $0x27E00;
	v5 =	vld [tilespmem:s26+$0xB470];
	[tilespmem:s25+$0x1420] =	vst v2  }
0x10c: {  	v6 =	vld [tilespmem:s26+$0xB400];
	[tilespmem:s25+$0x1430] =	vst v0  }
0x10d: {  	v7 =	vld [tilespmem:s26+$0xB410];
	[tilespmem:s25+$0x1440] =	vst v1  }
.Ltmp6:
0x10e: {  	v2 =	vld [tilespmem:s26+$0xB420];
	[tilespmem:s25+$0x1450] =	vst v3;
	(pc) =	sbr.rel @p0 .LBB2_14-.Ltmp6, $4  }
0x10f: {  	v0 =	vld [tilespmem:s26+$0xB430];
	[tilespmem:s25+$0x1460] =	vst v4;
	s25 =	smov.u32 s26  }
0x110: {  	v1 =	vld [tilespmem:s25+$0xB440];
	[tilespmem:s25+$0x1470] =	vst v5  }
0x111: {  	[tilespmem:s25+$0x1400] =	vst v6;
	v3 =	vld [tilespmem:s25+$0xB450]  }
0x112: {  	s26 =	sshra.s32 s28, $0x2;
	s28 =	sadd.s32 $0x200, s28;
	[tilespmem:s25+$0x1410] =	vst v7;
	v4 =	vld [tilespmem:s25+$0xB460]  }
0x113: {  	v5 =	vld [tilespmem:s26+$0xB470];
	[tilespmem:s25+$0x1420] =	vst v2  }
0x114: {  	v2 =	vld [tilespmem:s26+$0xB400];
	[tilespmem:s25+$0x1430] =	vst v0  }
0x115: {  	v0 =	vld [tilespmem:s26+$0xB410];
	[tilespmem:s25+$0x1440] =	vst v1  }
0x116: {  	v1 =	vld [tilespmem:s26+$0xB420];
	[tilespmem:s25+$0x1450] =	vst v3  }
0x117: {  	v3 =	vld [tilespmem:s26+$0xB430];
	[tilespmem:s25+$0x1460] =	vst v4  }
0x118: {  	v4 =	vld [tilespmem:s26+$0xB440];
	[tilespmem:s26+$0x1470] =	vst v5  }
0x119: {  	v62 =	vld [tilespmem:s26+$0xB450];
	[tilespmem:s26+$0x1400] =	vst v2  }
0x11a: {  	v63 =	vld [tilespmem:s26+$0xB460];
	[tilespmem:s26+$0x1410] =	vst v0  }
0x11b: {  	[tilespmem:s26+$0x1420] =	vst v1  }
0x11c: {  	[tilespmem:s26+$0x1430] =	vst v3  }
0x11d: {  	[tilespmem:s26+$0x1440] =	vst v4  }
0x11e: {  	[tilespmem:s26+$0x1450] =	vst v62  }
0x11f: {  	s28 =	simm.s32 $0xA00;
	s25 =	simm.s32 $0x280;
	[tilespmem:s26+$0x1460] =	vst v63;
	s26 =	simm.s32 $0x1400  }
.LBB2_16:
0x120: {  	p0 =	sge.u32 s25, s7  }
0x121: {  	s25 =	sadd.s32 $0x20, s25;
	s29 =	simm.s32 @!p0 $0x80  }
0x122: {  	[spmem:s1] =	stream.indirect.scatter.add.f32 @!p0 [tilespmem:s26], [sflag:$0x2], $0x10, s28, s29, $0xb8;
	[tilespmem:$0x17C00] =	vst v63  }
0x123: {  	p0 =	sne.s32 s25, $0x500  }
.Ltmp7:
0x124: {  	_ = 	snop;
	(pc) =	sbr.rel @p0 .LBB2_16-.Ltmp7, $2  }
0x125: {  	_ =	sdelay $0x2  }
0x126: {  	s26 =	sadd.s32 $0x800, s26;
	s28 =	sadd.s32 $0x80, s28  }
0x127: {  	p0 =	sle.u32 s8, $0x0  }
0x128: {  	s26 =	simm.s32 @!p0 $0x2  }
0x129: {  	_ =	swait.ge @!p0 [sflag:s26], $0x800  }
0x12a: {  	s25 =	simm.s32 $0x20;
	[sflag:s26] =	ssyncset.done @!p0 $0x0  }
.LBB2_18:
0x12b: {  	[sflag:s26] =	ssyncadd.s32 @!p0 $0xFFFFF800;
	s26 =	smov.u32 s25;
	s25 =	sadd.s32 $0x20, s25  }
0x12c: {  	p1 =	sne.s32 s25, $0x280  }
.Ltmp8:
0x12d: {  	(pc) =	sbr.rel @p1 .LBB2_18-.Ltmp8, $4  }
0x12e: {  	p0 =	sge.u32 s26, s8  }
0x12f: {  	s26 =	simm.s32 @!p0 $0x2  }
0x130: {  	_ =	swait.ge @!p0 [sflag:s26], $0x800  }
0x131: {  	[sflag:s26] =	ssyncset.done @!p0 $0x0  }
0x132: {  	[sflag:s26] =	ssyncadd.s32 @!p0 $0xFFFFF800  }
0x133: {  	[bflag:$0x0] =	sbarrier.arrive $0xFFFF  }
0x134: {  	[tilespmem:s20], [sflag:$0x3] =	stream.linear.gather [spmem:s5], $0x2800, $0x38;
	[tilespmem:$0x17C00] =	vst v63  }
0x135: {  	_ =	swait.ge [sflag:s17], $0x2800  }
0x136: {  	[sflag:s17] =	ssyncset.done $0x0  }
0x137: {  	s25 =	simm.s32 $0x0;
	[sflag:s17] =	ssyncadd.s32 $0xFFFFD800  }
0x138: {  	v3 =	vld [tilespmem:s25+$0x1470]  }
0x139: {  	v4 =	vld [tilespmem:s25+$0x1400]  }
0x13a: {  	v5 =	vld [tilespmem:s25+$0x1410]  }
0x13b: {  	v2 =	vld [tilespmem:s25+$0x1420]  }
0x13c: {  	v0 =	vld [tilespmem:s25+$0x1430]  }
0x13d: {  	v1 =	vld [tilespmem:s25+$0x1440];
	[tilespmem:s25+$0xB470] =	vst v3  }
0x13e: {  	[tilespmem:s25+$0xB400] =	vst v4;
	v3 =	vld [tilespmem:s25+$0x1450]  }
0x13f: {  	s26 =	simm.s32 $0x80;
	s28 =	simm.s32 $0x400;
	[tilespmem:s25+$0xB410] =	vst v5;
	v4 =	vld [tilespmem:s25+$0x1460]  }
.LBB2_20:
0x140: {  	p0 =	sne.s32 s28, $0x9E00;
	v5 =	vld [tilespmem:s26+$0x1470];
	[tilespmem:s25+$0xB420] =	vst v2  }
0x141: {  	v6 =	vld [tilespmem:s26+$0x1400];
	[tilespmem:s25+$0xB430] =	vst v0  }
0x142: {  	v7 =	vld [tilespmem:s26+$0x1410];
	[tilespmem:s25+$0xB440] =	vst v1  }
.Ltmp9:
0x143: {  	v2 =	vld [tilespmem:s26+$0x1420];
	[tilespmem:s25+$0xB450] =	vst v3;
	(pc) =	sbr.rel @p0 .LBB2_20-.Ltmp9, $4  }
0x144: {  	v0 =	vld [tilespmem:s26+$0x1430];
	[tilespmem:s25+$0xB460] =	vst v4;
	s25 =	smov.u32 s26  }
0x145: {  	v1 =	vld [tilespmem:s25+$0x1440];
	[tilespmem:s25+$0xB470] =	vst v5  }
0x146: {  	[tilespmem:s25+$0xB400] =	vst v6;
	v3 =	vld [tilespmem:s25+$0x1450]  }
0x147: {  	s26 =	sshra.s32 s28, $0x2;
	s28 =	sadd.s32 $0x200, s28;
	[tilespmem:s25+$0xB410] =	vst v7;
	v4 =	vld [tilespmem:s25+$0x1460]  }
0x148: {  	v5 =	vld [tilespmem:s26+$0x1470];
	[tilespmem:s25+$0xB420] =	vst v2  }
0x149: {  	v2 =	vld [tilespmem:s26+$0x1400];
	[tilespmem:s25+$0xB430] =	vst v0  }
0x14a: {  	v0 =	vld [tilespmem:s26+$0x1410];
	[tilespmem:s25+$0xB440] =	vst v1  }
0x14b: {  	v1 =	vld [tilespmem:s26+$0x1420];
	[tilespmem:s25+$0xB450] =	vst v3  }
0x14c: {  	v3 =	vld [tilespmem:s26+$0x1430];
	[tilespmem:s25+$0xB460] =	vst v4  }
0x14d: {  	v4 =	vld [tilespmem:s26+$0x1440];
	[tilespmem:s26+$0xB470] =	vst v5  }
0x14e: {  	v62 =	vld [tilespmem:s26+$0x1450];
	[tilespmem:s26+$0xB400] =	vst v2  }
0x14f: {  	v63 =	vld [tilespmem:s26+$0x1460];
	[tilespmem:s26+$0xB410] =	vst v0  }
0x150: {  	[tilespmem:s26+$0xB420] =	vst v1  }
0x151: {  	[tilespmem:s26+$0xB430] =	vst v3  }
0x152: {  	s24 =	sadd.s32 $0x1, s24;
	[tilespmem:s26+$0xB440] =	vst v4  }
0x153: {  	p0 =	sne.s32 s24, s10;
	[tilespmem:s26+$0xB450] =	vst v62  }
.Ltmp10:
0x154: {  	[tilespmem:s26+$0xB460] =	vst v63;
	(pc) =	sbr.rel @p0 .LBB2_1-.Ltmp10, $4  }
0x155: {  	[hbm4b:s9+s2] =	stream.linear.scatter [tilespmem:s23], [sflag:$0x3], $0x2800, $0x38;
	[tilespmem:$0x17C00] =	vst v63  }
0x156: {  	_ =	swait.ge [sflag:s17], $0x2800  }
0x157: {  	[sflag:s17] =	ssyncset.done $0x0  }
0x158: {  	[sflag:s17] =	ssyncadd.s32 $0xFFFFD800  }
0x159: {  	_ =	sfence.sel $0x180000  }
0x15a: {  	[bflag:$0x0] =	sbarrier.arrive $0xFFFF  }
0x15b: {  	_ =	strace $0x90000053  }
0x15c: {  	s0 =	stileid.u32;
	[bflag:$0x2] =	sbarrier.arrive $0xFFFF  }
0x15d: {  	p0 =	sne.s32 s0, $0x0;
	s0 =	rddreg [dreg:$0x2]  }
0x15e: {  	s0 =	sadd.s32 @!p0 $0x100000, s0  }
0x15f: {  	[sflag:s0] =	ssyncadd.tile.s32 @!p0 $0x1;
	_ =	shalt  }
.Lfunc_end2:
_tile_overlayer_lowered:
.L_overlay_start_2:
0x160: {  	(tag) =	ssettag $0x2  }
0x161: {  	s0 =	rddreg [dreg:$0x0];
	s2 =	stileid.u32  }
0x162: {  	s1 =	rddreg [dreg:$0x1];
	p0 =	sne.s32 s2, $0x0  }
0x163: {  	s3 =	rddreg [dreg:$0x2];
	[bflag:$0x3] =	sbarrier.arrive $0xFFFF;
	s2 =	simm.s32 @!p0 $0x1C03  }
0x164: {  	[timem:s3], [sflag:s2] =	dma.local @!p0 [hbm:s0], s1  }
0x165: {  	s0 =	simm.s32 @!p0 $0x3  }
0x166: {  	_ =	swait.ge @!p0 [sflag:s0], s1  }
0x167: {  	s1 =	ssub.s32 @!p0 $0x0, s1;
	[sflag:s0] =	ssyncset.done @!p0 $0x0  }
0x168: {  	[sflag:s0] =	ssyncadd.s32 @!p0 s1  }
0x169: {  	[bflag:$0x3] =	sbarrier.arrive $0xFFFF  }
0x16a: {  	_ =	shalt  }

</sc_bundles>
